<compile_context>
chip_gen: v7x
topology: tpu7x:2x2x1
jax: 0.10.2.dev20260603
libtpu: 0.0.44.dev20260713+nightly
codegen_flags: <defaults>
</compile_context>

<pallas_src>
import functools

import jax
import jax.numpy as jnp
from jax import lax
from jax.experimental import pallas as pl
from jax.experimental.pallas import tpu as pltpu
from jax.experimental.pallas import tpu_sc as plsc

N = 10000
E = 320000
SUB = 100
NB = 320
NSLOT = 3
RPT = 632
RPT_LAST = N - 15 * RPT
SPLIT = 15 * RPT


def _make_sc_agg(split_edges):
    mesh = plsc.VectorSubcoreMesh(core_axis_name="c", subcore_axis_name="s")
    if split_edges:
        out_type = jax.ShapeDtypeStruct((2, N, 128), jnp.float32)
        nbody = NB // 32
    else:
        out_type = jax.ShapeDtypeStruct((N, 256), jnp.float32)
        nbody = NB // 16

    def body(h_hbm, src_hbm, dst_hbm, zeros_hbm, out_hbm,
             srcA, srcB, dstA, dstB, rows_v, agg_sh,
             sem_g, sem_s, sem_iA, sem_iB):
        c = lax.axis_index("c")
        s = lax.axis_index("s")
        if split_edges:
            m0 = (s * 2 + c) * nbody
            def src_slice(m, half):
                return src_hbm.at[m, half]
        else:
            m0 = s * nbody
            def src_slice(m, half):
                return src_hbm.at[c, m, half]

        def init(r0, nrows):
            pltpu.sync_copy(zeros_hbm.at[pl.ds(r0, nrows)],
                            agg_sh.at[pl.ds(r0, nrows)])

        def copy_out(r0, nrows):
            if split_edges:
                pltpu.sync_copy(agg_sh.at[pl.ds(r0, nrows)],
                                out_hbm.at[c, pl.ds(r0, nrows)])
            else:
                pltpu.sync_copy(agg_sh.at[pl.ds(r0, nrows)],
                                out_hbm.at[pl.ds(r0, nrows),
                                           pl.ds(c * 128, 128)])

        @pl.when(s < 15)
        def _():
            init(s * RPT, RPT)
        @pl.when(s == 15)
        def _():
            init(SPLIT, RPT_LAST)
        plsc.subcore_barrier()

        pltpu.sync_copy(src_slice(m0, 0), srcA)
        pltpu.sync_copy(dst_hbm.at[m0, 0], dstA)

        def drain_scatter(b):
            pltpu.make_async_copy(rows_v.at[b], agg_sh.at[dstA.at[0]],
                                  sem_s.at[b]).wait()

        def drain_idx(sem, src_ref, dst_ref):
            pltpu.make_async_copy(src_slice(m0, 0), src_ref, sem).wait()
            pltpu.make_async_copy(dst_hbm.at[m0, 0], dst_ref, sem).wait()

        @pl.loop(0, nbody)
        def _body(t):
            m = m0 + t
            @pl.when(t > 0)
            def _():
                drain_scatter(1)
                drain_scatter(2)
                drain_scatter(0)
                drain_idx(sem_iA, srcA, dstA)

            gather_descs = {}

            def fire_gather(j):
                b = j % NSLOT
                si = (srcA if j < 5 else srcB).at[j % 5]
                gather_descs[j] = pltpu.async_copy(
                    h_hbm.at[si], rows_v.at[b], sem_g.at[b])

            def fire_scatter(j):
                b = j % NSLOT
                di = (dstA if j < 5 else dstB).at[j % 5]
                gather_descs[j].wait()
                pltpu.async_copy(rows_v.at[b], agg_sh.at[di],
                                 sem_s.at[b], add=True)

            for j in range(10):
                if 3 <= j:
                    drain_scatter(j % NSLOT)
                fire_gather(j)
                if j == 2:
                    pltpu.async_copy(src_slice(m, 1), srcB, sem_iB)
                    pltpu.async_copy(dst_hbm.at[m, 1], dstB, sem_iB)
                if j == 5:
                    pltpu.make_async_copy(src_slice(m, 1), srcB, sem_iB).wait()
                    pltpu.make_async_copy(dst_hbm.at[m, 1], dstB, sem_iB).wait()
                if j == 8:
                    mn = jnp.minimum(m + 1, NB - 1)
                    pltpu.async_copy(src_slice(mn, 0), srcA, sem_iA)
                    pltpu.async_copy(dst_hbm.at[mn, 0], dstA, sem_iA)
                if j >= 1:
                    fire_scatter(j - 1)
            fire_scatter(9)

        drain_scatter(1)
        drain_scatter(2)
        drain_scatter(0)
        drain_idx(sem_iA, srcA, dstA)

        plsc.subcore_barrier()

        @pl.when(s < 15)
        def _():
            copy_out(s * RPT, RPT)
        @pl.when(s == 15)
        def _():
            copy_out(SPLIT, RPT_LAST)

    return pl.kernel(
        body,
        out_type=out_type,
        mesh=mesh,
        scratch_types=[
            pltpu.VMEM((5, SUB), jnp.int32),
            pltpu.VMEM((5, SUB), jnp.int32),
            pltpu.VMEM((5, SUB), jnp.int32),
            pltpu.VMEM((5, SUB), jnp.int32),
            pltpu.VMEM((NSLOT, SUB, 128), jnp.float32),
            pltpu.VMEM_SHARED((N, 128), jnp.float32),
            pltpu.SemaphoreType.DMA((NSLOT,)),
            pltpu.SemaphoreType.DMA((NSLOT,)),
            pltpu.SemaphoreType.DMA,
            pltpu.SemaphoreType.DMA,
        ],
    )


_SC_AGG128 = _make_sc_agg(split_edges=False)
_SC_AGG_L0 = _make_sc_agg(split_edges=True)

BR = 2000


def _mlp_block(hin, W1_ref, b1_ref, g_ref, be_ref, W2_ref, b2_ref):
    z = jnp.dot(hin, W1_ref[...], preferred_element_type=jnp.float32) + b1_ref[...]
    mu = jnp.mean(z, axis=-1, keepdims=True)
    zc = z - mu
    var = jnp.mean(zc * zc, axis=-1, keepdims=True)
    zn = zc * lax.rsqrt(var + 1e-5) * g_ref[...] + be_ref[...]
    za = jnp.maximum(zn, 0.0)
    return jnp.dot(za, W2_ref[...], preferred_element_type=jnp.float32) + b2_ref[...]


def _wspecs(din):
    return [
        pl.BlockSpec((1, 1), lambda i: (0, 0)),
        pl.BlockSpec((din, 256), lambda i: (0, 0)),
        pl.BlockSpec((1, 256), lambda i: (0, 0)),
        pl.BlockSpec((1, 256), lambda i: (0, 0)),
        pl.BlockSpec((1, 256), lambda i: (0, 0)),
        pl.BlockSpec((256, 256), lambda i: (0, 0)),
        pl.BlockSpec((1, 256), lambda i: (0, 0)),
    ]


def _tc_layer0(x, agg, eps, W1, b1, g, be, W2, b2):
    def body(eps_ref, W1_ref, b1_ref, g_ref, be_ref, W2_ref, b2_ref,
             x_ref, agg_ref, out_ref):
        hin = (1.0 + eps_ref[0, 0]) * x_ref[...] + (agg_ref[0] + agg_ref[1])
        o = _mlp_block(hin, W1_ref, b1_ref, g_ref, be_ref, W2_ref, b2_ref)
        h1 = jnp.maximum(o, 0.0)
        out_ref[0] = h1[:, :128]
        out_ref[1] = h1[:, 128:]

    return pl.pallas_call(
        body,
        grid=(N // BR,),
        in_specs=_wspecs(128) + [
            pl.BlockSpec((BR, 128), lambda i: (i, 0)),
            pl.BlockSpec((2, BR, 128), lambda i: (0, i, 0)),
        ],
        out_specs=pl.BlockSpec((2, BR, 128), lambda i: (0, i, 0)),
        out_shape=jax.ShapeDtypeStruct((2, N, 128), jnp.float32),
    )(eps.reshape(1, 1), W1, b1.reshape(1, 256), g.reshape(1, 256),
      be.reshape(1, 256), W2, b2.reshape(1, 256), x, agg)


def _tc_layer_mid(hh, agg, eps, W1, b1, g, be, W2, b2):
    def body(eps_ref, W1_ref, b1_ref, g_ref, be_ref, W2_ref, b2_ref,
             hh_ref, agg_ref, out_ref):
        h = jnp.concatenate([hh_ref[0], hh_ref[1]], axis=-1)
        hin = (1.0 + eps_ref[0, 0]) * h + agg_ref[...]
        o = _mlp_block(hin, W1_ref, b1_ref, g_ref, be_ref, W2_ref, b2_ref)
        h2 = h + jnp.maximum(o, 0.0)
        out_ref[0] = h2[:, :128]
        out_ref[1] = h2[:, 128:]

    return pl.pallas_call(
        body,
        grid=(N // BR,),
        in_specs=_wspecs(256) + [
            pl.BlockSpec((2, BR, 128), lambda i: (0, i, 0)),
            pl.BlockSpec((BR, 256), lambda i: (i, 0)),
        ],
        out_specs=pl.BlockSpec((2, BR, 128), lambda i: (0, i, 0)),
        out_shape=jax.ShapeDtypeStruct((2, N, 128), jnp.float32),
    )(eps.reshape(1, 1), W1, b1.reshape(1, 256), g.reshape(1, 256),
      be.reshape(1, 256), W2, b2.reshape(1, 256), hh, agg)


def _tc_layer_last(hh, agg, eps, W1, b1, g, be, W2, b2, Wo_pad, bo_pad):
    def body(eps_ref, W1_ref, b1_ref, g_ref, be_ref, W2_ref, b2_ref,
             Wo_ref, bo_ref, hh_ref, agg_ref, out_ref):
        h = jnp.concatenate([hh_ref[0], hh_ref[1]], axis=-1)
        hin = (1.0 + eps_ref[0, 0]) * h + agg_ref[...]
        o = _mlp_block(hin, W1_ref, b1_ref, g_ref, be_ref, W2_ref, b2_ref)
        h3 = h + jnp.maximum(o, 0.0)
        out_ref[...] = (jnp.dot(h3, Wo_ref[...], preferred_element_type=jnp.float32)
                        + bo_ref[...])

    return pl.pallas_call(
        body,
        grid=(N // BR,),
        in_specs=_wspecs(256) + [
            pl.BlockSpec((256, 128), lambda i: (0, 0)),
            pl.BlockSpec((1, 128), lambda i: (0, 0)),
            pl.BlockSpec((2, BR, 128), lambda i: (0, i, 0)),
            pl.BlockSpec((BR, 256), lambda i: (i, 0)),
        ],
        out_specs=pl.BlockSpec((BR, 128), lambda i: (i, 0)),
        out_shape=jax.ShapeDtypeStruct((N, 128), jnp.float32),
    )(eps.reshape(1, 1), W1, b1.reshape(1, 256), g.reshape(1, 256),
      be.reshape(1, 256), W2, b2.reshape(1, 256), Wo_pad, bo_pad, hh, agg)


def kernel(x, edge_index,
           W1_0, b1_0, g_0, be_0, W2_0, b2_0, eps_0,
           W1_1, b1_1, g_1, be_1, W2_1, b2_1, eps_1,
           W1_2, b1_2, g_2, be_2, W2_2, b2_2, eps_2,
           W_out, b_out):
    src = edge_index[0].astype(jnp.int32)
    dst = edge_index[1].astype(jnp.int32)
    srcs = jnp.stack([src, src + N]).reshape(2, NB, 2, 5, SUB)
    src0 = src.reshape(NB, 2, 5, SUB)
    dst2 = dst.reshape(NB, 2, 5, SUB)
    z128 = jnp.zeros((N, 128), jnp.float32)

    agg0 = _SC_AGG_L0(x, src0, dst2, z128)
    h1h = _tc_layer0(x, agg0, eps_0, W1_0, b1_0, g_0, be_0, W2_0, b2_0)
    agg1 = _SC_AGG128(h1h.reshape(2 * N, 128), srcs, dst2, z128)
    h2h = _tc_layer_mid(h1h, agg1, eps_1, W1_1, b1_1, g_1, be_1, W2_1, b2_1)
    agg2 = _SC_AGG128(h2h.reshape(2 * N, 128), srcs, dst2, z128)
    Wo_pad = jnp.pad(W_out, ((0, 0), (0, 126)))
    bo_pad = jnp.pad(b_out, (0, 126)).reshape(1, 128)
    outp = _tc_layer_last(h2h, agg2, eps_2, W1_2, b1_2, g_2, be_2, W2_2, b2_2,
                          Wo_pad, bo_pad)
    return outp[:, :2]

# --- scband reference (transcript-rebuilt; emitter-appended) ---
"""Pipeline reference for scband-gin-43980465111671 (READ-ONLY COPY).

The authoritative reference and input builder live on the scoring server;
editing this copy changes nothing except your own understanding.
"""

import jax, jax.numpy as jnp
import numpy as np

N_NODES = 10000
N_EDGES = 320000
D_IN = 128
D_H = 256
NUM_LAYERS = 3


def _xavier(key, shape, gain=0.5):
    fan_in, fan_out = shape[0], shape[1]
    a = gain * np.sqrt(6.0 / (fan_in + fan_out))
    return jax.random.uniform(key, shape, jnp.float32, -a, a)


def setup_inputs(seed: int = 0) -> dict:
    key = jax.random.key(seed)
    ks = jax.random.split(key, 2 + NUM_LAYERS * 2 + 1)
    inp = {}
    inp["x"] = jax.random.normal(ks[0], (N_NODES, D_IN), jnp.float32)
    inp["edge_index"] = jax.random.randint(ks[1], (2, N_EDGES), 0, N_NODES, jnp.int64)
    dims = [(D_IN, D_H)] + [(D_H, D_H)] * (NUM_LAYERS - 1)
    for i, (din, dh) in enumerate(dims):
        inp[f"W1_{i}"] = _xavier(ks[2 + 2 * i], (din, dh))
        inp[f"b1_{i}"] = jnp.zeros((dh,), jnp.float32)
        inp[f"g_{i}"] = jnp.ones((dh,), jnp.float32)
        inp[f"be_{i}"] = jnp.zeros((dh,), jnp.float32)
        inp[f"W2_{i}"] = _xavier(ks[3 + 2 * i], (dh, dh))
        inp[f"b2_{i}"] = jnp.zeros((dh,), jnp.float32)
        inp[f"eps_{i}"] = jnp.zeros((), jnp.float32)
    inp["W_out"] = _xavier(ks[-1], (D_H, 2))
    inp["b_out"] = jnp.zeros((2,), jnp.float32)
    return inp


def _layer_norm(x, g, b, eps=1e-5):
    mu = jnp.mean(x, axis=-1, keepdims=True)
    var = jnp.var(x, axis=-1, keepdims=True)
    return (x - mu) / jnp.sqrt(var + eps) * g + b


def _mlp(h, W1, b1, g, be, W2, b2):
    z = h @ W1 + b1
    z = _layer_norm(z, g, be)
    z = jax.nn.relu(z)
    # dropout is identity in eval mode
    return z @ W2 + b2


def _gin_conv(h, src, dst, eps, W1, b1, g, be, W2, b2):
    agg = jnp.zeros_like(h).at[dst].add(h[src])
    return _mlp((1.0 + eps) * h + agg, W1, b1, g, be, W2, b2)


def reference(x, edge_index,
              W1_0, b1_0, g_0, be_0, W2_0, b2_0, eps_0,
              W1_1, b1_1, g_1, be_1, W2_1, b2_1, eps_1,
              W1_2, b1_2, g_2, be_2, W2_2, b2_2, eps_2,
              W_out, b_out):
    src = edge_index[0]
    dst = edge_index[1]
    h = x.astype(jnp.float32)
    h = jax.nn.relu(_gin_conv(h, src, dst, eps_0, W1_0, b1_0, g_0, be_0, W2_0, b2_0))
    for (W1, b1, g, be, W2, b2, eps) in [
        (W1_1, b1_1, g_1, be_1, W2_1, b2_1, eps_1),
        (W1_2, b1_2, g_2, be_2, W2_2, b2_2, eps_2),
    ]:
        h_new = jax.nn.relu(_gin_conv(h, src, dst, eps, W1, b1, g, be, W2, b2))
        h = h + h_new
    coords = h @ W_out + b_out
    return coords

if __name__ == "__main__":
    import jax
    _d = setup_inputs()
    print(jax.jit(kernel)(*tuple(_d.values())))

</pallas_src>

<mosaic_0001>
#map = affine_map<(d0, d1) -> (0, 0)>
#map1 = affine_map<(d0, d1) -> (0, 0, 0, 0)>
#map2 = affine_map<(d0, d1) -> (0, 0, 0)>
module attributes {stable_mosaic.version = 14 : i64} {
  func.func @body(%arg0: i32, %arg1: i32, %arg2: memref<10000x128xf32, #tpu.memory_space<hbm>>, %arg3: memref<320x2x5x100xi32, #tpu.memory_space<hbm>>, %arg4: memref<320x2x5x100xi32, #tpu.memory_space<hbm>>, %arg5: memref<10000x128xf32, #tpu.memory_space<hbm>>, %arg6: memref<2x10000x128xf32, #tpu.memory_space<hbm>>, %arg7: memref<5x100xi32, #tpu.memory_space<vmem>>, %arg8: memref<5x100xi32, #tpu.memory_space<vmem>>, %arg9: memref<5x100xi32, #tpu.memory_space<vmem>>, %arg10: memref<5x100xi32, #tpu.memory_space<vmem>>, %arg11: memref<3x100x128xf32, #tpu.memory_space<vmem>>, %arg12: memref<10000x128xf32, #tpu.memory_space<vmem_shared>>, %arg13: memref<3x!tpu.dma_semaphore, #tpu.memory_space<semaphore_mem>>, %arg14: memref<3x!tpu.dma_semaphore, #tpu.memory_space<semaphore_mem>>, %arg15: memref<!tpu.dma_semaphore, #tpu.memory_space<semaphore_mem>>, %arg16: memref<!tpu.dma_semaphore, #tpu.memory_space<semaphore_mem>>) attributes {dimension_semantics = [#tpu.dimension_semantics<core_parallel>, #tpu.dimension_semantics<subcore_parallel>], iteration_bounds = array<i64: 2, 16>, scalar_prefetch = 0 : i64, scratch_operands = 10 : i64, tpu.core_type = #tpu.core_type<sc_vector_subcore>, window_params = [{transform_indices = #map}, {transform_indices = #map1}, {transform_indices = #map1}, {transform_indices = #map}, {transform_indices = #map2}]} {
    %mul3A = arith.constant 2 : i32
    %mul3A_0 = arith.muli %arg1, %mul3A : i32
    %add3A = arith.addi %mul3A_0, %arg0 : i32
    %mul3A_1 = arith.constant 10 : i32
    %mul3A_2 = arith.muli %add3A, %mul3A_1 : i32
    %lt3A = arith.constant 15 : i32
    %lt3A_3 = arith.cmpi slt, %arg1, %lt3A : i32
    %convert_element_type3A = arith.extui %lt3A_3 : i1 to i32
    %cond3A = arith.constant 0 : i32
    %cond3A_4 = arith.cmpi ne, %convert_element_type3A, %cond3A : i32
    scf.if %cond3A_4 {
      %mul3A_87 = arith.constant 632 : i32
      %mul3A_88 = arith.muli %arg1, %mul3A_87 : i32
      "tpu.region"() ({
        %run_scoped3A_89 = tpu.sem_alloc : memref<!tpu.dma_semaphore, #tpu.memory_space<semaphore_mem>>
        %dma_start3A = arith.constant 0 : i32
        %dma_start3A_90 = tpu.memref_slice %arg12[%mul3A_88, %dma_start3A] : memref<10000x128xf32, #tpu.memory_space<vmem_shared>> -> memref<632x128xf32, #tpu.memory_space<vmem_shared>>
        %dma_start3A_91 = arith.constant 0 : i32
        %dma_start3A_92 = tpu.memref_slice %arg5[%mul3A_88, %dma_start3A_91] : memref<10000x128xf32, #tpu.memory_space<hbm>> -> memref<632x128xf32, #tpu.memory_space<hbm>>
        tpu.enqueue_dma source(%dma_start3A_92 : memref<632x128xf32, #tpu.memory_space<hbm>>) target(%dma_start3A_90 : memref<632x128xf32, #tpu.memory_space<vmem_shared>>) target_semaphore(%run_scoped3A_89 : memref<!tpu.dma_semaphore, #tpu.memory_space<semaphore_mem>>)
        %dma_wait3A_93 = arith.constant 0 : i32
        %dma_wait3A_94 = tpu.memref_slice %arg12[%mul3A_88, %dma_wait3A_93] : memref<10000x128xf32, #tpu.memory_space<vmem_shared>> -> memref<632x128xf32, #tpu.memory_space<vmem_shared>>
        %dma_wait3A_95 = arith.constant 0 : i32
        %dma_wait3A_96 = tpu.memref_slice %arg5[%mul3A_88, %dma_wait3A_95] : memref<10000x128xf32, #tpu.memory_space<hbm>> -> memref<632x128xf32, #tpu.memory_space<hbm>>
        tpu.wait_dma2 semaphore(%run_scoped3A_89 : memref<!tpu.dma_semaphore, #tpu.memory_space<semaphore_mem>>) src(%dma_wait3A_96 : memref<632x128xf32, #tpu.memory_space<hbm>>) dst(%dma_wait3A_94 : memref<632x128xf32, #tpu.memory_space<vmem_shared>>)
        tpu.yield
      }) : () -> ()
    } else {
    }
    %eq3A = arith.constant 15 : i32
    %eq3A_5 = arith.cmpi eq, %arg1, %eq3A : i32
    %convert_element_type3A_6 = arith.extui %eq3A_5 : i1 to i32
    %cond3A_7 = arith.constant 0 : i32
    %cond3A_8 = arith.cmpi ne, %convert_element_type3A_6, %cond3A_7 : i32
    scf.if %cond3A_8 {
      "tpu.region"() ({
        %run_scoped3A_87 = tpu.sem_alloc : memref<!tpu.dma_semaphore, #tpu.memory_space<semaphore_mem>>
        %dma_start3A = arith.constant 9480 : i32
        %dma_start3A_88 = arith.constant 0 : i32
        %dma_start3A_89 = tpu.memref_slice %arg12[%dma_start3A, %dma_start3A_88] : memref<10000x128xf32, #tpu.memory_space<vmem_shared>> -> memref<520x128xf32, #tpu.memory_space<vmem_shared>>
        %dma_start3A_90 = arith.constant 9480 : i32
        %dma_start3A_91 = arith.constant 0 : i32
        %dma_start3A_92 = tpu.memref_slice %arg5[%dma_start3A_90, %dma_start3A_91] : memref<10000x128xf32, #tpu.memory_space<hbm>> -> memref<520x128xf32, #tpu.memory_space<hbm>>
        tpu.enqueue_dma source(%dma_start3A_92 : memref<520x128xf32, #tpu.memory_space<hbm>>) target(%dma_start3A_89 : memref<520x128xf32, #tpu.memory_space<vmem_shared>>) target_semaphore(%run_scoped3A_87 : memref<!tpu.dma_semaphore, #tpu.memory_space<semaphore_mem>>)
        %dma_wait3A_93 = arith.constant 9480 : i32
        %dma_wait3A_94 = arith.constant 0 : i32
        %dma_wait3A_95 = tpu.memref_slice %arg12[%dma_wait3A_93, %dma_wait3A_94] : memref<10000x128xf32, #tpu.memory_space<vmem_shared>> -> memref<520x128xf32, #tpu.memory_space<vmem_shared>>
        %dma_wait3A_96 = arith.constant 9480 : i32
        %dma_wait3A_97 = arith.constant 0 : i32
        %dma_wait3A_98 = tpu.memref_slice %arg5[%dma_wait3A_96, %dma_wait3A_97] : memref<10000x128xf32, #tpu.memory_space<hbm>> -> memref<520x128xf32, #tpu.memory_space<hbm>>
        tpu.wait_dma2 semaphore(%run_scoped3A_87 : memref<!tpu.dma_semaphore, #tpu.memory_space<semaphore_mem>>) src(%dma_wait3A_98 : memref<520x128xf32, #tpu.memory_space<hbm>>) dst(%dma_wait3A_95 : memref<520x128xf32, #tpu.memory_space<vmem_shared>>)
        tpu.yield
      }) : () -> ()
    } else {
    }
    %barrier3A = arith.constant 0 : index
    tpu.barrier barrier_id(%barrier3A)
    %run_scoped3A = arith.constant 0 : i32
    "tpu.region"() ({
      %run_scoped3A_87 = tpu.sem_alloc : memref<!tpu.dma_semaphore, #tpu.memory_space<semaphore_mem>>
      %dma_start3A = arith.constant 0 : i32
      %dma_start3A_88 = arith.constant 0 : i32
      %dma_start3A_89 = tpu.memref_slice %arg3[%mul3A_2, %run_scoped3A, %dma_start3A, %dma_start3A_88] : memref<320x2x5x100xi32, #tpu.memory_space<hbm>> -> memref<1x1x5x100xi32, #tpu.memory_space<hbm>>
      %dma_start3A_90 = tpu.memref_squeeze %dma_start3A_89 : memref<1x1x5x100xi32, #tpu.memory_space<hbm>> -> memref<5x100xi32, #tpu.memory_space<hbm>>
      %dma_start3A_91 = arith.constant 0 : i32
      %dma_start3A_92 = arith.constant 0 : i32
      %dma_start3A_93 = tpu.memref_slice %arg3[%mul3A_2, %run_scoped3A, %dma_start3A_91, %dma_start3A_92] : memref<320x2x5x100xi32, #tpu.memory_space<hbm>> -> memref<1x1x5x100xi32, #tpu.memory_space<hbm>>
      %dma_start3A_94 = tpu.memref_squeeze %dma_start3A_93 : memref<1x1x5x100xi32, #tpu.memory_space<hbm>> -> memref<5x100xi32, #tpu.memory_space<hbm>>
      tpu.enqueue_dma source(%dma_start3A_94 : memref<5x100xi32, #tpu.memory_space<hbm>>) target(%arg7 : memref<5x100xi32, #tpu.memory_space<vmem>>) target_semaphore(%run_scoped3A_87 : memref<!tpu.dma_semaphore, #tpu.memory_space<semaphore_mem>>)
      %dma_wait3A_95 = arith.constant 0 : i32
      %dma_wait3A_96 = arith.constant 0 : i32
      %dma_wait3A_97 = tpu.memref_slice %arg3[%mul3A_2, %run_scoped3A, %dma_wait3A_95, %dma_wait3A_96] : memref<320x2x5x100xi32, #tpu.memory_space<hbm>> -> memref<1x1x5x100xi32, #tpu.memory_space<hbm>>
      %dma_wait3A_98 = tpu.memref_squeeze %dma_wait3A_97 : memref<1x1x5x100xi32, #tpu.memory_space<hbm>> -> memref<5x100xi32, #tpu.memory_space<hbm>>
      %dma_wait3A_99 = arith.constant 0 : i32
      %dma_wait3A_100 = arith.constant 0 : i32
      %dma_wait3A_101 = tpu.memref_slice %arg3[%mul3A_2, %run_scoped3A, %dma_wait3A_99, %dma_wait3A_100] : memref<320x2x5x100xi32, #tpu.memory_space<hbm>> -> memref<1x1x5x100xi32, #tpu.memory_space<hbm>>
      %dma_wait3A_102 = tpu.memref_squeeze %dma_wait3A_101 : memref<1x1x5x100xi32, #tpu.memory_space<hbm>> -> memref<5x100xi32, #tpu.memory_space<hbm>>
      tpu.wait_dma2 semaphore(%run_scoped3A_87 : memref<!tpu.dma_semaphore, #tpu.memory_space<semaphore_mem>>) src(%dma_wait3A_102 : memref<5x100xi32, #tpu.memory_space<hbm>>) dst(%arg7 : memref<5x100xi32, #tpu.memory_space<vmem>>)
      tpu.yield
    }) : () -> ()
    %run_scoped3A_9 = arith.constant 0 : i32
    "tpu.region"() ({
      %run_scoped3A_87 = tpu.sem_alloc : memref<!tpu.dma_semaphore, #tpu.memory_space<semaphore_mem>>
      %dma_start3A = arith.constant 0 : i32
      %dma_start3A_88 = arith.constant 0 : i32
      %dma_start3A_89 = tpu.memref_slice %arg4[%mul3A_2, %run_scoped3A_9, %dma_start3A, %dma_start3A_88] : memref<320x2x5x100xi32, #tpu.memory_space<hbm>> -> memref<1x1x5x100xi32, #tpu.memory_space<hbm>>
      %dma_start3A_90 = tpu.memref_squeeze %dma_start3A_89 : memref<1x1x5x100xi32, #tpu.memory_space<hbm>> -> memref<5x100xi32, #tpu.memory_space<hbm>>
      %dma_start3A_91 = arith.constant 0 : i32
      %dma_start3A_92 = arith.constant 0 : i32
      %dma_start3A_93 = tpu.memref_slice %arg4[%mul3A_2, %run_scoped3A_9, %dma_start3A_91, %dma_start3A_92] : memref<320x2x5x100xi32, #tpu.memory_space<hbm>> -> memref<1x1x5x100xi32, #tpu.memory_space<hbm>>
      %dma_start3A_94 = tpu.memref_squeeze %dma_start3A_93 : memref<1x1x5x100xi32, #tpu.memory_space<hbm>> -> memref<5x100xi32, #tpu.memory_space<hbm>>
      tpu.enqueue_dma source(%dma_start3A_94 : memref<5x100xi32, #tpu.memory_space<hbm>>) target(%arg9 : memref<5x100xi32, #tpu.memory_space<vmem>>) target_semaphore(%run_scoped3A_87 : memref<!tpu.dma_semaphore, #tpu.memory_space<semaphore_mem>>)
      %dma_wait3A_95 = arith.constant 0 : i32
      %dma_wait3A_96 = arith.constant 0 : i32
      %dma_wait3A_97 = tpu.memref_slice %arg4[%mul3A_2, %run_scoped3A_9, %dma_wait3A_95, %dma_wait3A_96] : memref<320x2x5x100xi32, #tpu.memory_space<hbm>> -> memref<1x1x5x100xi32, #tpu.memory_space<hbm>>
      %dma_wait3A_98 = tpu.memref_squeeze %dma_wait3A_97 : memref<1x1x5x100xi32, #tpu.memory_space<hbm>> -> memref<5x100xi32, #tpu.memory_space<hbm>>
      %dma_wait3A_99 = arith.constant 0 : i32
      %dma_wait3A_100 = arith.constant 0 : i32
      %dma_wait3A_101 = tpu.memref_slice %arg4[%mul3A_2, %run_scoped3A_9, %dma_wait3A_99, %dma_wait3A_100] : memref<320x2x5x100xi32, #tpu.memory_space<hbm>> -> memref<1x1x5x100xi32, #tpu.memory_space<hbm>>
      %dma_wait3A_102 = tpu.memref_squeeze %dma_wait3A_101 : memref<1x1x5x100xi32, #tpu.memory_space<hbm>> -> memref<5x100xi32, #tpu.memory_space<hbm>>
      tpu.wait_dma2 semaphore(%run_scoped3A_87 : memref<!tpu.dma_semaphore, #tpu.memory_space<semaphore_mem>>) src(%dma_wait3A_102 : memref<5x100xi32, #tpu.memory_space<hbm>>) dst(%arg9 : memref<5x100xi32, #tpu.memory_space<vmem>>)
      tpu.yield
    }) : () -> ()
    %scan3A = arith.constant 0 : i32
    %scan3A_10 = arith.constant 10 : i32
    %scan3A_11 = arith.addi %scan3A, %scan3A_10 : i32
    %scan3A_12 = arith.constant 1 : i32
    scf.for %scan3A_87 = %scan3A to %scan3A_11 step %scan3A_12  : i32 {
      %mul3A_88 = arith.constant 1 : i32
      %mul3A_89 = arith.muli %scan3A_87, %mul3A_88 : i32
      %add3A_90 = arith.constant 0 : i32
      %add3A_91 = arith.addi %add3A_90, %mul3A_89 : i32
      %add3A_92 = arith.addi %mul3A_2, %add3A_91 : i32
      %gt3A = arith.constant 0 : i32
      %gt3A_93 = arith.cmpi sgt, %add3A_91, %gt3A : i32
      %convert_element_type3A_94 = arith.extui %gt3A_93 : i1 to i32
      %cond3A_95 = arith.constant 0 : i32
      %cond3A_96 = arith.cmpi ne, %convert_element_type3A_94, %cond3A_95 : i32
      scf.if %cond3A_96 {
        %dma_wait3A_708 = arith.constant 1 : i32
        %dma_wait3A_709 = arith.constant 0 : i32
        %dma_wait3A_710 = arith.constant 1 : i32
        %dma_wait3A_711 = arith.constant 0 : i32
        %dma_wait3A_712 = arith.constant 0 : i32
        %dma_wait3A_713 = tpu.memref_slice %arg11[%dma_wait3A_708, %dma_wait3A_711, %dma_wait3A_712] : memref<3x100x128xf32, #tpu.memory_space<vmem>> -> memref<1x100x128xf32, #tpu.memory_space<vmem>>
        %dma_wait3A_714 = tpu.memref_squeeze %dma_wait3A_713 : memref<1x100x128xf32, #tpu.memory_space<vmem>> -> memref<100x128xf32, #tpu.memory_space<vmem>>
        %dma_wait3A_715 = arith.constant 0 : i32
        %dma_wait3A_716 = tpu.memref_slice %arg9[%dma_wait3A_709, %dma_wait3A_715] : memref<5x100xi32, #tpu.memory_space<vmem>> -> memref<1x100xi32, #tpu.memory_space<vmem>>
        %dma_wait3A_717 = tpu.memref_squeeze %dma_wait3A_716 : memref<1x100xi32, #tpu.memory_space<vmem>> -> memref<100xi32, #tpu.memory_space<vmem>>
        %dma_wait3A_718 = arith.constant 0 : i32
        %dma_wait3A_719 = arith.constant 0 : i32
        %dma_wait3A_720 = tpu.memref_slice %arg12[%dma_wait3A_718, %dma_wait3A_719] : memref<10000x128xf32, #tpu.memory_space<vmem_shared>> -> memref<10000x128xf32, #tpu.memory_space<vmem_shared>>
        %dma_wait3A_721 = tpu.memref_slice %arg14[%dma_wait3A_710] : memref<3x!tpu.dma_semaphore, #tpu.memory_space<semaphore_mem>> -> memref<1x!tpu.dma_semaphore, #tpu.memory_space<semaphore_mem>>
        %dma_wait3A_722 = tpu.memref_squeeze %dma_wait3A_721 : memref<1x!tpu.dma_semaphore, #tpu.memory_space<semaphore_mem>> -> memref<!tpu.dma_semaphore, #tpu.memory_space<semaphore_mem>>
        tpu.wait_indirect_dma semaphore(%dma_wait3A_722 : memref<!tpu.dma_semaphore, #tpu.memory_space<semaphore_mem>>) src(%dma_wait3A_714 : memref<100x128xf32, #tpu.memory_space<vmem>>) dst(%dma_wait3A_720 : memref<10000x128xf32, #tpu.memory_space<vmem_shared>>)
        %dma_wait3A_723 = arith.constant 2 : i32
        %dma_wait3A_724 = arith.constant 0 : i32
        %dma_wait3A_725 = arith.constant 2 : i32
        %dma_wait3A_726 = arith.constant 0 : i32
        %dma_wait3A_727 = arith.constant 0 : i32
        %dma_wait3A_728 = tpu.memref_slice %arg11[%dma_wait3A_723, %dma_wait3A_726, %dma_wait3A_727] : memref<3x100x128xf32, #tpu.memory_space<vmem>> -> memref<1x100x128xf32, #tpu.memory_space<vmem>>
        %dma_wait3A_729 = tpu.memref_squeeze %dma_wait3A_728 : memref<1x100x128xf32, #tpu.memory_space<vmem>> -> memref<100x128xf32, #tpu.memory_space<vmem>>
        %dma_wait3A_730 = arith.constant 0 : i32
        %dma_wait3A_731 = tpu.memref_slice %arg9[%dma_wait3A_724, %dma_wait3A_730] : memref<5x100xi32, #tpu.memory_space<vmem>> -> memref<1x100xi32, #tpu.memory_space<vmem>>
        %dma_wait3A_732 = tpu.memref_squeeze %dma_wait3A_731 : memref<1x100xi32, #tpu.memory_space<vmem>> -> memref<100xi32, #tpu.memory_space<vmem>>
        %dma_wait3A_733 = arith.constant 0 : i32
        %dma_wait3A_734 = arith.constant 0 : i32
        %dma_wait3A_735 = tpu.memref_slice %arg12[%dma_wait3A_733, %dma_wait3A_734] : memref<10000x128xf32, #tpu.memory_space<vmem_shared>> -> memref<10000x128xf32, #tpu.memory_space<vmem_shared>>
        %dma_wait3A_736 = tpu.memref_slice %arg14[%dma_wait3A_725] : memref<3x!tpu.dma_semaphore, #tpu.memory_space<semaphore_mem>> -> memref<1x!tpu.dma_semaphore, #tpu.memory_space<semaphore_mem>>
        %dma_wait3A_737 = tpu.memref_squeeze %dma_wait3A_736 : memref<1x!tpu.dma_semaphore, #tpu.memory_space<semaphore_mem>> -> memref<!tpu.dma_semaphore, #tpu.memory_space<semaphore_mem>>
        tpu.wait_indirect_dma semaphore(%dma_wait3A_737 : memref<!tpu.dma_semaphore, #tpu.memory_space<semaphore_mem>>) src(%dma_wait3A_729 : memref<100x128xf32, #tpu.memory_space<vmem>>) dst(%dma_wait3A_735 : memref<10000x128xf32, #tpu.memory_space<vmem_shared>>)
        %dma_wait3A_738 = arith.constant 0 : i32
        %dma_wait3A_739 = arith.constant 0 : i32
        %dma_wait3A_740 = arith.constant 0 : i32
        %dma_wait3A_741 = arith.constant 0 : i32
        %dma_wait3A_742 = arith.constant 0 : i32
        %dma_wait3A_743 = tpu.memref_slice %arg11[%dma_wait3A_738, %dma_wait3A_741, %dma_wait3A_742] : memref<3x100x128xf32, #tpu.memory_space<vmem>> -> memref<1x100x128xf32, #tpu.memory_space<vmem>>
        %dma_wait3A_744 = tpu.memref_squeeze %dma_wait3A_743 : memref<1x100x128xf32, #tpu.memory_space<vmem>> -> memref<100x128xf32, #tpu.memory_space<vmem>>
        %dma_wait3A_745 = arith.constant 0 : i32
        %dma_wait3A_746 = tpu.memref_slice %arg9[%dma_wait3A_739, %dma_wait3A_745] : memref<5x100xi32, #tpu.memory_space<vmem>> -> memref<1x100xi32, #tpu.memory_space<vmem>>
        %dma_wait3A_747 = tpu.memref_squeeze %dma_wait3A_746 : memref<1x100xi32, #tpu.memory_space<vmem>> -> memref<100xi32, #tpu.memory_space<vmem>>
        %dma_wait3A_748 = arith.constant 0 : i32
        %dma_wait3A_749 = arith.constant 0 : i32
        %dma_wait3A_750 = tpu.memref_slice %arg12[%dma_wait3A_748, %dma_wait3A_749] : memref<10000x128xf32, #tpu.memory_space<vmem_shared>> -> memref<10000x128xf32, #tpu.memory_space<vmem_shared>>
        %dma_wait3A_751 = tpu.memref_slice %arg14[%dma_wait3A_740] : memref<3x!tpu.dma_semaphore, #tpu.memory_space<semaphore_mem>> -> memref<1x!tpu.dma_semaphore, #tpu.memory_space<semaphore_mem>>
        %dma_wait3A_752 = tpu.memref_squeeze %dma_wait3A_751 : memref<1x!tpu.dma_semaphore, #tpu.memory_space<semaphore_mem>> -> memref<!tpu.dma_semaphore, #tpu.memory_space<semaphore_mem>>
        tpu.wait_indirect_dma semaphore(%dma_wait3A_752 : memref<!tpu.dma_semaphore, #tpu.memory_space<semaphore_mem>>) src(%dma_wait3A_744 : memref<100x128xf32, #tpu.memory_space<vmem>>) dst(%dma_wait3A_750 : memref<10000x128xf32, #tpu.memory_space<vmem_shared>>)
        %dma_wait3A_753 = arith.constant 0 : i32
        %dma_wait3A_754 = arith.constant 0 : i32
        %dma_wait3A_755 = arith.constant 0 : i32
        %dma_wait3A_756 = tpu.memref_slice %arg3[%mul3A_2, %dma_wait3A_753, %dma_wait3A_754, %dma_wait3A_755] : memref<320x2x5x100xi32, #tpu.memory_space<hbm>> -> memref<1x1x5x100xi32, #tpu.memory_space<hbm>>
        %dma_wait3A_757 = tpu.memref_squeeze %dma_wait3A_756 : memref<1x1x5x100xi32, #tpu.memory_space<hbm>> -> memref<5x100xi32, #tpu.memory_space<hbm>>
        %dma_wait3A_758 = arith.constant 0 : i32
        %dma_wait3A_759 = arith.constant 0 : i32
        %dma_wait3A_760 = tpu.memref_slice %arg3[%mul3A_2, %dma_wait3A_753, %dma_wait3A_758, %dma_wait3A_759] : memref<320x2x5x100xi32, #tpu.memory_space<hbm>> -> memref<1x1x5x100xi32, #tpu.memory_space<hbm>>
        %dma_wait3A_761 = tpu.memref_squeeze %dma_wait3A_760 : memref<1x1x5x100xi32, #tpu.memory_space<hbm>> -> memref<5x100xi32, #tpu.memory_space<hbm>>
        tpu.wait_dma2 semaphore(%arg15 : memref<!tpu.dma_semaphore, #tpu.memory_space<semaphore_mem>>) src(%dma_wait3A_761 : memref<5x100xi32, #tpu.memory_space<hbm>>) dst(%arg7 : memref<5x100xi32, #tpu.memory_space<vmem>>)
        %dma_wait3A_762 = arith.constant 0 : i32
        %dma_wait3A_763 = arith.constant 0 : i32
        %dma_wait3A_764 = arith.constant 0 : i32
        %dma_wait3A_765 = tpu.memref_slice %arg4[%mul3A_2, %dma_wait3A_762, %dma_wait3A_763, %dma_wait3A_764] : memref<320x2x5x100xi32, #tpu.memory_space<hbm>> -> memref<1x1x5x100xi32, #tpu.memory_space<hbm>>
        %dma_wait3A_766 = tpu.memref_squeeze %dma_wait3A_765 : memref<1x1x5x100xi32, #tpu.memory_space<hbm>> -> memref<5x100xi32, #tpu.memory_space<hbm>>
        %dma_wait3A_767 = arith.constant 0 : i32
        %dma_wait3A_768 = arith.constant 0 : i32
        %dma_wait3A_769 = tpu.memref_slice %arg4[%mul3A_2, %dma_wait3A_762, %dma_wait3A_767, %dma_wait3A_768] : memref<320x2x5x100xi32, #tpu.memory_space<hbm>> -> memref<1x1x5x100xi32, #tpu.memory_space<hbm>>
        %dma_wait3A_770 = tpu.memref_squeeze %dma_wait3A_769 : memref<1x1x5x100xi32, #tpu.memory_space<hbm>> -> memref<5x100xi32, #tpu.memory_space<hbm>>
        tpu.wait_dma2 semaphore(%arg15 : memref<!tpu.dma_semaphore, #tpu.memory_space<semaphore_mem>>) src(%dma_wait3A_770 : memref<5x100xi32, #tpu.memory_space<hbm>>) dst(%arg9 : memref<5x100xi32, #tpu.memory_space<vmem>>)
      } else {
      }
      %dma_start3A = arith.constant 0 : i32
      %dma_start3A_97 = arith.constant 0 : i32
      %dma_start3A_98 = arith.constant 0 : i32
      %dma_start3A_99 = arith.constant 0 : i32
      %dma_start3A_100 = arith.constant 0 : i32
      %dma_start3A_101 = tpu.memref_slice %arg11[%dma_start3A_97, %dma_start3A_99, %dma_start3A_100] : memref<3x100x128xf32, #tpu.memory_space<vmem>> -> memref<1x100x128xf32, #tpu.memory_space<vmem>>
      %dma_start3A_102 = tpu.memref_squeeze %dma_start3A_101 : memref<1x100x128xf32, #tpu.memory_space<vmem>> -> memref<100x128xf32, #tpu.memory_space<vmem>>
      %dma_start3A_103 = arith.constant 0 : i32
      %dma_start3A_104 = tpu.memref_slice %arg7[%dma_start3A, %dma_start3A_103] : memref<5x100xi32, #tpu.memory_space<vmem>> -> memref<1x100xi32, #tpu.memory_space<vmem>>
      %dma_start3A_105 = tpu.memref_squeeze %dma_start3A_104 : memref<1x100xi32, #tpu.memory_space<vmem>> -> memref<100xi32, #tpu.memory_space<vmem>>
      %dma_start3A_106 = arith.constant 0 : i32
      %dma_start3A_107 = arith.constant 0 : i32
      %dma_start3A_108 = tpu.memref_slice %arg2[%dma_start3A_106, %dma_start3A_107] : memref<10000x128xf32, #tpu.memory_space<hbm>> -> memref<10000x128xf32, #tpu.memory_space<hbm>>
      %dma_start3A_109 = tpu.memref_slice %arg13[%dma_start3A_98] : memref<3x!tpu.dma_semaphore, #tpu.memory_space<semaphore_mem>> -> memref<1x!tpu.dma_semaphore, #tpu.memory_space<semaphore_mem>>
      %dma_start3A_110 = tpu.memref_squeeze %dma_start3A_109 : memref<1x!tpu.dma_semaphore, #tpu.memory_space<semaphore_mem>> -> memref<!tpu.dma_semaphore, #tpu.memory_space<semaphore_mem>>
      tpu.enqueue_indirect_dma source(%dma_start3A_108 : memref<10000x128xf32, #tpu.memory_space<hbm>>) target(%dma_start3A_102 : memref<100x128xf32, #tpu.memory_space<vmem>>) offsets(%dma_start3A_105 : memref<100xi32, #tpu.memory_space<vmem>>) semaphore(%dma_start3A_110 : memref<!tpu.dma_semaphore, #tpu.memory_space<semaphore_mem>>)
      %dma_start3A_111 = arith.constant 1 : i32
      %dma_start3A_112 = arith.constant 1 : i32
      %dma_start3A_113 = arith.constant 1 : i32
      %dma_start3A_114 = arith.constant 0 : i32
      %dma_start3A_115 = arith.constant 0 : i32
      %dma_start3A_116 = tpu.memref_slice %arg11[%dma_start3A_112, %dma_start3A_114, %dma_start3A_115] : memref<3x100x128xf32, #tpu.memory_space<vmem>> -> memref<1x100x128xf32, #tpu.memory_space<vmem>>
      %dma_start3A_117 = tpu.memref_squeeze %dma_start3A_116 : memref<1x100x128xf32, #tpu.memory_space<vmem>> -> memref<100x128xf32, #tpu.memory_space<vmem>>
      %dma_start3A_118 = arith.constant 0 : i32
      %dma_start3A_119 = tpu.memref_slice %arg7[%dma_start3A_111, %dma_start3A_118] : memref<5x100xi32, #tpu.memory_space<vmem>> -> memref<1x100xi32, #tpu.memory_space<vmem>>
      %dma_start3A_120 = tpu.memref_squeeze %dma_start3A_119 : memref<1x100xi32, #tpu.memory_space<vmem>> -> memref<100xi32, #tpu.memory_space<vmem>>
      %dma_start3A_121 = arith.constant 0 : i32
      %dma_start3A_122 = arith.constant 0 : i32
      %dma_start3A_123 = tpu.memref_slice %arg2[%dma_start3A_121, %dma_start3A_122] : memref<10000x128xf32, #tpu.memory_space<hbm>> -> memref<10000x128xf32, #tpu.memory_space<hbm>>
      %dma_start3A_124 = tpu.memref_slice %arg13[%dma_start3A_113] : memref<3x!tpu.dma_semaphore, #tpu.memory_space<semaphore_mem>> -> memref<1x!tpu.dma_semaphore, #tpu.memory_space<semaphore_mem>>
      %dma_start3A_125 = tpu.memref_squeeze %dma_start3A_124 : memref<1x!tpu.dma_semaphore, #tpu.memory_space<semaphore_mem>> -> memref<!tpu.dma_semaphore, #tpu.memory_space<semaphore_mem>>
      tpu.enqueue_indirect_dma source(%dma_start3A_123 : memref<10000x128xf32, #tpu.memory_space<hbm>>) target(%dma_start3A_117 : memref<100x128xf32, #tpu.memory_space<vmem>>) offsets(%dma_start3A_120 : memref<100xi32, #tpu.memory_space<vmem>>) semaphore(%dma_start3A_125 : memref<!tpu.dma_semaphore, #tpu.memory_space<semaphore_mem>>)
      %dma_wait3A_126 = arith.constant 0 : i32
      %dma_wait3A_127 = arith.constant 0 : i32
      %dma_wait3A_128 = arith.constant 0 : i32
      %dma_wait3A_129 = arith.constant 0 : i32
      %dma_wait3A_130 = arith.constant 0 : i32
      %dma_wait3A_131 = tpu.memref_slice %arg11[%dma_wait3A_127, %dma_wait3A_129, %dma_wait3A_130] : memref<3x100x128xf32, #tpu.memory_space<vmem>> -> memref<1x100x128xf32, #tpu.memory_space<vmem>>
      %dma_wait3A_132 = tpu.memref_squeeze %dma_wait3A_131 : memref<1x100x128xf32, #tpu.memory_space<vmem>> -> memref<100x128xf32, #tpu.memory_space<vmem>>
      %dma_wait3A_133 = arith.constant 0 : i32
      %dma_wait3A_134 = tpu.memref_slice %arg7[%dma_wait3A_126, %dma_wait3A_133] : memref<5x100xi32, #tpu.memory_space<vmem>> -> memref<1x100xi32, #tpu.memory_space<vmem>>
      %dma_wait3A_135 = tpu.memref_squeeze %dma_wait3A_134 : memref<1x100xi32, #tpu.memory_space<vmem>> -> memref<100xi32, #tpu.memory_space<vmem>>
      %dma_wait3A_136 = arith.constant 0 : i32
      %dma_wait3A_137 = arith.constant 0 : i32
      %dma_wait3A_138 = tpu.memref_slice %arg2[%dma_wait3A_136, %dma_wait3A_137] : memref<10000x128xf32, #tpu.memory_space<hbm>> -> memref<10000x128xf32, #tpu.memory_space<hbm>>
      %dma_wait3A_139 = tpu.memref_slice %arg13[%dma_wait3A_128] : memref<3x!tpu.dma_semaphore, #tpu.memory_space<semaphore_mem>> -> memref<1x!tpu.dma_semaphore, #tpu.memory_space<semaphore_mem>>
      %dma_wait3A_140 = tpu.memref_squeeze %dma_wait3A_139 : memref<1x!tpu.dma_semaphore, #tpu.memory_space<semaphore_mem>> -> memref<!tpu.dma_semaphore, #tpu.memory_space<semaphore_mem>>
      tpu.wait_indirect_dma semaphore(%dma_wait3A_140 : memref<!tpu.dma_semaphore, #tpu.memory_space<semaphore_mem>>) src(%dma_wait3A_138 : memref<10000x128xf32, #tpu.memory_space<hbm>>) dst(%dma_wait3A_132 : memref<100x128xf32, #tpu.memory_space<vmem>>)
      %dma_start3A_141 = arith.constant 0 : i32
      %dma_start3A_142 = arith.constant 0 : i32
      %dma_start3A_143 = arith.constant 0 : i32
      %dma_start3A_144 = arith.constant 0 : i32
      %dma_start3A_145 = arith.constant 0 : i32
      %dma_start3A_146 = tpu.memref_slice %arg11[%dma_start3A_141, %dma_start3A_144, %dma_start3A_145] : memref<3x100x128xf32, #tpu.memory_space<vmem>> -> memref<1x100x128xf32, #tpu.memory_space<vmem>>
      %dma_start3A_147 = tpu.memref_squeeze %dma_start3A_146 : memref<1x100x128xf32, #tpu.memory_space<vmem>> -> memref<100x128xf32, #tpu.memory_space<vmem>>
      %dma_start3A_148 = arith.constant 0 : i32
      %dma_start3A_149 = tpu.memref_slice %arg9[%dma_start3A_142, %dma_start3A_148] : memref<5x100xi32, #tpu.memory_space<vmem>> -> memref<1x100xi32, #tpu.memory_space<vmem>>
      %dma_start3A_150 = tpu.memref_squeeze %dma_start3A_149 : memref<1x100xi32, #tpu.memory_space<vmem>> -> memref<100xi32, #tpu.memory_space<vmem>>
      %dma_start3A_151 = arith.constant 0 : i32
      %dma_start3A_152 = arith.constant 0 : i32
      %dma_start3A_153 = tpu.memref_slice %arg12[%dma_start3A_151, %dma_start3A_152] : memref<10000x128xf32, #tpu.memory_space<vmem_shared>> -> memref<10000x128xf32, #tpu.memory_space<vmem_shared>>
      %dma_start3A_154 = tpu.memref_slice %arg14[%dma_start3A_143] : memref<3x!tpu.dma_semaphore, #tpu.memory_space<semaphore_mem>> -> memref<1x!tpu.dma_semaphore, #tpu.memory_space<semaphore_mem>>
      %dma_start3A_155 = tpu.memref_squeeze %dma_start3A_154 : memref<1x!tpu.dma_semaphore, #tpu.memory_space<semaphore_mem>> -> memref<!tpu.dma_semaphore, #tpu.memory_space<semaphore_mem>>
      tpu.enqueue_indirect_dma source(%dma_start3A_147 : memref<100x128xf32, #tpu.memory_space<vmem>>) target(%dma_start3A_153 : memref<10000x128xf32, #tpu.memory_space<vmem_shared>>) offsets(%dma_start3A_150 : memref<100xi32, #tpu.memory_space<vmem>>) semaphore(%dma_start3A_155 : memref<!tpu.dma_semaphore, #tpu.memory_space<semaphore_mem>>) {add = true}
      %dma_start3A_156 = arith.constant 2 : i32
      %dma_start3A_157 = arith.constant 2 : i32
      %dma_start3A_158 = arith.constant 2 : i32
      %dma_start3A_159 = arith.constant 0 : i32
      %dma_start3A_160 = arith.constant 0 : i32
      %dma_start3A_161 = tpu.memref_slice %arg11[%dma_start3A_157, %dma_start3A_159, %dma_start3A_160] : memref<3x100x128xf32, #tpu.memory_space<vmem>> -> memref<1x100x128xf32, #tpu.memory_space<vmem>>
      %dma_start3A_162 = tpu.memref_squeeze %dma_start3A_161 : memref<1x100x128xf32, #tpu.memory_space<vmem>> -> memref<100x128xf32, #tpu.memory_space<vmem>>
      %dma_start3A_163 = arith.constant 0 : i32
      %dma_start3A_164 = tpu.memref_slice %arg7[%dma_start3A_156, %dma_start3A_163] : memref<5x100xi32, #tpu.memory_space<vmem>> -> memref<1x100xi32, #tpu.memory_space<vmem>>
      %dma_start3A_165 = tpu.memref_squeeze %dma_start3A_164 : memref<1x100xi32, #tpu.memory_space<vmem>> -> memref<100xi32, #tpu.memory_space<vmem>>
      %dma_start3A_166 = arith.constant 0 : i32
      %dma_start3A_167 = arith.constant 0 : i32
      %dma_start3A_168 = tpu.memref_slice %arg2[%dma_start3A_166, %dma_start3A_167] : memref<10000x128xf32, #tpu.memory_space<hbm>> -> memref<10000x128xf32, #tpu.memory_space<hbm>>
      %dma_start3A_169 = tpu.memref_slice %arg13[%dma_start3A_158] : memref<3x!tpu.dma_semaphore, #tpu.memory_space<semaphore_mem>> -> memref<1x!tpu.dma_semaphore, #tpu.memory_space<semaphore_mem>>
      %dma_start3A_170 = tpu.memref_squeeze %dma_start3A_169 : memref<1x!tpu.dma_semaphore, #tpu.memory_space<semaphore_mem>> -> memref<!tpu.dma_semaphore, #tpu.memory_space<semaphore_mem>>
      tpu.enqueue_indirect_dma source(%dma_start3A_168 : memref<10000x128xf32, #tpu.memory_space<hbm>>) target(%dma_start3A_162 : memref<100x128xf32, #tpu.memory_space<vmem>>) offsets(%dma_start3A_165 : memref<100xi32, #tpu.memory_space<vmem>>) semaphore(%dma_start3A_170 : memref<!tpu.dma_semaphore, #tpu.memory_space<semaphore_mem>>)
      %dma_start3A_171 = arith.constant 1 : i32
      %dma_start3A_172 = arith.constant 0 : i32
      %dma_start3A_173 = arith.constant 0 : i32
      %dma_start3A_174 = tpu.memref_slice %arg3[%add3A_92, %dma_start3A_171, %dma_start3A_172, %dma_start3A_173] : memref<320x2x5x100xi32, #tpu.memory_space<hbm>> -> memref<1x1x5x100xi32, #tpu.memory_space<hbm>>
      %dma_start3A_175 = tpu.memref_squeeze %dma_start3A_174 : memref<1x1x5x100xi32, #tpu.memory_space<hbm>> -> memref<5x100xi32, #tpu.memory_space<hbm>>
      %dma_start3A_176 = arith.constant 0 : i32
      %dma_start3A_177 = arith.constant 0 : i32
      %dma_start3A_178 = tpu.memref_slice %arg3[%add3A_92, %dma_start3A_171, %dma_start3A_176, %dma_start3A_177] : memref<320x2x5x100xi32, #tpu.memory_space<hbm>> -> memref<1x1x5x100xi32, #tpu.memory_space<hbm>>
      %dma_start3A_179 = tpu.memref_squeeze %dma_start3A_178 : memref<1x1x5x100xi32, #tpu.memory_space<hbm>> -> memref<5x100xi32, #tpu.memory_space<hbm>>
      tpu.enqueue_dma source(%dma_start3A_179 : memref<5x100xi32, #tpu.memory_space<hbm>>) target(%arg8 : memref<5x100xi32, #tpu.memory_space<vmem>>) target_semaphore(%arg16 : memref<!tpu.dma_semaphore, #tpu.memory_space<semaphore_mem>>)
      %dma_start3A_180 = arith.constant 1 : i32
      %dma_start3A_181 = arith.constant 0 : i32
      %dma_start3A_182 = arith.constant 0 : i32
      %dma_start3A_183 = tpu.memref_slice %arg4[%add3A_92, %dma_start3A_180, %dma_start3A_181, %dma_start3A_182] : memref<320x2x5x100xi32, #tpu.memory_space<hbm>> -> memref<1x1x5x100xi32, #tpu.memory_space<hbm>>
      %dma_start3A_184 = tpu.memref_squeeze %dma_start3A_183 : memref<1x1x5x100xi32, #tpu.memory_space<hbm>> -> memref<5x100xi32, #tpu.memory_space<hbm>>
      %dma_start3A_185 = arith.constant 0 : i32
      %dma_start3A_186 = arith.constant 0 : i32
      %dma_start3A_187 = tpu.memref_slice %arg4[%add3A_92, %dma_start3A_180, %dma_start3A_185, %dma_start3A_186] : memref<320x2x5x100xi32, #tpu.memory_space<hbm>> -> memref<1x1x5x100xi32, #tpu.memory_space<hbm>>
      %dma_start3A_188 = tpu.memref_squeeze %dma_start3A_187 : memref<1x1x5x100xi32, #tpu.memory_space<hbm>> -> memref<5x100xi32, #tpu.memory_space<hbm>>
      tpu.enqueue_dma source(%dma_start3A_188 : memref<5x100xi32, #tpu.memory_space<hbm>>) target(%arg10 : memref<5x100xi32, #tpu.memory_space<vmem>>) target_semaphore(%arg16 : memref<!tpu.dma_semaphore, #tpu.memory_space<semaphore_mem>>)
      %dma_wait3A_189 = arith.constant 1 : i32
      %dma_wait3A_190 = arith.constant 1 : i32
      %dma_wait3A_191 = arith.constant 1 : i32
      %dma_wait3A_192 = arith.constant 0 : i32
      %dma_wait3A_193 = arith.constant 0 : i32
      %dma_wait3A_194 = tpu.memref_slice %arg11[%dma_wait3A_190, %dma_wait3A_192, %dma_wait3A_193] : memref<3x100x128xf32, #tpu.memory_space<vmem>> -> memref<1x100x128xf32, #tpu.memory_space<vmem>>
      %dma_wait3A_195 = tpu.memref_squeeze %dma_wait3A_194 : memref<1x100x128xf32, #tpu.memory_space<vmem>> -> memref<100x128xf32, #tpu.memory_space<vmem>>
      %dma_wait3A_196 = arith.constant 0 : i32
      %dma_wait3A_197 = tpu.memref_slice %arg7[%dma_wait3A_189, %dma_wait3A_196] : memref<5x100xi32, #tpu.memory_space<vmem>> -> memref<1x100xi32, #tpu.memory_space<vmem>>
      %dma_wait3A_198 = tpu.memref_squeeze %dma_wait3A_197 : memref<1x100xi32, #tpu.memory_space<vmem>> -> memref<100xi32, #tpu.memory_space<vmem>>
      %dma_wait3A_199 = arith.constant 0 : i32
      %dma_wait3A_200 = arith.constant 0 : i32
      %dma_wait3A_201 = tpu.memref_slice %arg2[%dma_wait3A_199, %dma_wait3A_200] : memref<10000x128xf32, #tpu.memory_space<hbm>> -> memref<10000x128xf32, #tpu.memory_space<hbm>>
      %dma_wait3A_202 = tpu.memref_slice %arg13[%dma_wait3A_191] : memref<3x!tpu.dma_semaphore, #tpu.memory_space<semaphore_mem>> -> memref<1x!tpu.dma_semaphore, #tpu.memory_space<semaphore_mem>>
      %dma_wait3A_203 = tpu.memref_squeeze %dma_wait3A_202 : memref<1x!tpu.dma_semaphore, #tpu.memory_space<semaphore_mem>> -> memref<!tpu.dma_semaphore, #tpu.memory_space<semaphore_mem>>
      tpu.wait_indirect_dma semaphore(%dma_wait3A_203 : memref<!tpu.dma_semaphore, #tpu.memory_space<semaphore_mem>>) src(%dma_wait3A_201 : memref<10000x128xf32, #tpu.memory_space<hbm>>) dst(%dma_wait3A_195 : memref<100x128xf32, #tpu.memory_space<vmem>>)
      %dma_start3A_204 = arith.constant 1 : i32
      %dma_start3A_205 = arith.constant 1 : i32
      %dma_start3A_206 = arith.constant 1 : i32
      %dma_start3A_207 = arith.constant 0 : i32
      %dma_start3A_208 = arith.constant 0 : i32
      %dma_start3A_209 = tpu.memref_slice %arg11[%dma_start3A_204, %dma_start3A_207, %dma_start3A_208] : memref<3x100x128xf32, #tpu.memory_space<vmem>> -> memref<1x100x128xf32, #tpu.memory_space<vmem>>
      %dma_start3A_210 = tpu.memref_squeeze %dma_start3A_209 : memref<1x100x128xf32, #tpu.memory_space<vmem>> -> memref<100x128xf32, #tpu.memory_space<vmem>>
      %dma_start3A_211 = arith.constant 0 : i32
      %dma_start3A_212 = tpu.memref_slice %arg9[%dma_start3A_205, %dma_start3A_211] : memref<5x100xi32, #tpu.memory_space<vmem>> -> memref<1x100xi32, #tpu.memory_space<vmem>>
      %dma_start3A_213 = tpu.memref_squeeze %dma_start3A_212 : memref<1x100xi32, #tpu.memory_space<vmem>> -> memref<100xi32, #tpu.memory_space<vmem>>
      %dma_start3A_214 = arith.constant 0 : i32
      %dma_start3A_215 = arith.constant 0 : i32
      %dma_start3A_216 = tpu.memref_slice %arg12[%dma_start3A_214, %dma_start3A_215] : memref<10000x128xf32, #tpu.memory_space<vmem_shared>> -> memref<10000x128xf32, #tpu.memory_space<vmem_shared>>
      %dma_start3A_217 = tpu.memref_slice %arg14[%dma_start3A_206] : memref<3x!tpu.dma_semaphore, #tpu.memory_space<semaphore_mem>> -> memref<1x!tpu.dma_semaphore, #tpu.memory_space<semaphore_mem>>
      %dma_start3A_218 = tpu.memref_squeeze %dma_start3A_217 : memref<1x!tpu.dma_semaphore, #tpu.memory_space<semaphore_mem>> -> memref<!tpu.dma_semaphore, #tpu.memory_space<semaphore_mem>>
      tpu.enqueue_indirect_dma source(%dma_start3A_210 : memref<100x128xf32, #tpu.memory_space<vmem>>) target(%dma_start3A_216 : memref<10000x128xf32, #tpu.memory_space<vmem_shared>>) offsets(%dma_start3A_213 : memref<100xi32, #tpu.memory_space<vmem>>) semaphore(%dma_start3A_218 : memref<!tpu.dma_semaphore, #tpu.memory_space<semaphore_mem>>) {add = true}
      %dma_wait3A_219 = arith.constant 0 : i32
      %dma_wait3A_220 = arith.constant 0 : i32
      %dma_wait3A_221 = arith.constant 0 : i32
      %dma_wait3A_222 = arith.constant 0 : i32
      %dma_wait3A_223 = arith.constant 0 : i32
      %dma_wait3A_224 = tpu.memref_slice %arg11[%dma_wait3A_219, %dma_wait3A_222, %dma_wait3A_223] : memref<3x100x128xf32, #tpu.memory_space<vmem>> -> memref<1x100x128xf32, #tpu.memory_space<vmem>>
      %dma_wait3A_225 = tpu.memref_squeeze %dma_wait3A_224 : memref<1x100x128xf32, #tpu.memory_space<vmem>> -> memref<100x128xf32, #tpu.memory_space<vmem>>
      %dma_wait3A_226 = arith.constant 0 : i32
      %dma_wait3A_227 = tpu.memref_slice %arg9[%dma_wait3A_220, %dma_wait3A_226] : memref<5x100xi32, #tpu.memory_space<vmem>> -> memref<1x100xi32, #tpu.memory_space<vmem>>
      %dma_wait3A_228 = tpu.memref_squeeze %dma_wait3A_227 : memref<1x100xi32, #tpu.memory_space<vmem>> -> memref<100xi32, #tpu.memory_space<vmem>>
      %dma_wait3A_229 = arith.constant 0 : i32
      %dma_wait3A_230 = arith.constant 0 : i32
      %dma_wait3A_231 = tpu.memref_slice %arg12[%dma_wait3A_229, %dma_wait3A_230] : memref<10000x128xf32, #tpu.memory_space<vmem_shared>> -> memref<10000x128xf32, #tpu.memory_space<vmem_shared>>
      %dma_wait3A_232 = tpu.memref_slice %arg14[%dma_wait3A_221] : memref<3x!tpu.dma_semaphore, #tpu.memory_space<semaphore_mem>> -> memref<1x!tpu.dma_semaphore, #tpu.memory_space<semaphore_mem>>
      %dma_wait3A_233 = tpu.memref_squeeze %dma_wait3A_232 : memref<1x!tpu.dma_semaphore, #tpu.memory_space<semaphore_mem>> -> memref<!tpu.dma_semaphore, #tpu.memory_space<semaphore_mem>>
      tpu.wait_indirect_dma semaphore(%dma_wait3A_233 : memref<!tpu.dma_semaphore, #tpu.memory_space<semaphore_mem>>) src(%dma_wait3A_225 : memref<100x128xf32, #tpu.memory_space<vmem>>) dst(%dma_wait3A_231 : memref<10000x128xf32, #tpu.memory_space<vmem_shared>>)
      %dma_start3A_234 = arith.constant 3 : i32
      %dma_start3A_235 = arith.constant 0 : i32
      %dma_start3A_236 = arith.constant 0 : i32
      %dma_start3A_237 = arith.constant 0 : i32
      %dma_start3A_238 = arith.constant 0 : i32
      %dma_start3A_239 = tpu.memref_slice %arg11[%dma_start3A_235, %dma_start3A_237, %dma_start3A_238] : memref<3x100x128xf32, #tpu.memory_space<vmem>> -> memref<1x100x128xf32, #tpu.memory_space<vmem>>
      %dma_start3A_240 = tpu.memref_squeeze %dma_start3A_239 : memref<1x100x128xf32, #tpu.memory_space<vmem>> -> memref<100x128xf32, #tpu.memory_space<vmem>>
      %dma_start3A_241 = arith.constant 0 : i32
      %dma_start3A_242 = tpu.memref_slice %arg7[%dma_start3A_234, %dma_start3A_241] : memref<5x100xi32, #tpu.memory_space<vmem>> -> memref<1x100xi32, #tpu.memory_space<vmem>>
      %dma_start3A_243 = tpu.memref_squeeze %dma_start3A_242 : memref<1x100xi32, #tpu.memory_space<vmem>> -> memref<100xi32, #tpu.memory_space<vmem>>
      %dma_start3A_244 = arith.constant 0 : i32
      %dma_start3A_245 = arith.constant 0 : i32
      %dma_start3A_246 = tpu.memref_slice %arg2[%dma_start3A_244, %dma_start3A_245] : memref<10000x128xf32, #tpu.memory_space<hbm>> -> memref<10000x128xf32, #tpu.memory_space<hbm>>
      %dma_start3A_247 = tpu.memref_slice %arg13[%dma_start3A_236] : memref<3x!tpu.dma_semaphore, #tpu.memory_space<semaphore_mem>> -> memref<1x!tpu.dma_semaphore, #tpu.memory_space<semaphore_mem>>
      %dma_start3A_248 = tpu.memref_squeeze %dma_start3A_247 : memref<1x!tpu.dma_semaphore, #tpu.memory_space<semaphore_mem>> -> memref<!tpu.dma_semaphore, #tpu.memory_space<semaphore_mem>>
      tpu.enqueue_indirect_dma source(%dma_start3A_246 : memref<10000x128xf32, #tpu.memory_space<hbm>>) target(%dma_start3A_240 : memref<100x128xf32, #tpu.memory_space<vmem>>) offsets(%dma_start3A_243 : memref<100xi32, #tpu.memory_space<vmem>>) semaphore(%dma_start3A_248 : memref<!tpu.dma_semaphore, #tpu.memory_space<semaphore_mem>>)
      %dma_wait3A_249 = arith.constant 2 : i32
      %dma_wait3A_250 = arith.constant 2 : i32
      %dma_wait3A_251 = arith.constant 2 : i32
      %dma_wait3A_252 = arith.constant 0 : i32
      %dma_wait3A_253 = arith.constant 0 : i32
      %dma_wait3A_254 = tpu.memref_slice %arg11[%dma_wait3A_250, %dma_wait3A_252, %dma_wait3A_253] : memref<3x100x128xf32, #tpu.memory_space<vmem>> -> memref<1x100x128xf32, #tpu.memory_space<vmem>>
      %dma_wait3A_255 = tpu.memref_squeeze %dma_wait3A_254 : memref<1x100x128xf32, #tpu.memory_space<vmem>> -> memref<100x128xf32, #tpu.memory_space<vmem>>
      %dma_wait3A_256 = arith.constant 0 : i32
      %dma_wait3A_257 = tpu.memref_slice %arg7[%dma_wait3A_249, %dma_wait3A_256] : memref<5x100xi32, #tpu.memory_space<vmem>> -> memref<1x100xi32, #tpu.memory_space<vmem>>
      %dma_wait3A_258 = tpu.memref_squeeze %dma_wait3A_257 : memref<1x100xi32, #tpu.memory_space<vmem>> -> memref<100xi32, #tpu.memory_space<vmem>>
      %dma_wait3A_259 = arith.constant 0 : i32
      %dma_wait3A_260 = arith.constant 0 : i32
      %dma_wait3A_261 = tpu.memref_slice %arg2[%dma_wait3A_259, %dma_wait3A_260] : memref<10000x128xf32, #tpu.memory_space<hbm>> -> memref<10000x128xf32, #tpu.memory_space<hbm>>
      %dma_wait3A_262 = tpu.memref_slice %arg13[%dma_wait3A_251] : memref<3x!tpu.dma_semaphore, #tpu.memory_space<semaphore_mem>> -> memref<1x!tpu.dma_semaphore, #tpu.memory_space<semaphore_mem>>
      %dma_wait3A_263 = tpu.memref_squeeze %dma_wait3A_262 : memref<1x!tpu.dma_semaphore, #tpu.memory_space<semaphore_mem>> -> memref<!tpu.dma_semaphore, #tpu.memory_space<semaphore_mem>>
      tpu.wait_indirect_dma semaphore(%dma_wait3A_263 : memref<!tpu.dma_semaphore, #tpu.memory_space<semaphore_mem>>) src(%dma_wait3A_261 : memref<10000x128xf32, #tpu.memory_space<hbm>>) dst(%dma_wait3A_255 : memref<100x128xf32, #tpu.memory_space<vmem>>)
      %dma_start3A_264 = arith.constant 2 : i32
      %dma_start3A_265 = arith.constant 2 : i32
      %dma_start3A_266 = arith.constant 2 : i32
      %dma_start3A_267 = arith.constant 0 : i32
      %dma_start3A_268 = arith.constant 0 : i32
      %dma_start3A_269 = tpu.memref_slice %arg11[%dma_start3A_264, %dma_start3A_267, %dma_start3A_268] : memref<3x100x128xf32, #tpu.memory_space<vmem>> -> memref<1x100x128xf32, #tpu.memory_space<vmem>>
      %dma_start3A_270 = tpu.memref_squeeze %dma_start3A_269 : memref<1x100x128xf32, #tpu.memory_space<vmem>> -> memref<100x128xf32, #tpu.memory_space<vmem>>
      %dma_start3A_271 = arith.constant 0 : i32
      %dma_start3A_272 = tpu.memref_slice %arg9[%dma_start3A_265, %dma_start3A_271] : memref<5x100xi32, #tpu.memory_space<vmem>> -> memref<1x100xi32, #tpu.memory_space<vmem>>
      %dma_start3A_273 = tpu.memref_squeeze %dma_start3A_272 : memref<1x100xi32, #tpu.memory_space<vmem>> -> memref<100xi32, #tpu.memory_space<vmem>>
      %dma_start3A_274 = arith.constant 0 : i32
      %dma_start3A_275 = arith.constant 0 : i32
      %dma_start3A_276 = tpu.memref_slice %arg12[%dma_start3A_274, %dma_start3A_275] : memref<10000x128xf32, #tpu.memory_space<vmem_shared>> -> memref<10000x128xf32, #tpu.memory_space<vmem_shared>>
      %dma_start3A_277 = tpu.memref_slice %arg14[%dma_start3A_266] : memref<3x!tpu.dma_semaphore, #tpu.memory_space<semaphore_mem>> -> memref<1x!tpu.dma_semaphore, #tpu.memory_space<semaphore_mem>>
      %dma_start3A_278 = tpu.memref_squeeze %dma_start3A_277 : memref<1x!tpu.dma_semaphore, #tpu.memory_space<semaphore_mem>> -> memref<!tpu.dma_semaphore, #tpu.memory_space<semaphore_mem>>
      tpu.enqueue_indirect_dma source(%dma_start3A_270 : memref<100x128xf32, #tpu.memory_space<vmem>>) target(%dma_start3A_276 : memref<10000x128xf32, #tpu.memory_space<vmem_shared>>) offsets(%dma_start3A_273 : memref<100xi32, #tpu.memory_space<vmem>>) semaphore(%dma_start3A_278 : memref<!tpu.dma_semaphore, #tpu.memory_space<semaphore_mem>>) {add = true}
      %dma_wait3A_279 = arith.constant 1 : i32
      %dma_wait3A_280 = arith.constant 0 : i32
      %dma_wait3A_281 = arith.constant 1 : i32
      %dma_wait3A_282 = arith.constant 0 : i32
      %dma_wait3A_283 = arith.constant 0 : i32
      %dma_wait3A_284 = tpu.memref_slice %arg11[%dma_wait3A_279, %dma_wait3A_282, %dma_wait3A_283] : memref<3x100x128xf32, #tpu.memory_space<vmem>> -> memref<1x100x128xf32, #tpu.memory_space<vmem>>
      %dma_wait3A_285 = tpu.memref_squeeze %dma_wait3A_284 : memref<1x100x128xf32, #tpu.memory_space<vmem>> -> memref<100x128xf32, #tpu.memory_space<vmem>>
      %dma_wait3A_286 = arith.constant 0 : i32
      %dma_wait3A_287 = tpu.memref_slice %arg9[%dma_wait3A_280, %dma_wait3A_286] : memref<5x100xi32, #tpu.memory_space<vmem>> -> memref<1x100xi32, #tpu.memory_space<vmem>>
      %dma_wait3A_288 = tpu.memref_squeeze %dma_wait3A_287 : memref<1x100xi32, #tpu.memory_space<vmem>> -> memref<100xi32, #tpu.memory_space<vmem>>
      %dma_wait3A_289 = arith.constant 0 : i32
      %dma_wait3A_290 = arith.constant 0 : i32
      %dma_wait3A_291 = tpu.memref_slice %arg12[%dma_wait3A_289, %dma_wait3A_290] : memref<10000x128xf32, #tpu.memory_space<vmem_shared>> -> memref<10000x128xf32, #tpu.memory_space<vmem_shared>>
      %dma_wait3A_292 = tpu.memref_slice %arg14[%dma_wait3A_281] : memref<3x!tpu.dma_semaphore, #tpu.memory_space<semaphore_mem>> -> memref<1x!tpu.dma_semaphore, #tpu.memory_space<semaphore_mem>>
      %dma_wait3A_293 = tpu.memref_squeeze %dma_wait3A_292 : memref<1x!tpu.dma_semaphore, #tpu.memory_space<semaphore_mem>> -> memref<!tpu.dma_semaphore, #tpu.memory_space<semaphore_mem>>
      tpu.wait_indirect_dma semaphore(%dma_wait3A_293 : memref<!tpu.dma_semaphore, #tpu.memory_space<semaphore_mem>>) src(%dma_wait3A_285 : memref<100x128xf32, #tpu.memory_space<vmem>>) dst(%dma_wait3A_291 : memref<10000x128xf32, #tpu.memory_space<vmem_shared>>)
      %dma_start3A_294 = arith.constant 4 : i32
      %dma_start3A_295 = arith.constant 1 : i32
      %dma_start3A_296 = arith.constant 1 : i32
      %dma_start3A_297 = arith.constant 0 : i32
      %dma_start3A_298 = arith.constant 0 : i32
      %dma_start3A_299 = tpu.memref_slice %arg11[%dma_start3A_295, %dma_start3A_297, %dma_start3A_298] : memref<3x100x128xf32, #tpu.memory_space<vmem>> -> memref<1x100x128xf32, #tpu.memory_space<vmem>>
      %dma_start3A_300 = tpu.memref_squeeze %dma_start3A_299 : memref<1x100x128xf32, #tpu.memory_space<vmem>> -> memref<100x128xf32, #tpu.memory_space<vmem>>
      %dma_start3A_301 = arith.constant 0 : i32
      %dma_start3A_302 = tpu.memref_slice %arg7[%dma_start3A_294, %dma_start3A_301] : memref<5x100xi32, #tpu.memory_space<vmem>> -> memref<1x100xi32, #tpu.memory_space<vmem>>
      %dma_start3A_303 = tpu.memref_squeeze %dma_start3A_302 : memref<1x100xi32, #tpu.memory_space<vmem>> -> memref<100xi32, #tpu.memory_space<vmem>>
      %dma_start3A_304 = arith.constant 0 : i32
      %dma_start3A_305 = arith.constant 0 : i32
      %dma_start3A_306 = tpu.memref_slice %arg2[%dma_start3A_304, %dma_start3A_305] : memref<10000x128xf32, #tpu.memory_space<hbm>> -> memref<10000x128xf32, #tpu.memory_space<hbm>>
      %dma_start3A_307 = tpu.memref_slice %arg13[%dma_start3A_296] : memref<3x!tpu.dma_semaphore, #tpu.memory_space<semaphore_mem>> -> memref<1x!tpu.dma_semaphore, #tpu.memory_space<semaphore_mem>>
      %dma_start3A_308 = tpu.memref_squeeze %dma_start3A_307 : memref<1x!tpu.dma_semaphore, #tpu.memory_space<semaphore_mem>> -> memref<!tpu.dma_semaphore, #tpu.memory_space<semaphore_mem>>
      tpu.enqueue_indirect_dma source(%dma_start3A_306 : memref<10000x128xf32, #tpu.memory_space<hbm>>) target(%dma_start3A_300 : memref<100x128xf32, #tpu.memory_space<vmem>>) offsets(%dma_start3A_303 : memref<100xi32, #tpu.memory_space<vmem>>) semaphore(%dma_start3A_308 : memref<!tpu.dma_semaphore, #tpu.memory_space<semaphore_mem>>)
      %dma_wait3A_309 = arith.constant 3 : i32
      %dma_wait3A_310 = arith.constant 0 : i32
      %dma_wait3A_311 = arith.constant 0 : i32
      %dma_wait3A_312 = arith.constant 0 : i32
      %dma_wait3A_313 = arith.constant 0 : i32
      %dma_wait3A_314 = tpu.memref_slice %arg11[%dma_wait3A_310, %dma_wait3A_312, %dma_wait3A_313] : memref<3x100x128xf32, #tpu.memory_space<vmem>> -> memref<1x100x128xf32, #tpu.memory_space<vmem>>
      %dma_wait3A_315 = tpu.memref_squeeze %dma_wait3A_314 : memref<1x100x128xf32, #tpu.memory_space<vmem>> -> memref<100x128xf32, #tpu.memory_space<vmem>>
      %dma_wait3A_316 = arith.constant 0 : i32
      %dma_wait3A_317 = tpu.memref_slice %arg7[%dma_wait3A_309, %dma_wait3A_316] : memref<5x100xi32, #tpu.memory_space<vmem>> -> memref<1x100xi32, #tpu.memory_space<vmem>>
      %dma_wait3A_318 = tpu.memref_squeeze %dma_wait3A_317 : memref<1x100xi32, #tpu.memory_space<vmem>> -> memref<100xi32, #tpu.memory_space<vmem>>
      %dma_wait3A_319 = arith.constant 0 : i32
      %dma_wait3A_320 = arith.constant 0 : i32
      %dma_wait3A_321 = tpu.memref_slice %arg2[%dma_wait3A_319, %dma_wait3A_320] : memref<10000x128xf32, #tpu.memory_space<hbm>> -> memref<10000x128xf32, #tpu.memory_space<hbm>>
      %dma_wait3A_322 = tpu.memref_slice %arg13[%dma_wait3A_311] : memref<3x!tpu.dma_semaphore, #tpu.memory_space<semaphore_mem>> -> memref<1x!tpu.dma_semaphore, #tpu.memory_space<semaphore_mem>>
      %dma_wait3A_323 = tpu.memref_squeeze %dma_wait3A_322 : memref<1x!tpu.dma_semaphore, #tpu.memory_space<semaphore_mem>> -> memref<!tpu.dma_semaphore, #tpu.memory_space<semaphore_mem>>
      tpu.wait_indirect_dma semaphore(%dma_wait3A_323 : memref<!tpu.dma_semaphore, #tpu.memory_space<semaphore_mem>>) src(%dma_wait3A_321 : memref<10000x128xf32, #tpu.memory_space<hbm>>) dst(%dma_wait3A_315 : memref<100x128xf32, #tpu.memory_space<vmem>>)
      %dma_start3A_324 = arith.constant 0 : i32
      %dma_start3A_325 = arith.constant 3 : i32
      %dma_start3A_326 = arith.constant 0 : i32
      %dma_start3A_327 = arith.constant 0 : i32
      %dma_start3A_328 = arith.constant 0 : i32
      %dma_start3A_329 = tpu.memref_slice %arg11[%dma_start3A_324, %dma_start3A_327, %dma_start3A_328] : memref<3x100x128xf32, #tpu.memory_space<vmem>> -> memref<1x100x128xf32, #tpu.memory_space<vmem>>
      %dma_start3A_330 = tpu.memref_squeeze %dma_start3A_329 : memref<1x100x128xf32, #tpu.memory_space<vmem>> -> memref<100x128xf32, #tpu.memory_space<vmem>>
      %dma_start3A_331 = arith.constant 0 : i32
      %dma_start3A_332 = tpu.memref_slice %arg9[%dma_start3A_325, %dma_start3A_331] : memref<5x100xi32, #tpu.memory_space<vmem>> -> memref<1x100xi32, #tpu.memory_space<vmem>>
      %dma_start3A_333 = tpu.memref_squeeze %dma_start3A_332 : memref<1x100xi32, #tpu.memory_space<vmem>> -> memref<100xi32, #tpu.memory_space<vmem>>
      %dma_start3A_334 = arith.constant 0 : i32
      %dma_start3A_335 = arith.constant 0 : i32
      %dma_start3A_336 = tpu.memref_slice %arg12[%dma_start3A_334, %dma_start3A_335] : memref<10000x128xf32, #tpu.memory_space<vmem_shared>> -> memref<10000x128xf32, #tpu.memory_space<vmem_shared>>
      %dma_start3A_337 = tpu.memref_slice %arg14[%dma_start3A_326] : memref<3x!tpu.dma_semaphore, #tpu.memory_space<semaphore_mem>> -> memref<1x!tpu.dma_semaphore, #tpu.memory_space<semaphore_mem>>
      %dma_start3A_338 = tpu.memref_squeeze %dma_start3A_337 : memref<1x!tpu.dma_semaphore, #tpu.memory_space<semaphore_mem>> -> memref<!tpu.dma_semaphore, #tpu.memory_space<semaphore_mem>>
      tpu.enqueue_indirect_dma source(%dma_start3A_330 : memref<100x128xf32, #tpu.memory_space<vmem>>) target(%dma_start3A_336 : memref<10000x128xf32, #tpu.memory_space<vmem_shared>>) offsets(%dma_start3A_333 : memref<100xi32, #tpu.memory_space<vmem>>) semaphore(%dma_start3A_338 : memref<!tpu.dma_semaphore, #tpu.memory_space<semaphore_mem>>) {add = true}
      %dma_wait3A_339 = arith.constant 2 : i32
      %dma_wait3A_340 = arith.constant 0 : i32
      %dma_wait3A_341 = arith.constant 2 : i32
      %dma_wait3A_342 = arith.constant 0 : i32
      %dma_wait3A_343 = arith.constant 0 : i32
      %dma_wait3A_344 = tpu.memref_slice %arg11[%dma_wait3A_339, %dma_wait3A_342, %dma_wait3A_343] : memref<3x100x128xf32, #tpu.memory_space<vmem>> -> memref<1x100x128xf32, #tpu.memory_space<vmem>>
      %dma_wait3A_345 = tpu.memref_squeeze %dma_wait3A_344 : memref<1x100x128xf32, #tpu.memory_space<vmem>> -> memref<100x128xf32, #tpu.memory_space<vmem>>
      %dma_wait3A_346 = arith.constant 0 : i32
      %dma_wait3A_347 = tpu.memref_slice %arg9[%dma_wait3A_340, %dma_wait3A_346] : memref<5x100xi32, #tpu.memory_space<vmem>> -> memref<1x100xi32, #tpu.memory_space<vmem>>
      %dma_wait3A_348 = tpu.memref_squeeze %dma_wait3A_347 : memref<1x100xi32, #tpu.memory_space<vmem>> -> memref<100xi32, #tpu.memory_space<vmem>>
      %dma_wait3A_349 = arith.constant 0 : i32
      %dma_wait3A_350 = arith.constant 0 : i32
      %dma_wait3A_351 = tpu.memref_slice %arg12[%dma_wait3A_349, %dma_wait3A_350] : memref<10000x128xf32, #tpu.memory_space<vmem_shared>> -> memref<10000x128xf32, #tpu.memory_space<vmem_shared>>
      %dma_wait3A_352 = tpu.memref_slice %arg14[%dma_wait3A_341] : memref<3x!tpu.dma_semaphore, #tpu.memory_space<semaphore_mem>> -> memref<1x!tpu.dma_semaphore, #tpu.memory_space<semaphore_mem>>
      %dma_wait3A_353 = tpu.memref_squeeze %dma_wait3A_352 : memref<1x!tpu.dma_semaphore, #tpu.memory_space<semaphore_mem>> -> memref<!tpu.dma_semaphore, #tpu.memory_space<semaphore_mem>>
      tpu.wait_indirect_dma semaphore(%dma_wait3A_353 : memref<!tpu.dma_semaphore, #tpu.memory_space<semaphore_mem>>) src(%dma_wait3A_345 : memref<100x128xf32, #tpu.memory_space<vmem>>) dst(%dma_wait3A_351 : memref<10000x128xf32, #tpu.memory_space<vmem_shared>>)
      %dma_start3A_354 = arith.constant 0 : i32
      %dma_start3A_355 = arith.constant 2 : i32
      %dma_start3A_356 = arith.constant 2 : i32
      %dma_start3A_357 = arith.constant 0 : i32
      %dma_start3A_358 = arith.constant 0 : i32
      %dma_start3A_359 = tpu.memref_slice %arg11[%dma_start3A_355, %dma_start3A_357, %dma_start3A_358] : memref<3x100x128xf32, #tpu.memory_space<vmem>> -> memref<1x100x128xf32, #tpu.memory_space<vmem>>
      %dma_start3A_360 = tpu.memref_squeeze %dma_start3A_359 : memref<1x100x128xf32, #tpu.memory_space<vmem>> -> memref<100x128xf32, #tpu.memory_space<vmem>>
      %dma_start3A_361 = arith.constant 0 : i32
      %dma_start3A_362 = tpu.memref_slice %arg8[%dma_start3A_354, %dma_start3A_361] : memref<5x100xi32, #tpu.memory_space<vmem>> -> memref<1x100xi32, #tpu.memory_space<vmem>>
      %dma_start3A_363 = tpu.memref_squeeze %dma_start3A_362 : memref<1x100xi32, #tpu.memory_space<vmem>> -> memref<100xi32, #tpu.memory_space<vmem>>
      %dma_start3A_364 = arith.constant 0 : i32
      %dma_start3A_365 = arith.constant 0 : i32
      %dma_start3A_366 = tpu.memref_slice %arg2[%dma_start3A_364, %dma_start3A_365] : memref<10000x128xf32, #tpu.memory_space<hbm>> -> memref<10000x128xf32, #tpu.memory_space<hbm>>
      %dma_start3A_367 = tpu.memref_slice %arg13[%dma_start3A_356] : memref<3x!tpu.dma_semaphore, #tpu.memory_space<semaphore_mem>> -> memref<1x!tpu.dma_semaphore, #tpu.memory_space<semaphore_mem>>
      %dma_start3A_368 = tpu.memref_squeeze %dma_start3A_367 : memref<1x!tpu.dma_semaphore, #tpu.memory_space<semaphore_mem>> -> memref<!tpu.dma_semaphore, #tpu.memory_space<semaphore_mem>>
      tpu.enqueue_indirect_dma source(%dma_start3A_366 : memref<10000x128xf32, #tpu.memory_space<hbm>>) target(%dma_start3A_360 : memref<100x128xf32, #tpu.memory_space<vmem>>) offsets(%dma_start3A_363 : memref<100xi32, #tpu.memory_space<vmem>>) semaphore(%dma_start3A_368 : memref<!tpu.dma_semaphore, #tpu.memory_space<semaphore_mem>>)
      %dma_wait3A_369 = arith.constant 1 : i32
      %dma_wait3A_370 = arith.constant 0 : i32
      %dma_wait3A_371 = arith.constant 0 : i32
      %dma_wait3A_372 = tpu.memref_slice %arg3[%add3A_92, %dma_wait3A_369, %dma_wait3A_370, %dma_wait3A_371] : memref<320x2x5x100xi32, #tpu.memory_space<hbm>> -> memref<1x1x5x100xi32, #tpu.memory_space<hbm>>
      %dma_wait3A_373 = tpu.memref_squeeze %dma_wait3A_372 : memref<1x1x5x100xi32, #tpu.memory_space<hbm>> -> memref<5x100xi32, #tpu.memory_space<hbm>>
      %dma_wait3A_374 = arith.constant 0 : i32
      %dma_wait3A_375 = arith.constant 0 : i32
      %dma_wait3A_376 = tpu.memref_slice %arg3[%add3A_92, %dma_wait3A_369, %dma_wait3A_374, %dma_wait3A_375] : memref<320x2x5x100xi32, #tpu.memory_space<hbm>> -> memref<1x1x5x100xi32, #tpu.memory_space<hbm>>
      %dma_wait3A_377 = tpu.memref_squeeze %dma_wait3A_376 : memref<1x1x5x100xi32, #tpu.memory_space<hbm>> -> memref<5x100xi32, #tpu.memory_space<hbm>>
      tpu.wait_dma2 semaphore(%arg16 : memref<!tpu.dma_semaphore, #tpu.memory_space<semaphore_mem>>) src(%dma_wait3A_377 : memref<5x100xi32, #tpu.memory_space<hbm>>) dst(%arg8 : memref<5x100xi32, #tpu.memory_space<vmem>>)
      %dma_wait3A_378 = arith.constant 1 : i32
      %dma_wait3A_379 = arith.constant 0 : i32
      %dma_wait3A_380 = arith.constant 0 : i32
      %dma_wait3A_381 = tpu.memref_slice %arg4[%add3A_92, %dma_wait3A_378, %dma_wait3A_379, %dma_wait3A_380] : memref<320x2x5x100xi32, #tpu.memory_space<hbm>> -> memref<1x1x5x100xi32, #tpu.memory_space<hbm>>
      %dma_wait3A_382 = tpu.memref_squeeze %dma_wait3A_381 : memref<1x1x5x100xi32, #tpu.memory_space<hbm>> -> memref<5x100xi32, #tpu.memory_space<hbm>>
      %dma_wait3A_383 = arith.constant 0 : i32
      %dma_wait3A_384 = arith.constant 0 : i32
      %dma_wait3A_385 = tpu.memref_slice %arg4[%add3A_92, %dma_wait3A_378, %dma_wait3A_383, %dma_wait3A_384] : memref<320x2x5x100xi32, #tpu.memory_space<hbm>> -> memref<1x1x5x100xi32, #tpu.memory_space<hbm>>
      %dma_wait3A_386 = tpu.memref_squeeze %dma_wait3A_385 : memref<1x1x5x100xi32, #tpu.memory_space<hbm>> -> memref<5x100xi32, #tpu.memory_space<hbm>>
      tpu.wait_dma2 semaphore(%arg16 : memref<!tpu.dma_semaphore, #tpu.memory_space<semaphore_mem>>) src(%dma_wait3A_386 : memref<5x100xi32, #tpu.memory_space<hbm>>) dst(%arg10 : memref<5x100xi32, #tpu.memory_space<vmem>>)
      %dma_wait3A_387 = arith.constant 4 : i32
      %dma_wait3A_388 = arith.constant 1 : i32
      %dma_wait3A_389 = arith.constant 1 : i32
      %dma_wait3A_390 = arith.constant 0 : i32
      %dma_wait3A_391 = arith.constant 0 : i32
      %dma_wait3A_392 = tpu.memref_slice %arg11[%dma_wait3A_388, %dma_wait3A_390, %dma_wait3A_391] : memref<3x100x128xf32, #tpu.memory_space<vmem>> -> memref<1x100x128xf32, #tpu.memory_space<vmem>>
      %dma_wait3A_393 = tpu.memref_squeeze %dma_wait3A_392 : memref<1x100x128xf32, #tpu.memory_space<vmem>> -> memref<100x128xf32, #tpu.memory_space<vmem>>
      %dma_wait3A_394 = arith.constant 0 : i32
      %dma_wait3A_395 = tpu.memref_slice %arg7[%dma_wait3A_387, %dma_wait3A_394] : memref<5x100xi32, #tpu.memory_space<vmem>> -> memref<1x100xi32, #tpu.memory_space<vmem>>
      %dma_wait3A_396 = tpu.memref_squeeze %dma_wait3A_395 : memref<1x100xi32, #tpu.memory_space<vmem>> -> memref<100xi32, #tpu.memory_space<vmem>>
      %dma_wait3A_397 = arith.constant 0 : i32
      %dma_wait3A_398 = arith.constant 0 : i32
      %dma_wait3A_399 = tpu.memref_slice %arg2[%dma_wait3A_397, %dma_wait3A_398] : memref<10000x128xf32, #tpu.memory_space<hbm>> -> memref<10000x128xf32, #tpu.memory_space<hbm>>
      %dma_wait3A_400 = tpu.memref_slice %arg13[%dma_wait3A_389] : memref<3x!tpu.dma_semaphore, #tpu.memory_space<semaphore_mem>> -> memref<1x!tpu.dma_semaphore, #tpu.memory_space<semaphore_mem>>
      %dma_wait3A_401 = tpu.memref_squeeze %dma_wait3A_400 : memref<1x!tpu.dma_semaphore, #tpu.memory_space<semaphore_mem>> -> memref<!tpu.dma_semaphore, #tpu.memory_space<semaphore_mem>>
      tpu.wait_indirect_dma semaphore(%dma_wait3A_401 : memref<!tpu.dma_semaphore, #tpu.memory_space<semaphore_mem>>) src(%dma_wait3A_399 : memref<10000x128xf32, #tpu.memory_space<hbm>>) dst(%dma_wait3A_393 : memref<100x128xf32, #tpu.memory_space<vmem>>)
      %dma_start3A_402 = arith.constant 1 : i32
      %dma_start3A_403 = arith.constant 4 : i32
      %dma_start3A_404 = arith.constant 1 : i32
      %dma_start3A_405 = arith.constant 0 : i32
      %dma_start3A_406 = arith.constant 0 : i32
      %dma_start3A_407 = tpu.memref_slice %arg11[%dma_start3A_402, %dma_start3A_405, %dma_start3A_406] : memref<3x100x128xf32, #tpu.memory_space<vmem>> -> memref<1x100x128xf32, #tpu.memory_space<vmem>>
      %dma_start3A_408 = tpu.memref_squeeze %dma_start3A_407 : memref<1x100x128xf32, #tpu.memory_space<vmem>> -> memref<100x128xf32, #tpu.memory_space<vmem>>
      %dma_start3A_409 = arith.constant 0 : i32
      %dma_start3A_410 = tpu.memref_slice %arg9[%dma_start3A_403, %dma_start3A_409] : memref<5x100xi32, #tpu.memory_space<vmem>> -> memref<1x100xi32, #tpu.memory_space<vmem>>
      %dma_start3A_411 = tpu.memref_squeeze %dma_start3A_410 : memref<1x100xi32, #tpu.memory_space<vmem>> -> memref<100xi32, #tpu.memory_space<vmem>>
      %dma_start3A_412 = arith.constant 0 : i32
      %dma_start3A_413 = arith.constant 0 : i32
      %dma_start3A_414 = tpu.memref_slice %arg12[%dma_start3A_412, %dma_start3A_413] : memref<10000x128xf32, #tpu.memory_space<vmem_shared>> -> memref<10000x128xf32, #tpu.memory_space<vmem_shared>>
      %dma_start3A_415 = tpu.memref_slice %arg14[%dma_start3A_404] : memref<3x!tpu.dma_semaphore, #tpu.memory_space<semaphore_mem>> -> memref<1x!tpu.dma_semaphore, #tpu.memory_space<semaphore_mem>>
      %dma_start3A_416 = tpu.memref_squeeze %dma_start3A_415 : memref<1x!tpu.dma_semaphore, #tpu.memory_space<semaphore_mem>> -> memref<!tpu.dma_semaphore, #tpu.memory_space<semaphore_mem>>
      tpu.enqueue_indirect_dma source(%dma_start3A_408 : memref<100x128xf32, #tpu.memory_space<vmem>>) target(%dma_start3A_414 : memref<10000x128xf32, #tpu.memory_space<vmem_shared>>) offsets(%dma_start3A_411 : memref<100xi32, #tpu.memory_space<vmem>>) semaphore(%dma_start3A_416 : memref<!tpu.dma_semaphore, #tpu.memory_space<semaphore_mem>>) {add = true}
      %dma_wait3A_417 = arith.constant 0 : i32
      %dma_wait3A_418 = arith.constant 0 : i32
      %dma_wait3A_419 = arith.constant 0 : i32
      %dma_wait3A_420 = arith.constant 0 : i32
      %dma_wait3A_421 = arith.constant 0 : i32
      %dma_wait3A_422 = tpu.memref_slice %arg11[%dma_wait3A_417, %dma_wait3A_420, %dma_wait3A_421] : memref<3x100x128xf32, #tpu.memory_space<vmem>> -> memref<1x100x128xf32, #tpu.memory_space<vmem>>
      %dma_wait3A_423 = tpu.memref_squeeze %dma_wait3A_422 : memref<1x100x128xf32, #tpu.memory_space<vmem>> -> memref<100x128xf32, #tpu.memory_space<vmem>>
      %dma_wait3A_424 = arith.constant 0 : i32
      %dma_wait3A_425 = tpu.memref_slice %arg9[%dma_wait3A_418, %dma_wait3A_424] : memref<5x100xi32, #tpu.memory_space<vmem>> -> memref<1x100xi32, #tpu.memory_space<vmem>>
      %dma_wait3A_426 = tpu.memref_squeeze %dma_wait3A_425 : memref<1x100xi32, #tpu.memory_space<vmem>> -> memref<100xi32, #tpu.memory_space<vmem>>
      %dma_wait3A_427 = arith.constant 0 : i32
      %dma_wait3A_428 = arith.constant 0 : i32
      %dma_wait3A_429 = tpu.memref_slice %arg12[%dma_wait3A_427, %dma_wait3A_428] : memref<10000x128xf32, #tpu.memory_space<vmem_shared>> -> memref<10000x128xf32, #tpu.memory_space<vmem_shared>>
      %dma_wait3A_430 = tpu.memref_slice %arg14[%dma_wait3A_419] : memref<3x!tpu.dma_semaphore, #tpu.memory_space<semaphore_mem>> -> memref<1x!tpu.dma_semaphore, #tpu.memory_space<semaphore_mem>>
      %dma_wait3A_431 = tpu.memref_squeeze %dma_wait3A_430 : memref<1x!tpu.dma_semaphore, #tpu.memory_space<semaphore_mem>> -> memref<!tpu.dma_semaphore, #tpu.memory_space<semaphore_mem>>
      tpu.wait_indirect_dma semaphore(%dma_wait3A_431 : memref<!tpu.dma_semaphore, #tpu.memory_space<semaphore_mem>>) src(%dma_wait3A_423 : memref<100x128xf32, #tpu.memory_space<vmem>>) dst(%dma_wait3A_429 : memref<10000x128xf32, #tpu.memory_space<vmem_shared>>)
      %dma_start3A_432 = arith.constant 1 : i32
      %dma_start3A_433 = arith.constant 0 : i32
      %dma_start3A_434 = arith.constant 0 : i32
      %dma_start3A_435 = arith.constant 0 : i32
      %dma_start3A_436 = arith.constant 0 : i32
      %dma_start3A_437 = tpu.memref_slice %arg11[%dma_start3A_433, %dma_start3A_435, %dma_start3A_436] : memref<3x100x128xf32, #tpu.memory_space<vmem>> -> memref<1x100x128xf32, #tpu.memory_space<vmem>>
      %dma_start3A_438 = tpu.memref_squeeze %dma_start3A_437 : memref<1x100x128xf32, #tpu.memory_space<vmem>> -> memref<100x128xf32, #tpu.memory_space<vmem>>
      %dma_start3A_439 = arith.constant 0 : i32
      %dma_start3A_440 = tpu.memref_slice %arg8[%dma_start3A_432, %dma_start3A_439] : memref<5x100xi32, #tpu.memory_space<vmem>> -> memref<1x100xi32, #tpu.memory_space<vmem>>
      %dma_start3A_441 = tpu.memref_squeeze %dma_start3A_440 : memref<1x100xi32, #tpu.memory_space<vmem>> -> memref<100xi32, #tpu.memory_space<vmem>>
      %dma_start3A_442 = arith.constant 0 : i32
      %dma_start3A_443 = arith.constant 0 : i32
      %dma_start3A_444 = tpu.memref_slice %arg2[%dma_start3A_442, %dma_start3A_443] : memref<10000x128xf32, #tpu.memory_space<hbm>> -> memref<10000x128xf32, #tpu.memory_space<hbm>>
      %dma_start3A_445 = tpu.memref_slice %arg13[%dma_start3A_434] : memref<3x!tpu.dma_semaphore, #tpu.memory_space<semaphore_mem>> -> memref<1x!tpu.dma_semaphore, #tpu.memory_space<semaphore_mem>>
      %dma_start3A_446 = tpu.memref_squeeze %dma_start3A_445 : memref<1x!tpu.dma_semaphore, #tpu.memory_space<semaphore_mem>> -> memref<!tpu.dma_semaphore, #tpu.memory_space<semaphore_mem>>
      tpu.enqueue_indirect_dma source(%dma_start3A_444 : memref<10000x128xf32, #tpu.memory_space<hbm>>) target(%dma_start3A_438 : memref<100x128xf32, #tpu.memory_space<vmem>>) offsets(%dma_start3A_441 : memref<100xi32, #tpu.memory_space<vmem>>) semaphore(%dma_start3A_446 : memref<!tpu.dma_semaphore, #tpu.memory_space<semaphore_mem>>)
      %dma_wait3A_447 = arith.constant 0 : i32
      %dma_wait3A_448 = arith.constant 2 : i32
      %dma_wait3A_449 = arith.constant 2 : i32
      %dma_wait3A_450 = arith.constant 0 : i32
      %dma_wait3A_451 = arith.constant 0 : i32
      %dma_wait3A_452 = tpu.memref_slice %arg11[%dma_wait3A_448, %dma_wait3A_450, %dma_wait3A_451] : memref<3x100x128xf32, #tpu.memory_space<vmem>> -> memref<1x100x128xf32, #tpu.memory_space<vmem>>
      %dma_wait3A_453 = tpu.memref_squeeze %dma_wait3A_452 : memref<1x100x128xf32, #tpu.memory_space<vmem>> -> memref<100x128xf32, #tpu.memory_space<vmem>>
      %dma_wait3A_454 = arith.constant 0 : i32
      %dma_wait3A_455 = tpu.memref_slice %arg8[%dma_wait3A_447, %dma_wait3A_454] : memref<5x100xi32, #tpu.memory_space<vmem>> -> memref<1x100xi32, #tpu.memory_space<vmem>>
      %dma_wait3A_456 = tpu.memref_squeeze %dma_wait3A_455 : memref<1x100xi32, #tpu.memory_space<vmem>> -> memref<100xi32, #tpu.memory_space<vmem>>
      %dma_wait3A_457 = arith.constant 0 : i32
      %dma_wait3A_458 = arith.constant 0 : i32
      %dma_wait3A_459 = tpu.memref_slice %arg2[%dma_wait3A_457, %dma_wait3A_458] : memref<10000x128xf32, #tpu.memory_space<hbm>> -> memref<10000x128xf32, #tpu.memory_space<hbm>>
      %dma_wait3A_460 = tpu.memref_slice %arg13[%dma_wait3A_449] : memref<3x!tpu.dma_semaphore, #tpu.memory_space<semaphore_mem>> -> memref<1x!tpu.dma_semaphore, #tpu.memory_space<semaphore_mem>>
      %dma_wait3A_461 = tpu.memref_squeeze %dma_wait3A_460 : memref<1x!tpu.dma_semaphore, #tpu.memory_space<semaphore_mem>> -> memref<!tpu.dma_semaphore, #tpu.memory_space<semaphore_mem>>
      tpu.wait_indirect_dma semaphore(%dma_wait3A_461 : memref<!tpu.dma_semaphore, #tpu.memory_space<semaphore_mem>>) src(%dma_wait3A_459 : memref<10000x128xf32, #tpu.memory_space<hbm>>) dst(%dma_wait3A_453 : memref<100x128xf32, #tpu.memory_space<vmem>>)
      %dma_start3A_462 = arith.constant 2 : i32
      %dma_start3A_463 = arith.constant 0 : i32
      %dma_start3A_464 = arith.constant 2 : i32
      %dma_start3A_465 = arith.constant 0 : i32
      %dma_start3A_466 = arith.constant 0 : i32
      %dma_start3A_467 = tpu.memref_slice %arg11[%dma_start3A_462, %dma_start3A_465, %dma_start3A_466] : memref<3x100x128xf32, #tpu.memory_space<vmem>> -> memref<1x100x128xf32, #tpu.memory_space<vmem>>
      %dma_start3A_468 = tpu.memref_squeeze %dma_start3A_467 : memref<1x100x128xf32, #tpu.memory_space<vmem>> -> memref<100x128xf32, #tpu.memory_space<vmem>>
      %dma_start3A_469 = arith.constant 0 : i32
      %dma_start3A_470 = tpu.memref_slice %arg10[%dma_start3A_463, %dma_start3A_469] : memref<5x100xi32, #tpu.memory_space<vmem>> -> memref<1x100xi32, #tpu.memory_space<vmem>>
      %dma_start3A_471 = tpu.memref_squeeze %dma_start3A_470 : memref<1x100xi32, #tpu.memory_space<vmem>> -> memref<100xi32, #tpu.memory_space<vmem>>
      %dma_start3A_472 = arith.constant 0 : i32
      %dma_start3A_473 = arith.constant 0 : i32
      %dma_start3A_474 = tpu.memref_slice %arg12[%dma_start3A_472, %dma_start3A_473] : memref<10000x128xf32, #tpu.memory_space<vmem_shared>> -> memref<10000x128xf32, #tpu.memory_space<vmem_shared>>
      %dma_start3A_475 = tpu.memref_slice %arg14[%dma_start3A_464] : memref<3x!tpu.dma_semaphore, #tpu.memory_space<semaphore_mem>> -> memref<1x!tpu.dma_semaphore, #tpu.memory_space<semaphore_mem>>
      %dma_start3A_476 = tpu.memref_squeeze %dma_start3A_475 : memref<1x!tpu.dma_semaphore, #tpu.memory_space<semaphore_mem>> -> memref<!tpu.dma_semaphore, #tpu.memory_space<semaphore_mem>>
      tpu.enqueue_indirect_dma source(%dma_start3A_468 : memref<100x128xf32, #tpu.memory_space<vmem>>) target(%dma_start3A_474 : memref<10000x128xf32, #tpu.memory_space<vmem_shared>>) offsets(%dma_start3A_471 : memref<100xi32, #tpu.memory_space<vmem>>) semaphore(%dma_start3A_476 : memref<!tpu.dma_semaphore, #tpu.memory_space<semaphore_mem>>) {add = true}
      %dma_wait3A_477 = arith.constant 1 : i32
      %dma_wait3A_478 = arith.constant 0 : i32
      %dma_wait3A_479 = arith.constant 1 : i32
      %dma_wait3A_480 = arith.constant 0 : i32
      %dma_wait3A_481 = arith.constant 0 : i32
      %dma_wait3A_482 = tpu.memref_slice %arg11[%dma_wait3A_477, %dma_wait3A_480, %dma_wait3A_481] : memref<3x100x128xf32, #tpu.memory_space<vmem>> -> memref<1x100x128xf32, #tpu.memory_space<vmem>>
      %dma_wait3A_483 = tpu.memref_squeeze %dma_wait3A_482 : memref<1x100x128xf32, #tpu.memory_space<vmem>> -> memref<100x128xf32, #tpu.memory_space<vmem>>
      %dma_wait3A_484 = arith.constant 0 : i32
      %dma_wait3A_485 = tpu.memref_slice %arg9[%dma_wait3A_478, %dma_wait3A_484] : memref<5x100xi32, #tpu.memory_space<vmem>> -> memref<1x100xi32, #tpu.memory_space<vmem>>
      %dma_wait3A_486 = tpu.memref_squeeze %dma_wait3A_485 : memref<1x100xi32, #tpu.memory_space<vmem>> -> memref<100xi32, #tpu.memory_space<vmem>>
      %dma_wait3A_487 = arith.constant 0 : i32
      %dma_wait3A_488 = arith.constant 0 : i32
      %dma_wait3A_489 = tpu.memref_slice %arg12[%dma_wait3A_487, %dma_wait3A_488] : memref<10000x128xf32, #tpu.memory_space<vmem_shared>> -> memref<10000x128xf32, #tpu.memory_space<vmem_shared>>
      %dma_wait3A_490 = tpu.memref_slice %arg14[%dma_wait3A_479] : memref<3x!tpu.dma_semaphore, #tpu.memory_space<semaphore_mem>> -> memref<1x!tpu.dma_semaphore, #tpu.memory_space<semaphore_mem>>
      %dma_wait3A_491 = tpu.memref_squeeze %dma_wait3A_490 : memref<1x!tpu.dma_semaphore, #tpu.memory_space<semaphore_mem>> -> memref<!tpu.dma_semaphore, #tpu.memory_space<semaphore_mem>>
      tpu.wait_indirect_dma semaphore(%dma_wait3A_491 : memref<!tpu.dma_semaphore, #tpu.memory_space<semaphore_mem>>) src(%dma_wait3A_483 : memref<100x128xf32, #tpu.memory_space<vmem>>) dst(%dma_wait3A_489 : memref<10000x128xf32, #tpu.memory_space<vmem_shared>>)
      %dma_start3A_492 = arith.constant 2 : i32
      %dma_start3A_493 = arith.constant 1 : i32
      %dma_start3A_494 = arith.constant 1 : i32
      %dma_start3A_495 = arith.constant 0 : i32
      %dma_start3A_496 = arith.constant 0 : i32
      %dma_start3A_497 = tpu.memref_slice %arg11[%dma_start3A_493, %dma_start3A_495, %dma_start3A_496] : memref<3x100x128xf32, #tpu.memory_space<vmem>> -> memref<1x100x128xf32, #tpu.memory_space<vmem>>
      %dma_start3A_498 = tpu.memref_squeeze %dma_start3A_497 : memref<1x100x128xf32, #tpu.memory_space<vmem>> -> memref<100x128xf32, #tpu.memory_space<vmem>>
      %dma_start3A_499 = arith.constant 0 : i32
      %dma_start3A_500 = tpu.memref_slice %arg8[%dma_start3A_492, %dma_start3A_499] : memref<5x100xi32, #tpu.memory_space<vmem>> -> memref<1x100xi32, #tpu.memory_space<vmem>>
      %dma_start3A_501 = tpu.memref_squeeze %dma_start3A_500 : memref<1x100xi32, #tpu.memory_space<vmem>> -> memref<100xi32, #tpu.memory_space<vmem>>
      %dma_start3A_502 = arith.constant 0 : i32
      %dma_start3A_503 = arith.constant 0 : i32
      %dma_start3A_504 = tpu.memref_slice %arg2[%dma_start3A_502, %dma_start3A_503] : memref<10000x128xf32, #tpu.memory_space<hbm>> -> memref<10000x128xf32, #tpu.memory_space<hbm>>
      %dma_start3A_505 = tpu.memref_slice %arg13[%dma_start3A_494] : memref<3x!tpu.dma_semaphore, #tpu.memory_space<semaphore_mem>> -> memref<1x!tpu.dma_semaphore, #tpu.memory_space<semaphore_mem>>
      %dma_start3A_506 = tpu.memref_squeeze %dma_start3A_505 : memref<1x!tpu.dma_semaphore, #tpu.memory_space<semaphore_mem>> -> memref<!tpu.dma_semaphore, #tpu.memory_space<semaphore_mem>>
      tpu.enqueue_indirect_dma source(%dma_start3A_504 : memref<10000x128xf32, #tpu.memory_space<hbm>>) target(%dma_start3A_498 : memref<100x128xf32, #tpu.memory_space<vmem>>) offsets(%dma_start3A_501 : memref<100xi32, #tpu.memory_space<vmem>>) semaphore(%dma_start3A_506 : memref<!tpu.dma_semaphore, #tpu.memory_space<semaphore_mem>>)
      %dma_wait3A_507 = arith.constant 1 : i32
      %dma_wait3A_508 = arith.constant 0 : i32
      %dma_wait3A_509 = arith.constant 0 : i32
      %dma_wait3A_510 = arith.constant 0 : i32
      %dma_wait3A_511 = arith.constant 0 : i32
      %dma_wait3A_512 = tpu.memref_slice %arg11[%dma_wait3A_508, %dma_wait3A_510, %dma_wait3A_511] : memref<3x100x128xf32, #tpu.memory_space<vmem>> -> memref<1x100x128xf32, #tpu.memory_space<vmem>>
      %dma_wait3A_513 = tpu.memref_squeeze %dma_wait3A_512 : memref<1x100x128xf32, #tpu.memory_space<vmem>> -> memref<100x128xf32, #tpu.memory_space<vmem>>
      %dma_wait3A_514 = arith.constant 0 : i32
      %dma_wait3A_515 = tpu.memref_slice %arg8[%dma_wait3A_507, %dma_wait3A_514] : memref<5x100xi32, #tpu.memory_space<vmem>> -> memref<1x100xi32, #tpu.memory_space<vmem>>
      %dma_wait3A_516 = tpu.memref_squeeze %dma_wait3A_515 : memref<1x100xi32, #tpu.memory_space<vmem>> -> memref<100xi32, #tpu.memory_space<vmem>>
      %dma_wait3A_517 = arith.constant 0 : i32
      %dma_wait3A_518 = arith.constant 0 : i32
      %dma_wait3A_519 = tpu.memref_slice %arg2[%dma_wait3A_517, %dma_wait3A_518] : memref<10000x128xf32, #tpu.memory_space<hbm>> -> memref<10000x128xf32, #tpu.memory_space<hbm>>
      %dma_wait3A_520 = tpu.memref_slice %arg13[%dma_wait3A_509] : memref<3x!tpu.dma_semaphore, #tpu.memory_space<semaphore_mem>> -> memref<1x!tpu.dma_semaphore, #tpu.memory_space<semaphore_mem>>
      %dma_wait3A_521 = tpu.memref_squeeze %dma_wait3A_520 : memref<1x!tpu.dma_semaphore, #tpu.memory_space<semaphore_mem>> -> memref<!tpu.dma_semaphore, #tpu.memory_space<semaphore_mem>>
      tpu.wait_indirect_dma semaphore(%dma_wait3A_521 : memref<!tpu.dma_semaphore, #tpu.memory_space<semaphore_mem>>) src(%dma_wait3A_519 : memref<10000x128xf32, #tpu.memory_space<hbm>>) dst(%dma_wait3A_513 : memref<100x128xf32, #tpu.memory_space<vmem>>)
      %dma_start3A_522 = arith.constant 0 : i32
      %dma_start3A_523 = arith.constant 1 : i32
      %dma_start3A_524 = arith.constant 0 : i32
      %dma_start3A_525 = arith.constant 0 : i32
      %dma_start3A_526 = arith.constant 0 : i32
      %dma_start3A_527 = tpu.memref_slice %arg11[%dma_start3A_522, %dma_start3A_525, %dma_start3A_526] : memref<3x100x128xf32, #tpu.memory_space<vmem>> -> memref<1x100x128xf32, #tpu.memory_space<vmem>>
      %dma_start3A_528 = tpu.memref_squeeze %dma_start3A_527 : memref<1x100x128xf32, #tpu.memory_space<vmem>> -> memref<100x128xf32, #tpu.memory_space<vmem>>
      %dma_start3A_529 = arith.constant 0 : i32
      %dma_start3A_530 = tpu.memref_slice %arg10[%dma_start3A_523, %dma_start3A_529] : memref<5x100xi32, #tpu.memory_space<vmem>> -> memref<1x100xi32, #tpu.memory_space<vmem>>
      %dma_start3A_531 = tpu.memref_squeeze %dma_start3A_530 : memref<1x100xi32, #tpu.memory_space<vmem>> -> memref<100xi32, #tpu.memory_space<vmem>>
      %dma_start3A_532 = arith.constant 0 : i32
      %dma_start3A_533 = arith.constant 0 : i32
      %dma_start3A_534 = tpu.memref_slice %arg12[%dma_start3A_532, %dma_start3A_533] : memref<10000x128xf32, #tpu.memory_space<vmem_shared>> -> memref<10000x128xf32, #tpu.memory_space<vmem_shared>>
      %dma_start3A_535 = tpu.memref_slice %arg14[%dma_start3A_524] : memref<3x!tpu.dma_semaphore, #tpu.memory_space<semaphore_mem>> -> memref<1x!tpu.dma_semaphore, #tpu.memory_space<semaphore_mem>>
      %dma_start3A_536 = tpu.memref_squeeze %dma_start3A_535 : memref<1x!tpu.dma_semaphore, #tpu.memory_space<semaphore_mem>> -> memref<!tpu.dma_semaphore, #tpu.memory_space<semaphore_mem>>
      tpu.enqueue_indirect_dma source(%dma_start3A_528 : memref<100x128xf32, #tpu.memory_space<vmem>>) target(%dma_start3A_534 : memref<10000x128xf32, #tpu.memory_space<vmem_shared>>) offsets(%dma_start3A_531 : memref<100xi32, #tpu.memory_space<vmem>>) semaphore(%dma_start3A_536 : memref<!tpu.dma_semaphore, #tpu.memory_space<semaphore_mem>>) {add = true}
      %dma_wait3A_537 = arith.constant 2 : i32
      %dma_wait3A_538 = arith.constant 0 : i32
      %dma_wait3A_539 = arith.constant 2 : i32
      %dma_wait3A_540 = arith.constant 0 : i32
      %dma_wait3A_541 = arith.constant 0 : i32
      %dma_wait3A_542 = tpu.memref_slice %arg11[%dma_wait3A_537, %dma_wait3A_540, %dma_wait3A_541] : memref<3x100x128xf32, #tpu.memory_space<vmem>> -> memref<1x100x128xf32, #tpu.memory_space<vmem>>
      %dma_wait3A_543 = tpu.memref_squeeze %dma_wait3A_542 : memref<1x100x128xf32, #tpu.memory_space<vmem>> -> memref<100x128xf32, #tpu.memory_space<vmem>>
      %dma_wait3A_544 = arith.constant 0 : i32
      %dma_wait3A_545 = tpu.memref_slice %arg9[%dma_wait3A_538, %dma_wait3A_544] : memref<5x100xi32, #tpu.memory_space<vmem>> -> memref<1x100xi32, #tpu.memory_space<vmem>>
      %dma_wait3A_546 = tpu.memref_squeeze %dma_wait3A_545 : memref<1x100xi32, #tpu.memory_space<vmem>> -> memref<100xi32, #tpu.memory_space<vmem>>
      %dma_wait3A_547 = arith.constant 0 : i32
      %dma_wait3A_548 = arith.constant 0 : i32
      %dma_wait3A_549 = tpu.memref_slice %arg12[%dma_wait3A_547, %dma_wait3A_548] : memref<10000x128xf32, #tpu.memory_space<vmem_shared>> -> memref<10000x128xf32, #tpu.memory_space<vmem_shared>>
      %dma_wait3A_550 = tpu.memref_slice %arg14[%dma_wait3A_539] : memref<3x!tpu.dma_semaphore, #tpu.memory_space<semaphore_mem>> -> memref<1x!tpu.dma_semaphore, #tpu.memory_space<semaphore_mem>>
      %dma_wait3A_551 = tpu.memref_squeeze %dma_wait3A_550 : memref<1x!tpu.dma_semaphore, #tpu.memory_space<semaphore_mem>> -> memref<!tpu.dma_semaphore, #tpu.memory_space<semaphore_mem>>
      tpu.wait_indirect_dma semaphore(%dma_wait3A_551 : memref<!tpu.dma_semaphore, #tpu.memory_space<semaphore_mem>>) src(%dma_wait3A_543 : memref<100x128xf32, #tpu.memory_space<vmem>>) dst(%dma_wait3A_549 : memref<10000x128xf32, #tpu.memory_space<vmem_shared>>)
      %dma_start3A_552 = arith.constant 3 : i32
      %dma_start3A_553 = arith.constant 2 : i32
      %dma_start3A_554 = arith.constant 2 : i32
      %dma_start3A_555 = arith.constant 0 : i32
      %dma_start3A_556 = arith.constant 0 : i32
      %dma_start3A_557 = tpu.memref_slice %arg11[%dma_start3A_553, %dma_start3A_555, %dma_start3A_556] : memref<3x100x128xf32, #tpu.memory_space<vmem>> -> memref<1x100x128xf32, #tpu.memory_space<vmem>>
      %dma_start3A_558 = tpu.memref_squeeze %dma_start3A_557 : memref<1x100x128xf32, #tpu.memory_space<vmem>> -> memref<100x128xf32, #tpu.memory_space<vmem>>
      %dma_start3A_559 = arith.constant 0 : i32
      %dma_start3A_560 = tpu.memref_slice %arg8[%dma_start3A_552, %dma_start3A_559] : memref<5x100xi32, #tpu.memory_space<vmem>> -> memref<1x100xi32, #tpu.memory_space<vmem>>
      %dma_start3A_561 = tpu.memref_squeeze %dma_start3A_560 : memref<1x100xi32, #tpu.memory_space<vmem>> -> memref<100xi32, #tpu.memory_space<vmem>>
      %dma_start3A_562 = arith.constant 0 : i32
      %dma_start3A_563 = arith.constant 0 : i32
      %dma_start3A_564 = tpu.memref_slice %arg2[%dma_start3A_562, %dma_start3A_563] : memref<10000x128xf32, #tpu.memory_space<hbm>> -> memref<10000x128xf32, #tpu.memory_space<hbm>>
      %dma_start3A_565 = tpu.memref_slice %arg13[%dma_start3A_554] : memref<3x!tpu.dma_semaphore, #tpu.memory_space<semaphore_mem>> -> memref<1x!tpu.dma_semaphore, #tpu.memory_space<semaphore_mem>>
      %dma_start3A_566 = tpu.memref_squeeze %dma_start3A_565 : memref<1x!tpu.dma_semaphore, #tpu.memory_space<semaphore_mem>> -> memref<!tpu.dma_semaphore, #tpu.memory_space<semaphore_mem>>
      tpu.enqueue_indirect_dma source(%dma_start3A_564 : memref<10000x128xf32, #tpu.memory_space<hbm>>) target(%dma_start3A_558 : memref<100x128xf32, #tpu.memory_space<vmem>>) offsets(%dma_start3A_561 : memref<100xi32, #tpu.memory_space<vmem>>) semaphore(%dma_start3A_566 : memref<!tpu.dma_semaphore, #tpu.memory_space<semaphore_mem>>)
      %add3A_567 = arith.constant 1 : i32
      %add3A_568 = arith.addi %add3A_92, %add3A_567 : i32
      %min3A = arith.constant 319 : i32
      %min3A_569 = arith.minsi %add3A_568, %min3A : i32
      %dma_start3A_570 = arith.constant 0 : i32
      %dma_start3A_571 = arith.constant 0 : i32
      %dma_start3A_572 = arith.constant 0 : i32
      %dma_start3A_573 = tpu.memref_slice %arg3[%min3A_569, %dma_start3A_570, %dma_start3A_571, %dma_start3A_572] : memref<320x2x5x100xi32, #tpu.memory_space<hbm>> -> memref<1x1x5x100xi32, #tpu.memory_space<hbm>>
      %dma_start3A_574 = tpu.memref_squeeze %dma_start3A_573 : memref<1x1x5x100xi32, #tpu.memory_space<hbm>> -> memref<5x100xi32, #tpu.memory_space<hbm>>
      %dma_start3A_575 = arith.constant 0 : i32
      %dma_start3A_576 = arith.constant 0 : i32
      %dma_start3A_577 = tpu.memref_slice %arg3[%min3A_569, %dma_start3A_570, %dma_start3A_575, %dma_start3A_576] : memref<320x2x5x100xi32, #tpu.memory_space<hbm>> -> memref<1x1x5x100xi32, #tpu.memory_space<hbm>>
      %dma_start3A_578 = tpu.memref_squeeze %dma_start3A_577 : memref<1x1x5x100xi32, #tpu.memory_space<hbm>> -> memref<5x100xi32, #tpu.memory_space<hbm>>
      tpu.enqueue_dma source(%dma_start3A_578 : memref<5x100xi32, #tpu.memory_space<hbm>>) target(%arg7 : memref<5x100xi32, #tpu.memory_space<vmem>>) target_semaphore(%arg15 : memref<!tpu.dma_semaphore, #tpu.memory_space<semaphore_mem>>)
      %dma_start3A_579 = arith.constant 0 : i32
      %dma_start3A_580 = arith.constant 0 : i32
      %dma_start3A_581 = arith.constant 0 : i32
      %dma_start3A_582 = tpu.memref_slice %arg4[%min3A_569, %dma_start3A_579, %dma_start3A_580, %dma_start3A_581] : memref<320x2x5x100xi32, #tpu.memory_space<hbm>> -> memref<1x1x5x100xi32, #tpu.memory_space<hbm>>
      %dma_start3A_583 = tpu.memref_squeeze %dma_start3A_582 : memref<1x1x5x100xi32, #tpu.memory_space<hbm>> -> memref<5x100xi32, #tpu.memory_space<hbm>>
      %dma_start3A_584 = arith.constant 0 : i32
      %dma_start3A_585 = arith.constant 0 : i32
      %dma_start3A_586 = tpu.memref_slice %arg4[%min3A_569, %dma_start3A_579, %dma_start3A_584, %dma_start3A_585] : memref<320x2x5x100xi32, #tpu.memory_space<hbm>> -> memref<1x1x5x100xi32, #tpu.memory_space<hbm>>
      %dma_start3A_587 = tpu.memref_squeeze %dma_start3A_586 : memref<1x1x5x100xi32, #tpu.memory_space<hbm>> -> memref<5x100xi32, #tpu.memory_space<hbm>>
      tpu.enqueue_dma source(%dma_start3A_587 : memref<5x100xi32, #tpu.memory_space<hbm>>) target(%arg9 : memref<5x100xi32, #tpu.memory_space<vmem>>) target_semaphore(%arg15 : memref<!tpu.dma_semaphore, #tpu.memory_space<semaphore_mem>>)
      %dma_wait3A_588 = arith.constant 2 : i32
      %dma_wait3A_589 = arith.constant 1 : i32
      %dma_wait3A_590 = arith.constant 1 : i32
      %dma_wait3A_591 = arith.constant 0 : i32
      %dma_wait3A_592 = arith.constant 0 : i32
      %dma_wait3A_593 = tpu.memref_slice %arg11[%dma_wait3A_589, %dma_wait3A_591, %dma_wait3A_592] : memref<3x100x128xf32, #tpu.memory_space<vmem>> -> memref<1x100x128xf32, #tpu.memory_space<vmem>>
      %dma_wait3A_594 = tpu.memref_squeeze %dma_wait3A_593 : memref<1x100x128xf32, #tpu.memory_space<vmem>> -> memref<100x128xf32, #tpu.memory_space<vmem>>
      %dma_wait3A_595 = arith.constant 0 : i32
      %dma_wait3A_596 = tpu.memref_slice %arg8[%dma_wait3A_588, %dma_wait3A_595] : memref<5x100xi32, #tpu.memory_space<vmem>> -> memref<1x100xi32, #tpu.memory_space<vmem>>
      %dma_wait3A_597 = tpu.memref_squeeze %dma_wait3A_596 : memref<1x100xi32, #tpu.memory_space<vmem>> -> memref<100xi32, #tpu.memory_space<vmem>>
      %dma_wait3A_598 = arith.constant 0 : i32
      %dma_wait3A_599 = arith.constant 0 : i32
      %dma_wait3A_600 = tpu.memref_slice %arg2[%dma_wait3A_598, %dma_wait3A_599] : memref<10000x128xf32, #tpu.memory_space<hbm>> -> memref<10000x128xf32, #tpu.memory_space<hbm>>
      %dma_wait3A_601 = tpu.memref_slice %arg13[%dma_wait3A_590] : memref<3x!tpu.dma_semaphore, #tpu.memory_space<semaphore_mem>> -> memref<1x!tpu.dma_semaphore, #tpu.memory_space<semaphore_mem>>
      %dma_wait3A_602 = tpu.memref_squeeze %dma_wait3A_601 : memref<1x!tpu.dma_semaphore, #tpu.memory_space<semaphore_mem>> -> memref<!tpu.dma_semaphore, #tpu.memory_space<semaphore_mem>>
      tpu.wait_indirect_dma semaphore(%dma_wait3A_602 : memref<!tpu.dma_semaphore, #tpu.memory_space<semaphore_mem>>) src(%dma_wait3A_600 : memref<10000x128xf32, #tpu.memory_space<hbm>>) dst(%dma_wait3A_594 : memref<100x128xf32, #tpu.memory_space<vmem>>)
      %dma_start3A_603 = arith.constant 1 : i32
      %dma_start3A_604 = arith.constant 2 : i32
      %dma_start3A_605 = arith.constant 1 : i32
      %dma_start3A_606 = arith.constant 0 : i32
      %dma_start3A_607 = arith.constant 0 : i32
      %dma_start3A_608 = tpu.memref_slice %arg11[%dma_start3A_603, %dma_start3A_606, %dma_start3A_607] : memref<3x100x128xf32, #tpu.memory_space<vmem>> -> memref<1x100x128xf32, #tpu.memory_space<vmem>>
      %dma_start3A_609 = tpu.memref_squeeze %dma_start3A_608 : memref<1x100x128xf32, #tpu.memory_space<vmem>> -> memref<100x128xf32, #tpu.memory_space<vmem>>
      %dma_start3A_610 = arith.constant 0 : i32
      %dma_start3A_611 = tpu.memref_slice %arg10[%dma_start3A_604, %dma_start3A_610] : memref<5x100xi32, #tpu.memory_space<vmem>> -> memref<1x100xi32, #tpu.memory_space<vmem>>
      %dma_start3A_612 = tpu.memref_squeeze %dma_start3A_611 : memref<1x100xi32, #tpu.memory_space<vmem>> -> memref<100xi32, #tpu.memory_space<vmem>>
      %dma_start3A_613 = arith.constant 0 : i32
      %dma_start3A_614 = arith.constant 0 : i32
      %dma_start3A_615 = tpu.memref_slice %arg12[%dma_start3A_613, %dma_start3A_614] : memref<10000x128xf32, #tpu.memory_space<vmem_shared>> -> memref<10000x128xf32, #tpu.memory_space<vmem_shared>>
      %dma_start3A_616 = tpu.memref_slice %arg14[%dma_start3A_605] : memref<3x!tpu.dma_semaphore, #tpu.memory_space<semaphore_mem>> -> memref<1x!tpu.dma_semaphore, #tpu.memory_space<semaphore_mem>>
      %dma_start3A_617 = tpu.memref_squeeze %dma_start3A_616 : memref<1x!tpu.dma_semaphore, #tpu.memory_space<semaphore_mem>> -> memref<!tpu.dma_semaphore, #tpu.memory_space<semaphore_mem>>
      tpu.enqueue_indirect_dma source(%dma_start3A_609 : memref<100x128xf32, #tpu.memory_space<vmem>>) target(%dma_start3A_615 : memref<10000x128xf32, #tpu.memory_space<vmem_shared>>) offsets(%dma_start3A_612 : memref<100xi32, #tpu.memory_space<vmem>>) semaphore(%dma_start3A_617 : memref<!tpu.dma_semaphore, #tpu.memory_space<semaphore_mem>>) {add = true}
      %dma_wait3A_618 = arith.constant 0 : i32
      %dma_wait3A_619 = arith.constant 0 : i32
      %dma_wait3A_620 = arith.constant 0 : i32
      %dma_wait3A_621 = arith.constant 0 : i32
      %dma_wait3A_622 = arith.constant 0 : i32
      %dma_wait3A_623 = tpu.memref_slice %arg11[%dma_wait3A_618, %dma_wait3A_621, %dma_wait3A_622] : memref<3x100x128xf32, #tpu.memory_space<vmem>> -> memref<1x100x128xf32, #tpu.memory_space<vmem>>
      %dma_wait3A_624 = tpu.memref_squeeze %dma_wait3A_623 : memref<1x100x128xf32, #tpu.memory_space<vmem>> -> memref<100x128xf32, #tpu.memory_space<vmem>>
      %dma_wait3A_625 = arith.constant 0 : i32
      %dma_wait3A_626 = tpu.memref_slice %arg9[%dma_wait3A_619, %dma_wait3A_625] : memref<5x100xi32, #tpu.memory_space<vmem>> -> memref<1x100xi32, #tpu.memory_space<vmem>>
      %dma_wait3A_627 = tpu.memref_squeeze %dma_wait3A_626 : memref<1x100xi32, #tpu.memory_space<vmem>> -> memref<100xi32, #tpu.memory_space<vmem>>
      %dma_wait3A_628 = arith.constant 0 : i32
      %dma_wait3A_629 = arith.constant 0 : i32
      %dma_wait3A_630 = tpu.memref_slice %arg12[%dma_wait3A_628, %dma_wait3A_629] : memref<10000x128xf32, #tpu.memory_space<vmem_shared>> -> memref<10000x128xf32, #tpu.memory_space<vmem_shared>>
      %dma_wait3A_631 = tpu.memref_slice %arg14[%dma_wait3A_620] : memref<3x!tpu.dma_semaphore, #tpu.memory_space<semaphore_mem>> -> memref<1x!tpu.dma_semaphore, #tpu.memory_space<semaphore_mem>>
      %dma_wait3A_632 = tpu.memref_squeeze %dma_wait3A_631 : memref<1x!tpu.dma_semaphore, #tpu.memory_space<semaphore_mem>> -> memref<!tpu.dma_semaphore, #tpu.memory_space<semaphore_mem>>
      tpu.wait_indirect_dma semaphore(%dma_wait3A_632 : memref<!tpu.dma_semaphore, #tpu.memory_space<semaphore_mem>>) src(%dma_wait3A_624 : memref<100x128xf32, #tpu.memory_space<vmem>>) dst(%dma_wait3A_630 : memref<10000x128xf32, #tpu.memory_space<vmem_shared>>)
      %dma_start3A_633 = arith.constant 4 : i32
      %dma_start3A_634 = arith.constant 0 : i32
      %dma_start3A_635 = arith.constant 0 : i32
      %dma_start3A_636 = arith.constant 0 : i32
      %dma_start3A_637 = arith.constant 0 : i32
      %dma_start3A_638 = tpu.memref_slice %arg11[%dma_start3A_634, %dma_start3A_636, %dma_start3A_637] : memref<3x100x128xf32, #tpu.memory_space<vmem>> -> memref<1x100x128xf32, #tpu.memory_space<vmem>>
      %dma_start3A_639 = tpu.memref_squeeze %dma_start3A_638 : memref<1x100x128xf32, #tpu.memory_space<vmem>> -> memref<100x128xf32, #tpu.memory_space<vmem>>
      %dma_start3A_640 = arith.constant 0 : i32
      %dma_start3A_641 = tpu.memref_slice %arg8[%dma_start3A_633, %dma_start3A_640] : memref<5x100xi32, #tpu.memory_space<vmem>> -> memref<1x100xi32, #tpu.memory_space<vmem>>
      %dma_start3A_642 = tpu.memref_squeeze %dma_start3A_641 : memref<1x100xi32, #tpu.memory_space<vmem>> -> memref<100xi32, #tpu.memory_space<vmem>>
      %dma_start3A_643 = arith.constant 0 : i32
      %dma_start3A_644 = arith.constant 0 : i32
      %dma_start3A_645 = tpu.memref_slice %arg2[%dma_start3A_643, %dma_start3A_644] : memref<10000x128xf32, #tpu.memory_space<hbm>> -> memref<10000x128xf32, #tpu.memory_space<hbm>>
      %dma_start3A_646 = tpu.memref_slice %arg13[%dma_start3A_635] : memref<3x!tpu.dma_semaphore, #tpu.memory_space<semaphore_mem>> -> memref<1x!tpu.dma_semaphore, #tpu.memory_space<semaphore_mem>>
      %dma_start3A_647 = tpu.memref_squeeze %dma_start3A_646 : memref<1x!tpu.dma_semaphore, #tpu.memory_space<semaphore_mem>> -> memref<!tpu.dma_semaphore, #tpu.memory_space<semaphore_mem>>
      tpu.enqueue_indirect_dma source(%dma_start3A_645 : memref<10000x128xf32, #tpu.memory_space<hbm>>) target(%dma_start3A_639 : memref<100x128xf32, #tpu.memory_space<vmem>>) offsets(%dma_start3A_642 : memref<100xi32, #tpu.memory_space<vmem>>) semaphore(%dma_start3A_647 : memref<!tpu.dma_semaphore, #tpu.memory_space<semaphore_mem>>)
      %dma_wait3A_648 = arith.constant 3 : i32
      %dma_wait3A_649 = arith.constant 2 : i32
      %dma_wait3A_650 = arith.constant 2 : i32
      %dma_wait3A_651 = arith.constant 0 : i32
      %dma_wait3A_652 = arith.constant 0 : i32
      %dma_wait3A_653 = tpu.memref_slice %arg11[%dma_wait3A_649, %dma_wait3A_651, %dma_wait3A_652] : memref<3x100x128xf32, #tpu.memory_space<vmem>> -> memref<1x100x128xf32, #tpu.memory_space<vmem>>
      %dma_wait3A_654 = tpu.memref_squeeze %dma_wait3A_653 : memref<1x100x128xf32, #tpu.memory_space<vmem>> -> memref<100x128xf32, #tpu.memory_space<vmem>>
      %dma_wait3A_655 = arith.constant 0 : i32
      %dma_wait3A_656 = tpu.memref_slice %arg8[%dma_wait3A_648, %dma_wait3A_655] : memref<5x100xi32, #tpu.memory_space<vmem>> -> memref<1x100xi32, #tpu.memory_space<vmem>>
      %dma_wait3A_657 = tpu.memref_squeeze %dma_wait3A_656 : memref<1x100xi32, #tpu.memory_space<vmem>> -> memref<100xi32, #tpu.memory_space<vmem>>
      %dma_wait3A_658 = arith.constant 0 : i32
      %dma_wait3A_659 = arith.constant 0 : i32
      %dma_wait3A_660 = tpu.memref_slice %arg2[%dma_wait3A_658, %dma_wait3A_659] : memref<10000x128xf32, #tpu.memory_space<hbm>> -> memref<10000x128xf32, #tpu.memory_space<hbm>>
      %dma_wait3A_661 = tpu.memref_slice %arg13[%dma_wait3A_650] : memref<3x!tpu.dma_semaphore, #tpu.memory_space<semaphore_mem>> -> memref<1x!tpu.dma_semaphore, #tpu.memory_space<semaphore_mem>>
      %dma_wait3A_662 = tpu.memref_squeeze %dma_wait3A_661 : memref<1x!tpu.dma_semaphore, #tpu.memory_space<semaphore_mem>> -> memref<!tpu.dma_semaphore, #tpu.memory_space<semaphore_mem>>
      tpu.wait_indirect_dma semaphore(%dma_wait3A_662 : memref<!tpu.dma_semaphore, #tpu.memory_space<semaphore_mem>>) src(%dma_wait3A_660 : memref<10000x128xf32, #tpu.memory_space<hbm>>) dst(%dma_wait3A_654 : memref<100x128xf32, #tpu.memory_space<vmem>>)
      %dma_start3A_663 = arith.constant 2 : i32
      %dma_start3A_664 = arith.constant 3 : i32
      %dma_start3A_665 = arith.constant 2 : i32
      %dma_start3A_666 = arith.constant 0 : i32
      %dma_start3A_667 = arith.constant 0 : i32
      %dma_start3A_668 = tpu.memref_slice %arg11[%dma_start3A_663, %dma_start3A_666, %dma_start3A_667] : memref<3x100x128xf32, #tpu.memory_space<vmem>> -> memref<1x100x128xf32, #tpu.memory_space<vmem>>
      %dma_start3A_669 = tpu.memref_squeeze %dma_start3A_668 : memref<1x100x128xf32, #tpu.memory_space<vmem>> -> memref<100x128xf32, #tpu.memory_space<vmem>>
      %dma_start3A_670 = arith.constant 0 : i32
      %dma_start3A_671 = tpu.memref_slice %arg10[%dma_start3A_664, %dma_start3A_670] : memref<5x100xi32, #tpu.memory_space<vmem>> -> memref<1x100xi32, #tpu.memory_space<vmem>>
      %dma_start3A_672 = tpu.memref_squeeze %dma_start3A_671 : memref<1x100xi32, #tpu.memory_space<vmem>> -> memref<100xi32, #tpu.memory_space<vmem>>
      %dma_start3A_673 = arith.constant 0 : i32
      %dma_start3A_674 = arith.constant 0 : i32
      %dma_start3A_675 = tpu.memref_slice %arg12[%dma_start3A_673, %dma_start3A_674] : memref<10000x128xf32, #tpu.memory_space<vmem_shared>> -> memref<10000x128xf32, #tpu.memory_space<vmem_shared>>
      %dma_start3A_676 = tpu.memref_slice %arg14[%dma_start3A_665] : memref<3x!tpu.dma_semaphore, #tpu.memory_space<semaphore_mem>> -> memref<1x!tpu.dma_semaphore, #tpu.memory_space<semaphore_mem>>
      %dma_start3A_677 = tpu.memref_squeeze %dma_start3A_676 : memref<1x!tpu.dma_semaphore, #tpu.memory_space<semaphore_mem>> -> memref<!tpu.dma_semaphore, #tpu.memory_space<semaphore_mem>>
      tpu.enqueue_indirect_dma source(%dma_start3A_669 : memref<100x128xf32, #tpu.memory_space<vmem>>) target(%dma_start3A_675 : memref<10000x128xf32, #tpu.memory_space<vmem_shared>>) offsets(%dma_start3A_672 : memref<100xi32, #tpu.memory_space<vmem>>) semaphore(%dma_start3A_677 : memref<!tpu.dma_semaphore, #tpu.memory_space<semaphore_mem>>) {add = true}
      %dma_wait3A_678 = arith.constant 4 : i32
      %dma_wait3A_679 = arith.constant 0 : i32
      %dma_wait3A_680 = arith.constant 0 : i32
      %dma_wait3A_681 = arith.constant 0 : i32
      %dma_wait3A_682 = arith.constant 0 : i32
      %dma_wait3A_683 = tpu.memref_slice %arg11[%dma_wait3A_679, %dma_wait3A_681, %dma_wait3A_682] : memref<3x100x128xf32, #tpu.memory_space<vmem>> -> memref<1x100x128xf32, #tpu.memory_space<vmem>>
      %dma_wait3A_684 = tpu.memref_squeeze %dma_wait3A_683 : memref<1x100x128xf32, #tpu.memory_space<vmem>> -> memref<100x128xf32, #tpu.memory_space<vmem>>
      %dma_wait3A_685 = arith.constant 0 : i32
      %dma_wait3A_686 = tpu.memref_slice %arg8[%dma_wait3A_678, %dma_wait3A_685] : memref<5x100xi32, #tpu.memory_space<vmem>> -> memref<1x100xi32, #tpu.memory_space<vmem>>
      %dma_wait3A_687 = tpu.memref_squeeze %dma_wait3A_686 : memref<1x100xi32, #tpu.memory_space<vmem>> -> memref<100xi32, #tpu.memory_space<vmem>>
      %dma_wait3A_688 = arith.constant 0 : i32
      %dma_wait3A_689 = arith.constant 0 : i32
      %dma_wait3A_690 = tpu.memref_slice %arg2[%dma_wait3A_688, %dma_wait3A_689] : memref<10000x128xf32, #tpu.memory_space<hbm>> -> memref<10000x128xf32, #tpu.memory_space<hbm>>
      %dma_wait3A_691 = tpu.memref_slice %arg13[%dma_wait3A_680] : memref<3x!tpu.dma_semaphore, #tpu.memory_space<semaphore_mem>> -> memref<1x!tpu.dma_semaphore, #tpu.memory_space<semaphore_mem>>
      %dma_wait3A_692 = tpu.memref_squeeze %dma_wait3A_691 : memref<1x!tpu.dma_semaphore, #tpu.memory_space<semaphore_mem>> -> memref<!tpu.dma_semaphore, #tpu.memory_space<semaphore_mem>>
      tpu.wait_indirect_dma semaphore(%dma_wait3A_692 : memref<!tpu.dma_semaphore, #tpu.memory_space<semaphore_mem>>) src(%dma_wait3A_690 : memref<10000x128xf32, #tpu.memory_space<hbm>>) dst(%dma_wait3A_684 : memref<100x128xf32, #tpu.memory_space<vmem>>)
      %dma_start3A_693 = arith.constant 0 : i32
      %dma_start3A_694 = arith.constant 4 : i32
      %dma_start3A_695 = arith.constant 0 : i32
      %dma_start3A_696 = arith.constant 0 : i32
      %dma_start3A_697 = arith.constant 0 : i32
      %dma_start3A_698 = tpu.memref_slice %arg11[%dma_start3A_693, %dma_start3A_696, %dma_start3A_697] : memref<3x100x128xf32, #tpu.memory_space<vmem>> -> memref<1x100x128xf32, #tpu.memory_space<vmem>>
      %dma_start3A_699 = tpu.memref_squeeze %dma_start3A_698 : memref<1x100x128xf32, #tpu.memory_space<vmem>> -> memref<100x128xf32, #tpu.memory_space<vmem>>
      %dma_start3A_700 = arith.constant 0 : i32
      %dma_start3A_701 = tpu.memref_slice %arg10[%dma_start3A_694, %dma_start3A_700] : memref<5x100xi32, #tpu.memory_space<vmem>> -> memref<1x100xi32, #tpu.memory_space<vmem>>
      %dma_start3A_702 = tpu.memref_squeeze %dma_start3A_701 : memref<1x100xi32, #tpu.memory_space<vmem>> -> memref<100xi32, #tpu.memory_space<vmem>>
      %dma_start3A_703 = arith.constant 0 : i32
      %dma_start3A_704 = arith.constant 0 : i32
      %dma_start3A_705 = tpu.memref_slice %arg12[%dma_start3A_703, %dma_start3A_704] : memref<10000x128xf32, #tpu.memory_space<vmem_shared>> -> memref<10000x128xf32, #tpu.memory_space<vmem_shared>>
      %dma_start3A_706 = tpu.memref_slice %arg14[%dma_start3A_695] : memref<3x!tpu.dma_semaphore, #tpu.memory_space<semaphore_mem>> -> memref<1x!tpu.dma_semaphore, #tpu.memory_space<semaphore_mem>>
      %dma_start3A_707 = tpu.memref_squeeze %dma_start3A_706 : memref<1x!tpu.dma_semaphore, #tpu.memory_space<semaphore_mem>> -> memref<!tpu.dma_semaphore, #tpu.memory_space<semaphore_mem>>
      tpu.enqueue_indirect_dma source(%dma_start3A_699 : memref<100x128xf32, #tpu.memory_space<vmem>>) target(%dma_start3A_705 : memref<10000x128xf32, #tpu.memory_space<vmem_shared>>) offsets(%dma_start3A_702 : memref<100xi32, #tpu.memory_space<vmem>>) semaphore(%dma_start3A_707 : memref<!tpu.dma_semaphore, #tpu.memory_space<semaphore_mem>>) {add = true}
    }
    %scan3A_13 = arith.constant 10 : i32
    %dma_wait3A = arith.constant 1 : i32
    %dma_wait3A_14 = arith.constant 0 : i32
    %dma_wait3A_15 = arith.constant 1 : i32
    %dma_wait3A_16 = arith.constant 0 : i32
    %dma_wait3A_17 = arith.constant 0 : i32
    %dma_wait3A_18 = tpu.memref_slice %arg11[%dma_wait3A, %dma_wait3A_16, %dma_wait3A_17] : memref<3x100x128xf32, #tpu.memory_space<vmem>> -> memref<1x100x128xf32, #tpu.memory_space<vmem>>
    %dma_wait3A_19 = tpu.memref_squeeze %dma_wait3A_18 : memref<1x100x128xf32, #tpu.memory_space<vmem>> -> memref<100x128xf32, #tpu.memory_space<vmem>>
    %dma_wait3A_20 = arith.constant 0 : i32
    %dma_wait3A_21 = tpu.memref_slice %arg9[%dma_wait3A_14, %dma_wait3A_20] : memref<5x100xi32, #tpu.memory_space<vmem>> -> memref<1x100xi32, #tpu.memory_space<vmem>>
    %dma_wait3A_22 = tpu.memref_squeeze %dma_wait3A_21 : memref<1x100xi32, #tpu.memory_space<vmem>> -> memref<100xi32, #tpu.memory_space<vmem>>
    %dma_wait3A_23 = arith.constant 0 : i32
    %dma_wait3A_24 = arith.constant 0 : i32
    %dma_wait3A_25 = tpu.memref_slice %arg12[%dma_wait3A_23, %dma_wait3A_24] : memref<10000x128xf32, #tpu.memory_space<vmem_shared>> -> memref<10000x128xf32, #tpu.memory_space<vmem_shared>>
    %dma_wait3A_26 = tpu.memref_slice %arg14[%dma_wait3A_15] : memref<3x!tpu.dma_semaphore, #tpu.memory_space<semaphore_mem>> -> memref<1x!tpu.dma_semaphore, #tpu.memory_space<semaphore_mem>>
    %dma_wait3A_27 = tpu.memref_squeeze %dma_wait3A_26 : memref<1x!tpu.dma_semaphore, #tpu.memory_space<semaphore_mem>> -> memref<!tpu.dma_semaphore, #tpu.memory_space<semaphore_mem>>
    tpu.wait_indirect_dma semaphore(%dma_wait3A_27 : memref<!tpu.dma_semaphore, #tpu.memory_space<semaphore_mem>>) src(%dma_wait3A_19 : memref<100x128xf32, #tpu.memory_space<vmem>>) dst(%dma_wait3A_25 : memref<10000x128xf32, #tpu.memory_space<vmem_shared>>)
    %dma_wait3A_28 = arith.constant 2 : i32
    %dma_wait3A_29 = arith.constant 0 : i32
    %dma_wait3A_30 = arith.constant 2 : i32
    %dma_wait3A_31 = arith.constant 0 : i32
    %dma_wait3A_32 = arith.constant 0 : i32
    %dma_wait3A_33 = tpu.memref_slice %arg11[%dma_wait3A_28, %dma_wait3A_31, %dma_wait3A_32] : memref<3x100x128xf32, #tpu.memory_space<vmem>> -> memref<1x100x128xf32, #tpu.memory_space<vmem>>
    %dma_wait3A_34 = tpu.memref_squeeze %dma_wait3A_33 : memref<1x100x128xf32, #tpu.memory_space<vmem>> -> memref<100x128xf32, #tpu.memory_space<vmem>>
    %dma_wait3A_35 = arith.constant 0 : i32
    %dma_wait3A_36 = tpu.memref_slice %arg9[%dma_wait3A_29, %dma_wait3A_35] : memref<5x100xi32, #tpu.memory_space<vmem>> -> memref<1x100xi32, #tpu.memory_space<vmem>>
    %dma_wait3A_37 = tpu.memref_squeeze %dma_wait3A_36 : memref<1x100xi32, #tpu.memory_space<vmem>> -> memref<100xi32, #tpu.memory_space<vmem>>
    %dma_wait3A_38 = arith.constant 0 : i32
    %dma_wait3A_39 = arith.constant 0 : i32
    %dma_wait3A_40 = tpu.memref_slice %arg12[%dma_wait3A_38, %dma_wait3A_39] : memref<10000x128xf32, #tpu.memory_space<vmem_shared>> -> memref<10000x128xf32, #tpu.memory_space<vmem_shared>>
    %dma_wait3A_41 = tpu.memref_slice %arg14[%dma_wait3A_30] : memref<3x!tpu.dma_semaphore, #tpu.memory_space<semaphore_mem>> -> memref<1x!tpu.dma_semaphore, #tpu.memory_space<semaphore_mem>>
    %dma_wait3A_42 = tpu.memref_squeeze %dma_wait3A_41 : memref<1x!tpu.dma_semaphore, #tpu.memory_space<semaphore_mem>> -> memref<!tpu.dma_semaphore, #tpu.memory_space<semaphore_mem>>
    tpu.wait_indirect_dma semaphore(%dma_wait3A_42 : memref<!tpu.dma_semaphore, #tpu.memory_space<semaphore_mem>>) src(%dma_wait3A_34 : memref<100x128xf32, #tpu.memory_space<vmem>>) dst(%dma_wait3A_40 : memref<10000x128xf32, #tpu.memory_space<vmem_shared>>)
    %dma_wait3A_43 = arith.constant 0 : i32
    %dma_wait3A_44 = arith.constant 0 : i32
    %dma_wait3A_45 = arith.constant 0 : i32
    %dma_wait3A_46 = arith.constant 0 : i32
    %dma_wait3A_47 = arith.constant 0 : i32
    %dma_wait3A_48 = tpu.memref_slice %arg11[%dma_wait3A_43, %dma_wait3A_46, %dma_wait3A_47] : memref<3x100x128xf32, #tpu.memory_space<vmem>> -> memref<1x100x128xf32, #tpu.memory_space<vmem>>
    %dma_wait3A_49 = tpu.memref_squeeze %dma_wait3A_48 : memref<1x100x128xf32, #tpu.memory_space<vmem>> -> memref<100x128xf32, #tpu.memory_space<vmem>>
    %dma_wait3A_50 = arith.constant 0 : i32
    %dma_wait3A_51 = tpu.memref_slice %arg9[%dma_wait3A_44, %dma_wait3A_50] : memref<5x100xi32, #tpu.memory_space<vmem>> -> memref<1x100xi32, #tpu.memory_space<vmem>>
    %dma_wait3A_52 = tpu.memref_squeeze %dma_wait3A_51 : memref<1x100xi32, #tpu.memory_space<vmem>> -> memref<100xi32, #tpu.memory_space<vmem>>
    %dma_wait3A_53 = arith.constant 0 : i32
    %dma_wait3A_54 = arith.constant 0 : i32
    %dma_wait3A_55 = tpu.memref_slice %arg12[%dma_wait3A_53, %dma_wait3A_54] : memref<10000x128xf32, #tpu.memory_space<vmem_shared>> -> memref<10000x128xf32, #tpu.memory_space<vmem_shared>>
    %dma_wait3A_56 = tpu.memref_slice %arg14[%dma_wait3A_45] : memref<3x!tpu.dma_semaphore, #tpu.memory_space<semaphore_mem>> -> memref<1x!tpu.dma_semaphore, #tpu.memory_space<semaphore_mem>>
    %dma_wait3A_57 = tpu.memref_squeeze %dma_wait3A_56 : memref<1x!tpu.dma_semaphore, #tpu.memory_space<semaphore_mem>> -> memref<!tpu.dma_semaphore, #tpu.memory_space<semaphore_mem>>
    tpu.wait_indirect_dma semaphore(%dma_wait3A_57 : memref<!tpu.dma_semaphore, #tpu.memory_space<semaphore_mem>>) src(%dma_wait3A_49 : memref<100x128xf32, #tpu.memory_space<vmem>>) dst(%dma_wait3A_55 : memref<10000x128xf32, #tpu.memory_space<vmem_shared>>)
    %dma_wait3A_58 = arith.constant 0 : i32
    %dma_wait3A_59 = arith.constant 0 : i32
    %dma_wait3A_60 = arith.constant 0 : i32
    %dma_wait3A_61 = tpu.memref_slice %arg3[%mul3A_2, %dma_wait3A_58, %dma_wait3A_59, %dma_wait3A_60] : memref<320x2x5x100xi32, #tpu.memory_space<hbm>> -> memref<1x1x5x100xi32, #tpu.memory_space<hbm>>
    %dma_wait3A_62 = tpu.memref_squeeze %dma_wait3A_61 : memref<1x1x5x100xi32, #tpu.memory_space<hbm>> -> memref<5x100xi32, #tpu.memory_space<hbm>>
    %dma_wait3A_63 = arith.constant 0 : i32
    %dma_wait3A_64 = arith.constant 0 : i32
    %dma_wait3A_65 = tpu.memref_slice %arg3[%mul3A_2, %dma_wait3A_58, %dma_wait3A_63, %dma_wait3A_64] : memref<320x2x5x100xi32, #tpu.memory_space<hbm>> -> memref<1x1x5x100xi32, #tpu.memory_space<hbm>>
    %dma_wait3A_66 = tpu.memref_squeeze %dma_wait3A_65 : memref<1x1x5x100xi32, #tpu.memory_space<hbm>> -> memref<5x100xi32, #tpu.memory_space<hbm>>
    tpu.wait_dma2 semaphore(%arg15 : memref<!tpu.dma_semaphore, #tpu.memory_space<semaphore_mem>>) src(%dma_wait3A_66 : memref<5x100xi32, #tpu.memory_space<hbm>>) dst(%arg7 : memref<5x100xi32, #tpu.memory_space<vmem>>)
    %dma_wait3A_67 = arith.constant 0 : i32
    %dma_wait3A_68 = arith.constant 0 : i32
    %dma_wait3A_69 = arith.constant 0 : i32
    %dma_wait3A_70 = tpu.memref_slice %arg4[%mul3A_2, %dma_wait3A_67, %dma_wait3A_68, %dma_wait3A_69] : memref<320x2x5x100xi32, #tpu.memory_space<hbm>> -> memref<1x1x5x100xi32, #tpu.memory_space<hbm>>
    %dma_wait3A_71 = tpu.memref_squeeze %dma_wait3A_70 : memref<1x1x5x100xi32, #tpu.memory_space<hbm>> -> memref<5x100xi32, #tpu.memory_space<hbm>>
    %dma_wait3A_72 = arith.constant 0 : i32
    %dma_wait3A_73 = arith.constant 0 : i32
    %dma_wait3A_74 = tpu.memref_slice %arg4[%mul3A_2, %dma_wait3A_67, %dma_wait3A_72, %dma_wait3A_73] : memref<320x2x5x100xi32, #tpu.memory_space<hbm>> -> memref<1x1x5x100xi32, #tpu.memory_space<hbm>>
    %dma_wait3A_75 = tpu.memref_squeeze %dma_wait3A_74 : memref<1x1x5x100xi32, #tpu.memory_space<hbm>> -> memref<5x100xi32, #tpu.memory_space<hbm>>
    tpu.wait_dma2 semaphore(%arg15 : memref<!tpu.dma_semaphore, #tpu.memory_space<semaphore_mem>>) src(%dma_wait3A_75 : memref<5x100xi32, #tpu.memory_space<hbm>>) dst(%arg9 : memref<5x100xi32, #tpu.memory_space<vmem>>)
    %barrier3A_76 = arith.constant 0 : index
    tpu.barrier barrier_id(%barrier3A_76)
    %lt3A_77 = arith.constant 15 : i32
    %lt3A_78 = arith.cmpi slt, %arg1, %lt3A_77 : i32
    %convert_element_type3A_79 = arith.extui %lt3A_78 : i1 to i32
    %cond3A_80 = arith.constant 0 : i32
    %cond3A_81 = arith.cmpi ne, %convert_element_type3A_79, %cond3A_80 : i32
    scf.if %cond3A_81 {
      %mul3A_87 = arith.constant 632 : i32
      %mul3A_88 = arith.muli %arg1, %mul3A_87 : i32
      "tpu.region"() ({
        %run_scoped3A_89 = tpu.sem_alloc : memref<!tpu.dma_semaphore, #tpu.memory_space<semaphore_mem>>
        %dma_start3A = arith.constant 0 : i32
        %dma_start3A_90 = tpu.memref_slice %arg6[%arg0, %mul3A_88, %dma_start3A] : memref<2x10000x128xf32, #tpu.memory_space<hbm>> -> memref<1x632x128xf32, #tpu.memory_space<hbm>>
        %dma_start3A_91 = tpu.memref_squeeze %dma_start3A_90 : memref<1x632x128xf32, #tpu.memory_space<hbm>> -> memref<632x128xf32, #tpu.memory_space<hbm>>
        %dma_start3A_92 = arith.constant 0 : i32
        %dma_start3A_93 = tpu.memref_slice %arg12[%mul3A_88, %dma_start3A_92] : memref<10000x128xf32, #tpu.memory_space<vmem_shared>> -> memref<632x128xf32, #tpu.memory_space<vmem_shared>>
        tpu.enqueue_dma source(%dma_start3A_93 : memref<632x128xf32, #tpu.memory_space<vmem_shared>>) target(%dma_start3A_91 : memref<632x128xf32, #tpu.memory_space<hbm>>) target_semaphore(%run_scoped3A_89 : memref<!tpu.dma_semaphore, #tpu.memory_space<semaphore_mem>>)
        %dma_wait3A_94 = arith.constant 0 : i32
        %dma_wait3A_95 = tpu.memref_slice %arg6[%arg0, %mul3A_88, %dma_wait3A_94] : memref<2x10000x128xf32, #tpu.memory_space<hbm>> -> memref<1x632x128xf32, #tpu.memory_space<hbm>>
        %dma_wait3A_96 = tpu.memref_squeeze %dma_wait3A_95 : memref<1x632x128xf32, #tpu.memory_space<hbm>> -> memref<632x128xf32, #tpu.memory_space<hbm>>
        %dma_wait3A_97 = arith.constant 0 : i32
        %dma_wait3A_98 = tpu.memref_slice %arg12[%mul3A_88, %dma_wait3A_97] : memref<10000x128xf32, #tpu.memory_space<vmem_shared>> -> memref<632x128xf32, #tpu.memory_space<vmem_shared>>
        tpu.wait_dma2 semaphore(%run_scoped3A_89 : memref<!tpu.dma_semaphore, #tpu.memory_space<semaphore_mem>>) src(%dma_wait3A_98 : memref<632x128xf32, #tpu.memory_space<vmem_shared>>) dst(%dma_wait3A_96 : memref<632x128xf32, #tpu.memory_space<hbm>>)
        tpu.yield
      }) : () -> ()
    } else {
    }
    %eq3A_82 = arith.constant 15 : i32
    %eq3A_83 = arith.cmpi eq, %arg1, %eq3A_82 : i32
    %convert_element_type3A_84 = arith.extui %eq3A_83 : i1 to i32
    %cond3A_85 = arith.constant 0 : i32
    %cond3A_86 = arith.cmpi ne, %convert_element_type3A_84, %cond3A_85 : i32
    scf.if %cond3A_86 {
      "tpu.region"() ({
        %run_scoped3A_87 = tpu.sem_alloc : memref<!tpu.dma_semaphore, #tpu.memory_space<semaphore_mem>>
        %dma_start3A = arith.constant 9480 : i32
        %dma_start3A_88 = arith.constant 0 : i32
        %dma_start3A_89 = tpu.memref_slice %arg6[%arg0, %dma_start3A, %dma_start3A_88] : memref<2x10000x128xf32, #tpu.memory_space<hbm>> -> memref<1x520x128xf32, #tpu.memory_space<hbm>>
        %dma_start3A_90 = tpu.memref_squeeze %dma_start3A_89 : memref<1x520x128xf32, #tpu.memory_space<hbm>> -> memref<520x128xf32, #tpu.memory_space<hbm>>
        %dma_start3A_91 = arith.constant 9480 : i32
        %dma_start3A_92 = arith.constant 0 : i32
        %dma_start3A_93 = tpu.memref_slice %arg12[%dma_start3A_91, %dma_start3A_92] : memref<10000x128xf32, #tpu.memory_space<vmem_shared>> -> memref<520x128xf32, #tpu.memory_space<vmem_shared>>
        tpu.enqueue_dma source(%dma_start3A_93 : memref<520x128xf32, #tpu.memory_space<vmem_shared>>) target(%dma_start3A_90 : memref<520x128xf32, #tpu.memory_space<hbm>>) target_semaphore(%run_scoped3A_87 : memref<!tpu.dma_semaphore, #tpu.memory_space<semaphore_mem>>)
        %dma_wait3A_94 = arith.constant 9480 : i32
        %dma_wait3A_95 = arith.constant 0 : i32
        %dma_wait3A_96 = tpu.memref_slice %arg6[%arg0, %dma_wait3A_94, %dma_wait3A_95] : memref<2x10000x128xf32, #tpu.memory_space<hbm>> -> memref<1x520x128xf32, #tpu.memory_space<hbm>>
        %dma_wait3A_97 = tpu.memref_squeeze %dma_wait3A_96 : memref<1x520x128xf32, #tpu.memory_space<hbm>> -> memref<520x128xf32, #tpu.memory_space<hbm>>
        %dma_wait3A_98 = arith.constant 9480 : i32
        %dma_wait3A_99 = arith.constant 0 : i32
        %dma_wait3A_100 = tpu.memref_slice %arg12[%dma_wait3A_98, %dma_wait3A_99] : memref<10000x128xf32, #tpu.memory_space<vmem_shared>> -> memref<520x128xf32, #tpu.memory_space<vmem_shared>>
        tpu.wait_dma2 semaphore(%run_scoped3A_87 : memref<!tpu.dma_semaphore, #tpu.memory_space<semaphore_mem>>) src(%dma_wait3A_100 : memref<520x128xf32, #tpu.memory_space<vmem_shared>>) dst(%dma_wait3A_97 : memref<520x128xf32, #tpu.memory_space<hbm>>)
        tpu.yield
      }) : () -> ()
    } else {
    }
    return
  }
}

#map = affine_map<(d0, d1) -> (0, 0)>
#map1 = affine_map<(d0, d1) -> (0, 0, 0, 0, 0)>
#map2 = affine_map<(d0, d1) -> (0, 0, 0, 0)>
module attributes {stable_mosaic.version = 14 : i64} {
  func.func @body(%arg0: i32, %arg1: i32, %arg2: memref<20000x128xf32, #tpu.memory_space<hbm>>, %arg3: memref<2x320x2x5x100xi32, #tpu.memory_space<hbm>>, %arg4: memref<320x2x5x100xi32, #tpu.memory_space<hbm>>, %arg5: memref<10000x128xf32, #tpu.memory_space<hbm>>, %arg6: memref<10000x256xf32, #tpu.memory_space<hbm>>, %arg7: memref<5x100xi32, #tpu.memory_space<vmem>>, %arg8: memref<5x100xi32, #tpu.memory_space<vmem>>, %arg9: memref<5x100xi32, #tpu.memory_space<vmem>>, %arg10: memref<5x100xi32, #tpu.memory_space<vmem>>, %arg11: memref<3x100x128xf32, #tpu.memory_space<vmem>>, %arg12: memref<10000x128xf32, #tpu.memory_space<vmem_shared>>, %arg13: memref<3x!tpu.dma_semaphore, #tpu.memory_space<semaphore_mem>>, %arg14: memref<3x!tpu.dma_semaphore, #tpu.memory_space<semaphore_mem>>, %arg15: memref<!tpu.dma_semaphore, #tpu.memory_space<semaphore_mem>>, %arg16: memref<!tpu.dma_semaphore, #tpu.memory_space<semaphore_mem>>) attributes {dimension_semantics = [#tpu.dimension_semantics<core_parallel>, #tpu.dimension_semantics<subcore_parallel>], iteration_bounds = array<i64: 2, 16>, scalar_prefetch = 0 : i64, scratch_operands = 10 : i64, tpu.core_type = #tpu.core_type<sc_vector_subcore>, window_params = [{transform_indices = #map}, {transform_indices = #map1}, {transform_indices = #map2}, {transform_indices = #map}, {transform_indices = #map}]} {
    %mul3A = arith.constant 20 : i32
    %mul3A_0 = arith.muli %arg1, %mul3A : i32
    %lt3A = arith.constant 15 : i32
    %lt3A_1 = arith.cmpi slt, %arg1, %lt3A : i32
    %convert_element_type3A = arith.extui %lt3A_1 : i1 to i32
    %cond3A = arith.constant 0 : i32
    %cond3A_2 = arith.cmpi ne, %convert_element_type3A, %cond3A : i32
    scf.if %cond3A_2 {
      %mul3A_85 = arith.constant 632 : i32
      %mul3A_86 = arith.muli %arg1, %mul3A_85 : i32
      "tpu.region"() ({
        %run_scoped3A_87 = tpu.sem_alloc : memref<!tpu.dma_semaphore, #tpu.memory_space<semaphore_mem>>
        %dma_start3A = arith.constant 0 : i32
        %dma_start3A_88 = tpu.memref_slice %arg12[%mul3A_86, %dma_start3A] : memref<10000x128xf32, #tpu.memory_space<vmem_shared>> -> memref<632x128xf32, #tpu.memory_space<vmem_shared>>
        %dma_start3A_89 = arith.constant 0 : i32
        %dma_start3A_90 = tpu.memref_slice %arg5[%mul3A_86, %dma_start3A_89] : memref<10000x128xf32, #tpu.memory_space<hbm>> -> memref<632x128xf32, #tpu.memory_space<hbm>>
        tpu.enqueue_dma source(%dma_start3A_90 : memref<632x128xf32, #tpu.memory_space<hbm>>) target(%dma_start3A_88 : memref<632x128xf32, #tpu.memory_space<vmem_shared>>) target_semaphore(%run_scoped3A_87 : memref<!tpu.dma_semaphore, #tpu.memory_space<semaphore_mem>>)
        %dma_wait3A_91 = arith.constant 0 : i32
        %dma_wait3A_92 = tpu.memref_slice %arg12[%mul3A_86, %dma_wait3A_91] : memref<10000x128xf32, #tpu.memory_space<vmem_shared>> -> memref<632x128xf32, #tpu.memory_space<vmem_shared>>
        %dma_wait3A_93 = arith.constant 0 : i32
        %dma_wait3A_94 = tpu.memref_slice %arg5[%mul3A_86, %dma_wait3A_93] : memref<10000x128xf32, #tpu.memory_space<hbm>> -> memref<632x128xf32, #tpu.memory_space<hbm>>
        tpu.wait_dma2 semaphore(%run_scoped3A_87 : memref<!tpu.dma_semaphore, #tpu.memory_space<semaphore_mem>>) src(%dma_wait3A_94 : memref<632x128xf32, #tpu.memory_space<hbm>>) dst(%dma_wait3A_92 : memref<632x128xf32, #tpu.memory_space<vmem_shared>>)
        tpu.yield
      }) : () -> ()
    } else {
    }
    %eq3A = arith.constant 15 : i32
    %eq3A_3 = arith.cmpi eq, %arg1, %eq3A : i32
    %convert_element_type3A_4 = arith.extui %eq3A_3 : i1 to i32
    %cond3A_5 = arith.constant 0 : i32
    %cond3A_6 = arith.cmpi ne, %convert_element_type3A_4, %cond3A_5 : i32
    scf.if %cond3A_6 {
      "tpu.region"() ({
        %run_scoped3A_85 = tpu.sem_alloc : memref<!tpu.dma_semaphore, #tpu.memory_space<semaphore_mem>>
        %dma_start3A = arith.constant 9480 : i32
        %dma_start3A_86 = arith.constant 0 : i32
        %dma_start3A_87 = tpu.memref_slice %arg12[%dma_start3A, %dma_start3A_86] : memref<10000x128xf32, #tpu.memory_space<vmem_shared>> -> memref<520x128xf32, #tpu.memory_space<vmem_shared>>
        %dma_start3A_88 = arith.constant 9480 : i32
        %dma_start3A_89 = arith.constant 0 : i32
        %dma_start3A_90 = tpu.memref_slice %arg5[%dma_start3A_88, %dma_start3A_89] : memref<10000x128xf32, #tpu.memory_space<hbm>> -> memref<520x128xf32, #tpu.memory_space<hbm>>
        tpu.enqueue_dma source(%dma_start3A_90 : memref<520x128xf32, #tpu.memory_space<hbm>>) target(%dma_start3A_87 : memref<520x128xf32, #tpu.memory_space<vmem_shared>>) target_semaphore(%run_scoped3A_85 : memref<!tpu.dma_semaphore, #tpu.memory_space<semaphore_mem>>)
        %dma_wait3A_91 = arith.constant 9480 : i32
        %dma_wait3A_92 = arith.constant 0 : i32
        %dma_wait3A_93 = tpu.memref_slice %arg12[%dma_wait3A_91, %dma_wait3A_92] : memref<10000x128xf32, #tpu.memory_space<vmem_shared>> -> memref<520x128xf32, #tpu.memory_space<vmem_shared>>
        %dma_wait3A_94 = arith.constant 9480 : i32
        %dma_wait3A_95 = arith.constant 0 : i32
        %dma_wait3A_96 = tpu.memref_slice %arg5[%dma_wait3A_94, %dma_wait3A_95] : memref<10000x128xf32, #tpu.memory_space<hbm>> -> memref<520x128xf32, #tpu.memory_space<hbm>>
        tpu.wait_dma2 semaphore(%run_scoped3A_85 : memref<!tpu.dma_semaphore, #tpu.memory_space<semaphore_mem>>) src(%dma_wait3A_96 : memref<520x128xf32, #tpu.memory_space<hbm>>) dst(%dma_wait3A_93 : memref<520x128xf32, #tpu.memory_space<vmem_shared>>)
        tpu.yield
      }) : () -> ()
    } else {
    }
    %barrier3A = arith.constant 0 : index
    tpu.barrier barrier_id(%barrier3A)
    %run_scoped3A = arith.constant 0 : i32
    "tpu.region"() ({
      %run_scoped3A_85 = tpu.sem_alloc : memref<!tpu.dma_semaphore, #tpu.memory_space<semaphore_mem>>
      %dma_start3A = arith.constant 0 : i32
      %dma_start3A_86 = arith.constant 0 : i32
      %dma_start3A_87 = tpu.memref_slice %arg3[%arg0, %mul3A_0, %run_scoped3A, %dma_start3A, %dma_start3A_86] : memref<2x320x2x5x100xi32, #tpu.memory_space<hbm>> -> memref<1x1x1x5x100xi32, #tpu.memory_space<hbm>>
      %dma_start3A_88 = tpu.memref_squeeze %dma_start3A_87 : memref<1x1x1x5x100xi32, #tpu.memory_space<hbm>> -> memref<5x100xi32, #tpu.memory_space<hbm>>
      %dma_start3A_89 = arith.constant 0 : i32
      %dma_start3A_90 = arith.constant 0 : i32
      %dma_start3A_91 = tpu.memref_slice %arg3[%arg0, %mul3A_0, %run_scoped3A, %dma_start3A_89, %dma_start3A_90] : memref<2x320x2x5x100xi32, #tpu.memory_space<hbm>> -> memref<1x1x1x5x100xi32, #tpu.memory_space<hbm>>
      %dma_start3A_92 = tpu.memref_squeeze %dma_start3A_91 : memref<1x1x1x5x100xi32, #tpu.memory_space<hbm>> -> memref<5x100xi32, #tpu.memory_space<hbm>>
      tpu.enqueue_dma source(%dma_start3A_92 : memref<5x100xi32, #tpu.memory_space<hbm>>) target(%arg7 : memref<5x100xi32, #tpu.memory_space<vmem>>) target_semaphore(%run_scoped3A_85 : memref<!tpu.dma_semaphore, #tpu.memory_space<semaphore_mem>>)
      %dma_wait3A_93 = arith.constant 0 : i32
      %dma_wait3A_94 = arith.constant 0 : i32
      %dma_wait3A_95 = tpu.memref_slice %arg3[%arg0, %mul3A_0, %run_scoped3A, %dma_wait3A_93, %dma_wait3A_94] : memref<2x320x2x5x100xi32, #tpu.memory_space<hbm>> -> memref<1x1x1x5x100xi32, #tpu.memory_space<hbm>>
      %dma_wait3A_96 = tpu.memref_squeeze %dma_wait3A_95 : memref<1x1x1x5x100xi32, #tpu.memory_space<hbm>> -> memref<5x100xi32, #tpu.memory_space<hbm>>
      %dma_wait3A_97 = arith.constant 0 : i32
      %dma_wait3A_98 = arith.constant 0 : i32
      %dma_wait3A_99 = tpu.memref_slice %arg3[%arg0, %mul3A_0, %run_scoped3A, %dma_wait3A_97, %dma_wait3A_98] : memref<2x320x2x5x100xi32, #tpu.memory_space<hbm>> -> memref<1x1x1x5x100xi32, #tpu.memory_space<hbm>>
      %dma_wait3A_100 = tpu.memref_squeeze %dma_wait3A_99 : memref<1x1x1x5x100xi32, #tpu.memory_space<hbm>> -> memref<5x100xi32, #tpu.memory_space<hbm>>
      tpu.wait_dma2 semaphore(%run_scoped3A_85 : memref<!tpu.dma_semaphore, #tpu.memory_space<semaphore_mem>>) src(%dma_wait3A_100 : memref<5x100xi32, #tpu.memory_space<hbm>>) dst(%arg7 : memref<5x100xi32, #tpu.memory_space<vmem>>)
      tpu.yield
    }) : () -> ()
    %run_scoped3A_7 = arith.constant 0 : i32
    "tpu.region"() ({
      %run_scoped3A_85 = tpu.sem_alloc : memref<!tpu.dma_semaphore, #tpu.memory_space<semaphore_mem>>
      %dma_start3A = arith.constant 0 : i32
      %dma_start3A_86 = arith.constant 0 : i32
      %dma_start3A_87 = tpu.memref_slice %arg4[%mul3A_0, %run_scoped3A_7, %dma_start3A, %dma_start3A_86] : memref<320x2x5x100xi32, #tpu.memory_space<hbm>> -> memref<1x1x5x100xi32, #tpu.memory_space<hbm>>
      %dma_start3A_88 = tpu.memref_squeeze %dma_start3A_87 : memref<1x1x5x100xi32, #tpu.memory_space<hbm>> -> memref<5x100xi32, #tpu.memory_space<hbm>>
      %dma_start3A_89 = arith.constant 0 : i32
      %dma_start3A_90 = arith.constant 0 : i32
      %dma_start3A_91 = tpu.memref_slice %arg4[%mul3A_0, %run_scoped3A_7, %dma_start3A_89, %dma_start3A_90] : memref<320x2x5x100xi32, #tpu.memory_space<hbm>> -> memref<1x1x5x100xi32, #tpu.memory_space<hbm>>
      %dma_start3A_92 = tpu.memref_squeeze %dma_start3A_91 : memref<1x1x5x100xi32, #tpu.memory_space<hbm>> -> memref<5x100xi32, #tpu.memory_space<hbm>>
      tpu.enqueue_dma source(%dma_start3A_92 : memref<5x100xi32, #tpu.memory_space<hbm>>) target(%arg9 : memref<5x100xi32, #tpu.memory_space<vmem>>) target_semaphore(%run_scoped3A_85 : memref<!tpu.dma_semaphore, #tpu.memory_space<semaphore_mem>>)
      %dma_wait3A_93 = arith.constant 0 : i32
      %dma_wait3A_94 = arith.constant 0 : i32
      %dma_wait3A_95 = tpu.memref_slice %arg4[%mul3A_0, %run_scoped3A_7, %dma_wait3A_93, %dma_wait3A_94] : memref<320x2x5x100xi32, #tpu.memory_space<hbm>> -> memref<1x1x5x100xi32, #tpu.memory_space<hbm>>
      %dma_wait3A_96 = tpu.memref_squeeze %dma_wait3A_95 : memref<1x1x5x100xi32, #tpu.memory_space<hbm>> -> memref<5x100xi32, #tpu.memory_space<hbm>>
      %dma_wait3A_97 = arith.constant 0 : i32
      %dma_wait3A_98 = arith.constant 0 : i32
      %dma_wait3A_99 = tpu.memref_slice %arg4[%mul3A_0, %run_scoped3A_7, %dma_wait3A_97, %dma_wait3A_98] : memref<320x2x5x100xi32, #tpu.memory_space<hbm>> -> memref<1x1x5x100xi32, #tpu.memory_space<hbm>>
      %dma_wait3A_100 = tpu.memref_squeeze %dma_wait3A_99 : memref<1x1x5x100xi32, #tpu.memory_space<hbm>> -> memref<5x100xi32, #tpu.memory_space<hbm>>
      tpu.wait_dma2 semaphore(%run_scoped3A_85 : memref<!tpu.dma_semaphore, #tpu.memory_space<semaphore_mem>>) src(%dma_wait3A_100 : memref<5x100xi32, #tpu.memory_space<hbm>>) dst(%arg9 : memref<5x100xi32, #tpu.memory_space<vmem>>)
      tpu.yield
    }) : () -> ()
    %scan3A = arith.constant 0 : i32
    %scan3A_8 = arith.constant 20 : i32
    %scan3A_9 = arith.addi %scan3A, %scan3A_8 : i32
    %scan3A_10 = arith.constant 1 : i32
    scf.for %scan3A_85 = %scan3A to %scan3A_9 step %scan3A_10  : i32 {
      %mul3A_86 = arith.constant 1 : i32
      %mul3A_87 = arith.muli %scan3A_85, %mul3A_86 : i32
      %add3A = arith.constant 0 : i32
      %add3A_88 = arith.addi %add3A, %mul3A_87 : i32
      %add3A_89 = arith.addi %mul3A_0, %add3A_88 : i32
      %gt3A = arith.constant 0 : i32
      %gt3A_90 = arith.cmpi sgt, %add3A_88, %gt3A : i32
      %convert_element_type3A_91 = arith.extui %gt3A_90 : i1 to i32
      %cond3A_92 = arith.constant 0 : i32
      %cond3A_93 = arith.cmpi ne, %convert_element_type3A_91, %cond3A_92 : i32
      scf.if %cond3A_93 {
        %dma_wait3A_705 = arith.constant 1 : i32
        %dma_wait3A_706 = arith.constant 0 : i32
        %dma_wait3A_707 = arith.constant 1 : i32
        %dma_wait3A_708 = arith.constant 0 : i32
        %dma_wait3A_709 = arith.constant 0 : i32
        %dma_wait3A_710 = tpu.memref_slice %arg11[%dma_wait3A_705, %dma_wait3A_708, %dma_wait3A_709] : memref<3x100x128xf32, #tpu.memory_space<vmem>> -> memref<1x100x128xf32, #tpu.memory_space<vmem>>
        %dma_wait3A_711 = tpu.memref_squeeze %dma_wait3A_710 : memref<1x100x128xf32, #tpu.memory_space<vmem>> -> memref<100x128xf32, #tpu.memory_space<vmem>>
        %dma_wait3A_712 = arith.constant 0 : i32
        %dma_wait3A_713 = tpu.memref_slice %arg9[%dma_wait3A_706, %dma_wait3A_712] : memref<5x100xi32, #tpu.memory_space<vmem>> -> memref<1x100xi32, #tpu.memory_space<vmem>>
        %dma_wait3A_714 = tpu.memref_squeeze %dma_wait3A_713 : memref<1x100xi32, #tpu.memory_space<vmem>> -> memref<100xi32, #tpu.memory_space<vmem>>
        %dma_wait3A_715 = arith.constant 0 : i32
        %dma_wait3A_716 = arith.constant 0 : i32
        %dma_wait3A_717 = tpu.memref_slice %arg12[%dma_wait3A_715, %dma_wait3A_716] : memref<10000x128xf32, #tpu.memory_space<vmem_shared>> -> memref<10000x128xf32, #tpu.memory_space<vmem_shared>>
        %dma_wait3A_718 = tpu.memref_slice %arg14[%dma_wait3A_707] : memref<3x!tpu.dma_semaphore, #tpu.memory_space<semaphore_mem>> -> memref<1x!tpu.dma_semaphore, #tpu.memory_space<semaphore_mem>>
        %dma_wait3A_719 = tpu.memref_squeeze %dma_wait3A_718 : memref<1x!tpu.dma_semaphore, #tpu.memory_space<semaphore_mem>> -> memref<!tpu.dma_semaphore, #tpu.memory_space<semaphore_mem>>
        tpu.wait_indirect_dma semaphore(%dma_wait3A_719 : memref<!tpu.dma_semaphore, #tpu.memory_space<semaphore_mem>>) src(%dma_wait3A_711 : memref<100x128xf32, #tpu.memory_space<vmem>>) dst(%dma_wait3A_717 : memref<10000x128xf32, #tpu.memory_space<vmem_shared>>)
        %dma_wait3A_720 = arith.constant 2 : i32
        %dma_wait3A_721 = arith.constant 0 : i32
        %dma_wait3A_722 = arith.constant 2 : i32
        %dma_wait3A_723 = arith.constant 0 : i32
        %dma_wait3A_724 = arith.constant 0 : i32
        %dma_wait3A_725 = tpu.memref_slice %arg11[%dma_wait3A_720, %dma_wait3A_723, %dma_wait3A_724] : memref<3x100x128xf32, #tpu.memory_space<vmem>> -> memref<1x100x128xf32, #tpu.memory_space<vmem>>
        %dma_wait3A_726 = tpu.memref_squeeze %dma_wait3A_725 : memref<1x100x128xf32, #tpu.memory_space<vmem>> -> memref<100x128xf32, #tpu.memory_space<vmem>>
        %dma_wait3A_727 = arith.constant 0 : i32
        %dma_wait3A_728 = tpu.memref_slice %arg9[%dma_wait3A_721, %dma_wait3A_727] : memref<5x100xi32, #tpu.memory_space<vmem>> -> memref<1x100xi32, #tpu.memory_space<vmem>>
        %dma_wait3A_729 = tpu.memref_squeeze %dma_wait3A_728 : memref<1x100xi32, #tpu.memory_space<vmem>> -> memref<100xi32, #tpu.memory_space<vmem>>
        %dma_wait3A_730 = arith.constant 0 : i32
        %dma_wait3A_731 = arith.constant 0 : i32
        %dma_wait3A_732 = tpu.memref_slice %arg12[%dma_wait3A_730, %dma_wait3A_731] : memref<10000x128xf32, #tpu.memory_space<vmem_shared>> -> memref<10000x128xf32, #tpu.memory_space<vmem_shared>>
        %dma_wait3A_733 = tpu.memref_slice %arg14[%dma_wait3A_722] : memref<3x!tpu.dma_semaphore, #tpu.memory_space<semaphore_mem>> -> memref<1x!tpu.dma_semaphore, #tpu.memory_space<semaphore_mem>>
        %dma_wait3A_734 = tpu.memref_squeeze %dma_wait3A_733 : memref<1x!tpu.dma_semaphore, #tpu.memory_space<semaphore_mem>> -> memref<!tpu.dma_semaphore, #tpu.memory_space<semaphore_mem>>
        tpu.wait_indirect_dma semaphore(%dma_wait3A_734 : memref<!tpu.dma_semaphore, #tpu.memory_space<semaphore_mem>>) src(%dma_wait3A_726 : memref<100x128xf32, #tpu.memory_space<vmem>>) dst(%dma_wait3A_732 : memref<10000x128xf32, #tpu.memory_space<vmem_shared>>)
        %dma_wait3A_735 = arith.constant 0 : i32
        %dma_wait3A_736 = arith.constant 0 : i32
        %dma_wait3A_737 = arith.constant 0 : i32
        %dma_wait3A_738 = arith.constant 0 : i32
        %dma_wait3A_739 = arith.constant 0 : i32
        %dma_wait3A_740 = tpu.memref_slice %arg11[%dma_wait3A_735, %dma_wait3A_738, %dma_wait3A_739] : memref<3x100x128xf32, #tpu.memory_space<vmem>> -> memref<1x100x128xf32, #tpu.memory_space<vmem>>
        %dma_wait3A_741 = tpu.memref_squeeze %dma_wait3A_740 : memref<1x100x128xf32, #tpu.memory_space<vmem>> -> memref<100x128xf32, #tpu.memory_space<vmem>>
        %dma_wait3A_742 = arith.constant 0 : i32
        %dma_wait3A_743 = tpu.memref_slice %arg9[%dma_wait3A_736, %dma_wait3A_742] : memref<5x100xi32, #tpu.memory_space<vmem>> -> memref<1x100xi32, #tpu.memory_space<vmem>>
        %dma_wait3A_744 = tpu.memref_squeeze %dma_wait3A_743 : memref<1x100xi32, #tpu.memory_space<vmem>> -> memref<100xi32, #tpu.memory_space<vmem>>
        %dma_wait3A_745 = arith.constant 0 : i32
        %dma_wait3A_746 = arith.constant 0 : i32
        %dma_wait3A_747 = tpu.memref_slice %arg12[%dma_wait3A_745, %dma_wait3A_746] : memref<10000x128xf32, #tpu.memory_space<vmem_shared>> -> memref<10000x128xf32, #tpu.memory_space<vmem_shared>>
        %dma_wait3A_748 = tpu.memref_slice %arg14[%dma_wait3A_737] : memref<3x!tpu.dma_semaphore, #tpu.memory_space<semaphore_mem>> -> memref<1x!tpu.dma_semaphore, #tpu.memory_space<semaphore_mem>>
        %dma_wait3A_749 = tpu.memref_squeeze %dma_wait3A_748 : memref<1x!tpu.dma_semaphore, #tpu.memory_space<semaphore_mem>> -> memref<!tpu.dma_semaphore, #tpu.memory_space<semaphore_mem>>
        tpu.wait_indirect_dma semaphore(%dma_wait3A_749 : memref<!tpu.dma_semaphore, #tpu.memory_space<semaphore_mem>>) src(%dma_wait3A_741 : memref<100x128xf32, #tpu.memory_space<vmem>>) dst(%dma_wait3A_747 : memref<10000x128xf32, #tpu.memory_space<vmem_shared>>)
        %dma_wait3A_750 = arith.constant 0 : i32
        %dma_wait3A_751 = arith.constant 0 : i32
        %dma_wait3A_752 = arith.constant 0 : i32
        %dma_wait3A_753 = tpu.memref_slice %arg3[%arg0, %mul3A_0, %dma_wait3A_750, %dma_wait3A_751, %dma_wait3A_752] : memref<2x320x2x5x100xi32, #tpu.memory_space<hbm>> -> memref<1x1x1x5x100xi32, #tpu.memory_space<hbm>>
        %dma_wait3A_754 = tpu.memref_squeeze %dma_wait3A_753 : memref<1x1x1x5x100xi32, #tpu.memory_space<hbm>> -> memref<5x100xi32, #tpu.memory_space<hbm>>
        %dma_wait3A_755 = arith.constant 0 : i32
        %dma_wait3A_756 = arith.constant 0 : i32
        %dma_wait3A_757 = tpu.memref_slice %arg3[%arg0, %mul3A_0, %dma_wait3A_750, %dma_wait3A_755, %dma_wait3A_756] : memref<2x320x2x5x100xi32, #tpu.memory_space<hbm>> -> memref<1x1x1x5x100xi32, #tpu.memory_space<hbm>>
        %dma_wait3A_758 = tpu.memref_squeeze %dma_wait3A_757 : memref<1x1x1x5x100xi32, #tpu.memory_space<hbm>> -> memref<5x100xi32, #tpu.memory_space<hbm>>
        tpu.wait_dma2 semaphore(%arg15 : memref<!tpu.dma_semaphore, #tpu.memory_space<semaphore_mem>>) src(%dma_wait3A_758 : memref<5x100xi32, #tpu.memory_space<hbm>>) dst(%arg7 : memref<5x100xi32, #tpu.memory_space<vmem>>)
        %dma_wait3A_759 = arith.constant 0 : i32
        %dma_wait3A_760 = arith.constant 0 : i32
        %dma_wait3A_761 = arith.constant 0 : i32
        %dma_wait3A_762 = tpu.memref_slice %arg4[%mul3A_0, %dma_wait3A_759, %dma_wait3A_760, %dma_wait3A_761] : memref<320x2x5x100xi32, #tpu.memory_space<hbm>> -> memref<1x1x5x100xi32, #tpu.memory_space<hbm>>
        %dma_wait3A_763 = tpu.memref_squeeze %dma_wait3A_762 : memref<1x1x5x100xi32, #tpu.memory_space<hbm>> -> memref<5x100xi32, #tpu.memory_space<hbm>>
        %dma_wait3A_764 = arith.constant 0 : i32
        %dma_wait3A_765 = arith.constant 0 : i32
        %dma_wait3A_766 = tpu.memref_slice %arg4[%mul3A_0, %dma_wait3A_759, %dma_wait3A_764, %dma_wait3A_765] : memref<320x2x5x100xi32, #tpu.memory_space<hbm>> -> memref<1x1x5x100xi32, #tpu.memory_space<hbm>>
        %dma_wait3A_767 = tpu.memref_squeeze %dma_wait3A_766 : memref<1x1x5x100xi32, #tpu.memory_space<hbm>> -> memref<5x100xi32, #tpu.memory_space<hbm>>
        tpu.wait_dma2 semaphore(%arg15 : memref<!tpu.dma_semaphore, #tpu.memory_space<semaphore_mem>>) src(%dma_wait3A_767 : memref<5x100xi32, #tpu.memory_space<hbm>>) dst(%arg9 : memref<5x100xi32, #tpu.memory_space<vmem>>)
      } else {
      }
      %dma_start3A = arith.constant 0 : i32
      %dma_start3A_94 = arith.constant 0 : i32
      %dma_start3A_95 = arith.constant 0 : i32
      %dma_start3A_96 = arith.constant 0 : i32
      %dma_start3A_97 = arith.constant 0 : i32
      %dma_start3A_98 = tpu.memref_slice %arg11[%dma_start3A_94, %dma_start3A_96, %dma_start3A_97] : memref<3x100x128xf32, #tpu.memory_space<vmem>> -> memref<1x100x128xf32, #tpu.memory_space<vmem>>
      %dma_start3A_99 = tpu.memref_squeeze %dma_start3A_98 : memref<1x100x128xf32, #tpu.memory_space<vmem>> -> memref<100x128xf32, #tpu.memory_space<vmem>>
      %dma_start3A_100 = arith.constant 0 : i32
      %dma_start3A_101 = tpu.memref_slice %arg7[%dma_start3A, %dma_start3A_100] : memref<5x100xi32, #tpu.memory_space<vmem>> -> memref<1x100xi32, #tpu.memory_space<vmem>>
      %dma_start3A_102 = tpu.memref_squeeze %dma_start3A_101 : memref<1x100xi32, #tpu.memory_space<vmem>> -> memref<100xi32, #tpu.memory_space<vmem>>
      %dma_start3A_103 = arith.constant 0 : i32
      %dma_start3A_104 = arith.constant 0 : i32
      %dma_start3A_105 = tpu.memref_slice %arg2[%dma_start3A_103, %dma_start3A_104] : memref<20000x128xf32, #tpu.memory_space<hbm>> -> memref<20000x128xf32, #tpu.memory_space<hbm>>
      %dma_start3A_106 = tpu.memref_slice %arg13[%dma_start3A_95] : memref<3x!tpu.dma_semaphore, #tpu.memory_space<semaphore_mem>> -> memref<1x!tpu.dma_semaphore, #tpu.memory_space<semaphore_mem>>
      %dma_start3A_107 = tpu.memref_squeeze %dma_start3A_106 : memref<1x!tpu.dma_semaphore, #tpu.memory_space<semaphore_mem>> -> memref<!tpu.dma_semaphore, #tpu.memory_space<semaphore_mem>>
      tpu.enqueue_indirect_dma source(%dma_start3A_105 : memref<20000x128xf32, #tpu.memory_space<hbm>>) target(%dma_start3A_99 : memref<100x128xf32, #tpu.memory_space<vmem>>) offsets(%dma_start3A_102 : memref<100xi32, #tpu.memory_space<vmem>>) semaphore(%dma_start3A_107 : memref<!tpu.dma_semaphore, #tpu.memory_space<semaphore_mem>>)
      %dma_start3A_108 = arith.constant 1 : i32
      %dma_start3A_109 = arith.constant 1 : i32
      %dma_start3A_110 = arith.constant 1 : i32
      %dma_start3A_111 = arith.constant 0 : i32
      %dma_start3A_112 = arith.constant 0 : i32
      %dma_start3A_113 = tpu.memref_slice %arg11[%dma_start3A_109, %dma_start3A_111, %dma_start3A_112] : memref<3x100x128xf32, #tpu.memory_space<vmem>> -> memref<1x100x128xf32, #tpu.memory_space<vmem>>
      %dma_start3A_114 = tpu.memref_squeeze %dma_start3A_113 : memref<1x100x128xf32, #tpu.memory_space<vmem>> -> memref<100x128xf32, #tpu.memory_space<vmem>>
      %dma_start3A_115 = arith.constant 0 : i32
      %dma_start3A_116 = tpu.memref_slice %arg7[%dma_start3A_108, %dma_start3A_115] : memref<5x100xi32, #tpu.memory_space<vmem>> -> memref<1x100xi32, #tpu.memory_space<vmem>>
      %dma_start3A_117 = tpu.memref_squeeze %dma_start3A_116 : memref<1x100xi32, #tpu.memory_space<vmem>> -> memref<100xi32, #tpu.memory_space<vmem>>
      %dma_start3A_118 = arith.constant 0 : i32
      %dma_start3A_119 = arith.constant 0 : i32
      %dma_start3A_120 = tpu.memref_slice %arg2[%dma_start3A_118, %dma_start3A_119] : memref<20000x128xf32, #tpu.memory_space<hbm>> -> memref<20000x128xf32, #tpu.memory_space<hbm>>
      %dma_start3A_121 = tpu.memref_slice %arg13[%dma_start3A_110] : memref<3x!tpu.dma_semaphore, #tpu.memory_space<semaphore_mem>> -> memref<1x!tpu.dma_semaphore, #tpu.memory_space<semaphore_mem>>
      %dma_start3A_122 = tpu.memref_squeeze %dma_start3A_121 : memref<1x!tpu.dma_semaphore, #tpu.memory_space<semaphore_mem>> -> memref<!tpu.dma_semaphore, #tpu.memory_space<semaphore_mem>>
      tpu.enqueue_indirect_dma source(%dma_start3A_120 : memref<20000x128xf32, #tpu.memory_space<hbm>>) target(%dma_start3A_114 : memref<100x128xf32, #tpu.memory_space<vmem>>) offsets(%dma_start3A_117 : memref<100xi32, #tpu.memory_space<vmem>>) semaphore(%dma_start3A_122 : memref<!tpu.dma_semaphore, #tpu.memory_space<semaphore_mem>>)
      %dma_wait3A_123 = arith.constant 0 : i32
      %dma_wait3A_124 = arith.constant 0 : i32
      %dma_wait3A_125 = arith.constant 0 : i32
      %dma_wait3A_126 = arith.constant 0 : i32
      %dma_wait3A_127 = arith.constant 0 : i32
      %dma_wait3A_128 = tpu.memref_slice %arg11[%dma_wait3A_124, %dma_wait3A_126, %dma_wait3A_127] : memref<3x100x128xf32, #tpu.memory_space<vmem>> -> memref<1x100x128xf32, #tpu.memory_space<vmem>>
      %dma_wait3A_129 = tpu.memref_squeeze %dma_wait3A_128 : memref<1x100x128xf32, #tpu.memory_space<vmem>> -> memref<100x128xf32, #tpu.memory_space<vmem>>
      %dma_wait3A_130 = arith.constant 0 : i32
      %dma_wait3A_131 = tpu.memref_slice %arg7[%dma_wait3A_123, %dma_wait3A_130] : memref<5x100xi32, #tpu.memory_space<vmem>> -> memref<1x100xi32, #tpu.memory_space<vmem>>
      %dma_wait3A_132 = tpu.memref_squeeze %dma_wait3A_131 : memref<1x100xi32, #tpu.memory_space<vmem>> -> memref<100xi32, #tpu.memory_space<vmem>>
      %dma_wait3A_133 = arith.constant 0 : i32
      %dma_wait3A_134 = arith.constant 0 : i32
      %dma_wait3A_135 = tpu.memref_slice %arg2[%dma_wait3A_133, %dma_wait3A_134] : memref<20000x128xf32, #tpu.memory_space<hbm>> -> memref<20000x128xf32, #tpu.memory_space<hbm>>
      %dma_wait3A_136 = tpu.memref_slice %arg13[%dma_wait3A_125] : memref<3x!tpu.dma_semaphore, #tpu.memory_space<semaphore_mem>> -> memref<1x!tpu.dma_semaphore, #tpu.memory_space<semaphore_mem>>
      %dma_wait3A_137 = tpu.memref_squeeze %dma_wait3A_136 : memref<1x!tpu.dma_semaphore, #tpu.memory_space<semaphore_mem>> -> memref<!tpu.dma_semaphore, #tpu.memory_space<semaphore_mem>>
      tpu.wait_indirect_dma semaphore(%dma_wait3A_137 : memref<!tpu.dma_semaphore, #tpu.memory_space<semaphore_mem>>) src(%dma_wait3A_135 : memref<20000x128xf32, #tpu.memory_space<hbm>>) dst(%dma_wait3A_129 : memref<100x128xf32, #tpu.memory_space<vmem>>)
      %dma_start3A_138 = arith.constant 0 : i32
      %dma_start3A_139 = arith.constant 0 : i32
      %dma_start3A_140 = arith.constant 0 : i32
      %dma_start3A_141 = arith.constant 0 : i32
      %dma_start3A_142 = arith.constant 0 : i32
      %dma_start3A_143 = tpu.memref_slice %arg11[%dma_start3A_138, %dma_start3A_141, %dma_start3A_142] : memref<3x100x128xf32, #tpu.memory_space<vmem>> -> memref<1x100x128xf32, #tpu.memory_space<vmem>>
      %dma_start3A_144 = tpu.memref_squeeze %dma_start3A_143 : memref<1x100x128xf32, #tpu.memory_space<vmem>> -> memref<100x128xf32, #tpu.memory_space<vmem>>
      %dma_start3A_145 = arith.constant 0 : i32
      %dma_start3A_146 = tpu.memref_slice %arg9[%dma_start3A_139, %dma_start3A_145] : memref<5x100xi32, #tpu.memory_space<vmem>> -> memref<1x100xi32, #tpu.memory_space<vmem>>
      %dma_start3A_147 = tpu.memref_squeeze %dma_start3A_146 : memref<1x100xi32, #tpu.memory_space<vmem>> -> memref<100xi32, #tpu.memory_space<vmem>>
      %dma_start3A_148 = arith.constant 0 : i32
      %dma_start3A_149 = arith.constant 0 : i32
      %dma_start3A_150 = tpu.memref_slice %arg12[%dma_start3A_148, %dma_start3A_149] : memref<10000x128xf32, #tpu.memory_space<vmem_shared>> -> memref<10000x128xf32, #tpu.memory_space<vmem_shared>>
      %dma_start3A_151 = tpu.memref_slice %arg14[%dma_start3A_140] : memref<3x!tpu.dma_semaphore, #tpu.memory_space<semaphore_mem>> -> memref<1x!tpu.dma_semaphore, #tpu.memory_space<semaphore_mem>>
      %dma_start3A_152 = tpu.memref_squeeze %dma_start3A_151 : memref<1x!tpu.dma_semaphore, #tpu.memory_space<semaphore_mem>> -> memref<!tpu.dma_semaphore, #tpu.memory_space<semaphore_mem>>
      tpu.enqueue_indirect_dma source(%dma_start3A_144 : memref<100x128xf32, #tpu.memory_space<vmem>>) target(%dma_start3A_150 : memref<10000x128xf32, #tpu.memory_space<vmem_shared>>) offsets(%dma_start3A_147 : memref<100xi32, #tpu.memory_space<vmem>>) semaphore(%dma_start3A_152 : memref<!tpu.dma_semaphore, #tpu.memory_space<semaphore_mem>>) {add = true}
      %dma_start3A_153 = arith.constant 2 : i32
      %dma_start3A_154 = arith.constant 2 : i32
      %dma_start3A_155 = arith.constant 2 : i32
      %dma_start3A_156 = arith.constant 0 : i32
      %dma_start3A_157 = arith.constant 0 : i32
      %dma_start3A_158 = tpu.memref_slice %arg11[%dma_start3A_154, %dma_start3A_156, %dma_start3A_157] : memref<3x100x128xf32, #tpu.memory_space<vmem>> -> memref<1x100x128xf32, #tpu.memory_space<vmem>>
      %dma_start3A_159 = tpu.memref_squeeze %dma_start3A_158 : memref<1x100x128xf32, #tpu.memory_space<vmem>> -> memref<100x128xf32, #tpu.memory_space<vmem>>
      %dma_start3A_160 = arith.constant 0 : i32
      %dma_start3A_161 = tpu.memref_slice %arg7[%dma_start3A_153, %dma_start3A_160] : memref<5x100xi32, #tpu.memory_space<vmem>> -> memref<1x100xi32, #tpu.memory_space<vmem>>
      %dma_start3A_162 = tpu.memref_squeeze %dma_start3A_161 : memref<1x100xi32, #tpu.memory_space<vmem>> -> memref<100xi32, #tpu.memory_space<vmem>>
      %dma_start3A_163 = arith.constant 0 : i32
      %dma_start3A_164 = arith.constant 0 : i32
      %dma_start3A_165 = tpu.memref_slice %arg2[%dma_start3A_163, %dma_start3A_164] : memref<20000x128xf32, #tpu.memory_space<hbm>> -> memref<20000x128xf32, #tpu.memory_space<hbm>>
      %dma_start3A_166 = tpu.memref_slice %arg13[%dma_start3A_155] : memref<3x!tpu.dma_semaphore, #tpu.memory_space<semaphore_mem>> -> memref<1x!tpu.dma_semaphore, #tpu.memory_space<semaphore_mem>>
      %dma_start3A_167 = tpu.memref_squeeze %dma_start3A_166 : memref<1x!tpu.dma_semaphore, #tpu.memory_space<semaphore_mem>> -> memref<!tpu.dma_semaphore, #tpu.memory_space<semaphore_mem>>
      tpu.enqueue_indirect_dma source(%dma_start3A_165 : memref<20000x128xf32, #tpu.memory_space<hbm>>) target(%dma_start3A_159 : memref<100x128xf32, #tpu.memory_space<vmem>>) offsets(%dma_start3A_162 : memref<100xi32, #tpu.memory_space<vmem>>) semaphore(%dma_start3A_167 : memref<!tpu.dma_semaphore, #tpu.memory_space<semaphore_mem>>)
      %dma_start3A_168 = arith.constant 1 : i32
      %dma_start3A_169 = arith.constant 0 : i32
      %dma_start3A_170 = arith.constant 0 : i32
      %dma_start3A_171 = tpu.memref_slice %arg3[%arg0, %add3A_89, %dma_start3A_168, %dma_start3A_169, %dma_start3A_170] : memref<2x320x2x5x100xi32, #tpu.memory_space<hbm>> -> memref<1x1x1x5x100xi32, #tpu.memory_space<hbm>>
      %dma_start3A_172 = tpu.memref_squeeze %dma_start3A_171 : memref<1x1x1x5x100xi32, #tpu.memory_space<hbm>> -> memref<5x100xi32, #tpu.memory_space<hbm>>
      %dma_start3A_173 = arith.constant 0 : i32
      %dma_start3A_174 = arith.constant 0 : i32
      %dma_start3A_175 = tpu.memref_slice %arg3[%arg0, %add3A_89, %dma_start3A_168, %dma_start3A_173, %dma_start3A_174] : memref<2x320x2x5x100xi32, #tpu.memory_space<hbm>> -> memref<1x1x1x5x100xi32, #tpu.memory_space<hbm>>
      %dma_start3A_176 = tpu.memref_squeeze %dma_start3A_175 : memref<1x1x1x5x100xi32, #tpu.memory_space<hbm>> -> memref<5x100xi32, #tpu.memory_space<hbm>>
      tpu.enqueue_dma source(%dma_start3A_176 : memref<5x100xi32, #tpu.memory_space<hbm>>) target(%arg8 : memref<5x100xi32, #tpu.memory_space<vmem>>) target_semaphore(%arg16 : memref<!tpu.dma_semaphore, #tpu.memory_space<semaphore_mem>>)
      %dma_start3A_177 = arith.constant 1 : i32
      %dma_start3A_178 = arith.constant 0 : i32
      %dma_start3A_179 = arith.constant 0 : i32
      %dma_start3A_180 = tpu.memref_slice %arg4[%add3A_89, %dma_start3A_177, %dma_start3A_178, %dma_start3A_179] : memref<320x2x5x100xi32, #tpu.memory_space<hbm>> -> memref<1x1x5x100xi32, #tpu.memory_space<hbm>>
      %dma_start3A_181 = tpu.memref_squeeze %dma_start3A_180 : memref<1x1x5x100xi32, #tpu.memory_space<hbm>> -> memref<5x100xi32, #tpu.memory_space<hbm>>
      %dma_start3A_182 = arith.constant 0 : i32
      %dma_start3A_183 = arith.constant 0 : i32
      %dma_start3A_184 = tpu.memref_slice %arg4[%add3A_89, %dma_start3A_177, %dma_start3A_182, %dma_start3A_183] : memref<320x2x5x100xi32, #tpu.memory_space<hbm>> -> memref<1x1x5x100xi32, #tpu.memory_space<hbm>>
      %dma_start3A_185 = tpu.memref_squeeze %dma_start3A_184 : memref<1x1x5x100xi32, #tpu.memory_space<hbm>> -> memref<5x100xi32, #tpu.memory_space<hbm>>
      tpu.enqueue_dma source(%dma_start3A_185 : memref<5x100xi32, #tpu.memory_space<hbm>>) target(%arg10 : memref<5x100xi32, #tpu.memory_space<vmem>>) target_semaphore(%arg16 : memref<!tpu.dma_semaphore, #tpu.memory_space<semaphore_mem>>)
      %dma_wait3A_186 = arith.constant 1 : i32
      %dma_wait3A_187 = arith.constant 1 : i32
      %dma_wait3A_188 = arith.constant 1 : i32
      %dma_wait3A_189 = arith.constant 0 : i32
      %dma_wait3A_190 = arith.constant 0 : i32
      %dma_wait3A_191 = tpu.memref_slice %arg11[%dma_wait3A_187, %dma_wait3A_189, %dma_wait3A_190] : memref<3x100x128xf32, #tpu.memory_space<vmem>> -> memref<1x100x128xf32, #tpu.memory_space<vmem>>
      %dma_wait3A_192 = tpu.memref_squeeze %dma_wait3A_191 : memref<1x100x128xf32, #tpu.memory_space<vmem>> -> memref<100x128xf32, #tpu.memory_space<vmem>>
      %dma_wait3A_193 = arith.constant 0 : i32
      %dma_wait3A_194 = tpu.memref_slice %arg7[%dma_wait3A_186, %dma_wait3A_193] : memref<5x100xi32, #tpu.memory_space<vmem>> -> memref<1x100xi32, #tpu.memory_space<vmem>>
      %dma_wait3A_195 = tpu.memref_squeeze %dma_wait3A_194 : memref<1x100xi32, #tpu.memory_space<vmem>> -> memref<100xi32, #tpu.memory_space<vmem>>
      %dma_wait3A_196 = arith.constant 0 : i32
      %dma_wait3A_197 = arith.constant 0 : i32
      %dma_wait3A_198 = tpu.memref_slice %arg2[%dma_wait3A_196, %dma_wait3A_197] : memref<20000x128xf32, #tpu.memory_space<hbm>> -> memref<20000x128xf32, #tpu.memory_space<hbm>>
      %dma_wait3A_199 = tpu.memref_slice %arg13[%dma_wait3A_188] : memref<3x!tpu.dma_semaphore, #tpu.memory_space<semaphore_mem>> -> memref<1x!tpu.dma_semaphore, #tpu.memory_space<semaphore_mem>>
      %dma_wait3A_200 = tpu.memref_squeeze %dma_wait3A_199 : memref<1x!tpu.dma_semaphore, #tpu.memory_space<semaphore_mem>> -> memref<!tpu.dma_semaphore, #tpu.memory_space<semaphore_mem>>
      tpu.wait_indirect_dma semaphore(%dma_wait3A_200 : memref<!tpu.dma_semaphore, #tpu.memory_space<semaphore_mem>>) src(%dma_wait3A_198 : memref<20000x128xf32, #tpu.memory_space<hbm>>) dst(%dma_wait3A_192 : memref<100x128xf32, #tpu.memory_space<vmem>>)
      %dma_start3A_201 = arith.constant 1 : i32
      %dma_start3A_202 = arith.constant 1 : i32
      %dma_start3A_203 = arith.constant 1 : i32
      %dma_start3A_204 = arith.constant 0 : i32
      %dma_start3A_205 = arith.constant 0 : i32
      %dma_start3A_206 = tpu.memref_slice %arg11[%dma_start3A_201, %dma_start3A_204, %dma_start3A_205] : memref<3x100x128xf32, #tpu.memory_space<vmem>> -> memref<1x100x128xf32, #tpu.memory_space<vmem>>
      %dma_start3A_207 = tpu.memref_squeeze %dma_start3A_206 : memref<1x100x128xf32, #tpu.memory_space<vmem>> -> memref<100x128xf32, #tpu.memory_space<vmem>>
      %dma_start3A_208 = arith.constant 0 : i32
      %dma_start3A_209 = tpu.memref_slice %arg9[%dma_start3A_202, %dma_start3A_208] : memref<5x100xi32, #tpu.memory_space<vmem>> -> memref<1x100xi32, #tpu.memory_space<vmem>>
      %dma_start3A_210 = tpu.memref_squeeze %dma_start3A_209 : memref<1x100xi32, #tpu.memory_space<vmem>> -> memref<100xi32, #tpu.memory_space<vmem>>
      %dma_start3A_211 = arith.constant 0 : i32
      %dma_start3A_212 = arith.constant 0 : i32
      %dma_start3A_213 = tpu.memref_slice %arg12[%dma_start3A_211, %dma_start3A_212] : memref<10000x128xf32, #tpu.memory_space<vmem_shared>> -> memref<10000x128xf32, #tpu.memory_space<vmem_shared>>
      %dma_start3A_214 = tpu.memref_slice %arg14[%dma_start3A_203] : memref<3x!tpu.dma_semaphore, #tpu.memory_space<semaphore_mem>> -> memref<1x!tpu.dma_semaphore, #tpu.memory_space<semaphore_mem>>
      %dma_start3A_215 = tpu.memref_squeeze %dma_start3A_214 : memref<1x!tpu.dma_semaphore, #tpu.memory_space<semaphore_mem>> -> memref<!tpu.dma_semaphore, #tpu.memory_space<semaphore_mem>>
      tpu.enqueue_indirect_dma source(%dma_start3A_207 : memref<100x128xf32, #tpu.memory_space<vmem>>) target(%dma_start3A_213 : memref<10000x128xf32, #tpu.memory_space<vmem_shared>>) offsets(%dma_start3A_210 : memref<100xi32, #tpu.memory_space<vmem>>) semaphore(%dma_start3A_215 : memref<!tpu.dma_semaphore, #tpu.memory_space<semaphore_mem>>) {add = true}
      %dma_wait3A_216 = arith.constant 0 : i32
      %dma_wait3A_217 = arith.constant 0 : i32
      %dma_wait3A_218 = arith.constant 0 : i32
      %dma_wait3A_219 = arith.constant 0 : i32
      %dma_wait3A_220 = arith.constant 0 : i32
      %dma_wait3A_221 = tpu.memref_slice %arg11[%dma_wait3A_216, %dma_wait3A_219, %dma_wait3A_220] : memref<3x100x128xf32, #tpu.memory_space<vmem>> -> memref<1x100x128xf32, #tpu.memory_space<vmem>>
      %dma_wait3A_222 = tpu.memref_squeeze %dma_wait3A_221 : memref<1x100x128xf32, #tpu.memory_space<vmem>> -> memref<100x128xf32, #tpu.memory_space<vmem>>
      %dma_wait3A_223 = arith.constant 0 : i32
      %dma_wait3A_224 = tpu.memref_slice %arg9[%dma_wait3A_217, %dma_wait3A_223] : memref<5x100xi32, #tpu.memory_space<vmem>> -> memref<1x100xi32, #tpu.memory_space<vmem>>
      %dma_wait3A_225 = tpu.memref_squeeze %dma_wait3A_224 : memref<1x100xi32, #tpu.memory_space<vmem>> -> memref<100xi32, #tpu.memory_space<vmem>>
      %dma_wait3A_226 = arith.constant 0 : i32
      %dma_wait3A_227 = arith.constant 0 : i32
      %dma_wait3A_228 = tpu.memref_slice %arg12[%dma_wait3A_226, %dma_wait3A_227] : memref<10000x128xf32, #tpu.memory_space<vmem_shared>> -> memref<10000x128xf32, #tpu.memory_space<vmem_shared>>
      %dma_wait3A_229 = tpu.memref_slice %arg14[%dma_wait3A_218] : memref<3x!tpu.dma_semaphore, #tpu.memory_space<semaphore_mem>> -> memref<1x!tpu.dma_semaphore, #tpu.memory_space<semaphore_mem>>
      %dma_wait3A_230 = tpu.memref_squeeze %dma_wait3A_229 : memref<1x!tpu.dma_semaphore, #tpu.memory_space<semaphore_mem>> -> memref<!tpu.dma_semaphore, #tpu.memory_space<semaphore_mem>>
      tpu.wait_indirect_dma semaphore(%dma_wait3A_230 : memref<!tpu.dma_semaphore, #tpu.memory_space<semaphore_mem>>) src(%dma_wait3A_222 : memref<100x128xf32, #tpu.memory_space<vmem>>) dst(%dma_wait3A_228 : memref<10000x128xf32, #tpu.memory_space<vmem_shared>>)
      %dma_start3A_231 = arith.constant 3 : i32
      %dma_start3A_232 = arith.constant 0 : i32
      %dma_start3A_233 = arith.constant 0 : i32
      %dma_start3A_234 = arith.constant 0 : i32
      %dma_start3A_235 = arith.constant 0 : i32
      %dma_start3A_236 = tpu.memref_slice %arg11[%dma_start3A_232, %dma_start3A_234, %dma_start3A_235] : memref<3x100x128xf32, #tpu.memory_space<vmem>> -> memref<1x100x128xf32, #tpu.memory_space<vmem>>
      %dma_start3A_237 = tpu.memref_squeeze %dma_start3A_236 : memref<1x100x128xf32, #tpu.memory_space<vmem>> -> memref<100x128xf32, #tpu.memory_space<vmem>>
      %dma_start3A_238 = arith.constant 0 : i32
      %dma_start3A_239 = tpu.memref_slice %arg7[%dma_start3A_231, %dma_start3A_238] : memref<5x100xi32, #tpu.memory_space<vmem>> -> memref<1x100xi32, #tpu.memory_space<vmem>>
      %dma_start3A_240 = tpu.memref_squeeze %dma_start3A_239 : memref<1x100xi32, #tpu.memory_space<vmem>> -> memref<100xi32, #tpu.memory_space<vmem>>
      %dma_start3A_241 = arith.constant 0 : i32
      %dma_start3A_242 = arith.constant 0 : i32
      %dma_start3A_243 = tpu.memref_slice %arg2[%dma_start3A_241, %dma_start3A_242] : memref<20000x128xf32, #tpu.memory_space<hbm>> -> memref<20000x128xf32, #tpu.memory_space<hbm>>
      %dma_start3A_244 = tpu.memref_slice %arg13[%dma_start3A_233] : memref<3x!tpu.dma_semaphore, #tpu.memory_space<semaphore_mem>> -> memref<1x!tpu.dma_semaphore, #tpu.memory_space<semaphore_mem>>
      %dma_start3A_245 = tpu.memref_squeeze %dma_start3A_244 : memref<1x!tpu.dma_semaphore, #tpu.memory_space<semaphore_mem>> -> memref<!tpu.dma_semaphore, #tpu.memory_space<semaphore_mem>>
      tpu.enqueue_indirect_dma source(%dma_start3A_243 : memref<20000x128xf32, #tpu.memory_space<hbm>>) target(%dma_start3A_237 : memref<100x128xf32, #tpu.memory_space<vmem>>) offsets(%dma_start3A_240 : memref<100xi32, #tpu.memory_space<vmem>>) semaphore(%dma_start3A_245 : memref<!tpu.dma_semaphore, #tpu.memory_space<semaphore_mem>>)
      %dma_wait3A_246 = arith.constant 2 : i32
      %dma_wait3A_247 = arith.constant 2 : i32
      %dma_wait3A_248 = arith.constant 2 : i32
      %dma_wait3A_249 = arith.constant 0 : i32
      %dma_wait3A_250 = arith.constant 0 : i32
      %dma_wait3A_251 = tpu.memref_slice %arg11[%dma_wait3A_247, %dma_wait3A_249, %dma_wait3A_250] : memref<3x100x128xf32, #tpu.memory_space<vmem>> -> memref<1x100x128xf32, #tpu.memory_space<vmem>>
      %dma_wait3A_252 = tpu.memref_squeeze %dma_wait3A_251 : memref<1x100x128xf32, #tpu.memory_space<vmem>> -> memref<100x128xf32, #tpu.memory_space<vmem>>
      %dma_wait3A_253 = arith.constant 0 : i32
      %dma_wait3A_254 = tpu.memref_slice %arg7[%dma_wait3A_246, %dma_wait3A_253] : memref<5x100xi32, #tpu.memory_space<vmem>> -> memref<1x100xi32, #tpu.memory_space<vmem>>
      %dma_wait3A_255 = tpu.memref_squeeze %dma_wait3A_254 : memref<1x100xi32, #tpu.memory_space<vmem>> -> memref<100xi32, #tpu.memory_space<vmem>>
      %dma_wait3A_256 = arith.constant 0 : i32
      %dma_wait3A_257 = arith.constant 0 : i32
      %dma_wait3A_258 = tpu.memref_slice %arg2[%dma_wait3A_256, %dma_wait3A_257] : memref<20000x128xf32, #tpu.memory_space<hbm>> -> memref<20000x128xf32, #tpu.memory_space<hbm>>
      %dma_wait3A_259 = tpu.memref_slice %arg13[%dma_wait3A_248] : memref<3x!tpu.dma_semaphore, #tpu.memory_space<semaphore_mem>> -> memref<1x!tpu.dma_semaphore, #tpu.memory_space<semaphore_mem>>
      %dma_wait3A_260 = tpu.memref_squeeze %dma_wait3A_259 : memref<1x!tpu.dma_semaphore, #tpu.memory_space<semaphore_mem>> -> memref<!tpu.dma_semaphore, #tpu.memory_space<semaphore_mem>>
      tpu.wait_indirect_dma semaphore(%dma_wait3A_260 : memref<!tpu.dma_semaphore, #tpu.memory_space<semaphore_mem>>) src(%dma_wait3A_258 : memref<20000x128xf32, #tpu.memory_space<hbm>>) dst(%dma_wait3A_252 : memref<100x128xf32, #tpu.memory_space<vmem>>)
      %dma_start3A_261 = arith.constant 2 : i32
      %dma_start3A_262 = arith.constant 2 : i32
      %dma_start3A_263 = arith.constant 2 : i32
      %dma_start3A_264 = arith.constant 0 : i32
      %dma_start3A_265 = arith.constant 0 : i32
      %dma_start3A_266 = tpu.memref_slice %arg11[%dma_start3A_261, %dma_start3A_264, %dma_start3A_265] : memref<3x100x128xf32, #tpu.memory_space<vmem>> -> memref<1x100x128xf32, #tpu.memory_space<vmem>>
      %dma_start3A_267 = tpu.memref_squeeze %dma_start3A_266 : memref<1x100x128xf32, #tpu.memory_space<vmem>> -> memref<100x128xf32, #tpu.memory_space<vmem>>
      %dma_start3A_268 = arith.constant 0 : i32
      %dma_start3A_269 = tpu.memref_slice %arg9[%dma_start3A_262, %dma_start3A_268] : memref<5x100xi32, #tpu.memory_space<vmem>> -> memref<1x100xi32, #tpu.memory_space<vmem>>
      %dma_start3A_270 = tpu.memref_squeeze %dma_start3A_269 : memref<1x100xi32, #tpu.memory_space<vmem>> -> memref<100xi32, #tpu.memory_space<vmem>>
      %dma_start3A_271 = arith.constant 0 : i32
      %dma_start3A_272 = arith.constant 0 : i32
      %dma_start3A_273 = tpu.memref_slice %arg12[%dma_start3A_271, %dma_start3A_272] : memref<10000x128xf32, #tpu.memory_space<vmem_shared>> -> memref<10000x128xf32, #tpu.memory_space<vmem_shared>>
      %dma_start3A_274 = tpu.memref_slice %arg14[%dma_start3A_263] : memref<3x!tpu.dma_semaphore, #tpu.memory_space<semaphore_mem>> -> memref<1x!tpu.dma_semaphore, #tpu.memory_space<semaphore_mem>>
      %dma_start3A_275 = tpu.memref_squeeze %dma_start3A_274 : memref<1x!tpu.dma_semaphore, #tpu.memory_space<semaphore_mem>> -> memref<!tpu.dma_semaphore, #tpu.memory_space<semaphore_mem>>
      tpu.enqueue_indirect_dma source(%dma_start3A_267 : memref<100x128xf32, #tpu.memory_space<vmem>>) target(%dma_start3A_273 : memref<10000x128xf32, #tpu.memory_space<vmem_shared>>) offsets(%dma_start3A_270 : memref<100xi32, #tpu.memory_space<vmem>>) semaphore(%dma_start3A_275 : memref<!tpu.dma_semaphore, #tpu.memory_space<semaphore_mem>>) {add = true}
      %dma_wait3A_276 = arith.constant 1 : i32
      %dma_wait3A_277 = arith.constant 0 : i32
      %dma_wait3A_278 = arith.constant 1 : i32
      %dma_wait3A_279 = arith.constant 0 : i32
      %dma_wait3A_280 = arith.constant 0 : i32
      %dma_wait3A_281 = tpu.memref_slice %arg11[%dma_wait3A_276, %dma_wait3A_279, %dma_wait3A_280] : memref<3x100x128xf32, #tpu.memory_space<vmem>> -> memref<1x100x128xf32, #tpu.memory_space<vmem>>
      %dma_wait3A_282 = tpu.memref_squeeze %dma_wait3A_281 : memref<1x100x128xf32, #tpu.memory_space<vmem>> -> memref<100x128xf32, #tpu.memory_space<vmem>>
      %dma_wait3A_283 = arith.constant 0 : i32
      %dma_wait3A_284 = tpu.memref_slice %arg9[%dma_wait3A_277, %dma_wait3A_283] : memref<5x100xi32, #tpu.memory_space<vmem>> -> memref<1x100xi32, #tpu.memory_space<vmem>>
      %dma_wait3A_285 = tpu.memref_squeeze %dma_wait3A_284 : memref<1x100xi32, #tpu.memory_space<vmem>> -> memref<100xi32, #tpu.memory_space<vmem>>
      %dma_wait3A_286 = arith.constant 0 : i32
      %dma_wait3A_287 = arith.constant 0 : i32
      %dma_wait3A_288 = tpu.memref_slice %arg12[%dma_wait3A_286, %dma_wait3A_287] : memref<10000x128xf32, #tpu.memory_space<vmem_shared>> -> memref<10000x128xf32, #tpu.memory_space<vmem_shared>>
      %dma_wait3A_289 = tpu.memref_slice %arg14[%dma_wait3A_278] : memref<3x!tpu.dma_semaphore, #tpu.memory_space<semaphore_mem>> -> memref<1x!tpu.dma_semaphore, #tpu.memory_space<semaphore_mem>>
      %dma_wait3A_290 = tpu.memref_squeeze %dma_wait3A_289 : memref<1x!tpu.dma_semaphore, #tpu.memory_space<semaphore_mem>> -> memref<!tpu.dma_semaphore, #tpu.memory_space<semaphore_mem>>
      tpu.wait_indirect_dma semaphore(%dma_wait3A_290 : memref<!tpu.dma_semaphore, #tpu.memory_space<semaphore_mem>>) src(%dma_wait3A_282 : memref<100x128xf32, #tpu.memory_space<vmem>>) dst(%dma_wait3A_288 : memref<10000x128xf32, #tpu.memory_space<vmem_shared>>)
      %dma_start3A_291 = arith.constant 4 : i32
      %dma_start3A_292 = arith.constant 1 : i32
      %dma_start3A_293 = arith.constant 1 : i32
      %dma_start3A_294 = arith.constant 0 : i32
      %dma_start3A_295 = arith.constant 0 : i32
      %dma_start3A_296 = tpu.memref_slice %arg11[%dma_start3A_292, %dma_start3A_294, %dma_start3A_295] : memref<3x100x128xf32, #tpu.memory_space<vmem>> -> memref<1x100x128xf32, #tpu.memory_space<vmem>>
      %dma_start3A_297 = tpu.memref_squeeze %dma_start3A_296 : memref<1x100x128xf32, #tpu.memory_space<vmem>> -> memref<100x128xf32, #tpu.memory_space<vmem>>
      %dma_start3A_298 = arith.constant 0 : i32
      %dma_start3A_299 = tpu.memref_slice %arg7[%dma_start3A_291, %dma_start3A_298] : memref<5x100xi32, #tpu.memory_space<vmem>> -> memref<1x100xi32, #tpu.memory_space<vmem>>
      %dma_start3A_300 = tpu.memref_squeeze %dma_start3A_299 : memref<1x100xi32, #tpu.memory_space<vmem>> -> memref<100xi32, #tpu.memory_space<vmem>>
      %dma_start3A_301 = arith.constant 0 : i32
      %dma_start3A_302 = arith.constant 0 : i32
      %dma_start3A_303 = tpu.memref_slice %arg2[%dma_start3A_301, %dma_start3A_302] : memref<20000x128xf32, #tpu.memory_space<hbm>> -> memref<20000x128xf32, #tpu.memory_space<hbm>>
      %dma_start3A_304 = tpu.memref_slice %arg13[%dma_start3A_293] : memref<3x!tpu.dma_semaphore, #tpu.memory_space<semaphore_mem>> -> memref<1x!tpu.dma_semaphore, #tpu.memory_space<semaphore_mem>>
      %dma_start3A_305 = tpu.memref_squeeze %dma_start3A_304 : memref<1x!tpu.dma_semaphore, #tpu.memory_space<semaphore_mem>> -> memref<!tpu.dma_semaphore, #tpu.memory_space<semaphore_mem>>
      tpu.enqueue_indirect_dma source(%dma_start3A_303 : memref<20000x128xf32, #tpu.memory_space<hbm>>) target(%dma_start3A_297 : memref<100x128xf32, #tpu.memory_space<vmem>>) offsets(%dma_start3A_300 : memref<100xi32, #tpu.memory_space<vmem>>) semaphore(%dma_start3A_305 : memref<!tpu.dma_semaphore, #tpu.memory_space<semaphore_mem>>)
      %dma_wait3A_306 = arith.constant 3 : i32
      %dma_wait3A_307 = arith.constant 0 : i32
      %dma_wait3A_308 = arith.constant 0 : i32
      %dma_wait3A_309 = arith.constant 0 : i32
      %dma_wait3A_310 = arith.constant 0 : i32
      %dma_wait3A_311 = tpu.memref_slice %arg11[%dma_wait3A_307, %dma_wait3A_309, %dma_wait3A_310] : memref<3x100x128xf32, #tpu.memory_space<vmem>> -> memref<1x100x128xf32, #tpu.memory_space<vmem>>
      %dma_wait3A_312 = tpu.memref_squeeze %dma_wait3A_311 : memref<1x100x128xf32, #tpu.memory_space<vmem>> -> memref<100x128xf32, #tpu.memory_space<vmem>>
      %dma_wait3A_313 = arith.constant 0 : i32
      %dma_wait3A_314 = tpu.memref_slice %arg7[%dma_wait3A_306, %dma_wait3A_313] : memref<5x100xi32, #tpu.memory_space<vmem>> -> memref<1x100xi32, #tpu.memory_space<vmem>>
      %dma_wait3A_315 = tpu.memref_squeeze %dma_wait3A_314 : memref<1x100xi32, #tpu.memory_space<vmem>> -> memref<100xi32, #tpu.memory_space<vmem>>
      %dma_wait3A_316 = arith.constant 0 : i32
      %dma_wait3A_317 = arith.constant 0 : i32
      %dma_wait3A_318 = tpu.memref_slice %arg2[%dma_wait3A_316, %dma_wait3A_317] : memref<20000x128xf32, #tpu.memory_space<hbm>> -> memref<20000x128xf32, #tpu.memory_space<hbm>>
      %dma_wait3A_319 = tpu.memref_slice %arg13[%dma_wait3A_308] : memref<3x!tpu.dma_semaphore, #tpu.memory_space<semaphore_mem>> -> memref<1x!tpu.dma_semaphore, #tpu.memory_space<semaphore_mem>>
      %dma_wait3A_320 = tpu.memref_squeeze %dma_wait3A_319 : memref<1x!tpu.dma_semaphore, #tpu.memory_space<semaphore_mem>> -> memref<!tpu.dma_semaphore, #tpu.memory_space<semaphore_mem>>
      tpu.wait_indirect_dma semaphore(%dma_wait3A_320 : memref<!tpu.dma_semaphore, #tpu.memory_space<semaphore_mem>>) src(%dma_wait3A_318 : memref<20000x128xf32, #tpu.memory_space<hbm>>) dst(%dma_wait3A_312 : memref<100x128xf32, #tpu.memory_space<vmem>>)
      %dma_start3A_321 = arith.constant 0 : i32
      %dma_start3A_322 = arith.constant 3 : i32
      %dma_start3A_323 = arith.constant 0 : i32
      %dma_start3A_324 = arith.constant 0 : i32
      %dma_start3A_325 = arith.constant 0 : i32
      %dma_start3A_326 = tpu.memref_slice %arg11[%dma_start3A_321, %dma_start3A_324, %dma_start3A_325] : memref<3x100x128xf32, #tpu.memory_space<vmem>> -> memref<1x100x128xf32, #tpu.memory_space<vmem>>
      %dma_start3A_327 = tpu.memref_squeeze %dma_start3A_326 : memref<1x100x128xf32, #tpu.memory_space<vmem>> -> memref<100x128xf32, #tpu.memory_space<vmem>>
      %dma_start3A_328 = arith.constant 0 : i32
      %dma_start3A_329 = tpu.memref_slice %arg9[%dma_start3A_322, %dma_start3A_328] : memref<5x100xi32, #tpu.memory_space<vmem>> -> memref<1x100xi32, #tpu.memory_space<vmem>>
      %dma_start3A_330 = tpu.memref_squeeze %dma_start3A_329 : memref<1x100xi32, #tpu.memory_space<vmem>> -> memref<100xi32, #tpu.memory_space<vmem>>
      %dma_start3A_331 = arith.constant 0 : i32
      %dma_start3A_332 = arith.constant 0 : i32
      %dma_start3A_333 = tpu.memref_slice %arg12[%dma_start3A_331, %dma_start3A_332] : memref<10000x128xf32, #tpu.memory_space<vmem_shared>> -> memref<10000x128xf32, #tpu.memory_space<vmem_shared>>
      %dma_start3A_334 = tpu.memref_slice %arg14[%dma_start3A_323] : memref<3x!tpu.dma_semaphore, #tpu.memory_space<semaphore_mem>> -> memref<1x!tpu.dma_semaphore, #tpu.memory_space<semaphore_mem>>
      %dma_start3A_335 = tpu.memref_squeeze %dma_start3A_334 : memref<1x!tpu.dma_semaphore, #tpu.memory_space<semaphore_mem>> -> memref<!tpu.dma_semaphore, #tpu.memory_space<semaphore_mem>>
      tpu.enqueue_indirect_dma source(%dma_start3A_327 : memref<100x128xf32, #tpu.memory_space<vmem>>) target(%dma_start3A_333 : memref<10000x128xf32, #tpu.memory_space<vmem_shared>>) offsets(%dma_start3A_330 : memref<100xi32, #tpu.memory_space<vmem>>) semaphore(%dma_start3A_335 : memref<!tpu.dma_semaphore, #tpu.memory_space<semaphore_mem>>) {add = true}
      %dma_wait3A_336 = arith.constant 2 : i32
      %dma_wait3A_337 = arith.constant 0 : i32
      %dma_wait3A_338 = arith.constant 2 : i32
      %dma_wait3A_339 = arith.constant 0 : i32
      %dma_wait3A_340 = arith.constant 0 : i32
      %dma_wait3A_341 = tpu.memref_slice %arg11[%dma_wait3A_336, %dma_wait3A_339, %dma_wait3A_340] : memref<3x100x128xf32, #tpu.memory_space<vmem>> -> memref<1x100x128xf32, #tpu.memory_space<vmem>>
      %dma_wait3A_342 = tpu.memref_squeeze %dma_wait3A_341 : memref<1x100x128xf32, #tpu.memory_space<vmem>> -> memref<100x128xf32, #tpu.memory_space<vmem>>
      %dma_wait3A_343 = arith.constant 0 : i32
      %dma_wait3A_344 = tpu.memref_slice %arg9[%dma_wait3A_337, %dma_wait3A_343] : memref<5x100xi32, #tpu.memory_space<vmem>> -> memref<1x100xi32, #tpu.memory_space<vmem>>
      %dma_wait3A_345 = tpu.memref_squeeze %dma_wait3A_344 : memref<1x100xi32, #tpu.memory_space<vmem>> -> memref<100xi32, #tpu.memory_space<vmem>>
      %dma_wait3A_346 = arith.constant 0 : i32
      %dma_wait3A_347 = arith.constant 0 : i32
      %dma_wait3A_348 = tpu.memref_slice %arg12[%dma_wait3A_346, %dma_wait3A_347] : memref<10000x128xf32, #tpu.memory_space<vmem_shared>> -> memref<10000x128xf32, #tpu.memory_space<vmem_shared>>
      %dma_wait3A_349 = tpu.memref_slice %arg14[%dma_wait3A_338] : memref<3x!tpu.dma_semaphore, #tpu.memory_space<semaphore_mem>> -> memref<1x!tpu.dma_semaphore, #tpu.memory_space<semaphore_mem>>
      %dma_wait3A_350 = tpu.memref_squeeze %dma_wait3A_349 : memref<1x!tpu.dma_semaphore, #tpu.memory_space<semaphore_mem>> -> memref<!tpu.dma_semaphore, #tpu.memory_space<semaphore_mem>>
      tpu.wait_indirect_dma semaphore(%dma_wait3A_350 : memref<!tpu.dma_semaphore, #tpu.memory_space<semaphore_mem>>) src(%dma_wait3A_342 : memref<100x128xf32, #tpu.memory_space<vmem>>) dst(%dma_wait3A_348 : memref<10000x128xf32, #tpu.memory_space<vmem_shared>>)
      %dma_start3A_351 = arith.constant 0 : i32
      %dma_start3A_352 = arith.constant 2 : i32
      %dma_start3A_353 = arith.constant 2 : i32
      %dma_start3A_354 = arith.constant 0 : i32
      %dma_start3A_355 = arith.constant 0 : i32
      %dma_start3A_356 = tpu.memref_slice %arg11[%dma_start3A_352, %dma_start3A_354, %dma_start3A_355] : memref<3x100x128xf32, #tpu.memory_space<vmem>> -> memref<1x100x128xf32, #tpu.memory_space<vmem>>
      %dma_start3A_357 = tpu.memref_squeeze %dma_start3A_356 : memref<1x100x128xf32, #tpu.memory_space<vmem>> -> memref<100x128xf32, #tpu.memory_space<vmem>>
      %dma_start3A_358 = arith.constant 0 : i32
      %dma_start3A_359 = tpu.memref_slice %arg8[%dma_start3A_351, %dma_start3A_358] : memref<5x100xi32, #tpu.memory_space<vmem>> -> memref<1x100xi32, #tpu.memory_space<vmem>>
      %dma_start3A_360 = tpu.memref_squeeze %dma_start3A_359 : memref<1x100xi32, #tpu.memory_space<vmem>> -> memref<100xi32, #tpu.memory_space<vmem>>
      %dma_start3A_361 = arith.constant 0 : i32
      %dma_start3A_362 = arith.constant 0 : i32
      %dma_start3A_363 = tpu.memref_slice %arg2[%dma_start3A_361, %dma_start3A_362] : memref<20000x128xf32, #tpu.memory_space<hbm>> -> memref<20000x128xf32, #tpu.memory_space<hbm>>
      %dma_start3A_364 = tpu.memref_slice %arg13[%dma_start3A_353] : memref<3x!tpu.dma_semaphore, #tpu.memory_space<semaphore_mem>> -> memref<1x!tpu.dma_semaphore, #tpu.memory_space<semaphore_mem>>
      %dma_start3A_365 = tpu.memref_squeeze %dma_start3A_364 : memref<1x!tpu.dma_semaphore, #tpu.memory_space<semaphore_mem>> -> memref<!tpu.dma_semaphore, #tpu.memory_space<semaphore_mem>>
      tpu.enqueue_indirect_dma source(%dma_start3A_363 : memref<20000x128xf32, #tpu.memory_space<hbm>>) target(%dma_start3A_357 : memref<100x128xf32, #tpu.memory_space<vmem>>) offsets(%dma_start3A_360 : memref<100xi32, #tpu.memory_space<vmem>>) semaphore(%dma_start3A_365 : memref<!tpu.dma_semaphore, #tpu.memory_space<semaphore_mem>>)
      %dma_wait3A_366 = arith.constant 1 : i32
      %dma_wait3A_367 = arith.constant 0 : i32
      %dma_wait3A_368 = arith.constant 0 : i32
      %dma_wait3A_369 = tpu.memref_slice %arg3[%arg0, %add3A_89, %dma_wait3A_366, %dma_wait3A_367, %dma_wait3A_368] : memref<2x320x2x5x100xi32, #tpu.memory_space<hbm>> -> memref<1x1x1x5x100xi32, #tpu.memory_space<hbm>>
      %dma_wait3A_370 = tpu.memref_squeeze %dma_wait3A_369 : memref<1x1x1x5x100xi32, #tpu.memory_space<hbm>> -> memref<5x100xi32, #tpu.memory_space<hbm>>
      %dma_wait3A_371 = arith.constant 0 : i32
      %dma_wait3A_372 = arith.constant 0 : i32
      %dma_wait3A_373 = tpu.memref_slice %arg3[%arg0, %add3A_89, %dma_wait3A_366, %dma_wait3A_371, %dma_wait3A_372] : memref<2x320x2x5x100xi32, #tpu.memory_space<hbm>> -> memref<1x1x1x5x100xi32, #tpu.memory_space<hbm>>
      %dma_wait3A_374 = tpu.memref_squeeze %dma_wait3A_373 : memref<1x1x1x5x100xi32, #tpu.memory_space<hbm>> -> memref<5x100xi32, #tpu.memory_space<hbm>>
      tpu.wait_dma2 semaphore(%arg16 : memref<!tpu.dma_semaphore, #tpu.memory_space<semaphore_mem>>) src(%dma_wait3A_374 : memref<5x100xi32, #tpu.memory_space<hbm>>) dst(%arg8 : memref<5x100xi32, #tpu.memory_space<vmem>>)
      %dma_wait3A_375 = arith.constant 1 : i32
      %dma_wait3A_376 = arith.constant 0 : i32
      %dma_wait3A_377 = arith.constant 0 : i32
      %dma_wait3A_378 = tpu.memref_slice %arg4[%add3A_89, %dma_wait3A_375, %dma_wait3A_376, %dma_wait3A_377] : memref<320x2x5x100xi32, #tpu.memory_space<hbm>> -> memref<1x1x5x100xi32, #tpu.memory_space<hbm>>
      %dma_wait3A_379 = tpu.memref_squeeze %dma_wait3A_378 : memref<1x1x5x100xi32, #tpu.memory_space<hbm>> -> memref<5x100xi32, #tpu.memory_space<hbm>>
      %dma_wait3A_380 = arith.constant 0 : i32
      %dma_wait3A_381 = arith.constant 0 : i32
      %dma_wait3A_382 = tpu.memref_slice %arg4[%add3A_89, %dma_wait3A_375, %dma_wait3A_380, %dma_wait3A_381] : memref<320x2x5x100xi32, #tpu.memory_space<hbm>> -> memref<1x1x5x100xi32, #tpu.memory_space<hbm>>
      %dma_wait3A_383 = tpu.memref_squeeze %dma_wait3A_382 : memref<1x1x5x100xi32, #tpu.memory_space<hbm>> -> memref<5x100xi32, #tpu.memory_space<hbm>>
      tpu.wait_dma2 semaphore(%arg16 : memref<!tpu.dma_semaphore, #tpu.memory_space<semaphore_mem>>) src(%dma_wait3A_383 : memref<5x100xi32, #tpu.memory_space<hbm>>) dst(%arg10 : memref<5x100xi32, #tpu.memory_space<vmem>>)
      %dma_wait3A_384 = arith.constant 4 : i32
      %dma_wait3A_385 = arith.constant 1 : i32
      %dma_wait3A_386 = arith.constant 1 : i32
      %dma_wait3A_387 = arith.constant 0 : i32
      %dma_wait3A_388 = arith.constant 0 : i32
      %dma_wait3A_389 = tpu.memref_slice %arg11[%dma_wait3A_385, %dma_wait3A_387, %dma_wait3A_388] : memref<3x100x128xf32, #tpu.memory_space<vmem>> -> memref<1x100x128xf32, #tpu.memory_space<vmem>>
      %dma_wait3A_390 = tpu.memref_squeeze %dma_wait3A_389 : memref<1x100x128xf32, #tpu.memory_space<vmem>> -> memref<100x128xf32, #tpu.memory_space<vmem>>
      %dma_wait3A_391 = arith.constant 0 : i32
      %dma_wait3A_392 = tpu.memref_slice %arg7[%dma_wait3A_384, %dma_wait3A_391] : memref<5x100xi32, #tpu.memory_space<vmem>> -> memref<1x100xi32, #tpu.memory_space<vmem>>
      %dma_wait3A_393 = tpu.memref_squeeze %dma_wait3A_392 : memref<1x100xi32, #tpu.memory_space<vmem>> -> memref<100xi32, #tpu.memory_space<vmem>>
      %dma_wait3A_394 = arith.constant 0 : i32
      %dma_wait3A_395 = arith.constant 0 : i32
      %dma_wait3A_396 = tpu.memref_slice %arg2[%dma_wait3A_394, %dma_wait3A_395] : memref<20000x128xf32, #tpu.memory_space<hbm>> -> memref<20000x128xf32, #tpu.memory_space<hbm>>
      %dma_wait3A_397 = tpu.memref_slice %arg13[%dma_wait3A_386] : memref<3x!tpu.dma_semaphore, #tpu.memory_space<semaphore_mem>> -> memref<1x!tpu.dma_semaphore, #tpu.memory_space<semaphore_mem>>
      %dma_wait3A_398 = tpu.memref_squeeze %dma_wait3A_397 : memref<1x!tpu.dma_semaphore, #tpu.memory_space<semaphore_mem>> -> memref<!tpu.dma_semaphore, #tpu.memory_space<semaphore_mem>>
      tpu.wait_indirect_dma semaphore(%dma_wait3A_398 : memref<!tpu.dma_semaphore, #tpu.memory_space<semaphore_mem>>) src(%dma_wait3A_396 : memref<20000x128xf32, #tpu.memory_space<hbm>>) dst(%dma_wait3A_390 : memref<100x128xf32, #tpu.memory_space<vmem>>)
      %dma_start3A_399 = arith.constant 1 : i32
      %dma_start3A_400 = arith.constant 4 : i32
      %dma_start3A_401 = arith.constant 1 : i32
      %dma_start3A_402 = arith.constant 0 : i32
      %dma_start3A_403 = arith.constant 0 : i32
      %dma_start3A_404 = tpu.memref_slice %arg11[%dma_start3A_399, %dma_start3A_402, %dma_start3A_403] : memref<3x100x128xf32, #tpu.memory_space<vmem>> -> memref<1x100x128xf32, #tpu.memory_space<vmem>>
      %dma_start3A_405 = tpu.memref_squeeze %dma_start3A_404 : memref<1x100x128xf32, #tpu.memory_space<vmem>> -> memref<100x128xf32, #tpu.memory_space<vmem>>
      %dma_start3A_406 = arith.constant 0 : i32
      %dma_start3A_407 = tpu.memref_slice %arg9[%dma_start3A_400, %dma_start3A_406] : memref<5x100xi32, #tpu.memory_space<vmem>> -> memref<1x100xi32, #tpu.memory_space<vmem>>
      %dma_start3A_408 = tpu.memref_squeeze %dma_start3A_407 : memref<1x100xi32, #tpu.memory_space<vmem>> -> memref<100xi32, #tpu.memory_space<vmem>>
      %dma_start3A_409 = arith.constant 0 : i32
      %dma_start3A_410 = arith.constant 0 : i32
      %dma_start3A_411 = tpu.memref_slice %arg12[%dma_start3A_409, %dma_start3A_410] : memref<10000x128xf32, #tpu.memory_space<vmem_shared>> -> memref<10000x128xf32, #tpu.memory_space<vmem_shared>>
      %dma_start3A_412 = tpu.memref_slice %arg14[%dma_start3A_401] : memref<3x!tpu.dma_semaphore, #tpu.memory_space<semaphore_mem>> -> memref<1x!tpu.dma_semaphore, #tpu.memory_space<semaphore_mem>>
      %dma_start3A_413 = tpu.memref_squeeze %dma_start3A_412 : memref<1x!tpu.dma_semaphore, #tpu.memory_space<semaphore_mem>> -> memref<!tpu.dma_semaphore, #tpu.memory_space<semaphore_mem>>
      tpu.enqueue_indirect_dma source(%dma_start3A_405 : memref<100x128xf32, #tpu.memory_space<vmem>>) target(%dma_start3A_411 : memref<10000x128xf32, #tpu.memory_space<vmem_shared>>) offsets(%dma_start3A_408 : memref<100xi32, #tpu.memory_space<vmem>>) semaphore(%dma_start3A_413 : memref<!tpu.dma_semaphore, #tpu.memory_space<semaphore_mem>>) {add = true}
      %dma_wait3A_414 = arith.constant 0 : i32
      %dma_wait3A_415 = arith.constant 0 : i32
      %dma_wait3A_416 = arith.constant 0 : i32
      %dma_wait3A_417 = arith.constant 0 : i32
      %dma_wait3A_418 = arith.constant 0 : i32
      %dma_wait3A_419 = tpu.memref_slice %arg11[%dma_wait3A_414, %dma_wait3A_417, %dma_wait3A_418] : memref<3x100x128xf32, #tpu.memory_space<vmem>> -> memref<1x100x128xf32, #tpu.memory_space<vmem>>
      %dma_wait3A_420 = tpu.memref_squeeze %dma_wait3A_419 : memref<1x100x128xf32, #tpu.memory_space<vmem>> -> memref<100x128xf32, #tpu.memory_space<vmem>>
      %dma_wait3A_421 = arith.constant 0 : i32
      %dma_wait3A_422 = tpu.memref_slice %arg9[%dma_wait3A_415, %dma_wait3A_421] : memref<5x100xi32, #tpu.memory_space<vmem>> -> memref<1x100xi32, #tpu.memory_space<vmem>>
      %dma_wait3A_423 = tpu.memref_squeeze %dma_wait3A_422 : memref<1x100xi32, #tpu.memory_space<vmem>> -> memref<100xi32, #tpu.memory_space<vmem>>
      %dma_wait3A_424 = arith.constant 0 : i32
      %dma_wait3A_425 = arith.constant 0 : i32
      %dma_wait3A_426 = tpu.memref_slice %arg12[%dma_wait3A_424, %dma_wait3A_425] : memref<10000x128xf32, #tpu.memory_space<vmem_shared>> -> memref<10000x128xf32, #tpu.memory_space<vmem_shared>>
      %dma_wait3A_427 = tpu.memref_slice %arg14[%dma_wait3A_416] : memref<3x!tpu.dma_semaphore, #tpu.memory_space<semaphore_mem>> -> memref<1x!tpu.dma_semaphore, #tpu.memory_space<semaphore_mem>>
      %dma_wait3A_428 = tpu.memref_squeeze %dma_wait3A_427 : memref<1x!tpu.dma_semaphore, #tpu.memory_space<semaphore_mem>> -> memref<!tpu.dma_semaphore, #tpu.memory_space<semaphore_mem>>
      tpu.wait_indirect_dma semaphore(%dma_wait3A_428 : memref<!tpu.dma_semaphore, #tpu.memory_space<semaphore_mem>>) src(%dma_wait3A_420 : memref<100x128xf32, #tpu.memory_space<vmem>>) dst(%dma_wait3A_426 : memref<10000x128xf32, #tpu.memory_space<vmem_shared>>)
      %dma_start3A_429 = arith.constant 1 : i32
      %dma_start3A_430 = arith.constant 0 : i32
      %dma_start3A_431 = arith.constant 0 : i32
      %dma_start3A_432 = arith.constant 0 : i32
      %dma_start3A_433 = arith.constant 0 : i32
      %dma_start3A_434 = tpu.memref_slice %arg11[%dma_start3A_430, %dma_start3A_432, %dma_start3A_433] : memref<3x100x128xf32, #tpu.memory_space<vmem>> -> memref<1x100x128xf32, #tpu.memory_space<vmem>>
      %dma_start3A_435 = tpu.memref_squeeze %dma_start3A_434 : memref<1x100x128xf32, #tpu.memory_space<vmem>> -> memref<100x128xf32, #tpu.memory_space<vmem>>
      %dma_start3A_436 = arith.constant 0 : i32
      %dma_start3A_437 = tpu.memref_slice %arg8[%dma_start3A_429, %dma_start3A_436] : memref<5x100xi32, #tpu.memory_space<vmem>> -> memref<1x100xi32, #tpu.memory_space<vmem>>
      %dma_start3A_438 = tpu.memref_squeeze %dma_start3A_437 : memref<1x100xi32, #tpu.memory_space<vmem>> -> memref<100xi32, #tpu.memory_space<vmem>>
      %dma_start3A_439 = arith.constant 0 : i32
      %dma_start3A_440 = arith.constant 0 : i32
      %dma_start3A_441 = tpu.memref_slice %arg2[%dma_start3A_439, %dma_start3A_440] : memref<20000x128xf32, #tpu.memory_space<hbm>> -> memref<20000x128xf32, #tpu.memory_space<hbm>>
      %dma_start3A_442 = tpu.memref_slice %arg13[%dma_start3A_431] : memref<3x!tpu.dma_semaphore, #tpu.memory_space<semaphore_mem>> -> memref<1x!tpu.dma_semaphore, #tpu.memory_space<semaphore_mem>>
      %dma_start3A_443 = tpu.memref_squeeze %dma_start3A_442 : memref<1x!tpu.dma_semaphore, #tpu.memory_space<semaphore_mem>> -> memref<!tpu.dma_semaphore, #tpu.memory_space<semaphore_mem>>
      tpu.enqueue_indirect_dma source(%dma_start3A_441 : memref<20000x128xf32, #tpu.memory_space<hbm>>) target(%dma_start3A_435 : memref<100x128xf32, #tpu.memory_space<vmem>>) offsets(%dma_start3A_438 : memref<100xi32, #tpu.memory_space<vmem>>) semaphore(%dma_start3A_443 : memref<!tpu.dma_semaphore, #tpu.memory_space<semaphore_mem>>)
      %dma_wait3A_444 = arith.constant 0 : i32
      %dma_wait3A_445 = arith.constant 2 : i32
      %dma_wait3A_446 = arith.constant 2 : i32
      %dma_wait3A_447 = arith.constant 0 : i32
      %dma_wait3A_448 = arith.constant 0 : i32
      %dma_wait3A_449 = tpu.memref_slice %arg11[%dma_wait3A_445, %dma_wait3A_447, %dma_wait3A_448] : memref<3x100x128xf32, #tpu.memory_space<vmem>> -> memref<1x100x128xf32, #tpu.memory_space<vmem>>
      %dma_wait3A_450 = tpu.memref_squeeze %dma_wait3A_449 : memref<1x100x128xf32, #tpu.memory_space<vmem>> -> memref<100x128xf32, #tpu.memory_space<vmem>>
      %dma_wait3A_451 = arith.constant 0 : i32
      %dma_wait3A_452 = tpu.memref_slice %arg8[%dma_wait3A_444, %dma_wait3A_451] : memref<5x100xi32, #tpu.memory_space<vmem>> -> memref<1x100xi32, #tpu.memory_space<vmem>>
      %dma_wait3A_453 = tpu.memref_squeeze %dma_wait3A_452 : memref<1x100xi32, #tpu.memory_space<vmem>> -> memref<100xi32, #tpu.memory_space<vmem>>
      %dma_wait3A_454 = arith.constant 0 : i32
      %dma_wait3A_455 = arith.constant 0 : i32
      %dma_wait3A_456 = tpu.memref_slice %arg2[%dma_wait3A_454, %dma_wait3A_455] : memref<20000x128xf32, #tpu.memory_space<hbm>> -> memref<20000x128xf32, #tpu.memory_space<hbm>>
      %dma_wait3A_457 = tpu.memref_slice %arg13[%dma_wait3A_446] : memref<3x!tpu.dma_semaphore, #tpu.memory_space<semaphore_mem>> -> memref<1x!tpu.dma_semaphore, #tpu.memory_space<semaphore_mem>>
      %dma_wait3A_458 = tpu.memref_squeeze %dma_wait3A_457 : memref<1x!tpu.dma_semaphore, #tpu.memory_space<semaphore_mem>> -> memref<!tpu.dma_semaphore, #tpu.memory_space<semaphore_mem>>
      tpu.wait_indirect_dma semaphore(%dma_wait3A_458 : memref<!tpu.dma_semaphore, #tpu.memory_space<semaphore_mem>>) src(%dma_wait3A_456 : memref<20000x128xf32, #tpu.memory_space<hbm>>) dst(%dma_wait3A_450 : memref<100x128xf32, #tpu.memory_space<vmem>>)
      %dma_start3A_459 = arith.constant 2 : i32
      %dma_start3A_460 = arith.constant 0 : i32
      %dma_start3A_461 = arith.constant 2 : i32
      %dma_start3A_462 = arith.constant 0 : i32
      %dma_start3A_463 = arith.constant 0 : i32
      %dma_start3A_464 = tpu.memref_slice %arg11[%dma_start3A_459, %dma_start3A_462, %dma_start3A_463] : memref<3x100x128xf32, #tpu.memory_space<vmem>> -> memref<1x100x128xf32, #tpu.memory_space<vmem>>
      %dma_start3A_465 = tpu.memref_squeeze %dma_start3A_464 : memref<1x100x128xf32, #tpu.memory_space<vmem>> -> memref<100x128xf32, #tpu.memory_space<vmem>>
      %dma_start3A_466 = arith.constant 0 : i32
      %dma_start3A_467 = tpu.memref_slice %arg10[%dma_start3A_460, %dma_start3A_466] : memref<5x100xi32, #tpu.memory_space<vmem>> -> memref<1x100xi32, #tpu.memory_space<vmem>>
      %dma_start3A_468 = tpu.memref_squeeze %dma_start3A_467 : memref<1x100xi32, #tpu.memory_space<vmem>> -> memref<100xi32, #tpu.memory_space<vmem>>
      %dma_start3A_469 = arith.constant 0 : i32
      %dma_start3A_470 = arith.constant 0 : i32
      %dma_start3A_471 = tpu.memref_slice %arg12[%dma_start3A_469, %dma_start3A_470] : memref<10000x128xf32, #tpu.memory_space<vmem_shared>> -> memref<10000x128xf32, #tpu.memory_space<vmem_shared>>
      %dma_start3A_472 = tpu.memref_slice %arg14[%dma_start3A_461] : memref<3x!tpu.dma_semaphore, #tpu.memory_space<semaphore_mem>> -> memref<1x!tpu.dma_semaphore, #tpu.memory_space<semaphore_mem>>
      %dma_start3A_473 = tpu.memref_squeeze %dma_start3A_472 : memref<1x!tpu.dma_semaphore, #tpu.memory_space<semaphore_mem>> -> memref<!tpu.dma_semaphore, #tpu.memory_space<semaphore_mem>>
      tpu.enqueue_indirect_dma source(%dma_start3A_465 : memref<100x128xf32, #tpu.memory_space<vmem>>) target(%dma_start3A_471 : memref<10000x128xf32, #tpu.memory_space<vmem_shared>>) offsets(%dma_start3A_468 : memref<100xi32, #tpu.memory_space<vmem>>) semaphore(%dma_start3A_473 : memref<!tpu.dma_semaphore, #tpu.memory_space<semaphore_mem>>) {add = true}
      %dma_wait3A_474 = arith.constant 1 : i32
      %dma_wait3A_475 = arith.constant 0 : i32
      %dma_wait3A_476 = arith.constant 1 : i32
      %dma_wait3A_477 = arith.constant 0 : i32
      %dma_wait3A_478 = arith.constant 0 : i32
      %dma_wait3A_479 = tpu.memref_slice %arg11[%dma_wait3A_474, %dma_wait3A_477, %dma_wait3A_478] : memref<3x100x128xf32, #tpu.memory_space<vmem>> -> memref<1x100x128xf32, #tpu.memory_space<vmem>>
      %dma_wait3A_480 = tpu.memref_squeeze %dma_wait3A_479 : memref<1x100x128xf32, #tpu.memory_space<vmem>> -> memref<100x128xf32, #tpu.memory_space<vmem>>
      %dma_wait3A_481 = arith.constant 0 : i32
      %dma_wait3A_482 = tpu.memref_slice %arg9[%dma_wait3A_475, %dma_wait3A_481] : memref<5x100xi32, #tpu.memory_space<vmem>> -> memref<1x100xi32, #tpu.memory_space<vmem>>
      %dma_wait3A_483 = tpu.memref_squeeze %dma_wait3A_482 : memref<1x100xi32, #tpu.memory_space<vmem>> -> memref<100xi32, #tpu.memory_space<vmem>>
      %dma_wait3A_484 = arith.constant 0 : i32
      %dma_wait3A_485 = arith.constant 0 : i32
      %dma_wait3A_486 = tpu.memref_slice %arg12[%dma_wait3A_484, %dma_wait3A_485] : memref<10000x128xf32, #tpu.memory_space<vmem_shared>> -> memref<10000x128xf32, #tpu.memory_space<vmem_shared>>
      %dma_wait3A_487 = tpu.memref_slice %arg14[%dma_wait3A_476] : memref<3x!tpu.dma_semaphore, #tpu.memory_space<semaphore_mem>> -> memref<1x!tpu.dma_semaphore, #tpu.memory_space<semaphore_mem>>
      %dma_wait3A_488 = tpu.memref_squeeze %dma_wait3A_487 : memref<1x!tpu.dma_semaphore, #tpu.memory_space<semaphore_mem>> -> memref<!tpu.dma_semaphore, #tpu.memory_space<semaphore_mem>>
      tpu.wait_indirect_dma semaphore(%dma_wait3A_488 : memref<!tpu.dma_semaphore, #tpu.memory_space<semaphore_mem>>) src(%dma_wait3A_480 : memref<100x128xf32, #tpu.memory_space<vmem>>) dst(%dma_wait3A_486 : memref<10000x128xf32, #tpu.memory_space<vmem_shared>>)
      %dma_start3A_489 = arith.constant 2 : i32
      %dma_start3A_490 = arith.constant 1 : i32
      %dma_start3A_491 = arith.constant 1 : i32
      %dma_start3A_492 = arith.constant 0 : i32
      %dma_start3A_493 = arith.constant 0 : i32
      %dma_start3A_494 = tpu.memref_slice %arg11[%dma_start3A_490, %dma_start3A_492, %dma_start3A_493] : memref<3x100x128xf32, #tpu.memory_space<vmem>> -> memref<1x100x128xf32, #tpu.memory_space<vmem>>
      %dma_start3A_495 = tpu.memref_squeeze %dma_start3A_494 : memref<1x100x128xf32, #tpu.memory_space<vmem>> -> memref<100x128xf32, #tpu.memory_space<vmem>>
      %dma_start3A_496 = arith.constant 0 : i32
      %dma_start3A_497 = tpu.memref_slice %arg8[%dma_start3A_489, %dma_start3A_496] : memref<5x100xi32, #tpu.memory_space<vmem>> -> memref<1x100xi32, #tpu.memory_space<vmem>>
      %dma_start3A_498 = tpu.memref_squeeze %dma_start3A_497 : memref<1x100xi32, #tpu.memory_space<vmem>> -> memref<100xi32, #tpu.memory_space<vmem>>
      %dma_start3A_499 = arith.constant 0 : i32
      %dma_start3A_500 = arith.constant 0 : i32
      %dma_start3A_501 = tpu.memref_slice %arg2[%dma_start3A_499, %dma_start3A_500] : memref<20000x128xf32, #tpu.memory_space<hbm>> -> memref<20000x128xf32, #tpu.memory_space<hbm>>
      %dma_start3A_502 = tpu.memref_slice %arg13[%dma_start3A_491] : memref<3x!tpu.dma_semaphore, #tpu.memory_space<semaphore_mem>> -> memref<1x!tpu.dma_semaphore, #tpu.memory_space<semaphore_mem>>
      %dma_start3A_503 = tpu.memref_squeeze %dma_start3A_502 : memref<1x!tpu.dma_semaphore, #tpu.memory_space<semaphore_mem>> -> memref<!tpu.dma_semaphore, #tpu.memory_space<semaphore_mem>>
      tpu.enqueue_indirect_dma source(%dma_start3A_501 : memref<20000x128xf32, #tpu.memory_space<hbm>>) target(%dma_start3A_495 : memref<100x128xf32, #tpu.memory_space<vmem>>) offsets(%dma_start3A_498 : memref<100xi32, #tpu.memory_space<vmem>>) semaphore(%dma_start3A_503 : memref<!tpu.dma_semaphore, #tpu.memory_space<semaphore_mem>>)
      %dma_wait3A_504 = arith.constant 1 : i32
      %dma_wait3A_505 = arith.constant 0 : i32
      %dma_wait3A_506 = arith.constant 0 : i32
      %dma_wait3A_507 = arith.constant 0 : i32
      %dma_wait3A_508 = arith.constant 0 : i32
      %dma_wait3A_509 = tpu.memref_slice %arg11[%dma_wait3A_505, %dma_wait3A_507, %dma_wait3A_508] : memref<3x100x128xf32, #tpu.memory_space<vmem>> -> memref<1x100x128xf32, #tpu.memory_space<vmem>>
      %dma_wait3A_510 = tpu.memref_squeeze %dma_wait3A_509 : memref<1x100x128xf32, #tpu.memory_space<vmem>> -> memref<100x128xf32, #tpu.memory_space<vmem>>
      %dma_wait3A_511 = arith.constant 0 : i32
      %dma_wait3A_512 = tpu.memref_slice %arg8[%dma_wait3A_504, %dma_wait3A_511] : memref<5x100xi32, #tpu.memory_space<vmem>> -> memref<1x100xi32, #tpu.memory_space<vmem>>
      %dma_wait3A_513 = tpu.memref_squeeze %dma_wait3A_512 : memref<1x100xi32, #tpu.memory_space<vmem>> -> memref<100xi32, #tpu.memory_space<vmem>>
      %dma_wait3A_514 = arith.constant 0 : i32
      %dma_wait3A_515 = arith.constant 0 : i32
      %dma_wait3A_516 = tpu.memref_slice %arg2[%dma_wait3A_514, %dma_wait3A_515] : memref<20000x128xf32, #tpu.memory_space<hbm>> -> memref<20000x128xf32, #tpu.memory_space<hbm>>
      %dma_wait3A_517 = tpu.memref_slice %arg13[%dma_wait3A_506] : memref<3x!tpu.dma_semaphore, #tpu.memory_space<semaphore_mem>> -> memref<1x!tpu.dma_semaphore, #tpu.memory_space<semaphore_mem>>
      %dma_wait3A_518 = tpu.memref_squeeze %dma_wait3A_517 : memref<1x!tpu.dma_semaphore, #tpu.memory_space<semaphore_mem>> -> memref<!tpu.dma_semaphore, #tpu.memory_space<semaphore_mem>>
      tpu.wait_indirect_dma semaphore(%dma_wait3A_518 : memref<!tpu.dma_semaphore, #tpu.memory_space<semaphore_mem>>) src(%dma_wait3A_516 : memref<20000x128xf32, #tpu.memory_space<hbm>>) dst(%dma_wait3A_510 : memref<100x128xf32, #tpu.memory_space<vmem>>)
      %dma_start3A_519 = arith.constant 0 : i32
      %dma_start3A_520 = arith.constant 1 : i32
      %dma_start3A_521 = arith.constant 0 : i32
      %dma_start3A_522 = arith.constant 0 : i32
      %dma_start3A_523 = arith.constant 0 : i32
      %dma_start3A_524 = tpu.memref_slice %arg11[%dma_start3A_519, %dma_start3A_522, %dma_start3A_523] : memref<3x100x128xf32, #tpu.memory_space<vmem>> -> memref<1x100x128xf32, #tpu.memory_space<vmem>>
      %dma_start3A_525 = tpu.memref_squeeze %dma_start3A_524 : memref<1x100x128xf32, #tpu.memory_space<vmem>> -> memref<100x128xf32, #tpu.memory_space<vmem>>
      %dma_start3A_526 = arith.constant 0 : i32
      %dma_start3A_527 = tpu.memref_slice %arg10[%dma_start3A_520, %dma_start3A_526] : memref<5x100xi32, #tpu.memory_space<vmem>> -> memref<1x100xi32, #tpu.memory_space<vmem>>
      %dma_start3A_528 = tpu.memref_squeeze %dma_start3A_527 : memref<1x100xi32, #tpu.memory_space<vmem>> -> memref<100xi32, #tpu.memory_space<vmem>>
      %dma_start3A_529 = arith.constant 0 : i32
      %dma_start3A_530 = arith.constant 0 : i32
      %dma_start3A_531 = tpu.memref_slice %arg12[%dma_start3A_529, %dma_start3A_530] : memref<10000x128xf32, #tpu.memory_space<vmem_shared>> -> memref<10000x128xf32, #tpu.memory_space<vmem_shared>>
      %dma_start3A_532 = tpu.memref_slice %arg14[%dma_start3A_521] : memref<3x!tpu.dma_semaphore, #tpu.memory_space<semaphore_mem>> -> memref<1x!tpu.dma_semaphore, #tpu.memory_space<semaphore_mem>>
      %dma_start3A_533 = tpu.memref_squeeze %dma_start3A_532 : memref<1x!tpu.dma_semaphore, #tpu.memory_space<semaphore_mem>> -> memref<!tpu.dma_semaphore, #tpu.memory_space<semaphore_mem>>
      tpu.enqueue_indirect_dma source(%dma_start3A_525 : memref<100x128xf32, #tpu.memory_space<vmem>>) target(%dma_start3A_531 : memref<10000x128xf32, #tpu.memory_space<vmem_shared>>) offsets(%dma_start3A_528 : memref<100xi32, #tpu.memory_space<vmem>>) semaphore(%dma_start3A_533 : memref<!tpu.dma_semaphore, #tpu.memory_space<semaphore_mem>>) {add = true}
      %dma_wait3A_534 = arith.constant 2 : i32
      %dma_wait3A_535 = arith.constant 0 : i32
      %dma_wait3A_536 = arith.constant 2 : i32
      %dma_wait3A_537 = arith.constant 0 : i32
      %dma_wait3A_538 = arith.constant 0 : i32
      %dma_wait3A_539 = tpu.memref_slice %arg11[%dma_wait3A_534, %dma_wait3A_537, %dma_wait3A_538] : memref<3x100x128xf32, #tpu.memory_space<vmem>> -> memref<1x100x128xf32, #tpu.memory_space<vmem>>
      %dma_wait3A_540 = tpu.memref_squeeze %dma_wait3A_539 : memref<1x100x128xf32, #tpu.memory_space<vmem>> -> memref<100x128xf32, #tpu.memory_space<vmem>>
      %dma_wait3A_541 = arith.constant 0 : i32
      %dma_wait3A_542 = tpu.memref_slice %arg9[%dma_wait3A_535, %dma_wait3A_541] : memref<5x100xi32, #tpu.memory_space<vmem>> -> memref<1x100xi32, #tpu.memory_space<vmem>>
      %dma_wait3A_543 = tpu.memref_squeeze %dma_wait3A_542 : memref<1x100xi32, #tpu.memory_space<vmem>> -> memref<100xi32, #tpu.memory_space<vmem>>
      %dma_wait3A_544 = arith.constant 0 : i32
      %dma_wait3A_545 = arith.constant 0 : i32
      %dma_wait3A_546 = tpu.memref_slice %arg12[%dma_wait3A_544, %dma_wait3A_545] : memref<10000x128xf32, #tpu.memory_space<vmem_shared>> -> memref<10000x128xf32, #tpu.memory_space<vmem_shared>>
      %dma_wait3A_547 = tpu.memref_slice %arg14[%dma_wait3A_536] : memref<3x!tpu.dma_semaphore, #tpu.memory_space<semaphore_mem>> -> memref<1x!tpu.dma_semaphore, #tpu.memory_space<semaphore_mem>>
      %dma_wait3A_548 = tpu.memref_squeeze %dma_wait3A_547 : memref<1x!tpu.dma_semaphore, #tpu.memory_space<semaphore_mem>> -> memref<!tpu.dma_semaphore, #tpu.memory_space<semaphore_mem>>
      tpu.wait_indirect_dma semaphore(%dma_wait3A_548 : memref<!tpu.dma_semaphore, #tpu.memory_space<semaphore_mem>>) src(%dma_wait3A_540 : memref<100x128xf32, #tpu.memory_space<vmem>>) dst(%dma_wait3A_546 : memref<10000x128xf32, #tpu.memory_space<vmem_shared>>)
      %dma_start3A_549 = arith.constant 3 : i32
      %dma_start3A_550 = arith.constant 2 : i32
      %dma_start3A_551 = arith.constant 2 : i32
      %dma_start3A_552 = arith.constant 0 : i32
      %dma_start3A_553 = arith.constant 0 : i32
      %dma_start3A_554 = tpu.memref_slice %arg11[%dma_start3A_550, %dma_start3A_552, %dma_start3A_553] : memref<3x100x128xf32, #tpu.memory_space<vmem>> -> memref<1x100x128xf32, #tpu.memory_space<vmem>>
      %dma_start3A_555 = tpu.memref_squeeze %dma_start3A_554 : memref<1x100x128xf32, #tpu.memory_space<vmem>> -> memref<100x128xf32, #tpu.memory_space<vmem>>
      %dma_start3A_556 = arith.constant 0 : i32
      %dma_start3A_557 = tpu.memref_slice %arg8[%dma_start3A_549, %dma_start3A_556] : memref<5x100xi32, #tpu.memory_space<vmem>> -> memref<1x100xi32, #tpu.memory_space<vmem>>
      %dma_start3A_558 = tpu.memref_squeeze %dma_start3A_557 : memref<1x100xi32, #tpu.memory_space<vmem>> -> memref<100xi32, #tpu.memory_space<vmem>>
      %dma_start3A_559 = arith.constant 0 : i32
      %dma_start3A_560 = arith.constant 0 : i32
      %dma_start3A_561 = tpu.memref_slice %arg2[%dma_start3A_559, %dma_start3A_560] : memref<20000x128xf32, #tpu.memory_space<hbm>> -> memref<20000x128xf32, #tpu.memory_space<hbm>>
      %dma_start3A_562 = tpu.memref_slice %arg13[%dma_start3A_551] : memref<3x!tpu.dma_semaphore, #tpu.memory_space<semaphore_mem>> -> memref<1x!tpu.dma_semaphore, #tpu.memory_space<semaphore_mem>>
      %dma_start3A_563 = tpu.memref_squeeze %dma_start3A_562 : memref<1x!tpu.dma_semaphore, #tpu.memory_space<semaphore_mem>> -> memref<!tpu.dma_semaphore, #tpu.memory_space<semaphore_mem>>
      tpu.enqueue_indirect_dma source(%dma_start3A_561 : memref<20000x128xf32, #tpu.memory_space<hbm>>) target(%dma_start3A_555 : memref<100x128xf32, #tpu.memory_space<vmem>>) offsets(%dma_start3A_558 : memref<100xi32, #tpu.memory_space<vmem>>) semaphore(%dma_start3A_563 : memref<!tpu.dma_semaphore, #tpu.memory_space<semaphore_mem>>)
      %add3A_564 = arith.constant 1 : i32
      %add3A_565 = arith.addi %add3A_89, %add3A_564 : i32
      %min3A = arith.constant 319 : i32
      %min3A_566 = arith.minsi %add3A_565, %min3A : i32
      %dma_start3A_567 = arith.constant 0 : i32
      %dma_start3A_568 = arith.constant 0 : i32
      %dma_start3A_569 = arith.constant 0 : i32
      %dma_start3A_570 = tpu.memref_slice %arg3[%arg0, %min3A_566, %dma_start3A_567, %dma_start3A_568, %dma_start3A_569] : memref<2x320x2x5x100xi32, #tpu.memory_space<hbm>> -> memref<1x1x1x5x100xi32, #tpu.memory_space<hbm>>
      %dma_start3A_571 = tpu.memref_squeeze %dma_start3A_570 : memref<1x1x1x5x100xi32, #tpu.memory_space<hbm>> -> memref<5x100xi32, #tpu.memory_space<hbm>>
      %dma_start3A_572 = arith.constant 0 : i32
      %dma_start3A_573 = arith.constant 0 : i32
      %dma_start3A_574 = tpu.memref_slice %arg3[%arg0, %min3A_566, %dma_start3A_567, %dma_start3A_572, %dma_start3A_573] : memref<2x320x2x5x100xi32, #tpu.memory_space<hbm>> -> memref<1x1x1x5x100xi32, #tpu.memory_space<hbm>>
      %dma_start3A_575 = tpu.memref_squeeze %dma_start3A_574 : memref<1x1x1x5x100xi32, #tpu.memory_space<hbm>> -> memref<5x100xi32, #tpu.memory_space<hbm>>
      tpu.enqueue_dma source(%dma_start3A_575 : memref<5x100xi32, #tpu.memory_space<hbm>>) target(%arg7 : memref<5x100xi32, #tpu.memory_space<vmem>>) target_semaphore(%arg15 : memref<!tpu.dma_semaphore, #tpu.memory_space<semaphore_mem>>)
      %dma_start3A_576 = arith.constant 0 : i32
      %dma_start3A_577 = arith.constant 0 : i32
      %dma_start3A_578 = arith.constant 0 : i32
      %dma_start3A_579 = tpu.memref_slice %arg4[%min3A_566, %dma_start3A_576, %dma_start3A_577, %dma_start3A_578] : memref<320x2x5x100xi32, #tpu.memory_space<hbm>> -> memref<1x1x5x100xi32, #tpu.memory_space<hbm>>
      %dma_start3A_580 = tpu.memref_squeeze %dma_start3A_579 : memref<1x1x5x100xi32, #tpu.memory_space<hbm>> -> memref<5x100xi32, #tpu.memory_space<hbm>>
      %dma_start3A_581 = arith.constant 0 : i32
      %dma_start3A_582 = arith.constant 0 : i32
      %dma_start3A_583 = tpu.memref_slice %arg4[%min3A_566, %dma_start3A_576, %dma_start3A_581, %dma_start3A_582] : memref<320x2x5x100xi32, #tpu.memory_space<hbm>> -> memref<1x1x5x100xi32, #tpu.memory_space<hbm>>
      %dma_start3A_584 = tpu.memref_squeeze %dma_start3A_583 : memref<1x1x5x100xi32, #tpu.memory_space<hbm>> -> memref<5x100xi32, #tpu.memory_space<hbm>>
      tpu.enqueue_dma source(%dma_start3A_584 : memref<5x100xi32, #tpu.memory_space<hbm>>) target(%arg9 : memref<5x100xi32, #tpu.memory_space<vmem>>) target_semaphore(%arg15 : memref<!tpu.dma_semaphore, #tpu.memory_space<semaphore_mem>>)
      %dma_wait3A_585 = arith.constant 2 : i32
      %dma_wait3A_586 = arith.constant 1 : i32
      %dma_wait3A_587 = arith.constant 1 : i32
      %dma_wait3A_588 = arith.constant 0 : i32
      %dma_wait3A_589 = arith.constant 0 : i32
      %dma_wait3A_590 = tpu.memref_slice %arg11[%dma_wait3A_586, %dma_wait3A_588, %dma_wait3A_589] : memref<3x100x128xf32, #tpu.memory_space<vmem>> -> memref<1x100x128xf32, #tpu.memory_space<vmem>>
      %dma_wait3A_591 = tpu.memref_squeeze %dma_wait3A_590 : memref<1x100x128xf32, #tpu.memory_space<vmem>> -> memref<100x128xf32, #tpu.memory_space<vmem>>
      %dma_wait3A_592 = arith.constant 0 : i32
      %dma_wait3A_593 = tpu.memref_slice %arg8[%dma_wait3A_585, %dma_wait3A_592] : memref<5x100xi32, #tpu.memory_space<vmem>> -> memref<1x100xi32, #tpu.memory_space<vmem>>
      %dma_wait3A_594 = tpu.memref_squeeze %dma_wait3A_593 : memref<1x100xi32, #tpu.memory_space<vmem>> -> memref<100xi32, #tpu.memory_space<vmem>>
      %dma_wait3A_595 = arith.constant 0 : i32
      %dma_wait3A_596 = arith.constant 0 : i32
      %dma_wait3A_597 = tpu.memref_slice %arg2[%dma_wait3A_595, %dma_wait3A_596] : memref<20000x128xf32, #tpu.memory_space<hbm>> -> memref<20000x128xf32, #tpu.memory_space<hbm>>
      %dma_wait3A_598 = tpu.memref_slice %arg13[%dma_wait3A_587] : memref<3x!tpu.dma_semaphore, #tpu.memory_space<semaphore_mem>> -> memref<1x!tpu.dma_semaphore, #tpu.memory_space<semaphore_mem>>
      %dma_wait3A_599 = tpu.memref_squeeze %dma_wait3A_598 : memref<1x!tpu.dma_semaphore, #tpu.memory_space<semaphore_mem>> -> memref<!tpu.dma_semaphore, #tpu.memory_space<semaphore_mem>>
      tpu.wait_indirect_dma semaphore(%dma_wait3A_599 : memref<!tpu.dma_semaphore, #tpu.memory_space<semaphore_mem>>) src(%dma_wait3A_597 : memref<20000x128xf32, #tpu.memory_space<hbm>>) dst(%dma_wait3A_591 : memref<100x128xf32, #tpu.memory_space<vmem>>)
      %dma_start3A_600 = arith.constant 1 : i32
      %dma_start3A_601 = arith.constant 2 : i32
      %dma_start3A_602 = arith.constant 1 : i32
      %dma_start3A_603 = arith.constant 0 : i32
      %dma_start3A_604 = arith.constant 0 : i32
      %dma_start3A_605 = tpu.memref_slice %arg11[%dma_start3A_600, %dma_start3A_603, %dma_start3A_604] : memref<3x100x128xf32, #tpu.memory_space<vmem>> -> memref<1x100x128xf32, #tpu.memory_space<vmem>>
      %dma_start3A_606 = tpu.memref_squeeze %dma_start3A_605 : memref<1x100x128xf32, #tpu.memory_space<vmem>> -> memref<100x128xf32, #tpu.memory_space<vmem>>
      %dma_start3A_607 = arith.constant 0 : i32
      %dma_start3A_608 = tpu.memref_slice %arg10[%dma_start3A_601, %dma_start3A_607] : memref<5x100xi32, #tpu.memory_space<vmem>> -> memref<1x100xi32, #tpu.memory_space<vmem>>
      %dma_start3A_609 = tpu.memref_squeeze %dma_start3A_608 : memref<1x100xi32, #tpu.memory_space<vmem>> -> memref<100xi32, #tpu.memory_space<vmem>>
      %dma_start3A_610 = arith.constant 0 : i32
      %dma_start3A_611 = arith.constant 0 : i32
      %dma_start3A_612 = tpu.memref_slice %arg12[%dma_start3A_610, %dma_start3A_611] : memref<10000x128xf32, #tpu.memory_space<vmem_shared>> -> memref<10000x128xf32, #tpu.memory_space<vmem_shared>>
      %dma_start3A_613 = tpu.memref_slice %arg14[%dma_start3A_602] : memref<3x!tpu.dma_semaphore, #tpu.memory_space<semaphore_mem>> -> memref<1x!tpu.dma_semaphore, #tpu.memory_space<semaphore_mem>>
      %dma_start3A_614 = tpu.memref_squeeze %dma_start3A_613 : memref<1x!tpu.dma_semaphore, #tpu.memory_space<semaphore_mem>> -> memref<!tpu.dma_semaphore, #tpu.memory_space<semaphore_mem>>
      tpu.enqueue_indirect_dma source(%dma_start3A_606 : memref<100x128xf32, #tpu.memory_space<vmem>>) target(%dma_start3A_612 : memref<10000x128xf32, #tpu.memory_space<vmem_shared>>) offsets(%dma_start3A_609 : memref<100xi32, #tpu.memory_space<vmem>>) semaphore(%dma_start3A_614 : memref<!tpu.dma_semaphore, #tpu.memory_space<semaphore_mem>>) {add = true}
      %dma_wait3A_615 = arith.constant 0 : i32
      %dma_wait3A_616 = arith.constant 0 : i32
      %dma_wait3A_617 = arith.constant 0 : i32
      %dma_wait3A_618 = arith.constant 0 : i32
      %dma_wait3A_619 = arith.constant 0 : i32
      %dma_wait3A_620 = tpu.memref_slice %arg11[%dma_wait3A_615, %dma_wait3A_618, %dma_wait3A_619] : memref<3x100x128xf32, #tpu.memory_space<vmem>> -> memref<1x100x128xf32, #tpu.memory_space<vmem>>
      %dma_wait3A_621 = tpu.memref_squeeze %dma_wait3A_620 : memref<1x100x128xf32, #tpu.memory_space<vmem>> -> memref<100x128xf32, #tpu.memory_space<vmem>>
      %dma_wait3A_622 = arith.constant 0 : i32
      %dma_wait3A_623 = tpu.memref_slice %arg9[%dma_wait3A_616, %dma_wait3A_622] : memref<5x100xi32, #tpu.memory_space<vmem>> -> memref<1x100xi32, #tpu.memory_space<vmem>>
      %dma_wait3A_624 = tpu.memref_squeeze %dma_wait3A_623 : memref<1x100xi32, #tpu.memory_space<vmem>> -> memref<100xi32, #tpu.memory_space<vmem>>
      %dma_wait3A_625 = arith.constant 0 : i32
      %dma_wait3A_626 = arith.constant 0 : i32
      %dma_wait3A_627 = tpu.memref_slice %arg12[%dma_wait3A_625, %dma_wait3A_626] : memref<10000x128xf32, #tpu.memory_space<vmem_shared>> -> memref<10000x128xf32, #tpu.memory_space<vmem_shared>>
      %dma_wait3A_628 = tpu.memref_slice %arg14[%dma_wait3A_617] : memref<3x!tpu.dma_semaphore, #tpu.memory_space<semaphore_mem>> -> memref<1x!tpu.dma_semaphore, #tpu.memory_space<semaphore_mem>>
      %dma_wait3A_629 = tpu.memref_squeeze %dma_wait3A_628 : memref<1x!tpu.dma_semaphore, #tpu.memory_space<semaphore_mem>> -> memref<!tpu.dma_semaphore, #tpu.memory_space<semaphore_mem>>
      tpu.wait_indirect_dma semaphore(%dma_wait3A_629 : memref<!tpu.dma_semaphore, #tpu.memory_space<semaphore_mem>>) src(%dma_wait3A_621 : memref<100x128xf32, #tpu.memory_space<vmem>>) dst(%dma_wait3A_627 : memref<10000x128xf32, #tpu.memory_space<vmem_shared>>)
      %dma_start3A_630 = arith.constant 4 : i32
      %dma_start3A_631 = arith.constant 0 : i32
      %dma_start3A_632 = arith.constant 0 : i32
      %dma_start3A_633 = arith.constant 0 : i32
      %dma_start3A_634 = arith.constant 0 : i32
      %dma_start3A_635 = tpu.memref_slice %arg11[%dma_start3A_631, %dma_start3A_633, %dma_start3A_634] : memref<3x100x128xf32, #tpu.memory_space<vmem>> -> memref<1x100x128xf32, #tpu.memory_space<vmem>>
      %dma_start3A_636 = tpu.memref_squeeze %dma_start3A_635 : memref<1x100x128xf32, #tpu.memory_space<vmem>> -> memref<100x128xf32, #tpu.memory_space<vmem>>
      %dma_start3A_637 = arith.constant 0 : i32
      %dma_start3A_638 = tpu.memref_slice %arg8[%dma_start3A_630, %dma_start3A_637] : memref<5x100xi32, #tpu.memory_space<vmem>> -> memref<1x100xi32, #tpu.memory_space<vmem>>
      %dma_start3A_639 = tpu.memref_squeeze %dma_start3A_638 : memref<1x100xi32, #tpu.memory_space<vmem>> -> memref<100xi32, #tpu.memory_space<vmem>>
      %dma_start3A_640 = arith.constant 0 : i32
      %dma_start3A_641 = arith.constant 0 : i32
      %dma_start3A_642 = tpu.memref_slice %arg2[%dma_start3A_640, %dma_start3A_641] : memref<20000x128xf32, #tpu.memory_space<hbm>> -> memref<20000x128xf32, #tpu.memory_space<hbm>>
      %dma_start3A_643 = tpu.memref_slice %arg13[%dma_start3A_632] : memref<3x!tpu.dma_semaphore, #tpu.memory_space<semaphore_mem>> -> memref<1x!tpu.dma_semaphore, #tpu.memory_space<semaphore_mem>>
      %dma_start3A_644 = tpu.memref_squeeze %dma_start3A_643 : memref<1x!tpu.dma_semaphore, #tpu.memory_space<semaphore_mem>> -> memref<!tpu.dma_semaphore, #tpu.memory_space<semaphore_mem>>
      tpu.enqueue_indirect_dma source(%dma_start3A_642 : memref<20000x128xf32, #tpu.memory_space<hbm>>) target(%dma_start3A_636 : memref<100x128xf32, #tpu.memory_space<vmem>>) offsets(%dma_start3A_639 : memref<100xi32, #tpu.memory_space<vmem>>) semaphore(%dma_start3A_644 : memref<!tpu.dma_semaphore, #tpu.memory_space<semaphore_mem>>)
      %dma_wait3A_645 = arith.constant 3 : i32
      %dma_wait3A_646 = arith.constant 2 : i32
      %dma_wait3A_647 = arith.constant 2 : i32
      %dma_wait3A_648 = arith.constant 0 : i32
      %dma_wait3A_649 = arith.constant 0 : i32
      %dma_wait3A_650 = tpu.memref_slice %arg11[%dma_wait3A_646, %dma_wait3A_648, %dma_wait3A_649] : memref<3x100x128xf32, #tpu.memory_space<vmem>> -> memref<1x100x128xf32, #tpu.memory_space<vmem>>
      %dma_wait3A_651 = tpu.memref_squeeze %dma_wait3A_650 : memref<1x100x128xf32, #tpu.memory_space<vmem>> -> memref<100x128xf32, #tpu.memory_space<vmem>>
      %dma_wait3A_652 = arith.constant 0 : i32
      %dma_wait3A_653 = tpu.memref_slice %arg8[%dma_wait3A_645, %dma_wait3A_652] : memref<5x100xi32, #tpu.memory_space<vmem>> -> memref<1x100xi32, #tpu.memory_space<vmem>>
      %dma_wait3A_654 = tpu.memref_squeeze %dma_wait3A_653 : memref<1x100xi32, #tpu.memory_space<vmem>> -> memref<100xi32, #tpu.memory_space<vmem>>
      %dma_wait3A_655 = arith.constant 0 : i32
      %dma_wait3A_656 = arith.constant 0 : i32
      %dma_wait3A_657 = tpu.memref_slice %arg2[%dma_wait3A_655, %dma_wait3A_656] : memref<20000x128xf32, #tpu.memory_space<hbm>> -> memref<20000x128xf32, #tpu.memory_space<hbm>>
      %dma_wait3A_658 = tpu.memref_slice %arg13[%dma_wait3A_647] : memref<3x!tpu.dma_semaphore, #tpu.memory_space<semaphore_mem>> -> memref<1x!tpu.dma_semaphore, #tpu.memory_space<semaphore_mem>>
      %dma_wait3A_659 = tpu.memref_squeeze %dma_wait3A_658 : memref<1x!tpu.dma_semaphore, #tpu.memory_space<semaphore_mem>> -> memref<!tpu.dma_semaphore, #tpu.memory_space<semaphore_mem>>
      tpu.wait_indirect_dma semaphore(%dma_wait3A_659 : memref<!tpu.dma_semaphore, #tpu.memory_space<semaphore_mem>>) src(%dma_wait3A_657 : memref<20000x128xf32, #tpu.memory_space<hbm>>) dst(%dma_wait3A_651 : memref<100x128xf32, #tpu.memory_space<vmem>>)
      %dma_start3A_660 = arith.constant 2 : i32
      %dma_start3A_661 = arith.constant 3 : i32
      %dma_start3A_662 = arith.constant 2 : i32
      %dma_start3A_663 = arith.constant 0 : i32
      %dma_start3A_664 = arith.constant 0 : i32
      %dma_start3A_665 = tpu.memref_slice %arg11[%dma_start3A_660, %dma_start3A_663, %dma_start3A_664] : memref<3x100x128xf32, #tpu.memory_space<vmem>> -> memref<1x100x128xf32, #tpu.memory_space<vmem>>
      %dma_start3A_666 = tpu.memref_squeeze %dma_start3A_665 : memref<1x100x128xf32, #tpu.memory_space<vmem>> -> memref<100x128xf32, #tpu.memory_space<vmem>>
      %dma_start3A_667 = arith.constant 0 : i32
      %dma_start3A_668 = tpu.memref_slice %arg10[%dma_start3A_661, %dma_start3A_667] : memref<5x100xi32, #tpu.memory_space<vmem>> -> memref<1x100xi32, #tpu.memory_space<vmem>>
      %dma_start3A_669 = tpu.memref_squeeze %dma_start3A_668 : memref<1x100xi32, #tpu.memory_space<vmem>> -> memref<100xi32, #tpu.memory_space<vmem>>
      %dma_start3A_670 = arith.constant 0 : i32
      %dma_start3A_671 = arith.constant 0 : i32
      %dma_start3A_672 = tpu.memref_slice %arg12[%dma_start3A_670, %dma_start3A_671] : memref<10000x128xf32, #tpu.memory_space<vmem_shared>> -> memref<10000x128xf32, #tpu.memory_space<vmem_shared>>
      %dma_start3A_673 = tpu.memref_slice %arg14[%dma_start3A_662] : memref<3x!tpu.dma_semaphore, #tpu.memory_space<semaphore_mem>> -> memref<1x!tpu.dma_semaphore, #tpu.memory_space<semaphore_mem>>
      %dma_start3A_674 = tpu.memref_squeeze %dma_start3A_673 : memref<1x!tpu.dma_semaphore, #tpu.memory_space<semaphore_mem>> -> memref<!tpu.dma_semaphore, #tpu.memory_space<semaphore_mem>>
      tpu.enqueue_indirect_dma source(%dma_start3A_666 : memref<100x128xf32, #tpu.memory_space<vmem>>) target(%dma_start3A_672 : memref<10000x128xf32, #tpu.memory_space<vmem_shared>>) offsets(%dma_start3A_669 : memref<100xi32, #tpu.memory_space<vmem>>) semaphore(%dma_start3A_674 : memref<!tpu.dma_semaphore, #tpu.memory_space<semaphore_mem>>) {add = true}
      %dma_wait3A_675 = arith.constant 4 : i32
      %dma_wait3A_676 = arith.constant 0 : i32
      %dma_wait3A_677 = arith.constant 0 : i32
      %dma_wait3A_678 = arith.constant 0 : i32
      %dma_wait3A_679 = arith.constant 0 : i32
      %dma_wait3A_680 = tpu.memref_slice %arg11[%dma_wait3A_676, %dma_wait3A_678, %dma_wait3A_679] : memref<3x100x128xf32, #tpu.memory_space<vmem>> -> memref<1x100x128xf32, #tpu.memory_space<vmem>>
      %dma_wait3A_681 = tpu.memref_squeeze %dma_wait3A_680 : memref<1x100x128xf32, #tpu.memory_space<vmem>> -> memref<100x128xf32, #tpu.memory_space<vmem>>
      %dma_wait3A_682 = arith.constant 0 : i32
      %dma_wait3A_683 = tpu.memref_slice %arg8[%dma_wait3A_675, %dma_wait3A_682] : memref<5x100xi32, #tpu.memory_space<vmem>> -> memref<1x100xi32, #tpu.memory_space<vmem>>
      %dma_wait3A_684 = tpu.memref_squeeze %dma_wait3A_683 : memref<1x100xi32, #tpu.memory_space<vmem>> -> memref<100xi32, #tpu.memory_space<vmem>>
      %dma_wait3A_685 = arith.constant 0 : i32
      %dma_wait3A_686 = arith.constant 0 : i32
      %dma_wait3A_687 = tpu.memref_slice %arg2[%dma_wait3A_685, %dma_wait3A_686] : memref<20000x128xf32, #tpu.memory_space<hbm>> -> memref<20000x128xf32, #tpu.memory_space<hbm>>
      %dma_wait3A_688 = tpu.memref_slice %arg13[%dma_wait3A_677] : memref<3x!tpu.dma_semaphore, #tpu.memory_space<semaphore_mem>> -> memref<1x!tpu.dma_semaphore, #tpu.memory_space<semaphore_mem>>
      %dma_wait3A_689 = tpu.memref_squeeze %dma_wait3A_688 : memref<1x!tpu.dma_semaphore, #tpu.memory_space<semaphore_mem>> -> memref<!tpu.dma_semaphore, #tpu.memory_space<semaphore_mem>>
      tpu.wait_indirect_dma semaphore(%dma_wait3A_689 : memref<!tpu.dma_semaphore, #tpu.memory_space<semaphore_mem>>) src(%dma_wait3A_687 : memref<20000x128xf32, #tpu.memory_space<hbm>>) dst(%dma_wait3A_681 : memref<100x128xf32, #tpu.memory_space<vmem>>)
      %dma_start3A_690 = arith.constant 0 : i32
      %dma_start3A_691 = arith.constant 4 : i32
      %dma_start3A_692 = arith.constant 0 : i32
      %dma_start3A_693 = arith.constant 0 : i32
      %dma_start3A_694 = arith.constant 0 : i32
      %dma_start3A_695 = tpu.memref_slice %arg11[%dma_start3A_690, %dma_start3A_693, %dma_start3A_694] : memref<3x100x128xf32, #tpu.memory_space<vmem>> -> memref<1x100x128xf32, #tpu.memory_space<vmem>>
      %dma_start3A_696 = tpu.memref_squeeze %dma_start3A_695 : memref<1x100x128xf32, #tpu.memory_space<vmem>> -> memref<100x128xf32, #tpu.memory_space<vmem>>
      %dma_start3A_697 = arith.constant 0 : i32
      %dma_start3A_698 = tpu.memref_slice %arg10[%dma_start3A_691, %dma_start3A_697] : memref<5x100xi32, #tpu.memory_space<vmem>> -> memref<1x100xi32, #tpu.memory_space<vmem>>
      %dma_start3A_699 = tpu.memref_squeeze %dma_start3A_698 : memref<1x100xi32, #tpu.memory_space<vmem>> -> memref<100xi32, #tpu.memory_space<vmem>>
      %dma_start3A_700 = arith.constant 0 : i32
      %dma_start3A_701 = arith.constant 0 : i32
      %dma_start3A_702 = tpu.memref_slice %arg12[%dma_start3A_700, %dma_start3A_701] : memref<10000x128xf32, #tpu.memory_space<vmem_shared>> -> memref<10000x128xf32, #tpu.memory_space<vmem_shared>>
      %dma_start3A_703 = tpu.memref_slice %arg14[%dma_start3A_692] : memref<3x!tpu.dma_semaphore, #tpu.memory_space<semaphore_mem>> -> memref<1x!tpu.dma_semaphore, #tpu.memory_space<semaphore_mem>>
      %dma_start3A_704 = tpu.memref_squeeze %dma_start3A_703 : memref<1x!tpu.dma_semaphore, #tpu.memory_space<semaphore_mem>> -> memref<!tpu.dma_semaphore, #tpu.memory_space<semaphore_mem>>
      tpu.enqueue_indirect_dma source(%dma_start3A_696 : memref<100x128xf32, #tpu.memory_space<vmem>>) target(%dma_start3A_702 : memref<10000x128xf32, #tpu.memory_space<vmem_shared>>) offsets(%dma_start3A_699 : memref<100xi32, #tpu.memory_space<vmem>>) semaphore(%dma_start3A_704 : memref<!tpu.dma_semaphore, #tpu.memory_space<semaphore_mem>>) {add = true}
    }
    %scan3A_11 = arith.constant 20 : i32
    %dma_wait3A = arith.constant 1 : i32
    %dma_wait3A_12 = arith.constant 0 : i32
    %dma_wait3A_13 = arith.constant 1 : i32
    %dma_wait3A_14 = arith.constant 0 : i32
    %dma_wait3A_15 = arith.constant 0 : i32
    %dma_wait3A_16 = tpu.memref_slice %arg11[%dma_wait3A, %dma_wait3A_14, %dma_wait3A_15] : memref<3x100x128xf32, #tpu.memory_space<vmem>> -> memref<1x100x128xf32, #tpu.memory_space<vmem>>
    %dma_wait3A_17 = tpu.memref_squeeze %dma_wait3A_16 : memref<1x100x128xf32, #tpu.memory_space<vmem>> -> memref<100x128xf32, #tpu.memory_space<vmem>>
    %dma_wait3A_18 = arith.constant 0 : i32
    %dma_wait3A_19 = tpu.memref_slice %arg9[%dma_wait3A_12, %dma_wait3A_18] : memref<5x100xi32, #tpu.memory_space<vmem>> -> memref<1x100xi32, #tpu.memory_space<vmem>>
    %dma_wait3A_20 = tpu.memref_squeeze %dma_wait3A_19 : memref<1x100xi32, #tpu.memory_space<vmem>> -> memref<100xi32, #tpu.memory_space<vmem>>
    %dma_wait3A_21 = arith.constant 0 : i32
    %dma_wait3A_22 = arith.constant 0 : i32
    %dma_wait3A_23 = tpu.memref_slice %arg12[%dma_wait3A_21, %dma_wait3A_22] : memref<10000x128xf32, #tpu.memory_space<vmem_shared>> -> memref<10000x128xf32, #tpu.memory_space<vmem_shared>>
    %dma_wait3A_24 = tpu.memref_slice %arg14[%dma_wait3A_13] : memref<3x!tpu.dma_semaphore, #tpu.memory_space<semaphore_mem>> -> memref<1x!tpu.dma_semaphore, #tpu.memory_space<semaphore_mem>>
    %dma_wait3A_25 = tpu.memref_squeeze %dma_wait3A_24 : memref<1x!tpu.dma_semaphore, #tpu.memory_space<semaphore_mem>> -> memref<!tpu.dma_semaphore, #tpu.memory_space<semaphore_mem>>
    tpu.wait_indirect_dma semaphore(%dma_wait3A_25 : memref<!tpu.dma_semaphore, #tpu.memory_space<semaphore_mem>>) src(%dma_wait3A_17 : memref<100x128xf32, #tpu.memory_space<vmem>>) dst(%dma_wait3A_23 : memref<10000x128xf32, #tpu.memory_space<vmem_shared>>)
    %dma_wait3A_26 = arith.constant 2 : i32
    %dma_wait3A_27 = arith.constant 0 : i32
    %dma_wait3A_28 = arith.constant 2 : i32
    %dma_wait3A_29 = arith.constant 0 : i32
    %dma_wait3A_30 = arith.constant 0 : i32
    %dma_wait3A_31 = tpu.memref_slice %arg11[%dma_wait3A_26, %dma_wait3A_29, %dma_wait3A_30] : memref<3x100x128xf32, #tpu.memory_space<vmem>> -> memref<1x100x128xf32, #tpu.memory_space<vmem>>
    %dma_wait3A_32 = tpu.memref_squeeze %dma_wait3A_31 : memref<1x100x128xf32, #tpu.memory_space<vmem>> -> memref<100x128xf32, #tpu.memory_space<vmem>>
    %dma_wait3A_33 = arith.constant 0 : i32
    %dma_wait3A_34 = tpu.memref_slice %arg9[%dma_wait3A_27, %dma_wait3A_33] : memref<5x100xi32, #tpu.memory_space<vmem>> -> memref<1x100xi32, #tpu.memory_space<vmem>>
    %dma_wait3A_35 = tpu.memref_squeeze %dma_wait3A_34 : memref<1x100xi32, #tpu.memory_space<vmem>> -> memref<100xi32, #tpu.memory_space<vmem>>
    %dma_wait3A_36 = arith.constant 0 : i32
    %dma_wait3A_37 = arith.constant 0 : i32
    %dma_wait3A_38 = tpu.memref_slice %arg12[%dma_wait3A_36, %dma_wait3A_37] : memref<10000x128xf32, #tpu.memory_space<vmem_shared>> -> memref<10000x128xf32, #tpu.memory_space<vmem_shared>>
    %dma_wait3A_39 = tpu.memref_slice %arg14[%dma_wait3A_28] : memref<3x!tpu.dma_semaphore, #tpu.memory_space<semaphore_mem>> -> memref<1x!tpu.dma_semaphore, #tpu.memory_space<semaphore_mem>>
    %dma_wait3A_40 = tpu.memref_squeeze %dma_wait3A_39 : memref<1x!tpu.dma_semaphore, #tpu.memory_space<semaphore_mem>> -> memref<!tpu.dma_semaphore, #tpu.memory_space<semaphore_mem>>
    tpu.wait_indirect_dma semaphore(%dma_wait3A_40 : memref<!tpu.dma_semaphore, #tpu.memory_space<semaphore_mem>>) src(%dma_wait3A_32 : memref<100x128xf32, #tpu.memory_space<vmem>>) dst(%dma_wait3A_38 : memref<10000x128xf32, #tpu.memory_space<vmem_shared>>)
    %dma_wait3A_41 = arith.constant 0 : i32
    %dma_wait3A_42 = arith.constant 0 : i32
    %dma_wait3A_43 = arith.constant 0 : i32
    %dma_wait3A_44 = arith.constant 0 : i32
    %dma_wait3A_45 = arith.constant 0 : i32
    %dma_wait3A_46 = tpu.memref_slice %arg11[%dma_wait3A_41, %dma_wait3A_44, %dma_wait3A_45] : memref<3x100x128xf32, #tpu.memory_space<vmem>> -> memref<1x100x128xf32, #tpu.memory_space<vmem>>
    %dma_wait3A_47 = tpu.memref_squeeze %dma_wait3A_46 : memref<1x100x128xf32, #tpu.memory_space<vmem>> -> memref<100x128xf32, #tpu.memory_space<vmem>>
    %dma_wait3A_48 = arith.constant 0 : i32
    %dma_wait3A_49 = tpu.memref_slice %arg9[%dma_wait3A_42, %dma_wait3A_48] : memref<5x100xi32, #tpu.memory_space<vmem>> -> memref<1x100xi32, #tpu.memory_space<vmem>>
    %dma_wait3A_50 = tpu.memref_squeeze %dma_wait3A_49 : memref<1x100xi32, #tpu.memory_space<vmem>> -> memref<100xi32, #tpu.memory_space<vmem>>
    %dma_wait3A_51 = arith.constant 0 : i32
    %dma_wait3A_52 = arith.constant 0 : i32
    %dma_wait3A_53 = tpu.memref_slice %arg12[%dma_wait3A_51, %dma_wait3A_52] : memref<10000x128xf32, #tpu.memory_space<vmem_shared>> -> memref<10000x128xf32, #tpu.memory_space<vmem_shared>>
    %dma_wait3A_54 = tpu.memref_slice %arg14[%dma_wait3A_43] : memref<3x!tpu.dma_semaphore, #tpu.memory_space<semaphore_mem>> -> memref<1x!tpu.dma_semaphore, #tpu.memory_space<semaphore_mem>>
    %dma_wait3A_55 = tpu.memref_squeeze %dma_wait3A_54 : memref<1x!tpu.dma_semaphore, #tpu.memory_space<semaphore_mem>> -> memref<!tpu.dma_semaphore, #tpu.memory_space<semaphore_mem>>
    tpu.wait_indirect_dma semaphore(%dma_wait3A_55 : memref<!tpu.dma_semaphore, #tpu.memory_space<semaphore_mem>>) src(%dma_wait3A_47 : memref<100x128xf32, #tpu.memory_space<vmem>>) dst(%dma_wait3A_53 : memref<10000x128xf32, #tpu.memory_space<vmem_shared>>)
    %dma_wait3A_56 = arith.constant 0 : i32
    %dma_wait3A_57 = arith.constant 0 : i32
    %dma_wait3A_58 = arith.constant 0 : i32
    %dma_wait3A_59 = tpu.memref_slice %arg3[%arg0, %mul3A_0, %dma_wait3A_56, %dma_wait3A_57, %dma_wait3A_58] : memref<2x320x2x5x100xi32, #tpu.memory_space<hbm>> -> memref<1x1x1x5x100xi32, #tpu.memory_space<hbm>>
    %dma_wait3A_60 = tpu.memref_squeeze %dma_wait3A_59 : memref<1x1x1x5x100xi32, #tpu.memory_space<hbm>> -> memref<5x100xi32, #tpu.memory_space<hbm>>
    %dma_wait3A_61 = arith.constant 0 : i32
    %dma_wait3A_62 = arith.constant 0 : i32
    %dma_wait3A_63 = tpu.memref_slice %arg3[%arg0, %mul3A_0, %dma_wait3A_56, %dma_wait3A_61, %dma_wait3A_62] : memref<2x320x2x5x100xi32, #tpu.memory_space<hbm>> -> memref<1x1x1x5x100xi32, #tpu.memory_space<hbm>>
    %dma_wait3A_64 = tpu.memref_squeeze %dma_wait3A_63 : memref<1x1x1x5x100xi32, #tpu.memory_space<hbm>> -> memref<5x100xi32, #tpu.memory_space<hbm>>
    tpu.wait_dma2 semaphore(%arg15 : memref<!tpu.dma_semaphore, #tpu.memory_space<semaphore_mem>>) src(%dma_wait3A_64 : memref<5x100xi32, #tpu.memory_space<hbm>>) dst(%arg7 : memref<5x100xi32, #tpu.memory_space<vmem>>)
    %dma_wait3A_65 = arith.constant 0 : i32
    %dma_wait3A_66 = arith.constant 0 : i32
    %dma_wait3A_67 = arith.constant 0 : i32
    %dma_wait3A_68 = tpu.memref_slice %arg4[%mul3A_0, %dma_wait3A_65, %dma_wait3A_66, %dma_wait3A_67] : memref<320x2x5x100xi32, #tpu.memory_space<hbm>> -> memref<1x1x5x100xi32, #tpu.memory_space<hbm>>
    %dma_wait3A_69 = tpu.memref_squeeze %dma_wait3A_68 : memref<1x1x5x100xi32, #tpu.memory_space<hbm>> -> memref<5x100xi32, #tpu.memory_space<hbm>>
    %dma_wait3A_70 = arith.constant 0 : i32
    %dma_wait3A_71 = arith.constant 0 : i32
    %dma_wait3A_72 = tpu.memref_slice %arg4[%mul3A_0, %dma_wait3A_65, %dma_wait3A_70, %dma_wait3A_71] : memref<320x2x5x100xi32, #tpu.memory_space<hbm>> -> memref<1x1x5x100xi32, #tpu.memory_space<hbm>>
    %dma_wait3A_73 = tpu.memref_squeeze %dma_wait3A_72 : memref<1x1x5x100xi32, #tpu.memory_space<hbm>> -> memref<5x100xi32, #tpu.memory_space<hbm>>
    tpu.wait_dma2 semaphore(%arg15 : memref<!tpu.dma_semaphore, #tpu.memory_space<semaphore_mem>>) src(%dma_wait3A_73 : memref<5x100xi32, #tpu.memory_space<hbm>>) dst(%arg9 : memref<5x100xi32, #tpu.memory_space<vmem>>)
    %barrier3A_74 = arith.constant 0 : index
    tpu.barrier barrier_id(%barrier3A_74)
    %lt3A_75 = arith.constant 15 : i32
    %lt3A_76 = arith.cmpi slt, %arg1, %lt3A_75 : i32
    %convert_element_type3A_77 = arith.extui %lt3A_76 : i1 to i32
    %cond3A_78 = arith.constant 0 : i32
    %cond3A_79 = arith.cmpi ne, %convert_element_type3A_77, %cond3A_78 : i32
    scf.if %cond3A_79 {
      %mul3A_85 = arith.constant 632 : i32
      %mul3A_86 = arith.muli %arg1, %mul3A_85 : i32
      %mul3A_87 = arith.constant 128 : i32
      %mul3A_88 = arith.muli %arg0, %mul3A_87 : i32
      "tpu.region"() ({
        %run_scoped3A_89 = tpu.sem_alloc : memref<!tpu.dma_semaphore, #tpu.memory_space<semaphore_mem>>
        %dma_start3A = tpu.memref_slice %arg6[%mul3A_86, %mul3A_88] : memref<10000x256xf32, #tpu.memory_space<hbm>> -> memref<632x128xf32, #tpu.memory_space<hbm>>
        %dma_start3A_90 = arith.constant 0 : i32
        %dma_start3A_91 = tpu.memref_slice %arg12[%mul3A_86, %dma_start3A_90] : memref<10000x128xf32, #tpu.memory_space<vmem_shared>> -> memref<632x128xf32, #tpu.memory_space<vmem_shared>>
        tpu.enqueue_dma source(%dma_start3A_91 : memref<632x128xf32, #tpu.memory_space<vmem_shared>>) target(%dma_start3A : memref<632x128xf32, #tpu.memory_space<hbm>>) target_semaphore(%run_scoped3A_89 : memref<!tpu.dma_semaphore, #tpu.memory_space<semaphore_mem>>)
        %dma_wait3A_92 = tpu.memref_slice %arg6[%mul3A_86, %mul3A_88] : memref<10000x256xf32, #tpu.memory_space<hbm>> -> memref<632x128xf32, #tpu.memory_space<hbm>>
        %dma_wait3A_93 = arith.constant 0 : i32
        %dma_wait3A_94 = tpu.memref_slice %arg12[%mul3A_86, %dma_wait3A_93] : memref<10000x128xf32, #tpu.memory_space<vmem_shared>> -> memref<632x128xf32, #tpu.memory_space<vmem_shared>>
        tpu.wait_dma2 semaphore(%run_scoped3A_89 : memref<!tpu.dma_semaphore, #tpu.memory_space<semaphore_mem>>) src(%dma_wait3A_94 : memref<632x128xf32, #tpu.memory_space<vmem_shared>>) dst(%dma_wait3A_92 : memref<632x128xf32, #tpu.memory_space<hbm>>)
        tpu.yield
      }) : () -> ()
    } else {
    }
    %eq3A_80 = arith.constant 15 : i32
    %eq3A_81 = arith.cmpi eq, %arg1, %eq3A_80 : i32
    %convert_element_type3A_82 = arith.extui %eq3A_81 : i1 to i32
    %cond3A_83 = arith.constant 0 : i32
    %cond3A_84 = arith.cmpi ne, %convert_element_type3A_82, %cond3A_83 : i32
    scf.if %cond3A_84 {
      %mul3A_85 = arith.constant 128 : i32
      %mul3A_86 = arith.muli %arg0, %mul3A_85 : i32
      "tpu.region"() ({
        %run_scoped3A_87 = tpu.sem_alloc : memref<!tpu.dma_semaphore, #tpu.memory_space<semaphore_mem>>
        %dma_start3A = arith.constant 9480 : i32
        %dma_start3A_88 = tpu.memref_slice %arg6[%dma_start3A, %mul3A_86] : memref<10000x256xf32, #tpu.memory_space<hbm>> -> memref<520x128xf32, #tpu.memory_space<hbm>>
        %dma_start3A_89 = arith.constant 9480 : i32
        %dma_start3A_90 = arith.constant 0 : i32
        %dma_start3A_91 = tpu.memref_slice %arg12[%dma_start3A_89, %dma_start3A_90] : memref<10000x128xf32, #tpu.memory_space<vmem_shared>> -> memref<520x128xf32, #tpu.memory_space<vmem_shared>>
        tpu.enqueue_dma source(%dma_start3A_91 : memref<520x128xf32, #tpu.memory_space<vmem_shared>>) target(%dma_start3A_88 : memref<520x128xf32, #tpu.memory_space<hbm>>) target_semaphore(%run_scoped3A_87 : memref<!tpu.dma_semaphore, #tpu.memory_space<semaphore_mem>>)
        %dma_wait3A_92 = arith.constant 9480 : i32
        %dma_wait3A_93 = tpu.memref_slice %arg6[%dma_wait3A_92, %mul3A_86] : memref<10000x256xf32, #tpu.memory_space<hbm>> -> memref<520x128xf32, #tpu.memory_space<hbm>>
        %dma_wait3A_94 = arith.constant 9480 : i32
        %dma_wait3A_95 = arith.constant 0 : i32
        %dma_wait3A_96 = tpu.memref_slice %arg12[%dma_wait3A_94, %dma_wait3A_95] : memref<10000x128xf32, #tpu.memory_space<vmem_shared>> -> memref<520x128xf32, #tpu.memory_space<vmem_shared>>
        tpu.wait_dma2 semaphore(%run_scoped3A_87 : memref<!tpu.dma_semaphore, #tpu.memory_space<semaphore_mem>>) src(%dma_wait3A_96 : memref<520x128xf32, #tpu.memory_space<vmem_shared>>) dst(%dma_wait3A_93 : memref<520x128xf32, #tpu.memory_space<hbm>>)
        tpu.yield
      }) : () -> ()
    } else {
    }
    return
  }
}

#map = affine_map<(d0, d1) -> (0, 0)>
#map1 = affine_map<(d0, d1) -> (0, 0, 0, 0, 0)>
#map2 = affine_map<(d0, d1) -> (0, 0, 0, 0)>
module attributes {stable_mosaic.version = 14 : i64} {
  func.func @body(%arg0: i32, %arg1: i32, %arg2: memref<20000x128xf32, #tpu.memory_space<hbm>>, %arg3: memref<2x320x2x5x100xi32, #tpu.memory_space<hbm>>, %arg4: memref<320x2x5x100xi32, #tpu.memory_space<hbm>>, %arg5: memref<10000x128xf32, #tpu.memory_space<hbm>>, %arg6: memref<10000x256xf32, #tpu.memory_space<hbm>>, %arg7: memref<5x100xi32, #tpu.memory_space<vmem>>, %arg8: memref<5x100xi32, #tpu.memory_space<vmem>>, %arg9: memref<5x100xi32, #tpu.memory_space<vmem>>, %arg10: memref<5x100xi32, #tpu.memory_space<vmem>>, %arg11: memref<3x100x128xf32, #tpu.memory_space<vmem>>, %arg12: memref<10000x128xf32, #tpu.memory_space<vmem_shared>>, %arg13: memref<3x!tpu.dma_semaphore, #tpu.memory_space<semaphore_mem>>, %arg14: memref<3x!tpu.dma_semaphore, #tpu.memory_space<semaphore_mem>>, %arg15: memref<!tpu.dma_semaphore, #tpu.memory_space<semaphore_mem>>, %arg16: memref<!tpu.dma_semaphore, #tpu.memory_space<semaphore_mem>>) attributes {dimension_semantics = [#tpu.dimension_semantics<core_parallel>, #tpu.dimension_semantics<subcore_parallel>], iteration_bounds = array<i64: 2, 16>, scalar_prefetch = 0 : i64, scratch_operands = 10 : i64, tpu.core_type = #tpu.core_type<sc_vector_subcore>, window_params = [{transform_indices = #map}, {transform_indices = #map1}, {transform_indices = #map2}, {transform_indices = #map}, {transform_indices = #map}]} {
    %mul3A = arith.constant 20 : i32
    %mul3A_0 = arith.muli %arg1, %mul3A : i32
    %lt3A = arith.constant 15 : i32
    %lt3A_1 = arith.cmpi slt, %arg1, %lt3A : i32
    %convert_element_type3A = arith.extui %lt3A_1 : i1 to i32
    %cond3A = arith.constant 0 : i32
    %cond3A_2 = arith.cmpi ne, %convert_element_type3A, %cond3A : i32
    scf.if %cond3A_2 {
      %mul3A_85 = arith.constant 632 : i32
      %mul3A_86 = arith.muli %arg1, %mul3A_85 : i32
      "tpu.region"() ({
        %run_scoped3A_87 = tpu.sem_alloc : memref<!tpu.dma_semaphore, #tpu.memory_space<semaphore_mem>>
        %dma_start3A = arith.constant 0 : i32
        %dma_start3A_88 = tpu.memref_slice %arg12[%mul3A_86, %dma_start3A] : memref<10000x128xf32, #tpu.memory_space<vmem_shared>> -> memref<632x128xf32, #tpu.memory_space<vmem_shared>>
        %dma_start3A_89 = arith.constant 0 : i32
        %dma_start3A_90 = tpu.memref_slice %arg5[%mul3A_86, %dma_start3A_89] : memref<10000x128xf32, #tpu.memory_space<hbm>> -> memref<632x128xf32, #tpu.memory_space<hbm>>
        tpu.enqueue_dma source(%dma_start3A_90 : memref<632x128xf32, #tpu.memory_space<hbm>>) target(%dma_start3A_88 : memref<632x128xf32, #tpu.memory_space<vmem_shared>>) target_semaphore(%run_scoped3A_87 : memref<!tpu.dma_semaphore, #tpu.memory_space<semaphore_mem>>)
        %dma_wait3A_91 = arith.constant 0 : i32
        %dma_wait3A_92 = tpu.memref_slice %arg12[%mul3A_86, %dma_wait3A_91] : memref<10000x128xf32, #tpu.memory_space<vmem_shared>> -> memref<632x128xf32, #tpu.memory_space<vmem_shared>>
        %dma_wait3A_93 = arith.constant 0 : i32
        %dma_wait3A_94 = tpu.memref_slice %arg5[%mul3A_86, %dma_wait3A_93] : memref<10000x128xf32, #tpu.memory_space<hbm>> -> memref<632x128xf32, #tpu.memory_space<hbm>>
        tpu.wait_dma2 semaphore(%run_scoped3A_87 : memref<!tpu.dma_semaphore, #tpu.memory_space<semaphore_mem>>) src(%dma_wait3A_94 : memref<632x128xf32, #tpu.memory_space<hbm>>) dst(%dma_wait3A_92 : memref<632x128xf32, #tpu.memory_space<vmem_shared>>)
        tpu.yield
      }) : () -> ()
    } else {
    }
    %eq3A = arith.constant 15 : i32
    %eq3A_3 = arith.cmpi eq, %arg1, %eq3A : i32
    %convert_element_type3A_4 = arith.extui %eq3A_3 : i1 to i32
    %cond3A_5 = arith.constant 0 : i32
    %cond3A_6 = arith.cmpi ne, %convert_element_type3A_4, %cond3A_5 : i32
    scf.if %cond3A_6 {
      "tpu.region"() ({
        %run_scoped3A_85 = tpu.sem_alloc : memref<!tpu.dma_semaphore, #tpu.memory_space<semaphore_mem>>
        %dma_start3A = arith.constant 9480 : i32
        %dma_start3A_86 = arith.constant 0 : i32
        %dma_start3A_87 = tpu.memref_slice %arg12[%dma_start3A, %dma_start3A_86] : memref<10000x128xf32, #tpu.memory_space<vmem_shared>> -> memref<520x128xf32, #tpu.memory_space<vmem_shared>>
        %dma_start3A_88 = arith.constant 9480 : i32
        %dma_start3A_89 = arith.constant 0 : i32
        %dma_start3A_90 = tpu.memref_slice %arg5[%dma_start3A_88, %dma_start3A_89] : memref<10000x128xf32, #tpu.memory_space<hbm>> -> memref<520x128xf32, #tpu.memory_space<hbm>>
        tpu.enqueue_dma source(%dma_start3A_90 : memref<520x128xf32, #tpu.memory_space<hbm>>) target(%dma_start3A_87 : memref<520x128xf32, #tpu.memory_space<vmem_shared>>) target_semaphore(%run_scoped3A_85 : memref<!tpu.dma_semaphore, #tpu.memory_space<semaphore_mem>>)
        %dma_wait3A_91 = arith.constant 9480 : i32
        %dma_wait3A_92 = arith.constant 0 : i32
        %dma_wait3A_93 = tpu.memref_slice %arg12[%dma_wait3A_91, %dma_wait3A_92] : memref<10000x128xf32, #tpu.memory_space<vmem_shared>> -> memref<520x128xf32, #tpu.memory_space<vmem_shared>>
        %dma_wait3A_94 = arith.constant 9480 : i32
        %dma_wait3A_95 = arith.constant 0 : i32
        %dma_wait3A_96 = tpu.memref_slice %arg5[%dma_wait3A_94, %dma_wait3A_95] : memref<10000x128xf32, #tpu.memory_space<hbm>> -> memref<520x128xf32, #tpu.memory_space<hbm>>
        tpu.wait_dma2 semaphore(%run_scoped3A_85 : memref<!tpu.dma_semaphore, #tpu.memory_space<semaphore_mem>>) src(%dma_wait3A_96 : memref<520x128xf32, #tpu.memory_space<hbm>>) dst(%dma_wait3A_93 : memref<520x128xf32, #tpu.memory_space<vmem_shared>>)
        tpu.yield
      }) : () -> ()
    } else {
    }
    %barrier3A = arith.constant 0 : index
    tpu.barrier barrier_id(%barrier3A)
    %run_scoped3A = arith.constant 0 : i32
    "tpu.region"() ({
      %run_scoped3A_85 = tpu.sem_alloc : memref<!tpu.dma_semaphore, #tpu.memory_space<semaphore_mem>>
      %dma_start3A = arith.constant 0 : i32
      %dma_start3A_86 = arith.constant 0 : i32
      %dma_start3A_87 = tpu.memref_slice %arg3[%arg0, %mul3A_0, %run_scoped3A, %dma_start3A, %dma_start3A_86] : memref<2x320x2x5x100xi32, #tpu.memory_space<hbm>> -> memref<1x1x1x5x100xi32, #tpu.memory_space<hbm>>
      %dma_start3A_88 = tpu.memref_squeeze %dma_start3A_87 : memref<1x1x1x5x100xi32, #tpu.memory_space<hbm>> -> memref<5x100xi32, #tpu.memory_space<hbm>>
      %dma_start3A_89 = arith.constant 0 : i32
      %dma_start3A_90 = arith.constant 0 : i32
      %dma_start3A_91 = tpu.memref_slice %arg3[%arg0, %mul3A_0, %run_scoped3A, %dma_start3A_89, %dma_start3A_90] : memref<2x320x2x5x100xi32, #tpu.memory_space<hbm>> -> memref<1x1x1x5x100xi32, #tpu.memory_space<hbm>>
      %dma_start3A_92 = tpu.memref_squeeze %dma_start3A_91 : memref<1x1x1x5x100xi32, #tpu.memory_space<hbm>> -> memref<5x100xi32, #tpu.memory_space<hbm>>
      tpu.enqueue_dma source(%dma_start3A_92 : memref<5x100xi32, #tpu.memory_space<hbm>>) target(%arg7 : memref<5x100xi32, #tpu.memory_space<vmem>>) target_semaphore(%run_scoped3A_85 : memref<!tpu.dma_semaphore, #tpu.memory_space<semaphore_mem>>)
      %dma_wait3A_93 = arith.constant 0 : i32
      %dma_wait3A_94 = arith.constant 0 : i32
      %dma_wait3A_95 = tpu.memref_slice %arg3[%arg0, %mul3A_0, %run_scoped3A, %dma_wait3A_93, %dma_wait3A_94] : memref<2x320x2x5x100xi32, #tpu.memory_space<hbm>> -> memref<1x1x1x5x100xi32, #tpu.memory_space<hbm>>
      %dma_wait3A_96 = tpu.memref_squeeze %dma_wait3A_95 : memref<1x1x1x5x100xi32, #tpu.memory_space<hbm>> -> memref<5x100xi32, #tpu.memory_space<hbm>>
      %dma_wait3A_97 = arith.constant 0 : i32
      %dma_wait3A_98 = arith.constant 0 : i32
      %dma_wait3A_99 = tpu.memref_slice %arg3[%arg0, %mul3A_0, %run_scoped3A, %dma_wait3A_97, %dma_wait3A_98] : memref<2x320x2x5x100xi32, #tpu.memory_space<hbm>> -> memref<1x1x1x5x100xi32, #tpu.memory_space<hbm>>
      %dma_wait3A_100 = tpu.memref_squeeze %dma_wait3A_99 : memref<1x1x1x5x100xi32, #tpu.memory_space<hbm>> -> memref<5x100xi32, #tpu.memory_space<hbm>>
      tpu.wait_dma2 semaphore(%run_scoped3A_85 : memref<!tpu.dma_semaphore, #tpu.memory_space<semaphore_mem>>) src(%dma_wait3A_100 : memref<5x100xi32, #tpu.memory_space<hbm>>) dst(%arg7 : memref<5x100xi32, #tpu.memory_space<vmem>>)
      tpu.yield
    }) : () -> ()
    %run_scoped3A_7 = arith.constant 0 : i32
    "tpu.region"() ({
      %run_scoped3A_85 = tpu.sem_alloc : memref<!tpu.dma_semaphore, #tpu.memory_space<semaphore_mem>>
      %dma_start3A = arith.constant 0 : i32
      %dma_start3A_86 = arith.constant 0 : i32
      %dma_start3A_87 = tpu.memref_slice %arg4[%mul3A_0, %run_scoped3A_7, %dma_start3A, %dma_start3A_86] : memref<320x2x5x100xi32, #tpu.memory_space<hbm>> -> memref<1x1x5x100xi32, #tpu.memory_space<hbm>>
      %dma_start3A_88 = tpu.memref_squeeze %dma_start3A_87 : memref<1x1x5x100xi32, #tpu.memory_space<hbm>> -> memref<5x100xi32, #tpu.memory_space<hbm>>
      %dma_start3A_89 = arith.constant 0 : i32
      %dma_start3A_90 = arith.constant 0 : i32
      %dma_start3A_91 = tpu.memref_slice %arg4[%mul3A_0, %run_scoped3A_7, %dma_start3A_89, %dma_start3A_90] : memref<320x2x5x100xi32, #tpu.memory_space<hbm>> -> memref<1x1x5x100xi32, #tpu.memory_space<hbm>>
      %dma_start3A_92 = tpu.memref_squeeze %dma_start3A_91 : memref<1x1x5x100xi32, #tpu.memory_space<hbm>> -> memref<5x100xi32, #tpu.memory_space<hbm>>
      tpu.enqueue_dma source(%dma_start3A_92 : memref<5x100xi32, #tpu.memory_space<hbm>>) target(%arg9 : memref<5x100xi32, #tpu.memory_space<vmem>>) target_semaphore(%run_scoped3A_85 : memref<!tpu.dma_semaphore, #tpu.memory_space<semaphore_mem>>)
      %dma_wait3A_93 = arith.constant 0 : i32
      %dma_wait3A_94 = arith.constant 0 : i32
      %dma_wait3A_95 = tpu.memref_slice %arg4[%mul3A_0, %run_scoped3A_7, %dma_wait3A_93, %dma_wait3A_94] : memref<320x2x5x100xi32, #tpu.memory_space<hbm>> -> memref<1x1x5x100xi32, #tpu.memory_space<hbm>>
      %dma_wait3A_96 = tpu.memref_squeeze %dma_wait3A_95 : memref<1x1x5x100xi32, #tpu.memory_space<hbm>> -> memref<5x100xi32, #tpu.memory_space<hbm>>
      %dma_wait3A_97 = arith.constant 0 : i32
      %dma_wait3A_98 = arith.constant 0 : i32
      %dma_wait3A_99 = tpu.memref_slice %arg4[%mul3A_0, %run_scoped3A_7, %dma_wait3A_97, %dma_wait3A_98] : memref<320x2x5x100xi32, #tpu.memory_space<hbm>> -> memref<1x1x5x100xi32, #tpu.memory_space<hbm>>
      %dma_wait3A_100 = tpu.memref_squeeze %dma_wait3A_99 : memref<1x1x5x100xi32, #tpu.memory_space<hbm>> -> memref<5x100xi32, #tpu.memory_space<hbm>>
      tpu.wait_dma2 semaphore(%run_scoped3A_85 : memref<!tpu.dma_semaphore, #tpu.memory_space<semaphore_mem>>) src(%dma_wait3A_100 : memref<5x100xi32, #tpu.memory_space<hbm>>) dst(%arg9 : memref<5x100xi32, #tpu.memory_space<vmem>>)
      tpu.yield
    }) : () -> ()
    %scan3A = arith.constant 0 : i32
    %scan3A_8 = arith.constant 20 : i32
    %scan3A_9 = arith.addi %scan3A, %scan3A_8 : i32
    %scan3A_10 = arith.constant 1 : i32
    scf.for %scan3A_85 = %scan3A to %scan3A_9 step %scan3A_10  : i32 {
      %mul3A_86 = arith.constant 1 : i32
      %mul3A_87 = arith.muli %scan3A_85, %mul3A_86 : i32
      %add3A = arith.constant 0 : i32
      %add3A_88 = arith.addi %add3A, %mul3A_87 : i32
      %add3A_89 = arith.addi %mul3A_0, %add3A_88 : i32
      %gt3A = arith.constant 0 : i32
      %gt3A_90 = arith.cmpi sgt, %add3A_88, %gt3A : i32
      %convert_element_type3A_91 = arith.extui %gt3A_90 : i1 to i32
      %cond3A_92 = arith.constant 0 : i32
      %cond3A_93 = arith.cmpi ne, %convert_element_type3A_91, %cond3A_92 : i32
      scf.if %cond3A_93 {
        %dma_wait3A_705 = arith.constant 1 : i32
        %dma_wait3A_706 = arith.constant 0 : i32
        %dma_wait3A_707 = arith.constant 1 : i32
        %dma_wait3A_708 = arith.constant 0 : i32
        %dma_wait3A_709 = arith.constant 0 : i32
        %dma_wait3A_710 = tpu.memref_slice %arg11[%dma_wait3A_705, %dma_wait3A_708, %dma_wait3A_709] : memref<3x100x128xf32, #tpu.memory_space<vmem>> -> memref<1x100x128xf32, #tpu.memory_space<vmem>>
        %dma_wait3A_711 = tpu.memref_squeeze %dma_wait3A_710 : memref<1x100x128xf32, #tpu.memory_space<vmem>> -> memref<100x128xf32, #tpu.memory_space<vmem>>
        %dma_wait3A_712 = arith.constant 0 : i32
        %dma_wait3A_713 = tpu.memref_slice %arg9[%dma_wait3A_706, %dma_wait3A_712] : memref<5x100xi32, #tpu.memory_space<vmem>> -> memref<1x100xi32, #tpu.memory_space<vmem>>
        %dma_wait3A_714 = tpu.memref_squeeze %dma_wait3A_713 : memref<1x100xi32, #tpu.memory_space<vmem>> -> memref<100xi32, #tpu.memory_space<vmem>>
        %dma_wait3A_715 = arith.constant 0 : i32
        %dma_wait3A_716 = arith.constant 0 : i32
        %dma_wait3A_717 = tpu.memref_slice %arg12[%dma_wait3A_715, %dma_wait3A_716] : memref<10000x128xf32, #tpu.memory_space<vmem_shared>> -> memref<10000x128xf32, #tpu.memory_space<vmem_shared>>
        %dma_wait3A_718 = tpu.memref_slice %arg14[%dma_wait3A_707] : memref<3x!tpu.dma_semaphore, #tpu.memory_space<semaphore_mem>> -> memref<1x!tpu.dma_semaphore, #tpu.memory_space<semaphore_mem>>
        %dma_wait3A_719 = tpu.memref_squeeze %dma_wait3A_718 : memref<1x!tpu.dma_semaphore, #tpu.memory_space<semaphore_mem>> -> memref<!tpu.dma_semaphore, #tpu.memory_space<semaphore_mem>>
        tpu.wait_indirect_dma semaphore(%dma_wait3A_719 : memref<!tpu.dma_semaphore, #tpu.memory_space<semaphore_mem>>) src(%dma_wait3A_711 : memref<100x128xf32, #tpu.memory_space<vmem>>) dst(%dma_wait3A_717 : memref<10000x128xf32, #tpu.memory_space<vmem_shared>>)
        %dma_wait3A_720 = arith.constant 2 : i32
        %dma_wait3A_721 = arith.constant 0 : i32
        %dma_wait3A_722 = arith.constant 2 : i32
        %dma_wait3A_723 = arith.constant 0 : i32
        %dma_wait3A_724 = arith.constant 0 : i32
        %dma_wait3A_725 = tpu.memref_slice %arg11[%dma_wait3A_720, %dma_wait3A_723, %dma_wait3A_724] : memref<3x100x128xf32, #tpu.memory_space<vmem>> -> memref<1x100x128xf32, #tpu.memory_space<vmem>>
        %dma_wait3A_726 = tpu.memref_squeeze %dma_wait3A_725 : memref<1x100x128xf32, #tpu.memory_space<vmem>> -> memref<100x128xf32, #tpu.memory_space<vmem>>
        %dma_wait3A_727 = arith.constant 0 : i32
        %dma_wait3A_728 = tpu.memref_slice %arg9[%dma_wait3A_721, %dma_wait3A_727] : memref<5x100xi32, #tpu.memory_space<vmem>> -> memref<1x100xi32, #tpu.memory_space<vmem>>
        %dma_wait3A_729 = tpu.memref_squeeze %dma_wait3A_728 : memref<1x100xi32, #tpu.memory_space<vmem>> -> memref<100xi32, #tpu.memory_space<vmem>>
        %dma_wait3A_730 = arith.constant 0 : i32
        %dma_wait3A_731 = arith.constant 0 : i32
        %dma_wait3A_732 = tpu.memref_slice %arg12[%dma_wait3A_730, %dma_wait3A_731] : memref<10000x128xf32, #tpu.memory_space<vmem_shared>> -> memref<10000x128xf32, #tpu.memory_space<vmem_shared>>
        %dma_wait3A_733 = tpu.memref_slice %arg14[%dma_wait3A_722] : memref<3x!tpu.dma_semaphore, #tpu.memory_space<semaphore_mem>> -> memref<1x!tpu.dma_semaphore, #tpu.memory_space<semaphore_mem>>
        %dma_wait3A_734 = tpu.memref_squeeze %dma_wait3A_733 : memref<1x!tpu.dma_semaphore, #tpu.memory_space<semaphore_mem>> -> memref<!tpu.dma_semaphore, #tpu.memory_space<semaphore_mem>>
        tpu.wait_indirect_dma semaphore(%dma_wait3A_734 : memref<!tpu.dma_semaphore, #tpu.memory_space<semaphore_mem>>) src(%dma_wait3A_726 : memref<100x128xf32, #tpu.memory_space<vmem>>) dst(%dma_wait3A_732 : memref<10000x128xf32, #tpu.memory_space<vmem_shared>>)
        %dma_wait3A_735 = arith.constant 0 : i32
        %dma_wait3A_736 = arith.constant 0 : i32
        %dma_wait3A_737 = arith.constant 0 : i32
        %dma_wait3A_738 = arith.constant 0 : i32
        %dma_wait3A_739 = arith.constant 0 : i32
        %dma_wait3A_740 = tpu.memref_slice %arg11[%dma_wait3A_735, %dma_wait3A_738, %dma_wait3A_739] : memref<3x100x128xf32, #tpu.memory_space<vmem>> -> memref<1x100x128xf32, #tpu.memory_space<vmem>>
        %dma_wait3A_741 = tpu.memref_squeeze %dma_wait3A_740 : memref<1x100x128xf32, #tpu.memory_space<vmem>> -> memref<100x128xf32, #tpu.memory_space<vmem>>
        %dma_wait3A_742 = arith.constant 0 : i32
        %dma_wait3A_743 = tpu.memref_slice %arg9[%dma_wait3A_736, %dma_wait3A_742] : memref<5x100xi32, #tpu.memory_space<vmem>> -> memref<1x100xi32, #tpu.memory_space<vmem>>
        %dma_wait3A_744 = tpu.memref_squeeze %dma_wait3A_743 : memref<1x100xi32, #tpu.memory_space<vmem>> -> memref<100xi32, #tpu.memory_space<vmem>>
        %dma_wait3A_745 = arith.constant 0 : i32
        %dma_wait3A_746 = arith.constant 0 : i32
        %dma_wait3A_747 = tpu.memref_slice %arg12[%dma_wait3A_745, %dma_wait3A_746] : memref<10000x128xf32, #tpu.memory_space<vmem_shared>> -> memref<10000x128xf32, #tpu.memory_space<vmem_shared>>
        %dma_wait3A_748 = tpu.memref_slice %arg14[%dma_wait3A_737] : memref<3x!tpu.dma_semaphore, #tpu.memory_space<semaphore_mem>> -> memref<1x!tpu.dma_semaphore, #tpu.memory_space<semaphore_mem>>
        %dma_wait3A_749 = tpu.memref_squeeze %dma_wait3A_748 : memref<1x!tpu.dma_semaphore, #tpu.memory_space<semaphore_mem>> -> memref<!tpu.dma_semaphore, #tpu.memory_space<semaphore_mem>>
        tpu.wait_indirect_dma semaphore(%dma_wait3A_749 : memref<!tpu.dma_semaphore, #tpu.memory_space<semaphore_mem>>) src(%dma_wait3A_741 : memref<100x128xf32, #tpu.memory_space<vmem>>) dst(%dma_wait3A_747 : memref<10000x128xf32, #tpu.memory_space<vmem_shared>>)
        %dma_wait3A_750 = arith.constant 0 : i32
        %dma_wait3A_751 = arith.constant 0 : i32
        %dma_wait3A_752 = arith.constant 0 : i32
        %dma_wait3A_753 = tpu.memref_slice %arg3[%arg0, %mul3A_0, %dma_wait3A_750, %dma_wait3A_751, %dma_wait3A_752] : memref<2x320x2x5x100xi32, #tpu.memory_space<hbm>> -> memref<1x1x1x5x100xi32, #tpu.memory_space<hbm>>
        %dma_wait3A_754 = tpu.memref_squeeze %dma_wait3A_753 : memref<1x1x1x5x100xi32, #tpu.memory_space<hbm>> -> memref<5x100xi32, #tpu.memory_space<hbm>>
        %dma_wait3A_755 = arith.constant 0 : i32
        %dma_wait3A_756 = arith.constant 0 : i32
        %dma_wait3A_757 = tpu.memref_slice %arg3[%arg0, %mul3A_0, %dma_wait3A_750, %dma_wait3A_755, %dma_wait3A_756] : memref<2x320x2x5x100xi32, #tpu.memory_space<hbm>> -> memref<1x1x1x5x100xi32, #tpu.memory_space<hbm>>
        %dma_wait3A_758 = tpu.memref_squeeze %dma_wait3A_757 : memref<1x1x1x5x100xi32, #tpu.memory_space<hbm>> -> memref<5x100xi32, #tpu.memory_space<hbm>>
        tpu.wait_dma2 semaphore(%arg15 : memref<!tpu.dma_semaphore, #tpu.memory_space<semaphore_mem>>) src(%dma_wait3A_758 : memref<5x100xi32, #tpu.memory_space<hbm>>) dst(%arg7 : memref<5x100xi32, #tpu.memory_space<vmem>>)
        %dma_wait3A_759 = arith.constant 0 : i32
        %dma_wait3A_760 = arith.constant 0 : i32
        %dma_wait3A_761 = arith.constant 0 : i32
        %dma_wait3A_762 = tpu.memref_slice %arg4[%mul3A_0, %dma_wait3A_759, %dma_wait3A_760, %dma_wait3A_761] : memref<320x2x5x100xi32, #tpu.memory_space<hbm>> -> memref<1x1x5x100xi32, #tpu.memory_space<hbm>>
        %dma_wait3A_763 = tpu.memref_squeeze %dma_wait3A_762 : memref<1x1x5x100xi32, #tpu.memory_space<hbm>> -> memref<5x100xi32, #tpu.memory_space<hbm>>
        %dma_wait3A_764 = arith.constant 0 : i32
        %dma_wait3A_765 = arith.constant 0 : i32
        %dma_wait3A_766 = tpu.memref_slice %arg4[%mul3A_0, %dma_wait3A_759, %dma_wait3A_764, %dma_wait3A_765] : memref<320x2x5x100xi32, #tpu.memory_space<hbm>> -> memref<1x1x5x100xi32, #tpu.memory_space<hbm>>
        %dma_wait3A_767 = tpu.memref_squeeze %dma_wait3A_766 : memref<1x1x5x100xi32, #tpu.memory_space<hbm>> -> memref<5x100xi32, #tpu.memory_space<hbm>>
        tpu.wait_dma2 semaphore(%arg15 : memref<!tpu.dma_semaphore, #tpu.memory_space<semaphore_mem>>) src(%dma_wait3A_767 : memref<5x100xi32, #tpu.memory_space<hbm>>) dst(%arg9 : memref<5x100xi32, #tpu.memory_space<vmem>>)
      } else {
      }
      %dma_start3A = arith.constant 0 : i32
      %dma_start3A_94 = arith.constant 0 : i32
      %dma_start3A_95 = arith.constant 0 : i32
      %dma_start3A_96 = arith.constant 0 : i32
      %dma_start3A_97 = arith.constant 0 : i32
      %dma_start3A_98 = tpu.memref_slice %arg11[%dma_start3A_94, %dma_start3A_96, %dma_start3A_97] : memref<3x100x128xf32, #tpu.memory_space<vmem>> -> memref<1x100x128xf32, #tpu.memory_space<vmem>>
      %dma_start3A_99 = tpu.memref_squeeze %dma_start3A_98 : memref<1x100x128xf32, #tpu.memory_space<vmem>> -> memref<100x128xf32, #tpu.memory_space<vmem>>
      %dma_start3A_100 = arith.constant 0 : i32
      %dma_start3A_101 = tpu.memref_slice %arg7[%dma_start3A, %dma_start3A_100] : memref<5x100xi32, #tpu.memory_space<vmem>> -> memref<1x100xi32, #tpu.memory_space<vmem>>
      %dma_start3A_102 = tpu.memref_squeeze %dma_start3A_101 : memref<1x100xi32, #tpu.memory_space<vmem>> -> memref<100xi32, #tpu.memory_space<vmem>>
      %dma_start3A_103 = arith.constant 0 : i32
      %dma_start3A_104 = arith.constant 0 : i32
      %dma_start3A_105 = tpu.memref_slice %arg2[%dma_start3A_103, %dma_start3A_104] : memref<20000x128xf32, #tpu.memory_space<hbm>> -> memref<20000x128xf32, #tpu.memory_space<hbm>>
      %dma_start3A_106 = tpu.memref_slice %arg13[%dma_start3A_95] : memref<3x!tpu.dma_semaphore, #tpu.memory_space<semaphore_mem>> -> memref<1x!tpu.dma_semaphore, #tpu.memory_space<semaphore_mem>>
      %dma_start3A_107 = tpu.memref_squeeze %dma_start3A_106 : memref<1x!tpu.dma_semaphore, #tpu.memory_space<semaphore_mem>> -> memref<!tpu.dma_semaphore, #tpu.memory_space<semaphore_mem>>
      tpu.enqueue_indirect_dma source(%dma_start3A_105 : memref<20000x128xf32, #tpu.memory_space<hbm>>) target(%dma_start3A_99 : memref<100x128xf32, #tpu.memory_space<vmem>>) offsets(%dma_start3A_102 : memref<100xi32, #tpu.memory_space<vmem>>) semaphore(%dma_start3A_107 : memref<!tpu.dma_semaphore, #tpu.memory_space<semaphore_mem>>)
      %dma_start3A_108 = arith.constant 1 : i32
      %dma_start3A_109 = arith.constant 1 : i32
      %dma_start3A_110 = arith.constant 1 : i32
      %dma_start3A_111 = arith.constant 0 : i32
      %dma_start3A_112 = arith.constant 0 : i32
      %dma_start3A_113 = tpu.memref_slice %arg11[%dma_start3A_109, %dma_start3A_111, %dma_start3A_112] : memref<3x100x128xf32, #tpu.memory_space<vmem>> -> memref<1x100x128xf32, #tpu.memory_space<vmem>>
      %dma_start3A_114 = tpu.memref_squeeze %dma_start3A_113 : memref<1x100x128xf32, #tpu.memory_space<vmem>> -> memref<100x128xf32, #tpu.memory_space<vmem>>
      %dma_start3A_115 = arith.constant 0 : i32
      %dma_start3A_116 = tpu.memref_slice %arg7[%dma_start3A_108, %dma_start3A_115] : memref<5x100xi32, #tpu.memory_space<vmem>> -> memref<1x100xi32, #tpu.memory_space<vmem>>
      %dma_start3A_117 = tpu.memref_squeeze %dma_start3A_116 : memref<1x100xi32, #tpu.memory_space<vmem>> -> memref<100xi32, #tpu.memory_space<vmem>>
      %dma_start3A_118 = arith.constant 0 : i32
      %dma_start3A_119 = arith.constant 0 : i32
      %dma_start3A_120 = tpu.memref_slice %arg2[%dma_start3A_118, %dma_start3A_119] : memref<20000x128xf32, #tpu.memory_space<hbm>> -> memref<20000x128xf32, #tpu.memory_space<hbm>>
      %dma_start3A_121 = tpu.memref_slice %arg13[%dma_start3A_110] : memref<3x!tpu.dma_semaphore, #tpu.memory_space<semaphore_mem>> -> memref<1x!tpu.dma_semaphore, #tpu.memory_space<semaphore_mem>>
      %dma_start3A_122 = tpu.memref_squeeze %dma_start3A_121 : memref<1x!tpu.dma_semaphore, #tpu.memory_space<semaphore_mem>> -> memref<!tpu.dma_semaphore, #tpu.memory_space<semaphore_mem>>
      tpu.enqueue_indirect_dma source(%dma_start3A_120 : memref<20000x128xf32, #tpu.memory_space<hbm>>) target(%dma_start3A_114 : memref<100x128xf32, #tpu.memory_space<vmem>>) offsets(%dma_start3A_117 : memref<100xi32, #tpu.memory_space<vmem>>) semaphore(%dma_start3A_122 : memref<!tpu.dma_semaphore, #tpu.memory_space<semaphore_mem>>)
      %dma_wait3A_123 = arith.constant 0 : i32
      %dma_wait3A_124 = arith.constant 0 : i32
      %dma_wait3A_125 = arith.constant 0 : i32
      %dma_wait3A_126 = arith.constant 0 : i32
      %dma_wait3A_127 = arith.constant 0 : i32
      %dma_wait3A_128 = tpu.memref_slice %arg11[%dma_wait3A_124, %dma_wait3A_126, %dma_wait3A_127] : memref<3x100x128xf32, #tpu.memory_space<vmem>> -> memref<1x100x128xf32, #tpu.memory_space<vmem>>
      %dma_wait3A_129 = tpu.memref_squeeze %dma_wait3A_128 : memref<1x100x128xf32, #tpu.memory_space<vmem>> -> memref<100x128xf32, #tpu.memory_space<vmem>>
      %dma_wait3A_130 = arith.constant 0 : i32
      %dma_wait3A_131 = tpu.memref_slice %arg7[%dma_wait3A_123, %dma_wait3A_130] : memref<5x100xi32, #tpu.memory_space<vmem>> -> memref<1x100xi32, #tpu.memory_space<vmem>>
      %dma_wait3A_132 = tpu.memref_squeeze %dma_wait3A_131 : memref<1x100xi32, #tpu.memory_space<vmem>> -> memref<100xi32, #tpu.memory_space<vmem>>
      %dma_wait3A_133 = arith.constant 0 : i32
      %dma_wait3A_134 = arith.constant 0 : i32
      %dma_wait3A_135 = tpu.memref_slice %arg2[%dma_wait3A_133, %dma_wait3A_134] : memref<20000x128xf32, #tpu.memory_space<hbm>> -> memref<20000x128xf32, #tpu.memory_space<hbm>>
      %dma_wait3A_136 = tpu.memref_slice %arg13[%dma_wait3A_125] : memref<3x!tpu.dma_semaphore, #tpu.memory_space<semaphore_mem>> -> memref<1x!tpu.dma_semaphore, #tpu.memory_space<semaphore_mem>>
      %dma_wait3A_137 = tpu.memref_squeeze %dma_wait3A_136 : memref<1x!tpu.dma_semaphore, #tpu.memory_space<semaphore_mem>> -> memref<!tpu.dma_semaphore, #tpu.memory_space<semaphore_mem>>
      tpu.wait_indirect_dma semaphore(%dma_wait3A_137 : memref<!tpu.dma_semaphore, #tpu.memory_space<semaphore_mem>>) src(%dma_wait3A_135 : memref<20000x128xf32, #tpu.memory_space<hbm>>) dst(%dma_wait3A_129 : memref<100x128xf32, #tpu.memory_space<vmem>>)
      %dma_start3A_138 = arith.constant 0 : i32
      %dma_start3A_139 = arith.constant 0 : i32
      %dma_start3A_140 = arith.constant 0 : i32
      %dma_start3A_141 = arith.constant 0 : i32
      %dma_start3A_142 = arith.constant 0 : i32
      %dma_start3A_143 = tpu.memref_slice %arg11[%dma_start3A_138, %dma_start3A_141, %dma_start3A_142] : memref<3x100x128xf32, #tpu.memory_space<vmem>> -> memref<1x100x128xf32, #tpu.memory_space<vmem>>
      %dma_start3A_144 = tpu.memref_squeeze %dma_start3A_143 : memref<1x100x128xf32, #tpu.memory_space<vmem>> -> memref<100x128xf32, #tpu.memory_space<vmem>>
      %dma_start3A_145 = arith.constant 0 : i32
      %dma_start3A_146 = tpu.memref_slice %arg9[%dma_start3A_139, %dma_start3A_145] : memref<5x100xi32, #tpu.memory_space<vmem>> -> memref<1x100xi32, #tpu.memory_space<vmem>>
      %dma_start3A_147 = tpu.memref_squeeze %dma_start3A_146 : memref<1x100xi32, #tpu.memory_space<vmem>> -> memref<100xi32, #tpu.memory_space<vmem>>
      %dma_start3A_148 = arith.constant 0 : i32
      %dma_start3A_149 = arith.constant 0 : i32
      %dma_start3A_150 = tpu.memref_slice %arg12[%dma_start3A_148, %dma_start3A_149] : memref<10000x128xf32, #tpu.memory_space<vmem_shared>> -> memref<10000x128xf32, #tpu.memory_space<vmem_shared>>
      %dma_start3A_151 = tpu.memref_slice %arg14[%dma_start3A_140] : memref<3x!tpu.dma_semaphore, #tpu.memory_space<semaphore_mem>> -> memref<1x!tpu.dma_semaphore, #tpu.memory_space<semaphore_mem>>
      %dma_start3A_152 = tpu.memref_squeeze %dma_start3A_151 : memref<1x!tpu.dma_semaphore, #tpu.memory_space<semaphore_mem>> -> memref<!tpu.dma_semaphore, #tpu.memory_space<semaphore_mem>>
      tpu.enqueue_indirect_dma source(%dma_start3A_144 : memref<100x128xf32, #tpu.memory_space<vmem>>) target(%dma_start3A_150 : memref<10000x128xf32, #tpu.memory_space<vmem_shared>>) offsets(%dma_start3A_147 : memref<100xi32, #tpu.memory_space<vmem>>) semaphore(%dma_start3A_152 : memref<!tpu.dma_semaphore, #tpu.memory_space<semaphore_mem>>) {add = true}
      %dma_start3A_153 = arith.constant 2 : i32
      %dma_start3A_154 = arith.constant 2 : i32
      %dma_start3A_155 = arith.constant 2 : i32
      %dma_start3A_156 = arith.constant 0 : i32
      %dma_start3A_157 = arith.constant 0 : i32
      %dma_start3A_158 = tpu.memref_slice %arg11[%dma_start3A_154, %dma_start3A_156, %dma_start3A_157] : memref<3x100x128xf32, #tpu.memory_space<vmem>> -> memref<1x100x128xf32, #tpu.memory_space<vmem>>
      %dma_start3A_159 = tpu.memref_squeeze %dma_start3A_158 : memref<1x100x128xf32, #tpu.memory_space<vmem>> -> memref<100x128xf32, #tpu.memory_space<vmem>>
      %dma_start3A_160 = arith.constant 0 : i32
      %dma_start3A_161 = tpu.memref_slice %arg7[%dma_start3A_153, %dma_start3A_160] : memref<5x100xi32, #tpu.memory_space<vmem>> -> memref<1x100xi32, #tpu.memory_space<vmem>>
      %dma_start3A_162 = tpu.memref_squeeze %dma_start3A_161 : memref<1x100xi32, #tpu.memory_space<vmem>> -> memref<100xi32, #tpu.memory_space<vmem>>
      %dma_start3A_163 = arith.constant 0 : i32
      %dma_start3A_164 = arith.constant 0 : i32
      %dma_start3A_165 = tpu.memref_slice %arg2[%dma_start3A_163, %dma_start3A_164] : memref<20000x128xf32, #tpu.memory_space<hbm>> -> memref<20000x128xf32, #tpu.memory_space<hbm>>
      %dma_start3A_166 = tpu.memref_slice %arg13[%dma_start3A_155] : memref<3x!tpu.dma_semaphore, #tpu.memory_space<semaphore_mem>> -> memref<1x!tpu.dma_semaphore, #tpu.memory_space<semaphore_mem>>
      %dma_start3A_167 = tpu.memref_squeeze %dma_start3A_166 : memref<1x!tpu.dma_semaphore, #tpu.memory_space<semaphore_mem>> -> memref<!tpu.dma_semaphore, #tpu.memory_space<semaphore_mem>>
      tpu.enqueue_indirect_dma source(%dma_start3A_165 : memref<20000x128xf32, #tpu.memory_space<hbm>>) target(%dma_start3A_159 : memref<100x128xf32, #tpu.memory_space<vmem>>) offsets(%dma_start3A_162 : memref<100xi32, #tpu.memory_space<vmem>>) semaphore(%dma_start3A_167 : memref<!tpu.dma_semaphore, #tpu.memory_space<semaphore_mem>>)
      %dma_start3A_168 = arith.constant 1 : i32
      %dma_start3A_169 = arith.constant 0 : i32
      %dma_start3A_170 = arith.constant 0 : i32
      %dma_start3A_171 = tpu.memref_slice %arg3[%arg0, %add3A_89, %dma_start3A_168, %dma_start3A_169, %dma_start3A_170] : memref<2x320x2x5x100xi32, #tpu.memory_space<hbm>> -> memref<1x1x1x5x100xi32, #tpu.memory_space<hbm>>
      %dma_start3A_172 = tpu.memref_squeeze %dma_start3A_171 : memref<1x1x1x5x100xi32, #tpu.memory_space<hbm>> -> memref<5x100xi32, #tpu.memory_space<hbm>>
      %dma_start3A_173 = arith.constant 0 : i32
      %dma_start3A_174 = arith.constant 0 : i32
      %dma_start3A_175 = tpu.memref_slice %arg3[%arg0, %add3A_89, %dma_start3A_168, %dma_start3A_173, %dma_start3A_174] : memref<2x320x2x5x100xi32, #tpu.memory_space<hbm>> -> memref<1x1x1x5x100xi32, #tpu.memory_space<hbm>>
      %dma_start3A_176 = tpu.memref_squeeze %dma_start3A_175 : memref<1x1x1x5x100xi32, #tpu.memory_space<hbm>> -> memref<5x100xi32, #tpu.memory_space<hbm>>
      tpu.enqueue_dma source(%dma_start3A_176 : memref<5x100xi32, #tpu.memory_space<hbm>>) target(%arg8 : memref<5x100xi32, #tpu.memory_space<vmem>>) target_semaphore(%arg16 : memref<!tpu.dma_semaphore, #tpu.memory_space<semaphore_mem>>)
      %dma_start3A_177 = arith.constant 1 : i32
      %dma_start3A_178 = arith.constant 0 : i32
      %dma_start3A_179 = arith.constant 0 : i32
      %dma_start3A_180 = tpu.memref_slice %arg4[%add3A_89, %dma_start3A_177, %dma_start3A_178, %dma_start3A_179] : memref<320x2x5x100xi32, #tpu.memory_space<hbm>> -> memref<1x1x5x100xi32, #tpu.memory_space<hbm>>
      %dma_start3A_181 = tpu.memref_squeeze %dma_start3A_180 : memref<1x1x5x100xi32, #tpu.memory_space<hbm>> -> memref<5x100xi32, #tpu.memory_space<hbm>>
      %dma_start3A_182 = arith.constant 0 : i32
      %dma_start3A_183 = arith.constant 0 : i32
      %dma_start3A_184 = tpu.memref_slice %arg4[%add3A_89, %dma_start3A_177, %dma_start3A_182, %dma_start3A_183] : memref<320x2x5x100xi32, #tpu.memory_space<hbm>> -> memref<1x1x5x100xi32, #tpu.memory_space<hbm>>
      %dma_start3A_185 = tpu.memref_squeeze %dma_start3A_184 : memref<1x1x5x100xi32, #tpu.memory_space<hbm>> -> memref<5x100xi32, #tpu.memory_space<hbm>>
      tpu.enqueue_dma source(%dma_start3A_185 : memref<5x100xi32, #tpu.memory_space<hbm>>) target(%arg10 : memref<5x100xi32, #tpu.memory_space<vmem>>) target_semaphore(%arg16 : memref<!tpu.dma_semaphore, #tpu.memory_space<semaphore_mem>>)
      %dma_wait3A_186 = arith.constant 1 : i32
      %dma_wait3A_187 = arith.constant 1 : i32
      %dma_wait3A_188 = arith.constant 1 : i32
      %dma_wait3A_189 = arith.constant 0 : i32
      %dma_wait3A_190 = arith.constant 0 : i32
      %dma_wait3A_191 = tpu.memref_slice %arg11[%dma_wait3A_187, %dma_wait3A_189, %dma_wait3A_190] : memref<3x100x128xf32, #tpu.memory_space<vmem>> -> memref<1x100x128xf32, #tpu.memory_space<vmem>>
      %dma_wait3A_192 = tpu.memref_squeeze %dma_wait3A_191 : memref<1x100x128xf32, #tpu.memory_space<vmem>> -> memref<100x128xf32, #tpu.memory_space<vmem>>
      %dma_wait3A_193 = arith.constant 0 : i32
      %dma_wait3A_194 = tpu.memref_slice %arg7[%dma_wait3A_186, %dma_wait3A_193] : memref<5x100xi32, #tpu.memory_space<vmem>> -> memref<1x100xi32, #tpu.memory_space<vmem>>
      %dma_wait3A_195 = tpu.memref_squeeze %dma_wait3A_194 : memref<1x100xi32, #tpu.memory_space<vmem>> -> memref<100xi32, #tpu.memory_space<vmem>>
      %dma_wait3A_196 = arith.constant 0 : i32
      %dma_wait3A_197 = arith.constant 0 : i32
      %dma_wait3A_198 = tpu.memref_slice %arg2[%dma_wait3A_196, %dma_wait3A_197] : memref<20000x128xf32, #tpu.memory_space<hbm>> -> memref<20000x128xf32, #tpu.memory_space<hbm>>
      %dma_wait3A_199 = tpu.memref_slice %arg13[%dma_wait3A_188] : memref<3x!tpu.dma_semaphore, #tpu.memory_space<semaphore_mem>> -> memref<1x!tpu.dma_semaphore, #tpu.memory_space<semaphore_mem>>
      %dma_wait3A_200 = tpu.memref_squeeze %dma_wait3A_199 : memref<1x!tpu.dma_semaphore, #tpu.memory_space<semaphore_mem>> -> memref<!tpu.dma_semaphore, #tpu.memory_space<semaphore_mem>>
      tpu.wait_indirect_dma semaphore(%dma_wait3A_200 : memref<!tpu.dma_semaphore, #tpu.memory_space<semaphore_mem>>) src(%dma_wait3A_198 : memref<20000x128xf32, #tpu.memory_space<hbm>>) dst(%dma_wait3A_192 : memref<100x128xf32, #tpu.memory_space<vmem>>)
      %dma_start3A_201 = arith.constant 1 : i32
      %dma_start3A_202 = arith.constant 1 : i32
      %dma_start3A_203 = arith.constant 1 : i32
      %dma_start3A_204 = arith.constant 0 : i32
      %dma_start3A_205 = arith.constant 0 : i32
      %dma_start3A_206 = tpu.memref_slice %arg11[%dma_start3A_201, %dma_start3A_204, %dma_start3A_205] : memref<3x100x128xf32, #tpu.memory_space<vmem>> -> memref<1x100x128xf32, #tpu.memory_space<vmem>>
      %dma_start3A_207 = tpu.memref_squeeze %dma_start3A_206 : memref<1x100x128xf32, #tpu.memory_space<vmem>> -> memref<100x128xf32, #tpu.memory_space<vmem>>
      %dma_start3A_208 = arith.constant 0 : i32
      %dma_start3A_209 = tpu.memref_slice %arg9[%dma_start3A_202, %dma_start3A_208] : memref<5x100xi32, #tpu.memory_space<vmem>> -> memref<1x100xi32, #tpu.memory_space<vmem>>
      %dma_start3A_210 = tpu.memref_squeeze %dma_start3A_209 : memref<1x100xi32, #tpu.memory_space<vmem>> -> memref<100xi32, #tpu.memory_space<vmem>>
      %dma_start3A_211 = arith.constant 0 : i32
      %dma_start3A_212 = arith.constant 0 : i32
      %dma_start3A_213 = tpu.memref_slice %arg12[%dma_start3A_211, %dma_start3A_212] : memref<10000x128xf32, #tpu.memory_space<vmem_shared>> -> memref<10000x128xf32, #tpu.memory_space<vmem_shared>>
      %dma_start3A_214 = tpu.memref_slice %arg14[%dma_start3A_203] : memref<3x!tpu.dma_semaphore, #tpu.memory_space<semaphore_mem>> -> memref<1x!tpu.dma_semaphore, #tpu.memory_space<semaphore_mem>>
      %dma_start3A_215 = tpu.memref_squeeze %dma_start3A_214 : memref<1x!tpu.dma_semaphore, #tpu.memory_space<semaphore_mem>> -> memref<!tpu.dma_semaphore, #tpu.memory_space<semaphore_mem>>
      tpu.enqueue_indirect_dma source(%dma_start3A_207 : memref<100x128xf32, #tpu.memory_space<vmem>>) target(%dma_start3A_213 : memref<10000x128xf32, #tpu.memory_space<vmem_shared>>) offsets(%dma_start3A_210 : memref<100xi32, #tpu.memory_space<vmem>>) semaphore(%dma_start3A_215 : memref<!tpu.dma_semaphore, #tpu.memory_space<semaphore_mem>>) {add = true}
      %dma_wait3A_216 = arith.constant 0 : i32
      %dma_wait3A_217 = arith.constant 0 : i32
      %dma_wait3A_218 = arith.constant 0 : i32
      %dma_wait3A_219 = arith.constant 0 : i32
      %dma_wait3A_220 = arith.constant 0 : i32
      %dma_wait3A_221 = tpu.memref_slice %arg11[%dma_wait3A_216, %dma_wait3A_219, %dma_wait3A_220] : memref<3x100x128xf32, #tpu.memory_space<vmem>> -> memref<1x100x128xf32, #tpu.memory_space<vmem>>
      %dma_wait3A_222 = tpu.memref_squeeze %dma_wait3A_221 : memref<1x100x128xf32, #tpu.memory_space<vmem>> -> memref<100x128xf32, #tpu.memory_space<vmem>>
      %dma_wait3A_223 = arith.constant 0 : i32
      %dma_wait3A_224 = tpu.memref_slice %arg9[%dma_wait3A_217, %dma_wait3A_223] : memref<5x100xi32, #tpu.memory_space<vmem>> -> memref<1x100xi32, #tpu.memory_space<vmem>>
      %dma_wait3A_225 = tpu.memref_squeeze %dma_wait3A_224 : memref<1x100xi32, #tpu.memory_space<vmem>> -> memref<100xi32, #tpu.memory_space<vmem>>
      %dma_wait3A_226 = arith.constant 0 : i32
      %dma_wait3A_227 = arith.constant 0 : i32
      %dma_wait3A_228 = tpu.memref_slice %arg12[%dma_wait3A_226, %dma_wait3A_227] : memref<10000x128xf32, #tpu.memory_space<vmem_shared>> -> memref<10000x128xf32, #tpu.memory_space<vmem_shared>>
      %dma_wait3A_229 = tpu.memref_slice %arg14[%dma_wait3A_218] : memref<3x!tpu.dma_semaphore, #tpu.memory_space<semaphore_mem>> -> memref<1x!tpu.dma_semaphore, #tpu.memory_space<semaphore_mem>>
      %dma_wait3A_230 = tpu.memref_squeeze %dma_wait3A_229 : memref<1x!tpu.dma_semaphore, #tpu.memory_space<semaphore_mem>> -> memref<!tpu.dma_semaphore, #tpu.memory_space<semaphore_mem>>
      tpu.wait_indirect_dma semaphore(%dma_wait3A_230 : memref<!tpu.dma_semaphore, #tpu.memory_space<semaphore_mem>>) src(%dma_wait3A_222 : memref<100x128xf32, #tpu.memory_space<vmem>>) dst(%dma_wait3A_228 : memref<10000x128xf32, #tpu.memory_space<vmem_shared>>)
      %dma_start3A_231 = arith.constant 3 : i32
      %dma_start3A_232 = arith.constant 0 : i32
      %dma_start3A_233 = arith.constant 0 : i32
      %dma_start3A_234 = arith.constant 0 : i32
      %dma_start3A_235 = arith.constant 0 : i32
      %dma_start3A_236 = tpu.memref_slice %arg11[%dma_start3A_232, %dma_start3A_234, %dma_start3A_235] : memref<3x100x128xf32, #tpu.memory_space<vmem>> -> memref<1x100x128xf32, #tpu.memory_space<vmem>>
      %dma_start3A_237 = tpu.memref_squeeze %dma_start3A_236 : memref<1x100x128xf32, #tpu.memory_space<vmem>> -> memref<100x128xf32, #tpu.memory_space<vmem>>
      %dma_start3A_238 = arith.constant 0 : i32
      %dma_start3A_239 = tpu.memref_slice %arg7[%dma_start3A_231, %dma_start3A_238] : memref<5x100xi32, #tpu.memory_space<vmem>> -> memref<1x100xi32, #tpu.memory_space<vmem>>
      %dma_start3A_240 = tpu.memref_squeeze %dma_start3A_239 : memref<1x100xi32, #tpu.memory_space<vmem>> -> memref<100xi32, #tpu.memory_space<vmem>>
      %dma_start3A_241 = arith.constant 0 : i32
      %dma_start3A_242 = arith.constant 0 : i32
      %dma_start3A_243 = tpu.memref_slice %arg2[%dma_start3A_241, %dma_start3A_242] : memref<20000x128xf32, #tpu.memory_space<hbm>> -> memref<20000x128xf32, #tpu.memory_space<hbm>>
      %dma_start3A_244 = tpu.memref_slice %arg13[%dma_start3A_233] : memref<3x!tpu.dma_semaphore, #tpu.memory_space<semaphore_mem>> -> memref<1x!tpu.dma_semaphore, #tpu.memory_space<semaphore_mem>>
      %dma_start3A_245 = tpu.memref_squeeze %dma_start3A_244 : memref<1x!tpu.dma_semaphore, #tpu.memory_space<semaphore_mem>> -> memref<!tpu.dma_semaphore, #tpu.memory_space<semaphore_mem>>
      tpu.enqueue_indirect_dma source(%dma_start3A_243 : memref<20000x128xf32, #tpu.memory_space<hbm>>) target(%dma_start3A_237 : memref<100x128xf32, #tpu.memory_space<vmem>>) offsets(%dma_start3A_240 : memref<100xi32, #tpu.memory_space<vmem>>) semaphore(%dma_start3A_245 : memref<!tpu.dma_semaphore, #tpu.memory_space<semaphore_mem>>)
      %dma_wait3A_246 = arith.constant 2 : i32
      %dma_wait3A_247 = arith.constant 2 : i32
      %dma_wait3A_248 = arith.constant 2 : i32
      %dma_wait3A_249 = arith.constant 0 : i32
      %dma_wait3A_250 = arith.constant 0 : i32
      %dma_wait3A_251 = tpu.memref_slice %arg11[%dma_wait3A_247, %dma_wait3A_249, %dma_wait3A_250] : memref<3x100x128xf32, #tpu.memory_space<vmem>> -> memref<1x100x128xf32, #tpu.memory_space<vmem>>
      %dma_wait3A_252 = tpu.memref_squeeze %dma_wait3A_251 : memref<1x100x128xf32, #tpu.memory_space<vmem>> -> memref<100x128xf32, #tpu.memory_space<vmem>>
      %dma_wait3A_253 = arith.constant 0 : i32
      %dma_wait3A_254 = tpu.memref_slice %arg7[%dma_wait3A_246, %dma_wait3A_253] : memref<5x100xi32, #tpu.memory_space<vmem>> -> memref<1x100xi32, #tpu.memory_space<vmem>>
      %dma_wait3A_255 = tpu.memref_squeeze %dma_wait3A_254 : memref<1x100xi32, #tpu.memory_space<vmem>> -> memref<100xi32, #tpu.memory_space<vmem>>
      %dma_wait3A_256 = arith.constant 0 : i32
      %dma_wait3A_257 = arith.constant 0 : i32
      %dma_wait3A_258 = tpu.memref_slice %arg2[%dma_wait3A_256, %dma_wait3A_257] : memref<20000x128xf32, #tpu.memory_space<hbm>> -> memref<20000x128xf32, #tpu.memory_space<hbm>>
      %dma_wait3A_259 = tpu.memref_slice %arg13[%dma_wait3A_248] : memref<3x!tpu.dma_semaphore, #tpu.memory_space<semaphore_mem>> -> memref<1x!tpu.dma_semaphore, #tpu.memory_space<semaphore_mem>>
      %dma_wait3A_260 = tpu.memref_squeeze %dma_wait3A_259 : memref<1x!tpu.dma_semaphore, #tpu.memory_space<semaphore_mem>> -> memref<!tpu.dma_semaphore, #tpu.memory_space<semaphore_mem>>
      tpu.wait_indirect_dma semaphore(%dma_wait3A_260 : memref<!tpu.dma_semaphore, #tpu.memory_space<semaphore_mem>>) src(%dma_wait3A_258 : memref<20000x128xf32, #tpu.memory_space<hbm>>) dst(%dma_wait3A_252 : memref<100x128xf32, #tpu.memory_space<vmem>>)
      %dma_start3A_261 = arith.constant 2 : i32
      %dma_start3A_262 = arith.constant 2 : i32
      %dma_start3A_263 = arith.constant 2 : i32
      %dma_start3A_264 = arith.constant 0 : i32
      %dma_start3A_265 = arith.constant 0 : i32
      %dma_start3A_266 = tpu.memref_slice %arg11[%dma_start3A_261, %dma_start3A_264, %dma_start3A_265] : memref<3x100x128xf32, #tpu.memory_space<vmem>> -> memref<1x100x128xf32, #tpu.memory_space<vmem>>
      %dma_start3A_267 = tpu.memref_squeeze %dma_start3A_266 : memref<1x100x128xf32, #tpu.memory_space<vmem>> -> memref<100x128xf32, #tpu.memory_space<vmem>>
      %dma_start3A_268 = arith.constant 0 : i32
      %dma_start3A_269 = tpu.memref_slice %arg9[%dma_start3A_262, %dma_start3A_268] : memref<5x100xi32, #tpu.memory_space<vmem>> -> memref<1x100xi32, #tpu.memory_space<vmem>>
      %dma_start3A_270 = tpu.memref_squeeze %dma_start3A_269 : memref<1x100xi32, #tpu.memory_space<vmem>> -> memref<100xi32, #tpu.memory_space<vmem>>
      %dma_start3A_271 = arith.constant 0 : i32
      %dma_start3A_272 = arith.constant 0 : i32
      %dma_start3A_273 = tpu.memref_slice %arg12[%dma_start3A_271, %dma_start3A_272] : memref<10000x128xf32, #tpu.memory_space<vmem_shared>> -> memref<10000x128xf32, #tpu.memory_space<vmem_shared>>
      %dma_start3A_274 = tpu.memref_slice %arg14[%dma_start3A_263] : memref<3x!tpu.dma_semaphore, #tpu.memory_space<semaphore_mem>> -> memref<1x!tpu.dma_semaphore, #tpu.memory_space<semaphore_mem>>
      %dma_start3A_275 = tpu.memref_squeeze %dma_start3A_274 : memref<1x!tpu.dma_semaphore, #tpu.memory_space<semaphore_mem>> -> memref<!tpu.dma_semaphore, #tpu.memory_space<semaphore_mem>>
      tpu.enqueue_indirect_dma source(%dma_start3A_267 : memref<100x128xf32, #tpu.memory_space<vmem>>) target(%dma_start3A_273 : memref<10000x128xf32, #tpu.memory_space<vmem_shared>>) offsets(%dma_start3A_270 : memref<100xi32, #tpu.memory_space<vmem>>) semaphore(%dma_start3A_275 : memref<!tpu.dma_semaphore, #tpu.memory_space<semaphore_mem>>) {add = true}
      %dma_wait3A_276 = arith.constant 1 : i32
      %dma_wait3A_277 = arith.constant 0 : i32
      %dma_wait3A_278 = arith.constant 1 : i32
      %dma_wait3A_279 = arith.constant 0 : i32
      %dma_wait3A_280 = arith.constant 0 : i32
      %dma_wait3A_281 = tpu.memref_slice %arg11[%dma_wait3A_276, %dma_wait3A_279, %dma_wait3A_280] : memref<3x100x128xf32, #tpu.memory_space<vmem>> -> memref<1x100x128xf32, #tpu.memory_space<vmem>>
      %dma_wait3A_282 = tpu.memref_squeeze %dma_wait3A_281 : memref<1x100x128xf32, #tpu.memory_space<vmem>> -> memref<100x128xf32, #tpu.memory_space<vmem>>
      %dma_wait3A_283 = arith.constant 0 : i32
      %dma_wait3A_284 = tpu.memref_slice %arg9[%dma_wait3A_277, %dma_wait3A_283] : memref<5x100xi32, #tpu.memory_space<vmem>> -> memref<1x100xi32, #tpu.memory_space<vmem>>
      %dma_wait3A_285 = tpu.memref_squeeze %dma_wait3A_284 : memref<1x100xi32, #tpu.memory_space<vmem>> -> memref<100xi32, #tpu.memory_space<vmem>>
      %dma_wait3A_286 = arith.constant 0 : i32
      %dma_wait3A_287 = arith.constant 0 : i32
      %dma_wait3A_288 = tpu.memref_slice %arg12[%dma_wait3A_286, %dma_wait3A_287] : memref<10000x128xf32, #tpu.memory_space<vmem_shared>> -> memref<10000x128xf32, #tpu.memory_space<vmem_shared>>
      %dma_wait3A_289 = tpu.memref_slice %arg14[%dma_wait3A_278] : memref<3x!tpu.dma_semaphore, #tpu.memory_space<semaphore_mem>> -> memref<1x!tpu.dma_semaphore, #tpu.memory_space<semaphore_mem>>
      %dma_wait3A_290 = tpu.memref_squeeze %dma_wait3A_289 : memref<1x!tpu.dma_semaphore, #tpu.memory_space<semaphore_mem>> -> memref<!tpu.dma_semaphore, #tpu.memory_space<semaphore_mem>>
      tpu.wait_indirect_dma semaphore(%dma_wait3A_290 : memref<!tpu.dma_semaphore, #tpu.memory_space<semaphore_mem>>) src(%dma_wait3A_282 : memref<100x128xf32, #tpu.memory_space<vmem>>) dst(%dma_wait3A_288 : memref<10000x128xf32, #tpu.memory_space<vmem_shared>>)
      %dma_start3A_291 = arith.constant 4 : i32
      %dma_start3A_292 = arith.constant 1 : i32
      %dma_start3A_293 = arith.constant 1 : i32
      %dma_start3A_294 = arith.constant 0 : i32
      %dma_start3A_295 = arith.constant 0 : i32
      %dma_start3A_296 = tpu.memref_slice %arg11[%dma_start3A_292, %dma_start3A_294, %dma_start3A_295] : memref<3x100x128xf32, #tpu.memory_space<vmem>> -> memref<1x100x128xf32, #tpu.memory_space<vmem>>
      %dma_start3A_297 = tpu.memref_squeeze %dma_start3A_296 : memref<1x100x128xf32, #tpu.memory_space<vmem>> -> memref<100x128xf32, #tpu.memory_space<vmem>>
      %dma_start3A_298 = arith.constant 0 : i32
      %dma_start3A_299 = tpu.memref_slice %arg7[%dma_start3A_291, %dma_start3A_298] : memref<5x100xi32, #tpu.memory_space<vmem>> -> memref<1x100xi32, #tpu.memory_space<vmem>>
      %dma_start3A_300 = tpu.memref_squeeze %dma_start3A_299 : memref<1x100xi32, #tpu.memory_space<vmem>> -> memref<100xi32, #tpu.memory_space<vmem>>
      %dma_start3A_301 = arith.constant 0 : i32
      %dma_start3A_302 = arith.constant 0 : i32
      %dma_start3A_303 = tpu.memref_slice %arg2[%dma_start3A_301, %dma_start3A_302] : memref<20000x128xf32, #tpu.memory_space<hbm>> -> memref<20000x128xf32, #tpu.memory_space<hbm>>
      %dma_start3A_304 = tpu.memref_slice %arg13[%dma_start3A_293] : memref<3x!tpu.dma_semaphore, #tpu.memory_space<semaphore_mem>> -> memref<1x!tpu.dma_semaphore, #tpu.memory_space<semaphore_mem>>
      %dma_start3A_305 = tpu.memref_squeeze %dma_start3A_304 : memref<1x!tpu.dma_semaphore, #tpu.memory_space<semaphore_mem>> -> memref<!tpu.dma_semaphore, #tpu.memory_space<semaphore_mem>>
      tpu.enqueue_indirect_dma source(%dma_start3A_303 : memref<20000x128xf32, #tpu.memory_space<hbm>>) target(%dma_start3A_297 : memref<100x128xf32, #tpu.memory_space<vmem>>) offsets(%dma_start3A_300 : memref<100xi32, #tpu.memory_space<vmem>>) semaphore(%dma_start3A_305 : memref<!tpu.dma_semaphore, #tpu.memory_space<semaphore_mem>>)
      %dma_wait3A_306 = arith.constant 3 : i32
      %dma_wait3A_307 = arith.constant 0 : i32
      %dma_wait3A_308 = arith.constant 0 : i32
      %dma_wait3A_309 = arith.constant 0 : i32
      %dma_wait3A_310 = arith.constant 0 : i32
      %dma_wait3A_311 = tpu.memref_slice %arg11[%dma_wait3A_307, %dma_wait3A_309, %dma_wait3A_310] : memref<3x100x128xf32, #tpu.memory_space<vmem>> -> memref<1x100x128xf32, #tpu.memory_space<vmem>>
      %dma_wait3A_312 = tpu.memref_squeeze %dma_wait3A_311 : memref<1x100x128xf32, #tpu.memory_space<vmem>> -> memref<100x128xf32, #tpu.memory_space<vmem>>
      %dma_wait3A_313 = arith.constant 0 : i32
      %dma_wait3A_314 = tpu.memref_slice %arg7[%dma_wait3A_306, %dma_wait3A_313] : memref<5x100xi32, #tpu.memory_space<vmem>> -> memref<1x100xi32, #tpu.memory_space<vmem>>
      %dma_wait3A_315 = tpu.memref_squeeze %dma_wait3A_314 : memref<1x100xi32, #tpu.memory_space<vmem>> -> memref<100xi32, #tpu.memory_space<vmem>>
      %dma_wait3A_316 = arith.constant 0 : i32
      %dma_wait3A_317 = arith.constant 0 : i32
      %dma_wait3A_318 = tpu.memref_slice %arg2[%dma_wait3A_316, %dma_wait3A_317] : memref<20000x128xf32, #tpu.memory_space<hbm>> -> memref<20000x128xf32, #tpu.memory_space<hbm>>
      %dma_wait3A_319 = tpu.memref_slice %arg13[%dma_wait3A_308] : memref<3x!tpu.dma_semaphore, #tpu.memory_space<semaphore_mem>> -> memref<1x!tpu.dma_semaphore, #tpu.memory_space<semaphore_mem>>
      %dma_wait3A_320 = tpu.memref_squeeze %dma_wait3A_319 : memref<1x!tpu.dma_semaphore, #tpu.memory_space<semaphore_mem>> -> memref<!tpu.dma_semaphore, #tpu.memory_space<semaphore_mem>>
      tpu.wait_indirect_dma semaphore(%dma_wait3A_320 : memref<!tpu.dma_semaphore, #tpu.memory_space<semaphore_mem>>) src(%dma_wait3A_318 : memref<20000x128xf32, #tpu.memory_space<hbm>>) dst(%dma_wait3A_312 : memref<100x128xf32, #tpu.memory_space<vmem>>)
      %dma_start3A_321 = arith.constant 0 : i32
      %dma_start3A_322 = arith.constant 3 : i32
      %dma_start3A_323 = arith.constant 0 : i32
      %dma_start3A_324 = arith.constant 0 : i32
      %dma_start3A_325 = arith.constant 0 : i32
      %dma_start3A_326 = tpu.memref_slice %arg11[%dma_start3A_321, %dma_start3A_324, %dma_start3A_325] : memref<3x100x128xf32, #tpu.memory_space<vmem>> -> memref<1x100x128xf32, #tpu.memory_space<vmem>>
      %dma_start3A_327 = tpu.memref_squeeze %dma_start3A_326 : memref<1x100x128xf32, #tpu.memory_space<vmem>> -> memref<100x128xf32, #tpu.memory_space<vmem>>
      %dma_start3A_328 = arith.constant 0 : i32
      %dma_start3A_329 = tpu.memref_slice %arg9[%dma_start3A_322, %dma_start3A_328] : memref<5x100xi32, #tpu.memory_space<vmem>> -> memref<1x100xi32, #tpu.memory_space<vmem>>
      %dma_start3A_330 = tpu.memref_squeeze %dma_start3A_329 : memref<1x100xi32, #tpu.memory_space<vmem>> -> memref<100xi32, #tpu.memory_space<vmem>>
      %dma_start3A_331 = arith.constant 0 : i32
      %dma_start3A_332 = arith.constant 0 : i32
      %dma_start3A_333 = tpu.memref_slice %arg12[%dma_start3A_331, %dma_start3A_332] : memref<10000x128xf32, #tpu.memory_space<vmem_shared>> -> memref<10000x128xf32, #tpu.memory_space<vmem_shared>>
      %dma_start3A_334 = tpu.memref_slice %arg14[%dma_start3A_323] : memref<3x!tpu.dma_semaphore, #tpu.memory_space<semaphore_mem>> -> memref<1x!tpu.dma_semaphore, #tpu.memory_space<semaphore_mem>>
      %dma_start3A_335 = tpu.memref_squeeze %dma_start3A_334 : memref<1x!tpu.dma_semaphore, #tpu.memory_space<semaphore_mem>> -> memref<!tpu.dma_semaphore, #tpu.memory_space<semaphore_mem>>
      tpu.enqueue_indirect_dma source(%dma_start3A_327 : memref<100x128xf32, #tpu.memory_space<vmem>>) target(%dma_start3A_333 : memref<10000x128xf32, #tpu.memory_space<vmem_shared>>) offsets(%dma_start3A_330 : memref<100xi32, #tpu.memory_space<vmem>>) semaphore(%dma_start3A_335 : memref<!tpu.dma_semaphore, #tpu.memory_space<semaphore_mem>>) {add = true}
      %dma_wait3A_336 = arith.constant 2 : i32
      %dma_wait3A_337 = arith.constant 0 : i32
      %dma_wait3A_338 = arith.constant 2 : i32
      %dma_wait3A_339 = arith.constant 0 : i32
      %dma_wait3A_340 = arith.constant 0 : i32
      %dma_wait3A_341 = tpu.memref_slice %arg11[%dma_wait3A_336, %dma_wait3A_339, %dma_wait3A_340] : memref<3x100x128xf32, #tpu.memory_space<vmem>> -> memref<1x100x128xf32, #tpu.memory_space<vmem>>
      %dma_wait3A_342 = tpu.memref_squeeze %dma_wait3A_341 : memref<1x100x128xf32, #tpu.memory_space<vmem>> -> memref<100x128xf32, #tpu.memory_space<vmem>>
      %dma_wait3A_343 = arith.constant 0 : i32
      %dma_wait3A_344 = tpu.memref_slice %arg9[%dma_wait3A_337, %dma_wait3A_343] : memref<5x100xi32, #tpu.memory_space<vmem>> -> memref<1x100xi32, #tpu.memory_space<vmem>>
      %dma_wait3A_345 = tpu.memref_squeeze %dma_wait3A_344 : memref<1x100xi32, #tpu.memory_space<vmem>> -> memref<100xi32, #tpu.memory_space<vmem>>
      %dma_wait3A_346 = arith.constant 0 : i32
      %dma_wait3A_347 = arith.constant 0 : i32
      %dma_wait3A_348 = tpu.memref_slice %arg12[%dma_wait3A_346, %dma_wait3A_347] : memref<10000x128xf32, #tpu.memory_space<vmem_shared>> -> memref<10000x128xf32, #tpu.memory_space<vmem_shared>>
      %dma_wait3A_349 = tpu.memref_slice %arg14[%dma_wait3A_338] : memref<3x!tpu.dma_semaphore, #tpu.memory_space<semaphore_mem>> -> memref<1x!tpu.dma_semaphore, #tpu.memory_space<semaphore_mem>>
      %dma_wait3A_350 = tpu.memref_squeeze %dma_wait3A_349 : memref<1x!tpu.dma_semaphore, #tpu.memory_space<semaphore_mem>> -> memref<!tpu.dma_semaphore, #tpu.memory_space<semaphore_mem>>
      tpu.wait_indirect_dma semaphore(%dma_wait3A_350 : memref<!tpu.dma_semaphore, #tpu.memory_space<semaphore_mem>>) src(%dma_wait3A_342 : memref<100x128xf32, #tpu.memory_space<vmem>>) dst(%dma_wait3A_348 : memref<10000x128xf32, #tpu.memory_space<vmem_shared>>)
      %dma_start3A_351 = arith.constant 0 : i32
      %dma_start3A_352 = arith.constant 2 : i32
      %dma_start3A_353 = arith.constant 2 : i32
      %dma_start3A_354 = arith.constant 0 : i32
      %dma_start3A_355 = arith.constant 0 : i32
      %dma_start3A_356 = tpu.memref_slice %arg11[%dma_start3A_352, %dma_start3A_354, %dma_start3A_355] : memref<3x100x128xf32, #tpu.memory_space<vmem>> -> memref<1x100x128xf32, #tpu.memory_space<vmem>>
      %dma_start3A_357 = tpu.memref_squeeze %dma_start3A_356 : memref<1x100x128xf32, #tpu.memory_space<vmem>> -> memref<100x128xf32, #tpu.memory_space<vmem>>
      %dma_start3A_358 = arith.constant 0 : i32
      %dma_start3A_359 = tpu.memref_slice %arg8[%dma_start3A_351, %dma_start3A_358] : memref<5x100xi32, #tpu.memory_space<vmem>> -> memref<1x100xi32, #tpu.memory_space<vmem>>
      %dma_start3A_360 = tpu.memref_squeeze %dma_start3A_359 : memref<1x100xi32, #tpu.memory_space<vmem>> -> memref<100xi32, #tpu.memory_space<vmem>>
      %dma_start3A_361 = arith.constant 0 : i32
      %dma_start3A_362 = arith.constant 0 : i32
      %dma_start3A_363 = tpu.memref_slice %arg2[%dma_start3A_361, %dma_start3A_362] : memref<20000x128xf32, #tpu.memory_space<hbm>> -> memref<20000x128xf32, #tpu.memory_space<hbm>>
      %dma_start3A_364 = tpu.memref_slice %arg13[%dma_start3A_353] : memref<3x!tpu.dma_semaphore, #tpu.memory_space<semaphore_mem>> -> memref<1x!tpu.dma_semaphore, #tpu.memory_space<semaphore_mem>>
      %dma_start3A_365 = tpu.memref_squeeze %dma_start3A_364 : memref<1x!tpu.dma_semaphore, #tpu.memory_space<semaphore_mem>> -> memref<!tpu.dma_semaphore, #tpu.memory_space<semaphore_mem>>
      tpu.enqueue_indirect_dma source(%dma_start3A_363 : memref<20000x128xf32, #tpu.memory_space<hbm>>) target(%dma_start3A_357 : memref<100x128xf32, #tpu.memory_space<vmem>>) offsets(%dma_start3A_360 : memref<100xi32, #tpu.memory_space<vmem>>) semaphore(%dma_start3A_365 : memref<!tpu.dma_semaphore, #tpu.memory_space<semaphore_mem>>)
      %dma_wait3A_366 = arith.constant 1 : i32
      %dma_wait3A_367 = arith.constant 0 : i32
      %dma_wait3A_368 = arith.constant 0 : i32
      %dma_wait3A_369 = tpu.memref_slice %arg3[%arg0, %add3A_89, %dma_wait3A_366, %dma_wait3A_367, %dma_wait3A_368] : memref<2x320x2x5x100xi32, #tpu.memory_space<hbm>> -> memref<1x1x1x5x100xi32, #tpu.memory_space<hbm>>
      %dma_wait3A_370 = tpu.memref_squeeze %dma_wait3A_369 : memref<1x1x1x5x100xi32, #tpu.memory_space<hbm>> -> memref<5x100xi32, #tpu.memory_space<hbm>>
      %dma_wait3A_371 = arith.constant 0 : i32
      %dma_wait3A_372 = arith.constant 0 : i32
      %dma_wait3A_373 = tpu.memref_slice %arg3[%arg0, %add3A_89, %dma_wait3A_366, %dma_wait3A_371, %dma_wait3A_372] : memref<2x320x2x5x100xi32, #tpu.memory_space<hbm>> -> memref<1x1x1x5x100xi32, #tpu.memory_space<hbm>>
      %dma_wait3A_374 = tpu.memref_squeeze %dma_wait3A_373 : memref<1x1x1x5x100xi32, #tpu.memory_space<hbm>> -> memref<5x100xi32, #tpu.memory_space<hbm>>
      tpu.wait_dma2 semaphore(%arg16 : memref<!tpu.dma_semaphore, #tpu.memory_space<semaphore_mem>>) src(%dma_wait3A_374 : memref<5x100xi32, #tpu.memory_space<hbm>>) dst(%arg8 : memref<5x100xi32, #tpu.memory_space<vmem>>)
      %dma_wait3A_375 = arith.constant 1 : i32
      %dma_wait3A_376 = arith.constant 0 : i32
      %dma_wait3A_377 = arith.constant 0 : i32
      %dma_wait3A_378 = tpu.memref_slice %arg4[%add3A_89, %dma_wait3A_375, %dma_wait3A_376, %dma_wait3A_377] : memref<320x2x5x100xi32, #tpu.memory_space<hbm>> -> memref<1x1x5x100xi32, #tpu.memory_space<hbm>>
      %dma_wait3A_379 = tpu.memref_squeeze %dma_wait3A_378 : memref<1x1x5x100xi32, #tpu.memory_space<hbm>> -> memref<5x100xi32, #tpu.memory_space<hbm>>
      %dma_wait3A_380 = arith.constant 0 : i32
      %dma_wait3A_381 = arith.constant 0 : i32
      %dma_wait3A_382 = tpu.memref_slice %arg4[%add3A_89, %dma_wait3A_375, %dma_wait3A_380, %dma_wait3A_381] : memref<320x2x5x100xi32, #tpu.memory_space<hbm>> -> memref<1x1x5x100xi32, #tpu.memory_space<hbm>>
      %dma_wait3A_383 = tpu.memref_squeeze %dma_wait3A_382 : memref<1x1x5x100xi32, #tpu.memory_space<hbm>> -> memref<5x100xi32, #tpu.memory_space<hbm>>
      tpu.wait_dma2 semaphore(%arg16 : memref<!tpu.dma_semaphore, #tpu.memory_space<semaphore_mem>>) src(%dma_wait3A_383 : memref<5x100xi32, #tpu.memory_space<hbm>>) dst(%arg10 : memref<5x100xi32, #tpu.memory_space<vmem>>)
      %dma_wait3A_384 = arith.constant 4 : i32
      %dma_wait3A_385 = arith.constant 1 : i32
      %dma_wait3A_386 = arith.constant 1 : i32
      %dma_wait3A_387 = arith.constant 0 : i32
      %dma_wait3A_388 = arith.constant 0 : i32
      %dma_wait3A_389 = tpu.memref_slice %arg11[%dma_wait3A_385, %dma_wait3A_387, %dma_wait3A_388] : memref<3x100x128xf32, #tpu.memory_space<vmem>> -> memref<1x100x128xf32, #tpu.memory_space<vmem>>
      %dma_wait3A_390 = tpu.memref_squeeze %dma_wait3A_389 : memref<1x100x128xf32, #tpu.memory_space<vmem>> -> memref<100x128xf32, #tpu.memory_space<vmem>>
      %dma_wait3A_391 = arith.constant 0 : i32
      %dma_wait3A_392 = tpu.memref_slice %arg7[%dma_wait3A_384, %dma_wait3A_391] : memref<5x100xi32, #tpu.memory_space<vmem>> -> memref<1x100xi32, #tpu.memory_space<vmem>>
      %dma_wait3A_393 = tpu.memref_squeeze %dma_wait3A_392 : memref<1x100xi32, #tpu.memory_space<vmem>> -> memref<100xi32, #tpu.memory_space<vmem>>
      %dma_wait3A_394 = arith.constant 0 : i32
      %dma_wait3A_395 = arith.constant 0 : i32
      %dma_wait3A_396 = tpu.memref_slice %arg2[%dma_wait3A_394, %dma_wait3A_395] : memref<20000x128xf32, #tpu.memory_space<hbm>> -> memref<20000x128xf32, #tpu.memory_space<hbm>>
      %dma_wait3A_397 = tpu.memref_slice %arg13[%dma_wait3A_386] : memref<3x!tpu.dma_semaphore, #tpu.memory_space<semaphore_mem>> -> memref<1x!tpu.dma_semaphore, #tpu.memory_space<semaphore_mem>>
      %dma_wait3A_398 = tpu.memref_squeeze %dma_wait3A_397 : memref<1x!tpu.dma_semaphore, #tpu.memory_space<semaphore_mem>> -> memref<!tpu.dma_semaphore, #tpu.memory_space<semaphore_mem>>
      tpu.wait_indirect_dma semaphore(%dma_wait3A_398 : memref<!tpu.dma_semaphore, #tpu.memory_space<semaphore_mem>>) src(%dma_wait3A_396 : memref<20000x128xf32, #tpu.memory_space<hbm>>) dst(%dma_wait3A_390 : memref<100x128xf32, #tpu.memory_space<vmem>>)
      %dma_start3A_399 = arith.constant 1 : i32
      %dma_start3A_400 = arith.constant 4 : i32
      %dma_start3A_401 = arith.constant 1 : i32
      %dma_start3A_402 = arith.constant 0 : i32
      %dma_start3A_403 = arith.constant 0 : i32
      %dma_start3A_404 = tpu.memref_slice %arg11[%dma_start3A_399, %dma_start3A_402, %dma_start3A_403] : memref<3x100x128xf32, #tpu.memory_space<vmem>> -> memref<1x100x128xf32, #tpu.memory_space<vmem>>
      %dma_start3A_405 = tpu.memref_squeeze %dma_start3A_404 : memref<1x100x128xf32, #tpu.memory_space<vmem>> -> memref<100x128xf32, #tpu.memory_space<vmem>>
      %dma_start3A_406 = arith.constant 0 : i32
      %dma_start3A_407 = tpu.memref_slice %arg9[%dma_start3A_400, %dma_start3A_406] : memref<5x100xi32, #tpu.memory_space<vmem>> -> memref<1x100xi32, #tpu.memory_space<vmem>>
      %dma_start3A_408 = tpu.memref_squeeze %dma_start3A_407 : memref<1x100xi32, #tpu.memory_space<vmem>> -> memref<100xi32, #tpu.memory_space<vmem>>
      %dma_start3A_409 = arith.constant 0 : i32
      %dma_start3A_410 = arith.constant 0 : i32
      %dma_start3A_411 = tpu.memref_slice %arg12[%dma_start3A_409, %dma_start3A_410] : memref<10000x128xf32, #tpu.memory_space<vmem_shared>> -> memref<10000x128xf32, #tpu.memory_space<vmem_shared>>
      %dma_start3A_412 = tpu.memref_slice %arg14[%dma_start3A_401] : memref<3x!tpu.dma_semaphore, #tpu.memory_space<semaphore_mem>> -> memref<1x!tpu.dma_semaphore, #tpu.memory_space<semaphore_mem>>
      %dma_start3A_413 = tpu.memref_squeeze %dma_start3A_412 : memref<1x!tpu.dma_semaphore, #tpu.memory_space<semaphore_mem>> -> memref<!tpu.dma_semaphore, #tpu.memory_space<semaphore_mem>>
      tpu.enqueue_indirect_dma source(%dma_start3A_405 : memref<100x128xf32, #tpu.memory_space<vmem>>) target(%dma_start3A_411 : memref<10000x128xf32, #tpu.memory_space<vmem_shared>>) offsets(%dma_start3A_408 : memref<100xi32, #tpu.memory_space<vmem>>) semaphore(%dma_start3A_413 : memref<!tpu.dma_semaphore, #tpu.memory_space<semaphore_mem>>) {add = true}
      %dma_wait3A_414 = arith.constant 0 : i32
      %dma_wait3A_415 = arith.constant 0 : i32
      %dma_wait3A_416 = arith.constant 0 : i32
      %dma_wait3A_417 = arith.constant 0 : i32
      %dma_wait3A_418 = arith.constant 0 : i32
      %dma_wait3A_419 = tpu.memref_slice %arg11[%dma_wait3A_414, %dma_wait3A_417, %dma_wait3A_418] : memref<3x100x128xf32, #tpu.memory_space<vmem>> -> memref<1x100x128xf32, #tpu.memory_space<vmem>>
      %dma_wait3A_420 = tpu.memref_squeeze %dma_wait3A_419 : memref<1x100x128xf32, #tpu.memory_space<vmem>> -> memref<100x128xf32, #tpu.memory_space<vmem>>
      %dma_wait3A_421 = arith.constant 0 : i32
      %dma_wait3A_422 = tpu.memref_slice %arg9[%dma_wait3A_415, %dma_wait3A_421] : memref<5x100xi32, #tpu.memory_space<vmem>> -> memref<1x100xi32, #tpu.memory_space<vmem>>
      %dma_wait3A_423 = tpu.memref_squeeze %dma_wait3A_422 : memref<1x100xi32, #tpu.memory_space<vmem>> -> memref<100xi32, #tpu.memory_space<vmem>>
      %dma_wait3A_424 = arith.constant 0 : i32
      %dma_wait3A_425 = arith.constant 0 : i32
      %dma_wait3A_426 = tpu.memref_slice %arg12[%dma_wait3A_424, %dma_wait3A_425] : memref<10000x128xf32, #tpu.memory_space<vmem_shared>> -> memref<10000x128xf32, #tpu.memory_space<vmem_shared>>
      %dma_wait3A_427 = tpu.memref_slice %arg14[%dma_wait3A_416] : memref<3x!tpu.dma_semaphore, #tpu.memory_space<semaphore_mem>> -> memref<1x!tpu.dma_semaphore, #tpu.memory_space<semaphore_mem>>
      %dma_wait3A_428 = tpu.memref_squeeze %dma_wait3A_427 : memref<1x!tpu.dma_semaphore, #tpu.memory_space<semaphore_mem>> -> memref<!tpu.dma_semaphore, #tpu.memory_space<semaphore_mem>>
      tpu.wait_indirect_dma semaphore(%dma_wait3A_428 : memref<!tpu.dma_semaphore, #tpu.memory_space<semaphore_mem>>) src(%dma_wait3A_420 : memref<100x128xf32, #tpu.memory_space<vmem>>) dst(%dma_wait3A_426 : memref<10000x128xf32, #tpu.memory_space<vmem_shared>>)
      %dma_start3A_429 = arith.constant 1 : i32
      %dma_start3A_430 = arith.constant 0 : i32
      %dma_start3A_431 = arith.constant 0 : i32
      %dma_start3A_432 = arith.constant 0 : i32
      %dma_start3A_433 = arith.constant 0 : i32
      %dma_start3A_434 = tpu.memref_slice %arg11[%dma_start3A_430, %dma_start3A_432, %dma_start3A_433] : memref<3x100x128xf32, #tpu.memory_space<vmem>> -> memref<1x100x128xf32, #tpu.memory_space<vmem>>
      %dma_start3A_435 = tpu.memref_squeeze %dma_start3A_434 : memref<1x100x128xf32, #tpu.memory_space<vmem>> -> memref<100x128xf32, #tpu.memory_space<vmem>>
      %dma_start3A_436 = arith.constant 0 : i32
      %dma_start3A_437 = tpu.memref_slice %arg8[%dma_start3A_429, %dma_start3A_436] : memref<5x100xi32, #tpu.memory_space<vmem>> -> memref<1x100xi32, #tpu.memory_space<vmem>>
      %dma_start3A_438 = tpu.memref_squeeze %dma_start3A_437 : memref<1x100xi32, #tpu.memory_space<vmem>> -> memref<100xi32, #tpu.memory_space<vmem>>
      %dma_start3A_439 = arith.constant 0 : i32
      %dma_start3A_440 = arith.constant 0 : i32
      %dma_start3A_441 = tpu.memref_slice %arg2[%dma_start3A_439, %dma_start3A_440] : memref<20000x128xf32, #tpu.memory_space<hbm>> -> memref<20000x128xf32, #tpu.memory_space<hbm>>
      %dma_start3A_442 = tpu.memref_slice %arg13[%dma_start3A_431] : memref<3x!tpu.dma_semaphore, #tpu.memory_space<semaphore_mem>> -> memref<1x!tpu.dma_semaphore, #tpu.memory_space<semaphore_mem>>
      %dma_start3A_443 = tpu.memref_squeeze %dma_start3A_442 : memref<1x!tpu.dma_semaphore, #tpu.memory_space<semaphore_mem>> -> memref<!tpu.dma_semaphore, #tpu.memory_space<semaphore_mem>>
      tpu.enqueue_indirect_dma source(%dma_start3A_441 : memref<20000x128xf32, #tpu.memory_space<hbm>>) target(%dma_start3A_435 : memref<100x128xf32, #tpu.memory_space<vmem>>) offsets(%dma_start3A_438 : memref<100xi32, #tpu.memory_space<vmem>>) semaphore(%dma_start3A_443 : memref<!tpu.dma_semaphore, #tpu.memory_space<semaphore_mem>>)
      %dma_wait3A_444 = arith.constant 0 : i32
      %dma_wait3A_445 = arith.constant 2 : i32
      %dma_wait3A_446 = arith.constant 2 : i32
      %dma_wait3A_447 = arith.constant 0 : i32
      %dma_wait3A_448 = arith.constant 0 : i32
      %dma_wait3A_449 = tpu.memref_slice %arg11[%dma_wait3A_445, %dma_wait3A_447, %dma_wait3A_448] : memref<3x100x128xf32, #tpu.memory_space<vmem>> -> memref<1x100x128xf32, #tpu.memory_space<vmem>>
      %dma_wait3A_450 = tpu.memref_squeeze %dma_wait3A_449 : memref<1x100x128xf32, #tpu.memory_space<vmem>> -> memref<100x128xf32, #tpu.memory_space<vmem>>
      %dma_wait3A_451 = arith.constant 0 : i32
      %dma_wait3A_452 = tpu.memref_slice %arg8[%dma_wait3A_444, %dma_wait3A_451] : memref<5x100xi32, #tpu.memory_space<vmem>> -> memref<1x100xi32, #tpu.memory_space<vmem>>
      %dma_wait3A_453 = tpu.memref_squeeze %dma_wait3A_452 : memref<1x100xi32, #tpu.memory_space<vmem>> -> memref<100xi32, #tpu.memory_space<vmem>>
      %dma_wait3A_454 = arith.constant 0 : i32
      %dma_wait3A_455 = arith.constant 0 : i32
      %dma_wait3A_456 = tpu.memref_slice %arg2[%dma_wait3A_454, %dma_wait3A_455] : memref<20000x128xf32, #tpu.memory_space<hbm>> -> memref<20000x128xf32, #tpu.memory_space<hbm>>
      %dma_wait3A_457 = tpu.memref_slice %arg13[%dma_wait3A_446] : memref<3x!tpu.dma_semaphore, #tpu.memory_space<semaphore_mem>> -> memref<1x!tpu.dma_semaphore, #tpu.memory_space<semaphore_mem>>
      %dma_wait3A_458 = tpu.memref_squeeze %dma_wait3A_457 : memref<1x!tpu.dma_semaphore, #tpu.memory_space<semaphore_mem>> -> memref<!tpu.dma_semaphore, #tpu.memory_space<semaphore_mem>>
      tpu.wait_indirect_dma semaphore(%dma_wait3A_458 : memref<!tpu.dma_semaphore, #tpu.memory_space<semaphore_mem>>) src(%dma_wait3A_456 : memref<20000x128xf32, #tpu.memory_space<hbm>>) dst(%dma_wait3A_450 : memref<100x128xf32, #tpu.memory_space<vmem>>)
      %dma_start3A_459 = arith.constant 2 : i32
      %dma_start3A_460 = arith.constant 0 : i32
      %dma_start3A_461 = arith.constant 2 : i32
      %dma_start3A_462 = arith.constant 0 : i32
      %dma_start3A_463 = arith.constant 0 : i32
      %dma_start3A_464 = tpu.memref_slice %arg11[%dma_start3A_459, %dma_start3A_462, %dma_start3A_463] : memref<3x100x128xf32, #tpu.memory_space<vmem>> -> memref<1x100x128xf32, #tpu.memory_space<vmem>>
      %dma_start3A_465 = tpu.memref_squeeze %dma_start3A_464 : memref<1x100x128xf32, #tpu.memory_space<vmem>> -> memref<100x128xf32, #tpu.memory_space<vmem>>
      %dma_start3A_466 = arith.constant 0 : i32
      %dma_start3A_467 = tpu.memref_slice %arg10[%dma_start3A_460, %dma_start3A_466] : memref<5x100xi32, #tpu.memory_space<vmem>> -> memref<1x100xi32, #tpu.memory_space<vmem>>
      %dma_start3A_468 = tpu.memref_squeeze %dma_start3A_467 : memref<1x100xi32, #tpu.memory_space<vmem>> -> memref<100xi32, #tpu.memory_space<vmem>>
      %dma_start3A_469 = arith.constant 0 : i32
      %dma_start3A_470 = arith.constant 0 : i32
      %dma_start3A_471 = tpu.memref_slice %arg12[%dma_start3A_469, %dma_start3A_470] : memref<10000x128xf32, #tpu.memory_space<vmem_shared>> -> memref<10000x128xf32, #tpu.memory_space<vmem_shared>>
      %dma_start3A_472 = tpu.memref_slice %arg14[%dma_start3A_461] : memref<3x!tpu.dma_semaphore, #tpu.memory_space<semaphore_mem>> -> memref<1x!tpu.dma_semaphore, #tpu.memory_space<semaphore_mem>>
      %dma_start3A_473 = tpu.memref_squeeze %dma_start3A_472 : memref<1x!tpu.dma_semaphore, #tpu.memory_space<semaphore_mem>> -> memref<!tpu.dma_semaphore, #tpu.memory_space<semaphore_mem>>
      tpu.enqueue_indirect_dma source(%dma_start3A_465 : memref<100x128xf32, #tpu.memory_space<vmem>>) target(%dma_start3A_471 : memref<10000x128xf32, #tpu.memory_space<vmem_shared>>) offsets(%dma_start3A_468 : memref<100xi32, #tpu.memory_space<vmem>>) semaphore(%dma_start3A_473 : memref<!tpu.dma_semaphore, #tpu.memory_space<semaphore_mem>>) {add = true}
      %dma_wait3A_474 = arith.constant 1 : i32
      %dma_wait3A_475 = arith.constant 0 : i32
      %dma_wait3A_476 = arith.constant 1 : i32
      %dma_wait3A_477 = arith.constant 0 : i32
      %dma_wait3A_478 = arith.constant 0 : i32
      %dma_wait3A_479 = tpu.memref_slice %arg11[%dma_wait3A_474, %dma_wait3A_477, %dma_wait3A_478] : memref<3x100x128xf32, #tpu.memory_space<vmem>> -> memref<1x100x128xf32, #tpu.memory_space<vmem>>
      %dma_wait3A_480 = tpu.memref_squeeze %dma_wait3A_479 : memref<1x100x128xf32, #tpu.memory_space<vmem>> -> memref<100x128xf32, #tpu.memory_space<vmem>>
      %dma_wait3A_481 = arith.constant 0 : i32
      %dma_wait3A_482 = tpu.memref_slice %arg9[%dma_wait3A_475, %dma_wait3A_481] : memref<5x100xi32, #tpu.memory_space<vmem>> -> memref<1x100xi32, #tpu.memory_space<vmem>>
      %dma_wait3A_483 = tpu.memref_squeeze %dma_wait3A_482 : memref<1x100xi32, #tpu.memory_space<vmem>> -> memref<100xi32, #tpu.memory_space<vmem>>
      %dma_wait3A_484 = arith.constant 0 : i32
      %dma_wait3A_485 = arith.constant 0 : i32
      %dma_wait3A_486 = tpu.memref_slice %arg12[%dma_wait3A_484, %dma_wait3A_485] : memref<10000x128xf32, #tpu.memory_space<vmem_shared>> -> memref<10000x128xf32, #tpu.memory_space<vmem_shared>>
      %dma_wait3A_487 = tpu.memref_slice %arg14[%dma_wait3A_476] : memref<3x!tpu.dma_semaphore, #tpu.memory_space<semaphore_mem>> -> memref<1x!tpu.dma_semaphore, #tpu.memory_space<semaphore_mem>>
      %dma_wait3A_488 = tpu.memref_squeeze %dma_wait3A_487 : memref<1x!tpu.dma_semaphore, #tpu.memory_space<semaphore_mem>> -> memref<!tpu.dma_semaphore, #tpu.memory_space<semaphore_mem>>
      tpu.wait_indirect_dma semaphore(%dma_wait3A_488 : memref<!tpu.dma_semaphore, #tpu.memory_space<semaphore_mem>>) src(%dma_wait3A_480 : memref<100x128xf32, #tpu.memory_space<vmem>>) dst(%dma_wait3A_486 : memref<10000x128xf32, #tpu.memory_space<vmem_shared>>)
      %dma_start3A_489 = arith.constant 2 : i32
      %dma_start3A_490 = arith.constant 1 : i32
      %dma_start3A_491 = arith.constant 1 : i32
      %dma_start3A_492 = arith.constant 0 : i32
      %dma_start3A_493 = arith.constant 0 : i32
      %dma_start3A_494 = tpu.memref_slice %arg11[%dma_start3A_490, %dma_start3A_492, %dma_start3A_493] : memref<3x100x128xf32, #tpu.memory_space<vmem>> -> memref<1x100x128xf32, #tpu.memory_space<vmem>>
      %dma_start3A_495 = tpu.memref_squeeze %dma_start3A_494 : memref<1x100x128xf32, #tpu.memory_space<vmem>> -> memref<100x128xf32, #tpu.memory_space<vmem>>
      %dma_start3A_496 = arith.constant 0 : i32
      %dma_start3A_497 = tpu.memref_slice %arg8[%dma_start3A_489, %dma_start3A_496] : memref<5x100xi32, #tpu.memory_space<vmem>> -> memref<1x100xi32, #tpu.memory_space<vmem>>
      %dma_start3A_498 = tpu.memref_squeeze %dma_start3A_497 : memref<1x100xi32, #tpu.memory_space<vmem>> -> memref<100xi32, #tpu.memory_space<vmem>>
      %dma_start3A_499 = arith.constant 0 : i32
      %dma_start3A_500 = arith.constant 0 : i32
      %dma_start3A_501 = tpu.memref_slice %arg2[%dma_start3A_499, %dma_start3A_500] : memref<20000x128xf32, #tpu.memory_space<hbm>> -> memref<20000x128xf32, #tpu.memory_space<hbm>>
      %dma_start3A_502 = tpu.memref_slice %arg13[%dma_start3A_491] : memref<3x!tpu.dma_semaphore, #tpu.memory_space<semaphore_mem>> -> memref<1x!tpu.dma_semaphore, #tpu.memory_space<semaphore_mem>>
      %dma_start3A_503 = tpu.memref_squeeze %dma_start3A_502 : memref<1x!tpu.dma_semaphore, #tpu.memory_space<semaphore_mem>> -> memref<!tpu.dma_semaphore, #tpu.memory_space<semaphore_mem>>
      tpu.enqueue_indirect_dma source(%dma_start3A_501 : memref<20000x128xf32, #tpu.memory_space<hbm>>) target(%dma_start3A_495 : memref<100x128xf32, #tpu.memory_space<vmem>>) offsets(%dma_start3A_498 : memref<100xi32, #tpu.memory_space<vmem>>) semaphore(%dma_start3A_503 : memref<!tpu.dma_semaphore, #tpu.memory_space<semaphore_mem>>)
      %dma_wait3A_504 = arith.constant 1 : i32
      %dma_wait3A_505 = arith.constant 0 : i32
      %dma_wait3A_506 = arith.constant 0 : i32
      %dma_wait3A_507 = arith.constant 0 : i32
      %dma_wait3A_508 = arith.constant 0 : i32
      %dma_wait3A_509 = tpu.memref_slice %arg11[%dma_wait3A_505, %dma_wait3A_507, %dma_wait3A_508] : memref<3x100x128xf32, #tpu.memory_space<vmem>> -> memref<1x100x128xf32, #tpu.memory_space<vmem>>
      %dma_wait3A_510 = tpu.memref_squeeze %dma_wait3A_509 : memref<1x100x128xf32, #tpu.memory_space<vmem>> -> memref<100x128xf32, #tpu.memory_space<vmem>>
      %dma_wait3A_511 = arith.constant 0 : i32
      %dma_wait3A_512 = tpu.memref_slice %arg8[%dma_wait3A_504, %dma_wait3A_511] : memref<5x100xi32, #tpu.memory_space<vmem>> -> memref<1x100xi32, #tpu.memory_space<vmem>>
      %dma_wait3A_513 = tpu.memref_squeeze %dma_wait3A_512 : memref<1x100xi32, #tpu.memory_space<vmem>> -> memref<100xi32, #tpu.memory_space<vmem>>
      %dma_wait3A_514 = arith.constant 0 : i32
      %dma_wait3A_515 = arith.constant 0 : i32
      %dma_wait3A_516 = tpu.memref_slice %arg2[%dma_wait3A_514, %dma_wait3A_515] : memref<20000x128xf32, #tpu.memory_space<hbm>> -> memref<20000x128xf32, #tpu.memory_space<hbm>>
      %dma_wait3A_517 = tpu.memref_slice %arg13[%dma_wait3A_506] : memref<3x!tpu.dma_semaphore, #tpu.memory_space<semaphore_mem>> -> memref<1x!tpu.dma_semaphore, #tpu.memory_space<semaphore_mem>>
      %dma_wait3A_518 = tpu.memref_squeeze %dma_wait3A_517 : memref<1x!tpu.dma_semaphore, #tpu.memory_space<semaphore_mem>> -> memref<!tpu.dma_semaphore, #tpu.memory_space<semaphore_mem>>
      tpu.wait_indirect_dma semaphore(%dma_wait3A_518 : memref<!tpu.dma_semaphore, #tpu.memory_space<semaphore_mem>>) src(%dma_wait3A_516 : memref<20000x128xf32, #tpu.memory_space<hbm>>) dst(%dma_wait3A_510 : memref<100x128xf32, #tpu.memory_space<vmem>>)
      %dma_start3A_519 = arith.constant 0 : i32
      %dma_start3A_520 = arith.constant 1 : i32
      %dma_start3A_521 = arith.constant 0 : i32
      %dma_start3A_522 = arith.constant 0 : i32
      %dma_start3A_523 = arith.constant 0 : i32
      %dma_start3A_524 = tpu.memref_slice %arg11[%dma_start3A_519, %dma_start3A_522, %dma_start3A_523] : memref<3x100x128xf32, #tpu.memory_space<vmem>> -> memref<1x100x128xf32, #tpu.memory_space<vmem>>
      %dma_start3A_525 = tpu.memref_squeeze %dma_start3A_524 : memref<1x100x128xf32, #tpu.memory_space<vmem>> -> memref<100x128xf32, #tpu.memory_space<vmem>>
      %dma_start3A_526 = arith.constant 0 : i32
      %dma_start3A_527 = tpu.memref_slice %arg10[%dma_start3A_520, %dma_start3A_526] : memref<5x100xi32, #tpu.memory_space<vmem>> -> memref<1x100xi32, #tpu.memory_space<vmem>>
      %dma_start3A_528 = tpu.memref_squeeze %dma_start3A_527 : memref<1x100xi32, #tpu.memory_space<vmem>> -> memref<100xi32, #tpu.memory_space<vmem>>
      %dma_start3A_529 = arith.constant 0 : i32
      %dma_start3A_530 = arith.constant 0 : i32
      %dma_start3A_531 = tpu.memref_slice %arg12[%dma_start3A_529, %dma_start3A_530] : memref<10000x128xf32, #tpu.memory_space<vmem_shared>> -> memref<10000x128xf32, #tpu.memory_space<vmem_shared>>
      %dma_start3A_532 = tpu.memref_slice %arg14[%dma_start3A_521] : memref<3x!tpu.dma_semaphore, #tpu.memory_space<semaphore_mem>> -> memref<1x!tpu.dma_semaphore, #tpu.memory_space<semaphore_mem>>
      %dma_start3A_533 = tpu.memref_squeeze %dma_start3A_532 : memref<1x!tpu.dma_semaphore, #tpu.memory_space<semaphore_mem>> -> memref<!tpu.dma_semaphore, #tpu.memory_space<semaphore_mem>>
      tpu.enqueue_indirect_dma source(%dma_start3A_525 : memref<100x128xf32, #tpu.memory_space<vmem>>) target(%dma_start3A_531 : memref<10000x128xf32, #tpu.memory_space<vmem_shared>>) offsets(%dma_start3A_528 : memref<100xi32, #tpu.memory_space<vmem>>) semaphore(%dma_start3A_533 : memref<!tpu.dma_semaphore, #tpu.memory_space<semaphore_mem>>) {add = true}
      %dma_wait3A_534 = arith.constant 2 : i32
      %dma_wait3A_535 = arith.constant 0 : i32
      %dma_wait3A_536 = arith.constant 2 : i32
      %dma_wait3A_537 = arith.constant 0 : i32
      %dma_wait3A_538 = arith.constant 0 : i32
      %dma_wait3A_539 = tpu.memref_slice %arg11[%dma_wait3A_534, %dma_wait3A_537, %dma_wait3A_538] : memref<3x100x128xf32, #tpu.memory_space<vmem>> -> memref<1x100x128xf32, #tpu.memory_space<vmem>>
      %dma_wait3A_540 = tpu.memref_squeeze %dma_wait3A_539 : memref<1x100x128xf32, #tpu.memory_space<vmem>> -> memref<100x128xf32, #tpu.memory_space<vmem>>
      %dma_wait3A_541 = arith.constant 0 : i32
      %dma_wait3A_542 = tpu.memref_slice %arg9[%dma_wait3A_535, %dma_wait3A_541] : memref<5x100xi32, #tpu.memory_space<vmem>> -> memref<1x100xi32, #tpu.memory_space<vmem>>
      %dma_wait3A_543 = tpu.memref_squeeze %dma_wait3A_542 : memref<1x100xi32, #tpu.memory_space<vmem>> -> memref<100xi32, #tpu.memory_space<vmem>>
      %dma_wait3A_544 = arith.constant 0 : i32
      %dma_wait3A_545 = arith.constant 0 : i32
      %dma_wait3A_546 = tpu.memref_slice %arg12[%dma_wait3A_544, %dma_wait3A_545] : memref<10000x128xf32, #tpu.memory_space<vmem_shared>> -> memref<10000x128xf32, #tpu.memory_space<vmem_shared>>
      %dma_wait3A_547 = tpu.memref_slice %arg14[%dma_wait3A_536] : memref<3x!tpu.dma_semaphore, #tpu.memory_space<semaphore_mem>> -> memref<1x!tpu.dma_semaphore, #tpu.memory_space<semaphore_mem>>
      %dma_wait3A_548 = tpu.memref_squeeze %dma_wait3A_547 : memref<1x!tpu.dma_semaphore, #tpu.memory_space<semaphore_mem>> -> memref<!tpu.dma_semaphore, #tpu.memory_space<semaphore_mem>>
      tpu.wait_indirect_dma semaphore(%dma_wait3A_548 : memref<!tpu.dma_semaphore, #tpu.memory_space<semaphore_mem>>) src(%dma_wait3A_540 : memref<100x128xf32, #tpu.memory_space<vmem>>) dst(%dma_wait3A_546 : memref<10000x128xf32, #tpu.memory_space<vmem_shared>>)
      %dma_start3A_549 = arith.constant 3 : i32
      %dma_start3A_550 = arith.constant 2 : i32
      %dma_start3A_551 = arith.constant 2 : i32
      %dma_start3A_552 = arith.constant 0 : i32
      %dma_start3A_553 = arith.constant 0 : i32
      %dma_start3A_554 = tpu.memref_slice %arg11[%dma_start3A_550, %dma_start3A_552, %dma_start3A_553] : memref<3x100x128xf32, #tpu.memory_space<vmem>> -> memref<1x100x128xf32, #tpu.memory_space<vmem>>
      %dma_start3A_555 = tpu.memref_squeeze %dma_start3A_554 : memref<1x100x128xf32, #tpu.memory_space<vmem>> -> memref<100x128xf32, #tpu.memory_space<vmem>>
      %dma_start3A_556 = arith.constant 0 : i32
      %dma_start3A_557 = tpu.memref_slice %arg8[%dma_start3A_549, %dma_start3A_556] : memref<5x100xi32, #tpu.memory_space<vmem>> -> memref<1x100xi32, #tpu.memory_space<vmem>>
      %dma_start3A_558 = tpu.memref_squeeze %dma_start3A_557 : memref<1x100xi32, #tpu.memory_space<vmem>> -> memref<100xi32, #tpu.memory_space<vmem>>
      %dma_start3A_559 = arith.constant 0 : i32
      %dma_start3A_560 = arith.constant 0 : i32
      %dma_start3A_561 = tpu.memref_slice %arg2[%dma_start3A_559, %dma_start3A_560] : memref<20000x128xf32, #tpu.memory_space<hbm>> -> memref<20000x128xf32, #tpu.memory_space<hbm>>
      %dma_start3A_562 = tpu.memref_slice %arg13[%dma_start3A_551] : memref<3x!tpu.dma_semaphore, #tpu.memory_space<semaphore_mem>> -> memref<1x!tpu.dma_semaphore, #tpu.memory_space<semaphore_mem>>
      %dma_start3A_563 = tpu.memref_squeeze %dma_start3A_562 : memref<1x!tpu.dma_semaphore, #tpu.memory_space<semaphore_mem>> -> memref<!tpu.dma_semaphore, #tpu.memory_space<semaphore_mem>>
      tpu.enqueue_indirect_dma source(%dma_start3A_561 : memref<20000x128xf32, #tpu.memory_space<hbm>>) target(%dma_start3A_555 : memref<100x128xf32, #tpu.memory_space<vmem>>) offsets(%dma_start3A_558 : memref<100xi32, #tpu.memory_space<vmem>>) semaphore(%dma_start3A_563 : memref<!tpu.dma_semaphore, #tpu.memory_space<semaphore_mem>>)
      %add3A_564 = arith.constant 1 : i32
      %add3A_565 = arith.addi %add3A_89, %add3A_564 : i32
      %min3A = arith.constant 319 : i32
      %min3A_566 = arith.minsi %add3A_565, %min3A : i32
      %dma_start3A_567 = arith.constant 0 : i32
      %dma_start3A_568 = arith.constant 0 : i32
      %dma_start3A_569 = arith.constant 0 : i32
      %dma_start3A_570 = tpu.memref_slice %arg3[%arg0, %min3A_566, %dma_start3A_567, %dma_start3A_568, %dma_start3A_569] : memref<2x320x2x5x100xi32, #tpu.memory_space<hbm>> -> memref<1x1x1x5x100xi32, #tpu.memory_space<hbm>>
      %dma_start3A_571 = tpu.memref_squeeze %dma_start3A_570 : memref<1x1x1x5x100xi32, #tpu.memory_space<hbm>> -> memref<5x100xi32, #tpu.memory_space<hbm>>
      %dma_start3A_572 = arith.constant 0 : i32
      %dma_start3A_573 = arith.constant 0 : i32
      %dma_start3A_574 = tpu.memref_slice %arg3[%arg0, %min3A_566, %dma_start3A_567, %dma_start3A_572, %dma_start3A_573] : memref<2x320x2x5x100xi32, #tpu.memory_space<hbm>> -> memref<1x1x1x5x100xi32, #tpu.memory_space<hbm>>
      %dma_start3A_575 = tpu.memref_squeeze %dma_start3A_574 : memref<1x1x1x5x100xi32, #tpu.memory_space<hbm>> -> memref<5x100xi32, #tpu.memory_space<hbm>>
      tpu.enqueue_dma source(%dma_start3A_575 : memref<5x100xi32, #tpu.memory_space<hbm>>) target(%arg7 : memref<5x100xi32, #tpu.memory_space<vmem>>) target_semaphore(%arg15 : memref<!tpu.dma_semaphore, #tpu.memory_space<semaphore_mem>>)
      %dma_start3A_576 = arith.constant 0 : i32
      %dma_start3A_577 = arith.constant 0 : i32
      %dma_start3A_578 = arith.constant 0 : i32
      %dma_start3A_579 = tpu.memref_slice %arg4[%min3A_566, %dma_start3A_576, %dma_start3A_577, %dma_start3A_578] : memref<320x2x5x100xi32, #tpu.memory_space<hbm>> -> memref<1x1x5x100xi32, #tpu.memory_space<hbm>>
      %dma_start3A_580 = tpu.memref_squeeze %dma_start3A_579 : memref<1x1x5x100xi32, #tpu.memory_space<hbm>> -> memref<5x100xi32, #tpu.memory_space<hbm>>
      %dma_start3A_581 = arith.constant 0 : i32
      %dma_start3A_582 = arith.constant 0 : i32
      %dma_start3A_583 = tpu.memref_slice %arg4[%min3A_566, %dma_start3A_576, %dma_start3A_581, %dma_start3A_582] : memref<320x2x5x100xi32, #tpu.memory_space<hbm>> -> memref<1x1x5x100xi32, #tpu.memory_space<hbm>>
      %dma_start3A_584 = tpu.memref_squeeze %dma_start3A_583 : memref<1x1x5x100xi32, #tpu.memory_space<hbm>> -> memref<5x100xi32, #tpu.memory_space<hbm>>
      tpu.enqueue_dma source(%dma_start3A_584 : memref<5x100xi32, #tpu.memory_space<hbm>>) target(%arg9 : memref<5x100xi32, #tpu.memory_space<vmem>>) target_semaphore(%arg15 : memref<!tpu.dma_semaphore, #tpu.memory_space<semaphore_mem>>)
      %dma_wait3A_585 = arith.constant 2 : i32
      %dma_wait3A_586 = arith.constant 1 : i32
      %dma_wait3A_587 = arith.constant 1 : i32
      %dma_wait3A_588 = arith.constant 0 : i32
      %dma_wait3A_589 = arith.constant 0 : i32
      %dma_wait3A_590 = tpu.memref_slice %arg11[%dma_wait3A_586, %dma_wait3A_588, %dma_wait3A_589] : memref<3x100x128xf32, #tpu.memory_space<vmem>> -> memref<1x100x128xf32, #tpu.memory_space<vmem>>
      %dma_wait3A_591 = tpu.memref_squeeze %dma_wait3A_590 : memref<1x100x128xf32, #tpu.memory_space<vmem>> -> memref<100x128xf32, #tpu.memory_space<vmem>>
      %dma_wait3A_592 = arith.constant 0 : i32
      %dma_wait3A_593 = tpu.memref_slice %arg8[%dma_wait3A_585, %dma_wait3A_592] : memref<5x100xi32, #tpu.memory_space<vmem>> -> memref<1x100xi32, #tpu.memory_space<vmem>>
      %dma_wait3A_594 = tpu.memref_squeeze %dma_wait3A_593 : memref<1x100xi32, #tpu.memory_space<vmem>> -> memref<100xi32, #tpu.memory_space<vmem>>
      %dma_wait3A_595 = arith.constant 0 : i32
      %dma_wait3A_596 = arith.constant 0 : i32
      %dma_wait3A_597 = tpu.memref_slice %arg2[%dma_wait3A_595, %dma_wait3A_596] : memref<20000x128xf32, #tpu.memory_space<hbm>> -> memref<20000x128xf32, #tpu.memory_space<hbm>>
      %dma_wait3A_598 = tpu.memref_slice %arg13[%dma_wait3A_587] : memref<3x!tpu.dma_semaphore, #tpu.memory_space<semaphore_mem>> -> memref<1x!tpu.dma_semaphore, #tpu.memory_space<semaphore_mem>>
      %dma_wait3A_599 = tpu.memref_squeeze %dma_wait3A_598 : memref<1x!tpu.dma_semaphore, #tpu.memory_space<semaphore_mem>> -> memref<!tpu.dma_semaphore, #tpu.memory_space<semaphore_mem>>
      tpu.wait_indirect_dma semaphore(%dma_wait3A_599 : memref<!tpu.dma_semaphore, #tpu.memory_space<semaphore_mem>>) src(%dma_wait3A_597 : memref<20000x128xf32, #tpu.memory_space<hbm>>) dst(%dma_wait3A_591 : memref<100x128xf32, #tpu.memory_space<vmem>>)
      %dma_start3A_600 = arith.constant 1 : i32
      %dma_start3A_601 = arith.constant 2 : i32
      %dma_start3A_602 = arith.constant 1 : i32
      %dma_start3A_603 = arith.constant 0 : i32
      %dma_start3A_604 = arith.constant 0 : i32
      %dma_start3A_605 = tpu.memref_slice %arg11[%dma_start3A_600, %dma_start3A_603, %dma_start3A_604] : memref<3x100x128xf32, #tpu.memory_space<vmem>> -> memref<1x100x128xf32, #tpu.memory_space<vmem>>
      %dma_start3A_606 = tpu.memref_squeeze %dma_start3A_605 : memref<1x100x128xf32, #tpu.memory_space<vmem>> -> memref<100x128xf32, #tpu.memory_space<vmem>>
      %dma_start3A_607 = arith.constant 0 : i32
      %dma_start3A_608 = tpu.memref_slice %arg10[%dma_start3A_601, %dma_start3A_607] : memref<5x100xi32, #tpu.memory_space<vmem>> -> memref<1x100xi32, #tpu.memory_space<vmem>>
      %dma_start3A_609 = tpu.memref_squeeze %dma_start3A_608 : memref<1x100xi32, #tpu.memory_space<vmem>> -> memref<100xi32, #tpu.memory_space<vmem>>
      %dma_start3A_610 = arith.constant 0 : i32
      %dma_start3A_611 = arith.constant 0 : i32
      %dma_start3A_612 = tpu.memref_slice %arg12[%dma_start3A_610, %dma_start3A_611] : memref<10000x128xf32, #tpu.memory_space<vmem_shared>> -> memref<10000x128xf32, #tpu.memory_space<vmem_shared>>
      %dma_start3A_613 = tpu.memref_slice %arg14[%dma_start3A_602] : memref<3x!tpu.dma_semaphore, #tpu.memory_space<semaphore_mem>> -> memref<1x!tpu.dma_semaphore, #tpu.memory_space<semaphore_mem>>
      %dma_start3A_614 = tpu.memref_squeeze %dma_start3A_613 : memref<1x!tpu.dma_semaphore, #tpu.memory_space<semaphore_mem>> -> memref<!tpu.dma_semaphore, #tpu.memory_space<semaphore_mem>>
      tpu.enqueue_indirect_dma source(%dma_start3A_606 : memref<100x128xf32, #tpu.memory_space<vmem>>) target(%dma_start3A_612 : memref<10000x128xf32, #tpu.memory_space<vmem_shared>>) offsets(%dma_start3A_609 : memref<100xi32, #tpu.memory_space<vmem>>) semaphore(%dma_start3A_614 : memref<!tpu.dma_semaphore, #tpu.memory_space<semaphore_mem>>) {add = true}
      %dma_wait3A_615 = arith.constant 0 : i32
      %dma_wait3A_616 = arith.constant 0 : i32
      %dma_wait3A_617 = arith.constant 0 : i32
      %dma_wait3A_618 = arith.constant 0 : i32
      %dma_wait3A_619 = arith.constant 0 : i32
      %dma_wait3A_620 = tpu.memref_slice %arg11[%dma_wait3A_615, %dma_wait3A_618, %dma_wait3A_619] : memref<3x100x128xf32, #tpu.memory_space<vmem>> -> memref<1x100x128xf32, #tpu.memory_space<vmem>>
      %dma_wait3A_621 = tpu.memref_squeeze %dma_wait3A_620 : memref<1x100x128xf32, #tpu.memory_space<vmem>> -> memref<100x128xf32, #tpu.memory_space<vmem>>
      %dma_wait3A_622 = arith.constant 0 : i32
      %dma_wait3A_623 = tpu.memref_slice %arg9[%dma_wait3A_616, %dma_wait3A_622] : memref<5x100xi32, #tpu.memory_space<vmem>> -> memref<1x100xi32, #tpu.memory_space<vmem>>
      %dma_wait3A_624 = tpu.memref_squeeze %dma_wait3A_623 : memref<1x100xi32, #tpu.memory_space<vmem>> -> memref<100xi32, #tpu.memory_space<vmem>>
      %dma_wait3A_625 = arith.constant 0 : i32
      %dma_wait3A_626 = arith.constant 0 : i32
      %dma_wait3A_627 = tpu.memref_slice %arg12[%dma_wait3A_625, %dma_wait3A_626] : memref<10000x128xf32, #tpu.memory_space<vmem_shared>> -> memref<10000x128xf32, #tpu.memory_space<vmem_shared>>
      %dma_wait3A_628 = tpu.memref_slice %arg14[%dma_wait3A_617] : memref<3x!tpu.dma_semaphore, #tpu.memory_space<semaphore_mem>> -> memref<1x!tpu.dma_semaphore, #tpu.memory_space<semaphore_mem>>
      %dma_wait3A_629 = tpu.memref_squeeze %dma_wait3A_628 : memref<1x!tpu.dma_semaphore, #tpu.memory_space<semaphore_mem>> -> memref<!tpu.dma_semaphore, #tpu.memory_space<semaphore_mem>>
      tpu.wait_indirect_dma semaphore(%dma_wait3A_629 : memref<!tpu.dma_semaphore, #tpu.memory_space<semaphore_mem>>) src(%dma_wait3A_621 : memref<100x128xf32, #tpu.memory_space<vmem>>) dst(%dma_wait3A_627 : memref<10000x128xf32, #tpu.memory_space<vmem_shared>>)
      %dma_start3A_630 = arith.constant 4 : i32
      %dma_start3A_631 = arith.constant 0 : i32
      %dma_start3A_632 = arith.constant 0 : i32
      %dma_start3A_633 = arith.constant 0 : i32
      %dma_start3A_634 = arith.constant 0 : i32
      %dma_start3A_635 = tpu.memref_slice %arg11[%dma_start3A_631, %dma_start3A_633, %dma_start3A_634] : memref<3x100x128xf32, #tpu.memory_space<vmem>> -> memref<1x100x128xf32, #tpu.memory_space<vmem>>
      %dma_start3A_636 = tpu.memref_squeeze %dma_start3A_635 : memref<1x100x128xf32, #tpu.memory_space<vmem>> -> memref<100x128xf32, #tpu.memory_space<vmem>>
      %dma_start3A_637 = arith.constant 0 : i32
      %dma_start3A_638 = tpu.memref_slice %arg8[%dma_start3A_630, %dma_start3A_637] : memref<5x100xi32, #tpu.memory_space<vmem>> -> memref<1x100xi32, #tpu.memory_space<vmem>>
      %dma_start3A_639 = tpu.memref_squeeze %dma_start3A_638 : memref<1x100xi32, #tpu.memory_space<vmem>> -> memref<100xi32, #tpu.memory_space<vmem>>
      %dma_start3A_640 = arith.constant 0 : i32
      %dma_start3A_641 = arith.constant 0 : i32
      %dma_start3A_642 = tpu.memref_slice %arg2[%dma_start3A_640, %dma_start3A_641] : memref<20000x128xf32, #tpu.memory_space<hbm>> -> memref<20000x128xf32, #tpu.memory_space<hbm>>
      %dma_start3A_643 = tpu.memref_slice %arg13[%dma_start3A_632] : memref<3x!tpu.dma_semaphore, #tpu.memory_space<semaphore_mem>> -> memref<1x!tpu.dma_semaphore, #tpu.memory_space<semaphore_mem>>
      %dma_start3A_644 = tpu.memref_squeeze %dma_start3A_643 : memref<1x!tpu.dma_semaphore, #tpu.memory_space<semaphore_mem>> -> memref<!tpu.dma_semaphore, #tpu.memory_space<semaphore_mem>>
      tpu.enqueue_indirect_dma source(%dma_start3A_642 : memref<20000x128xf32, #tpu.memory_space<hbm>>) target(%dma_start3A_636 : memref<100x128xf32, #tpu.memory_space<vmem>>) offsets(%dma_start3A_639 : memref<100xi32, #tpu.memory_space<vmem>>) semaphore(%dma_start3A_644 : memref<!tpu.dma_semaphore, #tpu.memory_space<semaphore_mem>>)
      %dma_wait3A_645 = arith.constant 3 : i32
      %dma_wait3A_646 = arith.constant 2 : i32
      %dma_wait3A_647 = arith.constant 2 : i32
      %dma_wait3A_648 = arith.constant 0 : i32
      %dma_wait3A_649 = arith.constant 0 : i32
      %dma_wait3A_650 = tpu.memref_slice %arg11[%dma_wait3A_646, %dma_wait3A_648, %dma_wait3A_649] : memref<3x100x128xf32, #tpu.memory_space<vmem>> -> memref<1x100x128xf32, #tpu.memory_space<vmem>>
      %dma_wait3A_651 = tpu.memref_squeeze %dma_wait3A_650 : memref<1x100x128xf32, #tpu.memory_space<vmem>> -> memref<100x128xf32, #tpu.memory_space<vmem>>
      %dma_wait3A_652 = arith.constant 0 : i32
      %dma_wait3A_653 = tpu.memref_slice %arg8[%dma_wait3A_645, %dma_wait3A_652] : memref<5x100xi32, #tpu.memory_space<vmem>> -> memref<1x100xi32, #tpu.memory_space<vmem>>
      %dma_wait3A_654 = tpu.memref_squeeze %dma_wait3A_653 : memref<1x100xi32, #tpu.memory_space<vmem>> -> memref<100xi32, #tpu.memory_space<vmem>>
      %dma_wait3A_655 = arith.constant 0 : i32
      %dma_wait3A_656 = arith.constant 0 : i32
      %dma_wait3A_657 = tpu.memref_slice %arg2[%dma_wait3A_655, %dma_wait3A_656] : memref<20000x128xf32, #tpu.memory_space<hbm>> -> memref<20000x128xf32, #tpu.memory_space<hbm>>
      %dma_wait3A_658 = tpu.memref_slice %arg13[%dma_wait3A_647] : memref<3x!tpu.dma_semaphore, #tpu.memory_space<semaphore_mem>> -> memref<1x!tpu.dma_semaphore, #tpu.memory_space<semaphore_mem>>
      %dma_wait3A_659 = tpu.memref_squeeze %dma_wait3A_658 : memref<1x!tpu.dma_semaphore, #tpu.memory_space<semaphore_mem>> -> memref<!tpu.dma_semaphore, #tpu.memory_space<semaphore_mem>>
      tpu.wait_indirect_dma semaphore(%dma_wait3A_659 : memref<!tpu.dma_semaphore, #tpu.memory_space<semaphore_mem>>) src(%dma_wait3A_657 : memref<20000x128xf32, #tpu.memory_space<hbm>>) dst(%dma_wait3A_651 : memref<100x128xf32, #tpu.memory_space<vmem>>)
      %dma_start3A_660 = arith.constant 2 : i32
      %dma_start3A_661 = arith.constant 3 : i32
      %dma_start3A_662 = arith.constant 2 : i32
      %dma_start3A_663 = arith.constant 0 : i32
      %dma_start3A_664 = arith.constant 0 : i32
      %dma_start3A_665 = tpu.memref_slice %arg11[%dma_start3A_660, %dma_start3A_663, %dma_start3A_664] : memref<3x100x128xf32, #tpu.memory_space<vmem>> -> memref<1x100x128xf32, #tpu.memory_space<vmem>>
      %dma_start3A_666 = tpu.memref_squeeze %dma_start3A_665 : memref<1x100x128xf32, #tpu.memory_space<vmem>> -> memref<100x128xf32, #tpu.memory_space<vmem>>
      %dma_start3A_667 = arith.constant 0 : i32
      %dma_start3A_668 = tpu.memref_slice %arg10[%dma_start3A_661, %dma_start3A_667] : memref<5x100xi32, #tpu.memory_space<vmem>> -> memref<1x100xi32, #tpu.memory_space<vmem>>
      %dma_start3A_669 = tpu.memref_squeeze %dma_start3A_668 : memref<1x100xi32, #tpu.memory_space<vmem>> -> memref<100xi32, #tpu.memory_space<vmem>>
      %dma_start3A_670 = arith.constant 0 : i32
      %dma_start3A_671 = arith.constant 0 : i32
      %dma_start3A_672 = tpu.memref_slice %arg12[%dma_start3A_670, %dma_start3A_671] : memref<10000x128xf32, #tpu.memory_space<vmem_shared>> -> memref<10000x128xf32, #tpu.memory_space<vmem_shared>>
      %dma_start3A_673 = tpu.memref_slice %arg14[%dma_start3A_662] : memref<3x!tpu.dma_semaphore, #tpu.memory_space<semaphore_mem>> -> memref<1x!tpu.dma_semaphore, #tpu.memory_space<semaphore_mem>>
      %dma_start3A_674 = tpu.memref_squeeze %dma_start3A_673 : memref<1x!tpu.dma_semaphore, #tpu.memory_space<semaphore_mem>> -> memref<!tpu.dma_semaphore, #tpu.memory_space<semaphore_mem>>
      tpu.enqueue_indirect_dma source(%dma_start3A_666 : memref<100x128xf32, #tpu.memory_space<vmem>>) target(%dma_start3A_672 : memref<10000x128xf32, #tpu.memory_space<vmem_shared>>) offsets(%dma_start3A_669 : memref<100xi32, #tpu.memory_space<vmem>>) semaphore(%dma_start3A_674 : memref<!tpu.dma_semaphore, #tpu.memory_space<semaphore_mem>>) {add = true}
      %dma_wait3A_675 = arith.constant 4 : i32
      %dma_wait3A_676 = arith.constant 0 : i32
      %dma_wait3A_677 = arith.constant 0 : i32
      %dma_wait3A_678 = arith.constant 0 : i32
      %dma_wait3A_679 = arith.constant 0 : i32
      %dma_wait3A_680 = tpu.memref_slice %arg11[%dma_wait3A_676, %dma_wait3A_678, %dma_wait3A_679] : memref<3x100x128xf32, #tpu.memory_space<vmem>> -> memref<1x100x128xf32, #tpu.memory_space<vmem>>
      %dma_wait3A_681 = tpu.memref_squeeze %dma_wait3A_680 : memref<1x100x128xf32, #tpu.memory_space<vmem>> -> memref<100x128xf32, #tpu.memory_space<vmem>>
      %dma_wait3A_682 = arith.constant 0 : i32
      %dma_wait3A_683 = tpu.memref_slice %arg8[%dma_wait3A_675, %dma_wait3A_682] : memref<5x100xi32, #tpu.memory_space<vmem>> -> memref<1x100xi32, #tpu.memory_space<vmem>>
      %dma_wait3A_684 = tpu.memref_squeeze %dma_wait3A_683 : memref<1x100xi32, #tpu.memory_space<vmem>> -> memref<100xi32, #tpu.memory_space<vmem>>
      %dma_wait3A_685 = arith.constant 0 : i32
      %dma_wait3A_686 = arith.constant 0 : i32
      %dma_wait3A_687 = tpu.memref_slice %arg2[%dma_wait3A_685, %dma_wait3A_686] : memref<20000x128xf32, #tpu.memory_space<hbm>> -> memref<20000x128xf32, #tpu.memory_space<hbm>>
      %dma_wait3A_688 = tpu.memref_slice %arg13[%dma_wait3A_677] : memref<3x!tpu.dma_semaphore, #tpu.memory_space<semaphore_mem>> -> memref<1x!tpu.dma_semaphore, #tpu.memory_space<semaphore_mem>>
      %dma_wait3A_689 = tpu.memref_squeeze %dma_wait3A_688 : memref<1x!tpu.dma_semaphore, #tpu.memory_space<semaphore_mem>> -> memref<!tpu.dma_semaphore, #tpu.memory_space<semaphore_mem>>
      tpu.wait_indirect_dma semaphore(%dma_wait3A_689 : memref<!tpu.dma_semaphore, #tpu.memory_space<semaphore_mem>>) src(%dma_wait3A_687 : memref<20000x128xf32, #tpu.memory_space<hbm>>) dst(%dma_wait3A_681 : memref<100x128xf32, #tpu.memory_space<vmem>>)
      %dma_start3A_690 = arith.constant 0 : i32
      %dma_start3A_691 = arith.constant 4 : i32
      %dma_start3A_692 = arith.constant 0 : i32
      %dma_start3A_693 = arith.constant 0 : i32
      %dma_start3A_694 = arith.constant 0 : i32
      %dma_start3A_695 = tpu.memref_slice %arg11[%dma_start3A_690, %dma_start3A_693, %dma_start3A_694] : memref<3x100x128xf32, #tpu.memory_space<vmem>> -> memref<1x100x128xf32, #tpu.memory_space<vmem>>
      %dma_start3A_696 = tpu.memref_squeeze %dma_start3A_695 : memref<1x100x128xf32, #tpu.memory_space<vmem>> -> memref<100x128xf32, #tpu.memory_space<vmem>>
      %dma_start3A_697 = arith.constant 0 : i32
      %dma_start3A_698 = tpu.memref_slice %arg10[%dma_start3A_691, %dma_start3A_697] : memref<5x100xi32, #tpu.memory_space<vmem>> -> memref<1x100xi32, #tpu.memory_space<vmem>>
      %dma_start3A_699 = tpu.memref_squeeze %dma_start3A_698 : memref<1x100xi32, #tpu.memory_space<vmem>> -> memref<100xi32, #tpu.memory_space<vmem>>
      %dma_start3A_700 = arith.constant 0 : i32
      %dma_start3A_701 = arith.constant 0 : i32
      %dma_start3A_702 = tpu.memref_slice %arg12[%dma_start3A_700, %dma_start3A_701] : memref<10000x128xf32, #tpu.memory_space<vmem_shared>> -> memref<10000x128xf32, #tpu.memory_space<vmem_shared>>
      %dma_start3A_703 = tpu.memref_slice %arg14[%dma_start3A_692] : memref<3x!tpu.dma_semaphore, #tpu.memory_space<semaphore_mem>> -> memref<1x!tpu.dma_semaphore, #tpu.memory_space<semaphore_mem>>
      %dma_start3A_704 = tpu.memref_squeeze %dma_start3A_703 : memref<1x!tpu.dma_semaphore, #tpu.memory_space<semaphore_mem>> -> memref<!tpu.dma_semaphore, #tpu.memory_space<semaphore_mem>>
      tpu.enqueue_indirect_dma source(%dma_start3A_696 : memref<100x128xf32, #tpu.memory_space<vmem>>) target(%dma_start3A_702 : memref<10000x128xf32, #tpu.memory_space<vmem_shared>>) offsets(%dma_start3A_699 : memref<100xi32, #tpu.memory_space<vmem>>) semaphore(%dma_start3A_704 : memref<!tpu.dma_semaphore, #tpu.memory_space<semaphore_mem>>) {add = true}
    }
    %scan3A_11 = arith.constant 20 : i32
    %dma_wait3A = arith.constant 1 : i32
    %dma_wait3A_12 = arith.constant 0 : i32
    %dma_wait3A_13 = arith.constant 1 : i32
    %dma_wait3A_14 = arith.constant 0 : i32
    %dma_wait3A_15 = arith.constant 0 : i32
    %dma_wait3A_16 = tpu.memref_slice %arg11[%dma_wait3A, %dma_wait3A_14, %dma_wait3A_15] : memref<3x100x128xf32, #tpu.memory_space<vmem>> -> memref<1x100x128xf32, #tpu.memory_space<vmem>>
    %dma_wait3A_17 = tpu.memref_squeeze %dma_wait3A_16 : memref<1x100x128xf32, #tpu.memory_space<vmem>> -> memref<100x128xf32, #tpu.memory_space<vmem>>
    %dma_wait3A_18 = arith.constant 0 : i32
    %dma_wait3A_19 = tpu.memref_slice %arg9[%dma_wait3A_12, %dma_wait3A_18] : memref<5x100xi32, #tpu.memory_space<vmem>> -> memref<1x100xi32, #tpu.memory_space<vmem>>
    %dma_wait3A_20 = tpu.memref_squeeze %dma_wait3A_19 : memref<1x100xi32, #tpu.memory_space<vmem>> -> memref<100xi32, #tpu.memory_space<vmem>>
    %dma_wait3A_21 = arith.constant 0 : i32
    %dma_wait3A_22 = arith.constant 0 : i32
    %dma_wait3A_23 = tpu.memref_slice %arg12[%dma_wait3A_21, %dma_wait3A_22] : memref<10000x128xf32, #tpu.memory_space<vmem_shared>> -> memref<10000x128xf32, #tpu.memory_space<vmem_shared>>
    %dma_wait3A_24 = tpu.memref_slice %arg14[%dma_wait3A_13] : memref<3x!tpu.dma_semaphore, #tpu.memory_space<semaphore_mem>> -> memref<1x!tpu.dma_semaphore, #tpu.memory_space<semaphore_mem>>
    %dma_wait3A_25 = tpu.memref_squeeze %dma_wait3A_24 : memref<1x!tpu.dma_semaphore, #tpu.memory_space<semaphore_mem>> -> memref<!tpu.dma_semaphore, #tpu.memory_space<semaphore_mem>>
    tpu.wait_indirect_dma semaphore(%dma_wait3A_25 : memref<!tpu.dma_semaphore, #tpu.memory_space<semaphore_mem>>) src(%dma_wait3A_17 : memref<100x128xf32, #tpu.memory_space<vmem>>) dst(%dma_wait3A_23 : memref<10000x128xf32, #tpu.memory_space<vmem_shared>>)
    %dma_wait3A_26 = arith.constant 2 : i32
    %dma_wait3A_27 = arith.constant 0 : i32
    %dma_wait3A_28 = arith.constant 2 : i32
    %dma_wait3A_29 = arith.constant 0 : i32
    %dma_wait3A_30 = arith.constant 0 : i32
    %dma_wait3A_31 = tpu.memref_slice %arg11[%dma_wait3A_26, %dma_wait3A_29, %dma_wait3A_30] : memref<3x100x128xf32, #tpu.memory_space<vmem>> -> memref<1x100x128xf32, #tpu.memory_space<vmem>>
    %dma_wait3A_32 = tpu.memref_squeeze %dma_wait3A_31 : memref<1x100x128xf32, #tpu.memory_space<vmem>> -> memref<100x128xf32, #tpu.memory_space<vmem>>
    %dma_wait3A_33 = arith.constant 0 : i32
    %dma_wait3A_34 = tpu.memref_slice %arg9[%dma_wait3A_27, %dma_wait3A_33] : memref<5x100xi32, #tpu.memory_space<vmem>> -> memref<1x100xi32, #tpu.memory_space<vmem>>
    %dma_wait3A_35 = tpu.memref_squeeze %dma_wait3A_34 : memref<1x100xi32, #tpu.memory_space<vmem>> -> memref<100xi32, #tpu.memory_space<vmem>>
    %dma_wait3A_36 = arith.constant 0 : i32
    %dma_wait3A_37 = arith.constant 0 : i32
    %dma_wait3A_38 = tpu.memref_slice %arg12[%dma_wait3A_36, %dma_wait3A_37] : memref<10000x128xf32, #tpu.memory_space<vmem_shared>> -> memref<10000x128xf32, #tpu.memory_space<vmem_shared>>
    %dma_wait3A_39 = tpu.memref_slice %arg14[%dma_wait3A_28] : memref<3x!tpu.dma_semaphore, #tpu.memory_space<semaphore_mem>> -> memref<1x!tpu.dma_semaphore, #tpu.memory_space<semaphore_mem>>
    %dma_wait3A_40 = tpu.memref_squeeze %dma_wait3A_39 : memref<1x!tpu.dma_semaphore, #tpu.memory_space<semaphore_mem>> -> memref<!tpu.dma_semaphore, #tpu.memory_space<semaphore_mem>>
    tpu.wait_indirect_dma semaphore(%dma_wait3A_40 : memref<!tpu.dma_semaphore, #tpu.memory_space<semaphore_mem>>) src(%dma_wait3A_32 : memref<100x128xf32, #tpu.memory_space<vmem>>) dst(%dma_wait3A_38 : memref<10000x128xf32, #tpu.memory_space<vmem_shared>>)
    %dma_wait3A_41 = arith.constant 0 : i32
    %dma_wait3A_42 = arith.constant 0 : i32
    %dma_wait3A_43 = arith.constant 0 : i32
    %dma_wait3A_44 = arith.constant 0 : i32
    %dma_wait3A_45 = arith.constant 0 : i32
    %dma_wait3A_46 = tpu.memref_slice %arg11[%dma_wait3A_41, %dma_wait3A_44, %dma_wait3A_45] : memref<3x100x128xf32, #tpu.memory_space<vmem>> -> memref<1x100x128xf32, #tpu.memory_space<vmem>>
    %dma_wait3A_47 = tpu.memref_squeeze %dma_wait3A_46 : memref<1x100x128xf32, #tpu.memory_space<vmem>> -> memref<100x128xf32, #tpu.memory_space<vmem>>
    %dma_wait3A_48 = arith.constant 0 : i32
    %dma_wait3A_49 = tpu.memref_slice %arg9[%dma_wait3A_42, %dma_wait3A_48] : memref<5x100xi32, #tpu.memory_space<vmem>> -> memref<1x100xi32, #tpu.memory_space<vmem>>
    %dma_wait3A_50 = tpu.memref_squeeze %dma_wait3A_49 : memref<1x100xi32, #tpu.memory_space<vmem>> -> memref<100xi32, #tpu.memory_space<vmem>>
    %dma_wait3A_51 = arith.constant 0 : i32
    %dma_wait3A_52 = arith.constant 0 : i32
    %dma_wait3A_53 = tpu.memref_slice %arg12[%dma_wait3A_51, %dma_wait3A_52] : memref<10000x128xf32, #tpu.memory_space<vmem_shared>> -> memref<10000x128xf32, #tpu.memory_space<vmem_shared>>
    %dma_wait3A_54 = tpu.memref_slice %arg14[%dma_wait3A_43] : memref<3x!tpu.dma_semaphore, #tpu.memory_space<semaphore_mem>> -> memref<1x!tpu.dma_semaphore, #tpu.memory_space<semaphore_mem>>
    %dma_wait3A_55 = tpu.memref_squeeze %dma_wait3A_54 : memref<1x!tpu.dma_semaphore, #tpu.memory_space<semaphore_mem>> -> memref<!tpu.dma_semaphore, #tpu.memory_space<semaphore_mem>>
    tpu.wait_indirect_dma semaphore(%dma_wait3A_55 : memref<!tpu.dma_semaphore, #tpu.memory_space<semaphore_mem>>) src(%dma_wait3A_47 : memref<100x128xf32, #tpu.memory_space<vmem>>) dst(%dma_wait3A_53 : memref<10000x128xf32, #tpu.memory_space<vmem_shared>>)
    %dma_wait3A_56 = arith.constant 0 : i32
    %dma_wait3A_57 = arith.constant 0 : i32
    %dma_wait3A_58 = arith.constant 0 : i32
    %dma_wait3A_59 = tpu.memref_slice %arg3[%arg0, %mul3A_0, %dma_wait3A_56, %dma_wait3A_57, %dma_wait3A_58] : memref<2x320x2x5x100xi32, #tpu.memory_space<hbm>> -> memref<1x1x1x5x100xi32, #tpu.memory_space<hbm>>
    %dma_wait3A_60 = tpu.memref_squeeze %dma_wait3A_59 : memref<1x1x1x5x100xi32, #tpu.memory_space<hbm>> -> memref<5x100xi32, #tpu.memory_space<hbm>>
    %dma_wait3A_61 = arith.constant 0 : i32
    %dma_wait3A_62 = arith.constant 0 : i32
    %dma_wait3A_63 = tpu.memref_slice %arg3[%arg0, %mul3A_0, %dma_wait3A_56, %dma_wait3A_61, %dma_wait3A_62] : memref<2x320x2x5x100xi32, #tpu.memory_space<hbm>> -> memref<1x1x1x5x100xi32, #tpu.memory_space<hbm>>
    %dma_wait3A_64 = tpu.memref_squeeze %dma_wait3A_63 : memref<1x1x1x5x100xi32, #tpu.memory_space<hbm>> -> memref<5x100xi32, #tpu.memory_space<hbm>>
    tpu.wait_dma2 semaphore(%arg15 : memref<!tpu.dma_semaphore, #tpu.memory_space<semaphore_mem>>) src(%dma_wait3A_64 : memref<5x100xi32, #tpu.memory_space<hbm>>) dst(%arg7 : memref<5x100xi32, #tpu.memory_space<vmem>>)
    %dma_wait3A_65 = arith.constant 0 : i32
    %dma_wait3A_66 = arith.constant 0 : i32
    %dma_wait3A_67 = arith.constant 0 : i32
    %dma_wait3A_68 = tpu.memref_slice %arg4[%mul3A_0, %dma_wait3A_65, %dma_wait3A_66, %dma_wait3A_67] : memref<320x2x5x100xi32, #tpu.memory_space<hbm>> -> memref<1x1x5x100xi32, #tpu.memory_space<hbm>>
    %dma_wait3A_69 = tpu.memref_squeeze %dma_wait3A_68 : memref<1x1x5x100xi32, #tpu.memory_space<hbm>> -> memref<5x100xi32, #tpu.memory_space<hbm>>
    %dma_wait3A_70 = arith.constant 0 : i32
    %dma_wait3A_71 = arith.constant 0 : i32
    %dma_wait3A_72 = tpu.memref_slice %arg4[%mul3A_0, %dma_wait3A_65, %dma_wait3A_70, %dma_wait3A_71] : memref<320x2x5x100xi32, #tpu.memory_space<hbm>> -> memref<1x1x5x100xi32, #tpu.memory_space<hbm>>
    %dma_wait3A_73 = tpu.memref_squeeze %dma_wait3A_72 : memref<1x1x5x100xi32, #tpu.memory_space<hbm>> -> memref<5x100xi32, #tpu.memory_space<hbm>>
    tpu.wait_dma2 semaphore(%arg15 : memref<!tpu.dma_semaphore, #tpu.memory_space<semaphore_mem>>) src(%dma_wait3A_73 : memref<5x100xi32, #tpu.memory_space<hbm>>) dst(%arg9 : memref<5x100xi32, #tpu.memory_space<vmem>>)
    %barrier3A_74 = arith.constant 0 : index
    tpu.barrier barrier_id(%barrier3A_74)
    %lt3A_75 = arith.constant 15 : i32
    %lt3A_76 = arith.cmpi slt, %arg1, %lt3A_75 : i32
    %convert_element_type3A_77 = arith.extui %lt3A_76 : i1 to i32
    %cond3A_78 = arith.constant 0 : i32
    %cond3A_79 = arith.cmpi ne, %convert_element_type3A_77, %cond3A_78 : i32
    scf.if %cond3A_79 {
      %mul3A_85 = arith.constant 632 : i32
      %mul3A_86 = arith.muli %arg1, %mul3A_85 : i32
      %mul3A_87 = arith.constant 128 : i32
      %mul3A_88 = arith.muli %arg0, %mul3A_87 : i32
      "tpu.region"() ({
        %run_scoped3A_89 = tpu.sem_alloc : memref<!tpu.dma_semaphore, #tpu.memory_space<semaphore_mem>>
        %dma_start3A = tpu.memref_slice %arg6[%mul3A_86, %mul3A_88] : memref<10000x256xf32, #tpu.memory_space<hbm>> -> memref<632x128xf32, #tpu.memory_space<hbm>>
        %dma_start3A_90 = arith.constant 0 : i32
        %dma_start3A_91 = tpu.memref_slice %arg12[%mul3A_86, %dma_start3A_90] : memref<10000x128xf32, #tpu.memory_space<vmem_shared>> -> memref<632x128xf32, #tpu.memory_space<vmem_shared>>
        tpu.enqueue_dma source(%dma_start3A_91 : memref<632x128xf32, #tpu.memory_space<vmem_shared>>) target(%dma_start3A : memref<632x128xf32, #tpu.memory_space<hbm>>) target_semaphore(%run_scoped3A_89 : memref<!tpu.dma_semaphore, #tpu.memory_space<semaphore_mem>>)
        %dma_wait3A_92 = tpu.memref_slice %arg6[%mul3A_86, %mul3A_88] : memref<10000x256xf32, #tpu.memory_space<hbm>> -> memref<632x128xf32, #tpu.memory_space<hbm>>
        %dma_wait3A_93 = arith.constant 0 : i32
        %dma_wait3A_94 = tpu.memref_slice %arg12[%mul3A_86, %dma_wait3A_93] : memref<10000x128xf32, #tpu.memory_space<vmem_shared>> -> memref<632x128xf32, #tpu.memory_space<vmem_shared>>
        tpu.wait_dma2 semaphore(%run_scoped3A_89 : memref<!tpu.dma_semaphore, #tpu.memory_space<semaphore_mem>>) src(%dma_wait3A_94 : memref<632x128xf32, #tpu.memory_space<vmem_shared>>) dst(%dma_wait3A_92 : memref<632x128xf32, #tpu.memory_space<hbm>>)
        tpu.yield
      }) : () -> ()
    } else {
    }
    %eq3A_80 = arith.constant 15 : i32
    %eq3A_81 = arith.cmpi eq, %arg1, %eq3A_80 : i32
    %convert_element_type3A_82 = arith.extui %eq3A_81 : i1 to i32
    %cond3A_83 = arith.constant 0 : i32
    %cond3A_84 = arith.cmpi ne, %convert_element_type3A_82, %cond3A_83 : i32
    scf.if %cond3A_84 {
      %mul3A_85 = arith.constant 128 : i32
      %mul3A_86 = arith.muli %arg0, %mul3A_85 : i32
      "tpu.region"() ({
        %run_scoped3A_87 = tpu.sem_alloc : memref<!tpu.dma_semaphore, #tpu.memory_space<semaphore_mem>>
        %dma_start3A = arith.constant 9480 : i32
        %dma_start3A_88 = tpu.memref_slice %arg6[%dma_start3A, %mul3A_86] : memref<10000x256xf32, #tpu.memory_space<hbm>> -> memref<520x128xf32, #tpu.memory_space<hbm>>
        %dma_start3A_89 = arith.constant 9480 : i32
        %dma_start3A_90 = arith.constant 0 : i32
        %dma_start3A_91 = tpu.memref_slice %arg12[%dma_start3A_89, %dma_start3A_90] : memref<10000x128xf32, #tpu.memory_space<vmem_shared>> -> memref<520x128xf32, #tpu.memory_space<vmem_shared>>
        tpu.enqueue_dma source(%dma_start3A_91 : memref<520x128xf32, #tpu.memory_space<vmem_shared>>) target(%dma_start3A_88 : memref<520x128xf32, #tpu.memory_space<hbm>>) target_semaphore(%run_scoped3A_87 : memref<!tpu.dma_semaphore, #tpu.memory_space<semaphore_mem>>)
        %dma_wait3A_92 = arith.constant 9480 : i32
        %dma_wait3A_93 = tpu.memref_slice %arg6[%dma_wait3A_92, %mul3A_86] : memref<10000x256xf32, #tpu.memory_space<hbm>> -> memref<520x128xf32, #tpu.memory_space<hbm>>
        %dma_wait3A_94 = arith.constant 9480 : i32
        %dma_wait3A_95 = arith.constant 0 : i32
        %dma_wait3A_96 = tpu.memref_slice %arg12[%dma_wait3A_94, %dma_wait3A_95] : memref<10000x128xf32, #tpu.memory_space<vmem_shared>> -> memref<520x128xf32, #tpu.memory_space<vmem_shared>>
        tpu.wait_dma2 semaphore(%run_scoped3A_87 : memref<!tpu.dma_semaphore, #tpu.memory_space<semaphore_mem>>) src(%dma_wait3A_96 : memref<520x128xf32, #tpu.memory_space<vmem_shared>>) dst(%dma_wait3A_93 : memref<520x128xf32, #tpu.memory_space<hbm>>)
        tpu.yield
      }) : () -> ()
    } else {
    }
    return
  }
}

module attributes {stable_mosaic.version = 14 : i64} {
  func.func @body(%arg0: i32, %arg1: memref<1x1xf32, #tpu.memory_space<vmem>>, %arg2: memref<128x256xf32, #tpu.memory_space<vmem>>, %arg3: memref<1x256xf32, #tpu.memory_space<vmem>>, %arg4: memref<1x256xf32, #tpu.memory_space<vmem>>, %arg5: memref<1x256xf32, #tpu.memory_space<vmem>>, %arg6: memref<256x256xf32, #tpu.memory_space<vmem>>, %arg7: memref<1x256xf32, #tpu.memory_space<vmem>>, %arg8: memref<2000x128xf32, #tpu.memory_space<vmem>>, %arg9: memref<2x2000x128xf32, #tpu.memory_space<vmem>>, %arg10: memref<2x2000x128xf32, #tpu.memory_space<vmem>>) attributes {dimension_semantics = [#tpu.dimension_semantics<arbitrary>], iteration_bounds = array<i64: 5>, scalar_prefetch = 0 : i64, scratch_operands = 0 : i64, tpu.core_type = #tpu.core_type<tc>, window_params = [{pipeline_mode = #tpu.pipeline_mode<synchronous>, transform_indices = @transform_0, window_bounds = array<i64: 1, 1>}, {pipeline_mode = #tpu.pipeline_mode<synchronous>, transform_indices = @transform_1, window_bounds = array<i64: 128, 256>}, {pipeline_mode = #tpu.pipeline_mode<synchronous>, transform_indices = @transform_2, window_bounds = array<i64: 1, 256>}, {pipeline_mode = #tpu.pipeline_mode<synchronous>, transform_indices = @transform_3, window_bounds = array<i64: 1, 256>}, {pipeline_mode = #tpu.pipeline_mode<synchronous>, transform_indices = @transform_4, window_bounds = array<i64: 1, 256>}, {pipeline_mode = #tpu.pipeline_mode<synchronous>, transform_indices = @transform_5, window_bounds = array<i64: 256, 256>}, {pipeline_mode = #tpu.pipeline_mode<synchronous>, transform_indices = @transform_6, window_bounds = array<i64: 1, 256>}, {transform_indices = @transform_7, window_bounds = array<i64: 2000, 128>}, {transform_indices = @transform_8, window_bounds = array<i64: 2, 2000, 128>}, {transform_indices = @transform_9, window_bounds = array<i64: 2, 2000, 128>}]} {
    %get3A = arith.constant 0 : index
    %get3A_0 = arith.constant 0 : index
    %get3A_1 = vector.load %arg1[%get3A, %get3A_0] : memref<1x1xf32, #tpu.memory_space<vmem>>, vector<1x1xf32>
    %get3A_2 = vector.extract %get3A_1[0, 0] : f32 from vector<1x1xf32>
    %add3A = arith.constant 1.000000e+00 : f32
    %add3A_3 = arith.addf %add3A, %get3A_2 : f32
    %get3A_4 = arith.constant 0 : index
    %get3A_5 = arith.constant 0 : index
    %get3A_6 = vector.load %arg8[%get3A_4, %get3A_5] : memref<2000x128xf32, #tpu.memory_space<vmem>>, vector<2000x128xf32>
    %mul3A = vector.broadcast %add3A_3 : f32 to vector<2000x128xf32>
    %mul3A_7 = arith.mulf %mul3A, %get3A_6 : vector<2000x128xf32>
    %get3A_8 = arith.constant 0 : index
    %get3A_9 = arith.constant 0 : index
    %get3A_10 = arith.constant 0 : index
    %get3A_11 = vector.load %arg9[%get3A_8, %get3A_9, %get3A_10] : memref<2x2000x128xf32, #tpu.memory_space<vmem>>, vector<1x2000x128xf32>
    %get3A_12 = vector.shape_cast %get3A_11 : vector<1x2000x128xf32> to vector<2000x128xf32>
    %get3A_13 = arith.constant 1 : index
    %get3A_14 = arith.constant 0 : index
    %get3A_15 = arith.constant 0 : index
    %get3A_16 = vector.load %arg9[%get3A_13, %get3A_14, %get3A_15] : memref<2x2000x128xf32, #tpu.memory_space<vmem>>, vector<1x2000x128xf32>
    %get3A_17 = vector.shape_cast %get3A_16 : vector<1x2000x128xf32> to vector<2000x128xf32>
    %add3A_18 = arith.addf %get3A_12, %get3A_17 : vector<2000x128xf32>
    %add3A_19 = arith.addf %mul3A_7, %add3A_18 : vector<2000x128xf32>
    %get3A_20 = arith.constant 0 : index
    %get3A_21 = arith.constant 0 : index
    %get3A_22 = vector.load %arg2[%get3A_20, %get3A_21] : memref<128x256xf32, #tpu.memory_space<vmem>>, vector<128x256xf32>
    %dot_general3A = arith.constant dense<0.000000e+00> : vector<2000x256xf32>
    %dot_general3A_23 = tpu.matmul %add3A_19, %get3A_22, %dot_general3A {dimension_numbers = #tpu.dot_dimension_numbers<[1], [0], [0], [1], [0, 0, 1, 1], [], []>, transpose_lhs_hint = false} : vector<2000x128xf32>, vector<128x256xf32>, vector<2000x256xf32> -> vector<2000x256xf32>
    %get3A_24 = arith.constant 0 : index
    %get3A_25 = arith.constant 0 : index
    %get3A_26 = vector.load %arg3[%get3A_24, %get3A_25] : memref<1x256xf32, #tpu.memory_space<vmem>>, vector<1x256xf32>
    %add3A_27 = vector.broadcast %get3A_26 : vector<1x256xf32> to vector<2000x256xf32>
    %add3A_28 = arith.addf %dot_general3A_23, %add3A_27 : vector<2000x256xf32>
    %reduce_sum3A = arith.constant dense<0.000000e+00> : vector<2000xf32>
    %reduce_sum3A_29 = vector.multi_reduction <add>, %add3A_28, %reduce_sum3A [1] : vector<2000x256xf32> to vector<2000xf32>
    %broadcast_in_dim3A = vector.shape_cast %reduce_sum3A_29 : vector<2000xf32> to vector<2000x1xf32>
    %div3A = arith.constant 2.560000e+02 : f32
    %div3A_30 = vector.broadcast %div3A : f32 to vector<2000x1xf32>
    %div3A_31 = arith.divf %broadcast_in_dim3A, %div3A_30 : vector<2000x1xf32>
    %sub3A = vector.broadcast %div3A_31 : vector<2000x1xf32> to vector<2000x256xf32>
    %sub3A_32 = arith.subf %add3A_28, %sub3A : vector<2000x256xf32>
    %mul3A_33 = arith.mulf %sub3A_32, %sub3A_32 : vector<2000x256xf32>
    %reduce_sum3A_34 = arith.constant dense<0.000000e+00> : vector<2000xf32>
    %reduce_sum3A_35 = vector.multi_reduction <add>, %mul3A_33, %reduce_sum3A_34 [1] : vector<2000x256xf32> to vector<2000xf32>
    %broadcast_in_dim3A_36 = vector.shape_cast %reduce_sum3A_35 : vector<2000xf32> to vector<2000x1xf32>
    %div3A_37 = arith.constant 2.560000e+02 : f32
    %div3A_38 = vector.broadcast %div3A_37 : f32 to vector<2000x1xf32>
    %div3A_39 = arith.divf %broadcast_in_dim3A_36, %div3A_38 : vector<2000x1xf32>
    %add3A_40 = arith.constant 9.99999974E-6 : f32
    %add3A_41 = vector.broadcast %add3A_40 : f32 to vector<2000x1xf32>
    %add3A_42 = arith.addf %div3A_39, %add3A_41 : vector<2000x1xf32>
    %rsqrt3A = math.rsqrt %add3A_42 : vector<2000x1xf32>
    %mul3A_43 = vector.broadcast %rsqrt3A : vector<2000x1xf32> to vector<2000x256xf32>
    %mul3A_44 = arith.mulf %sub3A_32, %mul3A_43 : vector<2000x256xf32>
    %get3A_45 = arith.constant 0 : index
    %get3A_46 = arith.constant 0 : index
    %get3A_47 = vector.load %arg4[%get3A_45, %get3A_46] : memref<1x256xf32, #tpu.memory_space<vmem>>, vector<1x256xf32>
    %mul3A_48 = vector.broadcast %get3A_47 : vector<1x256xf32> to vector<2000x256xf32>
    %mul3A_49 = arith.mulf %mul3A_44, %mul3A_48 : vector<2000x256xf32>
    %get3A_50 = arith.constant 0 : index
    %get3A_51 = arith.constant 0 : index
    %get3A_52 = vector.load %arg5[%get3A_50, %get3A_51] : memref<1x256xf32, #tpu.memory_space<vmem>>, vector<1x256xf32>
    %add3A_53 = vector.broadcast %get3A_52 : vector<1x256xf32> to vector<2000x256xf32>
    %add3A_54 = arith.addf %mul3A_49, %add3A_53 : vector<2000x256xf32>
    %max3A = arith.constant 0.000000e+00 : f32
    %max3A_55 = vector.broadcast %max3A : f32 to vector<2000x256xf32>
    %max3A_56 = arith.maximumf %add3A_54, %max3A_55 : vector<2000x256xf32>
    %get3A_57 = arith.constant 0 : index
    %get3A_58 = arith.constant 0 : index
    %get3A_59 = vector.load %arg6[%get3A_57, %get3A_58] : memref<256x256xf32, #tpu.memory_space<vmem>>, vector<256x256xf32>
    %dot_general3A_60 = arith.constant dense<0.000000e+00> : vector<2000x256xf32>
    %dot_general3A_61 = tpu.matmul %max3A_56, %get3A_59, %dot_general3A_60 {dimension_numbers = #tpu.dot_dimension_numbers<[1], [0], [0], [1], [0, 0, 1, 1], [], []>, transpose_lhs_hint = false} : vector<2000x256xf32>, vector<256x256xf32>, vector<2000x256xf32> -> vector<2000x256xf32>
    %get3A_62 = arith.constant 0 : index
    %get3A_63 = arith.constant 0 : index
    %get3A_64 = vector.load %arg7[%get3A_62, %get3A_63] : memref<1x256xf32, #tpu.memory_space<vmem>>, vector<1x256xf32>
    %add3A_65 = vector.broadcast %get3A_64 : vector<1x256xf32> to vector<2000x256xf32>
    %add3A_66 = arith.addf %dot_general3A_61, %add3A_65 : vector<2000x256xf32>
    %max3A_67 = arith.constant 0.000000e+00 : f32
    %max3A_68 = vector.broadcast %max3A_67 : f32 to vector<2000x256xf32>
    %max3A_69 = arith.maximumf %add3A_66, %max3A_68 : vector<2000x256xf32>
    %slice3A = vector.extract_strided_slice %max3A_69 {offsets = [0, 0], sizes = [2000, 128], strides = [1, 1]} : vector<2000x256xf32> to vector<2000x128xf32>
    %swap3A = arith.constant 0 : index
    %swap3A_70 = arith.constant 0 : index
    %swap3A_71 = arith.constant 0 : index
    %swap3A_72 = vector.load %arg10[%swap3A, %swap3A_70, %swap3A_71] : memref<2x2000x128xf32, #tpu.memory_space<vmem>>, vector<1x2000x128xf32>
    %swap3A_73 = vector.shape_cast %swap3A_72 : vector<1x2000x128xf32> to vector<2000x128xf32>
    %swap3A_74 = vector.shape_cast %slice3A : vector<2000x128xf32> to vector<1x2000x128xf32>
    tpu.vector_store %arg10[%swap3A, %swap3A_70, %swap3A_71], %swap3A_74 {strides = array<i32>} : memref<2x2000x128xf32, #tpu.memory_space<vmem>>, vector<1x2000x128xf32>,
    %slice3A_75 = vector.extract_strided_slice %max3A_69 {offsets = [0, 128], sizes = [2000, 128], strides = [1, 1]} : vector<2000x256xf32> to vector<2000x128xf32>
    %swap3A_76 = arith.constant 1 : index
    %swap3A_77 = arith.constant 0 : index
    %swap3A_78 = arith.constant 0 : index
    %swap3A_79 = vector.load %arg10[%swap3A_76, %swap3A_77, %swap3A_78] : memref<2x2000x128xf32, #tpu.memory_space<vmem>>, vector<1x2000x128xf32>
    %swap3A_80 = vector.shape_cast %swap3A_79 : vector<1x2000x128xf32> to vector<2000x128xf32>
    %swap3A_81 = vector.shape_cast %slice3A_75 : vector<2000x128xf32> to vector<1x2000x128xf32>
    tpu.vector_store %arg10[%swap3A_76, %swap3A_77, %swap3A_78], %swap3A_81 {strides = array<i32>} : memref<2x2000x128xf32, #tpu.memory_space<vmem>>, vector<1x2000x128xf32>,
    return
  }
  func.func @transform_0(%arg0: i32) -> (i32, i32) {
    %c0_i32 = arith.constant 0 : i32
    %c0_i32_0 = arith.constant 0 : i32
    %c0_i32_1 = arith.constant 0 : i32
    return %c0_i32, %c0_i32_0 : i32, i32
  }
  func.func @transform_1(%arg0: i32) -> (i32, i32) {
    %c0_i32 = arith.constant 0 : i32
    %c0_i32_0 = arith.constant 0 : i32
    %c0_i32_1 = arith.constant 0 : i32
    return %c0_i32, %c0_i32_0 : i32, i32
  }
  func.func @transform_2(%arg0: i32) -> (i32, i32) {
    %c0_i32 = arith.constant 0 : i32
    %c0_i32_0 = arith.constant 0 : i32
    %c0_i32_1 = arith.constant 0 : i32
    return %c0_i32, %c0_i32_0 : i32, i32
  }
  func.func @transform_3(%arg0: i32) -> (i32, i32) {
    %c0_i32 = arith.constant 0 : i32
    %c0_i32_0 = arith.constant 0 : i32
    %c0_i32_1 = arith.constant 0 : i32
    return %c0_i32, %c0_i32_0 : i32, i32
  }
  func.func @transform_4(%arg0: i32) -> (i32, i32) {
    %c0_i32 = arith.constant 0 : i32
    %c0_i32_0 = arith.constant 0 : i32
    %c0_i32_1 = arith.constant 0 : i32
    return %c0_i32, %c0_i32_0 : i32, i32
  }
  func.func @transform_5(%arg0: i32) -> (i32, i32) {
    %c0_i32 = arith.constant 0 : i32
    %c0_i32_0 = arith.constant 0 : i32
    %c0_i32_1 = arith.constant 0 : i32
    return %c0_i32, %c0_i32_0 : i32, i32
  }
  func.func @transform_6(%arg0: i32) -> (i32, i32) {
    %c0_i32 = arith.constant 0 : i32
    %c0_i32_0 = arith.constant 0 : i32
    %c0_i32_1 = arith.constant 0 : i32
    return %c0_i32, %c0_i32_0 : i32, i32
  }
  func.func @transform_7(%arg0: i32) -> (i32, i32) {
    %c0_i32 = arith.constant 0 : i32
    %c0_i32_0 = arith.constant 0 : i32
    return %arg0, %c0_i32 : i32, i32
  }
  func.func @transform_8(%arg0: i32) -> (i32, i32, i32) {
    %c0_i32 = arith.constant 0 : i32
    %c0_i32_0 = arith.constant 0 : i32
    %c0_i32_1 = arith.constant 0 : i32
    return %c0_i32, %arg0, %c0_i32_0 : i32, i32, i32
  }
  func.func @transform_9(%arg0: i32) -> (i32, i32, i32) {
    %c0_i32 = arith.constant 0 : i32
    %c0_i32_0 = arith.constant 0 : i32
    %c0_i32_1 = arith.constant 0 : i32
    return %c0_i32, %arg0, %c0_i32_0 : i32, i32, i32
  }
}

module attributes {stable_mosaic.version = 14 : i64} {
  func.func @body(%arg0: i32, %arg1: memref<1x1xf32, #tpu.memory_space<vmem>>, %arg2: memref<256x256xf32, #tpu.memory_space<vmem>>, %arg3: memref<1x256xf32, #tpu.memory_space<vmem>>, %arg4: memref<1x256xf32, #tpu.memory_space<vmem>>, %arg5: memref<1x256xf32, #tpu.memory_space<vmem>>, %arg6: memref<256x256xf32, #tpu.memory_space<vmem>>, %arg7: memref<1x256xf32, #tpu.memory_space<vmem>>, %arg8: memref<2x2000x128xf32, #tpu.memory_space<vmem>>, %arg9: memref<2000x256xf32, #tpu.memory_space<vmem>>, %arg10: memref<2x2000x128xf32, #tpu.memory_space<vmem>>) attributes {dimension_semantics = [#tpu.dimension_semantics<arbitrary>], iteration_bounds = array<i64: 5>, scalar_prefetch = 0 : i64, scratch_operands = 0 : i64, tpu.core_type = #tpu.core_type<tc>, window_params = [{pipeline_mode = #tpu.pipeline_mode<synchronous>, transform_indices = @transform_0, window_bounds = array<i64: 1, 1>}, {pipeline_mode = #tpu.pipeline_mode<synchronous>, transform_indices = @transform_1, window_bounds = array<i64: 256, 256>}, {pipeline_mode = #tpu.pipeline_mode<synchronous>, transform_indices = @transform_2, window_bounds = array<i64: 1, 256>}, {pipeline_mode = #tpu.pipeline_mode<synchronous>, transform_indices = @transform_3, window_bounds = array<i64: 1, 256>}, {pipeline_mode = #tpu.pipeline_mode<synchronous>, transform_indices = @transform_4, window_bounds = array<i64: 1, 256>}, {pipeline_mode = #tpu.pipeline_mode<synchronous>, transform_indices = @transform_5, window_bounds = array<i64: 256, 256>}, {pipeline_mode = #tpu.pipeline_mode<synchronous>, transform_indices = @transform_6, window_bounds = array<i64: 1, 256>}, {transform_indices = @transform_7, window_bounds = array<i64: 2, 2000, 128>}, {transform_indices = @transform_8, window_bounds = array<i64: 2000, 256>}, {transform_indices = @transform_9, window_bounds = array<i64: 2, 2000, 128>}]} {
    %get3A = arith.constant 0 : index
    %get3A_0 = arith.constant 0 : index
    %get3A_1 = arith.constant 0 : index
    %get3A_2 = vector.load %arg8[%get3A, %get3A_0, %get3A_1] : memref<2x2000x128xf32, #tpu.memory_space<vmem>>, vector<1x2000x128xf32>
    %get3A_3 = vector.shape_cast %get3A_2 : vector<1x2000x128xf32> to vector<2000x128xf32>
    %get3A_4 = arith.constant 1 : index
    %get3A_5 = arith.constant 0 : index
    %get3A_6 = arith.constant 0 : index
    %get3A_7 = vector.load %arg8[%get3A_4, %get3A_5, %get3A_6] : memref<2x2000x128xf32, #tpu.memory_space<vmem>>, vector<1x2000x128xf32>
    %get3A_8 = vector.shape_cast %get3A_7 : vector<1x2000x128xf32> to vector<2000x128xf32>
    %concatenate3A = tpu.concatenate %get3A_3, %get3A_8 in 1 : vector<2000x128xf32>, vector<2000x128xf32> -> vector<2000x256xf32>
    %get3A_9 = arith.constant 0 : index
    %get3A_10 = arith.constant 0 : index
    %get3A_11 = vector.load %arg1[%get3A_9, %get3A_10] : memref<1x1xf32, #tpu.memory_space<vmem>>, vector<1x1xf32>
    %get3A_12 = vector.extract %get3A_11[0, 0] : f32 from vector<1x1xf32>
    %add3A = arith.constant 1.000000e+00 : f32
    %add3A_13 = arith.addf %add3A, %get3A_12 : f32
    %mul3A = vector.broadcast %add3A_13 : f32 to vector<2000x256xf32>
    %mul3A_14 = arith.mulf %mul3A, %concatenate3A : vector<2000x256xf32>
    %get3A_15 = arith.constant 0 : index
    %get3A_16 = arith.constant 0 : index
    %get3A_17 = vector.load %arg9[%get3A_15, %get3A_16] : memref<2000x256xf32, #tpu.memory_space<vmem>>, vector<2000x256xf32>
    %add3A_18 = arith.addf %mul3A_14, %get3A_17 : vector<2000x256xf32>
    %get3A_19 = arith.constant 0 : index
    %get3A_20 = arith.constant 0 : index
    %get3A_21 = vector.load %arg2[%get3A_19, %get3A_20] : memref<256x256xf32, #tpu.memory_space<vmem>>, vector<256x256xf32>
    %dot_general3A = arith.constant dense<0.000000e+00> : vector<2000x256xf32>
    %dot_general3A_22 = tpu.matmul %add3A_18, %get3A_21, %dot_general3A {dimension_numbers = #tpu.dot_dimension_numbers<[1], [0], [0], [1], [0, 0, 1, 1], [], []>, transpose_lhs_hint = false} : vector<2000x256xf32>, vector<256x256xf32>, vector<2000x256xf32> -> vector<2000x256xf32>
    %get3A_23 = arith.constant 0 : index
    %get3A_24 = arith.constant 0 : index
    %get3A_25 = vector.load %arg3[%get3A_23, %get3A_24] : memref<1x256xf32, #tpu.memory_space<vmem>>, vector<1x256xf32>
    %add3A_26 = vector.broadcast %get3A_25 : vector<1x256xf32> to vector<2000x256xf32>
    %add3A_27 = arith.addf %dot_general3A_22, %add3A_26 : vector<2000x256xf32>
    %reduce_sum3A = arith.constant dense<0.000000e+00> : vector<2000xf32>
    %reduce_sum3A_28 = vector.multi_reduction <add>, %add3A_27, %reduce_sum3A [1] : vector<2000x256xf32> to vector<2000xf32>
    %broadcast_in_dim3A = vector.shape_cast %reduce_sum3A_28 : vector<2000xf32> to vector<2000x1xf32>
    %div3A = arith.constant 2.560000e+02 : f32
    %div3A_29 = vector.broadcast %div3A : f32 to vector<2000x1xf32>
    %div3A_30 = arith.divf %broadcast_in_dim3A, %div3A_29 : vector<2000x1xf32>
    %sub3A = vector.broadcast %div3A_30 : vector<2000x1xf32> to vector<2000x256xf32>
    %sub3A_31 = arith.subf %add3A_27, %sub3A : vector<2000x256xf32>
    %mul3A_32 = arith.mulf %sub3A_31, %sub3A_31 : vector<2000x256xf32>
    %reduce_sum3A_33 = arith.constant dense<0.000000e+00> : vector<2000xf32>
    %reduce_sum3A_34 = vector.multi_reduction <add>, %mul3A_32, %reduce_sum3A_33 [1] : vector<2000x256xf32> to vector<2000xf32>
    %broadcast_in_dim3A_35 = vector.shape_cast %reduce_sum3A_34 : vector<2000xf32> to vector<2000x1xf32>
    %div3A_36 = arith.constant 2.560000e+02 : f32
    %div3A_37 = vector.broadcast %div3A_36 : f32 to vector<2000x1xf32>
    %div3A_38 = arith.divf %broadcast_in_dim3A_35, %div3A_37 : vector<2000x1xf32>
    %add3A_39 = arith.constant 9.99999974E-6 : f32
    %add3A_40 = vector.broadcast %add3A_39 : f32 to vector<2000x1xf32>
    %add3A_41 = arith.addf %div3A_38, %add3A_40 : vector<2000x1xf32>
    %rsqrt3A = math.rsqrt %add3A_41 : vector<2000x1xf32>
    %mul3A_42 = vector.broadcast %rsqrt3A : vector<2000x1xf32> to vector<2000x256xf32>
    %mul3A_43 = arith.mulf %sub3A_31, %mul3A_42 : vector<2000x256xf32>
    %get3A_44 = arith.constant 0 : index
    %get3A_45 = arith.constant 0 : index
    %get3A_46 = vector.load %arg4[%get3A_44, %get3A_45] : memref<1x256xf32, #tpu.memory_space<vmem>>, vector<1x256xf32>
    %mul3A_47 = vector.broadcast %get3A_46 : vector<1x256xf32> to vector<2000x256xf32>
    %mul3A_48 = arith.mulf %mul3A_43, %mul3A_47 : vector<2000x256xf32>
    %get3A_49 = arith.constant 0 : index
    %get3A_50 = arith.constant 0 : index
    %get3A_51 = vector.load %arg5[%get3A_49, %get3A_50] : memref<1x256xf32, #tpu.memory_space<vmem>>, vector<1x256xf32>
    %add3A_52 = vector.broadcast %get3A_51 : vector<1x256xf32> to vector<2000x256xf32>
    %add3A_53 = arith.addf %mul3A_48, %add3A_52 : vector<2000x256xf32>
    %max3A = arith.constant 0.000000e+00 : f32
    %max3A_54 = vector.broadcast %max3A : f32 to vector<2000x256xf32>
    %max3A_55 = arith.maximumf %add3A_53, %max3A_54 : vector<2000x256xf32>
    %get3A_56 = arith.constant 0 : index
    %get3A_57 = arith.constant 0 : index
    %get3A_58 = vector.load %arg6[%get3A_56, %get3A_57] : memref<256x256xf32, #tpu.memory_space<vmem>>, vector<256x256xf32>
    %dot_general3A_59 = arith.constant dense<0.000000e+00> : vector<2000x256xf32>
    %dot_general3A_60 = tpu.matmul %max3A_55, %get3A_58, %dot_general3A_59 {dimension_numbers = #tpu.dot_dimension_numbers<[1], [0], [0], [1], [0, 0, 1, 1], [], []>, transpose_lhs_hint = false} : vector<2000x256xf32>, vector<256x256xf32>, vector<2000x256xf32> -> vector<2000x256xf32>
    %get3A_61 = arith.constant 0 : index
    %get3A_62 = arith.constant 0 : index
    %get3A_63 = vector.load %arg7[%get3A_61, %get3A_62] : memref<1x256xf32, #tpu.memory_space<vmem>>, vector<1x256xf32>
    %add3A_64 = vector.broadcast %get3A_63 : vector<1x256xf32> to vector<2000x256xf32>
    %add3A_65 = arith.addf %dot_general3A_60, %add3A_64 : vector<2000x256xf32>
    %max3A_66 = arith.constant 0.000000e+00 : f32
    %max3A_67 = vector.broadcast %max3A_66 : f32 to vector<2000x256xf32>
    %max3A_68 = arith.maximumf %add3A_65, %max3A_67 : vector<2000x256xf32>
    %add3A_69 = arith.addf %concatenate3A, %max3A_68 : vector<2000x256xf32>
    %slice3A = vector.extract_strided_slice %add3A_69 {offsets = [0, 0], sizes = [2000, 128], strides = [1, 1]} : vector<2000x256xf32> to vector<2000x128xf32>
    %swap3A = arith.constant 0 : index
    %swap3A_70 = arith.constant 0 : index
    %swap3A_71 = arith.constant 0 : index
    %swap3A_72 = vector.load %arg10[%swap3A, %swap3A_70, %swap3A_71] : memref<2x2000x128xf32, #tpu.memory_space<vmem>>, vector<1x2000x128xf32>
    %swap3A_73 = vector.shape_cast %swap3A_72 : vector<1x2000x128xf32> to vector<2000x128xf32>
    %swap3A_74 = vector.shape_cast %slice3A : vector<2000x128xf32> to vector<1x2000x128xf32>
    tpu.vector_store %arg10[%swap3A, %swap3A_70, %swap3A_71], %swap3A_74 {strides = array<i32>} : memref<2x2000x128xf32, #tpu.memory_space<vmem>>, vector<1x2000x128xf32>,
    %slice3A_75 = vector.extract_strided_slice %add3A_69 {offsets = [0, 128], sizes = [2000, 128], strides = [1, 1]} : vector<2000x256xf32> to vector<2000x128xf32>
    %swap3A_76 = arith.constant 1 : index
    %swap3A_77 = arith.constant 0 : index
    %swap3A_78 = arith.constant 0 : index
    %swap3A_79 = vector.load %arg10[%swap3A_76, %swap3A_77, %swap3A_78] : memref<2x2000x128xf32, #tpu.memory_space<vmem>>, vector<1x2000x128xf32>
    %swap3A_80 = vector.shape_cast %swap3A_79 : vector<1x2000x128xf32> to vector<2000x128xf32>
    %swap3A_81 = vector.shape_cast %slice3A_75 : vector<2000x128xf32> to vector<1x2000x128xf32>
    tpu.vector_store %arg10[%swap3A_76, %swap3A_77, %swap3A_78], %swap3A_81 {strides = array<i32>} : memref<2x2000x128xf32, #tpu.memory_space<vmem>>, vector<1x2000x128xf32>,
    return
  }
  func.func @transform_0(%arg0: i32) -> (i32, i32) {
    %c0_i32 = arith.constant 0 : i32
    %c0_i32_0 = arith.constant 0 : i32
    %c0_i32_1 = arith.constant 0 : i32
    return %c0_i32, %c0_i32_0 : i32, i32
  }
  func.func @transform_1(%arg0: i32) -> (i32, i32) {
    %c0_i32 = arith.constant 0 : i32
    %c0_i32_0 = arith.constant 0 : i32
    %c0_i32_1 = arith.constant 0 : i32
    return %c0_i32, %c0_i32_0 : i32, i32
  }
  func.func @transform_2(%arg0: i32) -> (i32, i32) {
    %c0_i32 = arith.constant 0 : i32
    %c0_i32_0 = arith.constant 0 : i32
    %c0_i32_1 = arith.constant 0 : i32
    return %c0_i32, %c0_i32_0 : i32, i32
  }
  func.func @transform_3(%arg0: i32) -> (i32, i32) {
    %c0_i32 = arith.constant 0 : i32
    %c0_i32_0 = arith.constant 0 : i32
    %c0_i32_1 = arith.constant 0 : i32
    return %c0_i32, %c0_i32_0 : i32, i32
  }
  func.func @transform_4(%arg0: i32) -> (i32, i32) {
    %c0_i32 = arith.constant 0 : i32
    %c0_i32_0 = arith.constant 0 : i32
    %c0_i32_1 = arith.constant 0 : i32
    return %c0_i32, %c0_i32_0 : i32, i32
  }
  func.func @transform_5(%arg0: i32) -> (i32, i32) {
    %c0_i32 = arith.constant 0 : i32
    %c0_i32_0 = arith.constant 0 : i32
    %c0_i32_1 = arith.constant 0 : i32
    return %c0_i32, %c0_i32_0 : i32, i32
  }
  func.func @transform_6(%arg0: i32) -> (i32, i32) {
    %c0_i32 = arith.constant 0 : i32
    %c0_i32_0 = arith.constant 0 : i32
    %c0_i32_1 = arith.constant 0 : i32
    return %c0_i32, %c0_i32_0 : i32, i32
  }
  func.func @transform_7(%arg0: i32) -> (i32, i32, i32) {
    %c0_i32 = arith.constant 0 : i32
    %c0_i32_0 = arith.constant 0 : i32
    %c0_i32_1 = arith.constant 0 : i32
    return %c0_i32, %arg0, %c0_i32_0 : i32, i32, i32
  }
  func.func @transform_8(%arg0: i32) -> (i32, i32) {
    %c0_i32 = arith.constant 0 : i32
    %c0_i32_0 = arith.constant 0 : i32
    return %arg0, %c0_i32 : i32, i32
  }
  func.func @transform_9(%arg0: i32) -> (i32, i32, i32) {
    %c0_i32 = arith.constant 0 : i32
    %c0_i32_0 = arith.constant 0 : i32
    %c0_i32_1 = arith.constant 0 : i32
    return %c0_i32, %arg0, %c0_i32_0 : i32, i32, i32
  }
}

module attributes {stable_mosaic.version = 14 : i64} {
  func.func @body(%arg0: i32, %arg1: memref<1x1xf32, #tpu.memory_space<vmem>>, %arg2: memref<256x256xf32, #tpu.memory_space<vmem>>, %arg3: memref<1x256xf32, #tpu.memory_space<vmem>>, %arg4: memref<1x256xf32, #tpu.memory_space<vmem>>, %arg5: memref<1x256xf32, #tpu.memory_space<vmem>>, %arg6: memref<256x256xf32, #tpu.memory_space<vmem>>, %arg7: memref<1x256xf32, #tpu.memory_space<vmem>>, %arg8: memref<256x128xf32, #tpu.memory_space<vmem>>, %arg9: memref<1x128xf32, #tpu.memory_space<vmem>>, %arg10: memref<2x2000x128xf32, #tpu.memory_space<vmem>>, %arg11: memref<2000x256xf32, #tpu.memory_space<vmem>>, %arg12: memref<2000x128xf32, #tpu.memory_space<vmem>>) attributes {dimension_semantics = [#tpu.dimension_semantics<arbitrary>], iteration_bounds = array<i64: 5>, scalar_prefetch = 0 : i64, scratch_operands = 0 : i64, tpu.core_type = #tpu.core_type<tc>, window_params = [{pipeline_mode = #tpu.pipeline_mode<synchronous>, transform_indices = @transform_0, window_bounds = array<i64: 1, 1>}, {pipeline_mode = #tpu.pipeline_mode<synchronous>, transform_indices = @transform_1, window_bounds = array<i64: 256, 256>}, {pipeline_mode = #tpu.pipeline_mode<synchronous>, transform_indices = @transform_2, window_bounds = array<i64: 1, 256>}, {pipeline_mode = #tpu.pipeline_mode<synchronous>, transform_indices = @transform_3, window_bounds = array<i64: 1, 256>}, {pipeline_mode = #tpu.pipeline_mode<synchronous>, transform_indices = @transform_4, window_bounds = array<i64: 1, 256>}, {pipeline_mode = #tpu.pipeline_mode<synchronous>, transform_indices = @transform_5, window_bounds = array<i64: 256, 256>}, {pipeline_mode = #tpu.pipeline_mode<synchronous>, transform_indices = @transform_6, window_bounds = array<i64: 1, 256>}, {pipeline_mode = #tpu.pipeline_mode<synchronous>, transform_indices = @transform_7, window_bounds = array<i64: 256, 128>}, {pipeline_mode = #tpu.pipeline_mode<synchronous>, transform_indices = @transform_8, window_bounds = array<i64: 1, 128>}, {transform_indices = @transform_9, window_bounds = array<i64: 2, 2000, 128>}, {transform_indices = @transform_10, window_bounds = array<i64: 2000, 256>}, {transform_indices = @transform_11, window_bounds = array<i64: 2000, 128>}]} {
    %get3A = arith.constant 0 : index
    %get3A_0 = arith.constant 0 : index
    %get3A_1 = arith.constant 0 : index
    %get3A_2 = vector.load %arg10[%get3A, %get3A_0, %get3A_1] : memref<2x2000x128xf32, #tpu.memory_space<vmem>>, vector<1x2000x128xf32>
    %get3A_3 = vector.shape_cast %get3A_2 : vector<1x2000x128xf32> to vector<2000x128xf32>
    %get3A_4 = arith.constant 1 : index
    %get3A_5 = arith.constant 0 : index
    %get3A_6 = arith.constant 0 : index
    %get3A_7 = vector.load %arg10[%get3A_4, %get3A_5, %get3A_6] : memref<2x2000x128xf32, #tpu.memory_space<vmem>>, vector<1x2000x128xf32>
    %get3A_8 = vector.shape_cast %get3A_7 : vector<1x2000x128xf32> to vector<2000x128xf32>
    %concatenate3A = tpu.concatenate %get3A_3, %get3A_8 in 1 : vector<2000x128xf32>, vector<2000x128xf32> -> vector<2000x256xf32>
    %get3A_9 = arith.constant 0 : index
    %get3A_10 = arith.constant 0 : index
    %get3A_11 = vector.load %arg1[%get3A_9, %get3A_10] : memref<1x1xf32, #tpu.memory_space<vmem>>, vector<1x1xf32>
    %get3A_12 = vector.extract %get3A_11[0, 0] : f32 from vector<1x1xf32>
    %add3A = arith.constant 1.000000e+00 : f32
    %add3A_13 = arith.addf %add3A, %get3A_12 : f32
    %mul3A = vector.broadcast %add3A_13 : f32 to vector<2000x256xf32>
    %mul3A_14 = arith.mulf %mul3A, %concatenate3A : vector<2000x256xf32>
    %get3A_15 = arith.constant 0 : index
    %get3A_16 = arith.constant 0 : index
    %get3A_17 = vector.load %arg11[%get3A_15, %get3A_16] : memref<2000x256xf32, #tpu.memory_space<vmem>>, vector<2000x256xf32>
    %add3A_18 = arith.addf %mul3A_14, %get3A_17 : vector<2000x256xf32>
    %get3A_19 = arith.constant 0 : index
    %get3A_20 = arith.constant 0 : index
    %get3A_21 = vector.load %arg2[%get3A_19, %get3A_20] : memref<256x256xf32, #tpu.memory_space<vmem>>, vector<256x256xf32>
    %dot_general3A = arith.constant dense<0.000000e+00> : vector<2000x256xf32>
    %dot_general3A_22 = tpu.matmul %add3A_18, %get3A_21, %dot_general3A {dimension_numbers = #tpu.dot_dimension_numbers<[1], [0], [0], [1], [0, 0, 1, 1], [], []>, transpose_lhs_hint = false} : vector<2000x256xf32>, vector<256x256xf32>, vector<2000x256xf32> -> vector<2000x256xf32>
    %get3A_23 = arith.constant 0 : index
    %get3A_24 = arith.constant 0 : index
    %get3A_25 = vector.load %arg3[%get3A_23, %get3A_24] : memref<1x256xf32, #tpu.memory_space<vmem>>, vector<1x256xf32>
    %add3A_26 = vector.broadcast %get3A_25 : vector<1x256xf32> to vector<2000x256xf32>
    %add3A_27 = arith.addf %dot_general3A_22, %add3A_26 : vector<2000x256xf32>
    %reduce_sum3A = arith.constant dense<0.000000e+00> : vector<2000xf32>
    %reduce_sum3A_28 = vector.multi_reduction <add>, %add3A_27, %reduce_sum3A [1] : vector<2000x256xf32> to vector<2000xf32>
    %broadcast_in_dim3A = vector.shape_cast %reduce_sum3A_28 : vector<2000xf32> to vector<2000x1xf32>
    %div3A = arith.constant 2.560000e+02 : f32
    %div3A_29 = vector.broadcast %div3A : f32 to vector<2000x1xf32>
    %div3A_30 = arith.divf %broadcast_in_dim3A, %div3A_29 : vector<2000x1xf32>
    %sub3A = vector.broadcast %div3A_30 : vector<2000x1xf32> to vector<2000x256xf32>
    %sub3A_31 = arith.subf %add3A_27, %sub3A : vector<2000x256xf32>
    %mul3A_32 = arith.mulf %sub3A_31, %sub3A_31 : vector<2000x256xf32>
    %reduce_sum3A_33 = arith.constant dense<0.000000e+00> : vector<2000xf32>
    %reduce_sum3A_34 = vector.multi_reduction <add>, %mul3A_32, %reduce_sum3A_33 [1] : vector<2000x256xf32> to vector<2000xf32>
    %broadcast_in_dim3A_35 = vector.shape_cast %reduce_sum3A_34 : vector<2000xf32> to vector<2000x1xf32>
    %div3A_36 = arith.constant 2.560000e+02 : f32
    %div3A_37 = vector.broadcast %div3A_36 : f32 to vector<2000x1xf32>
    %div3A_38 = arith.divf %broadcast_in_dim3A_35, %div3A_37 : vector<2000x1xf32>
    %add3A_39 = arith.constant 9.99999974E-6 : f32
    %add3A_40 = vector.broadcast %add3A_39 : f32 to vector<2000x1xf32>
    %add3A_41 = arith.addf %div3A_38, %add3A_40 : vector<2000x1xf32>
    %rsqrt3A = math.rsqrt %add3A_41 : vector<2000x1xf32>
    %mul3A_42 = vector.broadcast %rsqrt3A : vector<2000x1xf32> to vector<2000x256xf32>
    %mul3A_43 = arith.mulf %sub3A_31, %mul3A_42 : vector<2000x256xf32>
    %get3A_44 = arith.constant 0 : index
    %get3A_45 = arith.constant 0 : index
    %get3A_46 = vector.load %arg4[%get3A_44, %get3A_45] : memref<1x256xf32, #tpu.memory_space<vmem>>, vector<1x256xf32>
    %mul3A_47 = vector.broadcast %get3A_46 : vector<1x256xf32> to vector<2000x256xf32>
    %mul3A_48 = arith.mulf %mul3A_43, %mul3A_47 : vector<2000x256xf32>
    %get3A_49 = arith.constant 0 : index
    %get3A_50 = arith.constant 0 : index
    %get3A_51 = vector.load %arg5[%get3A_49, %get3A_50] : memref<1x256xf32, #tpu.memory_space<vmem>>, vector<1x256xf32>
    %add3A_52 = vector.broadcast %get3A_51 : vector<1x256xf32> to vector<2000x256xf32>
    %add3A_53 = arith.addf %mul3A_48, %add3A_52 : vector<2000x256xf32>
    %max3A = arith.constant 0.000000e+00 : f32
    %max3A_54 = vector.broadcast %max3A : f32 to vector<2000x256xf32>
    %max3A_55 = arith.maximumf %add3A_53, %max3A_54 : vector<2000x256xf32>
    %get3A_56 = arith.constant 0 : index
    %get3A_57 = arith.constant 0 : index
    %get3A_58 = vector.load %arg6[%get3A_56, %get3A_57] : memref<256x256xf32, #tpu.memory_space<vmem>>, vector<256x256xf32>
    %dot_general3A_59 = arith.constant dense<0.000000e+00> : vector<2000x256xf32>
    %dot_general3A_60 = tpu.matmul %max3A_55, %get3A_58, %dot_general3A_59 {dimension_numbers = #tpu.dot_dimension_numbers<[1], [0], [0], [1], [0, 0, 1, 1], [], []>, transpose_lhs_hint = false} : vector<2000x256xf32>, vector<256x256xf32>, vector<2000x256xf32> -> vector<2000x256xf32>
    %get3A_61 = arith.constant 0 : index
    %get3A_62 = arith.constant 0 : index
    %get3A_63 = vector.load %arg7[%get3A_61, %get3A_62] : memref<1x256xf32, #tpu.memory_space<vmem>>, vector<1x256xf32>
    %add3A_64 = vector.broadcast %get3A_63 : vector<1x256xf32> to vector<2000x256xf32>
    %add3A_65 = arith.addf %dot_general3A_60, %add3A_64 : vector<2000x256xf32>
    %max3A_66 = arith.constant 0.000000e+00 : f32
    %max3A_67 = vector.broadcast %max3A_66 : f32 to vector<2000x256xf32>
    %max3A_68 = arith.maximumf %add3A_65, %max3A_67 : vector<2000x256xf32>
    %add3A_69 = arith.addf %concatenate3A, %max3A_68 : vector<2000x256xf32>
    %get3A_70 = arith.constant 0 : index
    %get3A_71 = arith.constant 0 : index
    %get3A_72 = vector.load %arg8[%get3A_70, %get3A_71] : memref<256x128xf32, #tpu.memory_space<vmem>>, vector<256x128xf32>
    %dot_general3A_73 = arith.constant dense<0.000000e+00> : vector<2000x128xf32>
    %dot_general3A_74 = tpu.matmul %add3A_69, %get3A_72, %dot_general3A_73 {dimension_numbers = #tpu.dot_dimension_numbers<[1], [0], [0], [1], [0, 0, 1, 1], [], []>, transpose_lhs_hint = false} : vector<2000x256xf32>, vector<256x128xf32>, vector<2000x128xf32> -> vector<2000x128xf32>
    %get3A_75 = arith.constant 0 : index
    %get3A_76 = arith.constant 0 : index
    %get3A_77 = vector.load %arg9[%get3A_75, %get3A_76] : memref<1x128xf32, #tpu.memory_space<vmem>>, vector<1x128xf32>
    %add3A_78 = vector.broadcast %get3A_77 : vector<1x128xf32> to vector<2000x128xf32>
    %add3A_79 = arith.addf %dot_general3A_74, %add3A_78 : vector<2000x128xf32>
    %swap3A = arith.constant 0 : index
    %swap3A_80 = arith.constant 0 : index
    %swap3A_81 = vector.load %arg12[%swap3A, %swap3A_80] : memref<2000x128xf32, #tpu.memory_space<vmem>>, vector<2000x128xf32>
    tpu.vector_store %arg12[%swap3A, %swap3A_80], %add3A_79 {strides = array<i32>} : memref<2000x128xf32, #tpu.memory_space<vmem>>, vector<2000x128xf32>,
    return
  }
  func.func @transform_0(%arg0: i32) -> (i32, i32) {
    %c0_i32 = arith.constant 0 : i32
    %c0_i32_0 = arith.constant 0 : i32
    %c0_i32_1 = arith.constant 0 : i32
    return %c0_i32, %c0_i32_0 : i32, i32
  }
  func.func @transform_1(%arg0: i32) -> (i32, i32) {
    %c0_i32 = arith.constant 0 : i32
    %c0_i32_0 = arith.constant 0 : i32
    %c0_i32_1 = arith.constant 0 : i32
    return %c0_i32, %c0_i32_0 : i32, i32
  }
  func.func @transform_2(%arg0: i32) -> (i32, i32) {
    %c0_i32 = arith.constant 0 : i32
    %c0_i32_0 = arith.constant 0 : i32
    %c0_i32_1 = arith.constant 0 : i32
    return %c0_i32, %c0_i32_0 : i32, i32
  }
  func.func @transform_3(%arg0: i32) -> (i32, i32) {
    %c0_i32 = arith.constant 0 : i32
    %c0_i32_0 = arith.constant 0 : i32
    %c0_i32_1 = arith.constant 0 : i32
    return %c0_i32, %c0_i32_0 : i32, i32
  }
  func.func @transform_4(%arg0: i32) -> (i32, i32) {
    %c0_i32 = arith.constant 0 : i32
    %c0_i32_0 = arith.constant 0 : i32
    %c0_i32_1 = arith.constant 0 : i32
    return %c0_i32, %c0_i32_0 : i32, i32
  }
  func.func @transform_5(%arg0: i32) -> (i32, i32) {
    %c0_i32 = arith.constant 0 : i32
    %c0_i32_0 = arith.constant 0 : i32
    %c0_i32_1 = arith.constant 0 : i32
    return %c0_i32, %c0_i32_0 : i32, i32
  }
  func.func @transform_6(%arg0: i32) -> (i32, i32) {
    %c0_i32 = arith.constant 0 : i32
    %c0_i32_0 = arith.constant 0 : i32
    %c0_i32_1 = arith.constant 0 : i32
    return %c0_i32, %c0_i32_0 : i32, i32
  }
  func.func @transform_7(%arg0: i32) -> (i32, i32) {
    %c0_i32 = arith.constant 0 : i32
    %c0_i32_0 = arith.constant 0 : i32
    %c0_i32_1 = arith.constant 0 : i32
    return %c0_i32, %c0_i32_0 : i32, i32
  }
  func.func @transform_8(%arg0: i32) -> (i32, i32) {
    %c0_i32 = arith.constant 0 : i32
    %c0_i32_0 = arith.constant 0 : i32
    %c0_i32_1 = arith.constant 0 : i32
    return %c0_i32, %c0_i32_0 : i32, i32
  }
  func.func @transform_9(%arg0: i32) -> (i32, i32, i32) {
    %c0_i32 = arith.constant 0 : i32
    %c0_i32_0 = arith.constant 0 : i32
    %c0_i32_1 = arith.constant 0 : i32
    return %c0_i32, %arg0, %c0_i32_0 : i32, i32, i32
  }
  func.func @transform_10(%arg0: i32) -> (i32, i32) {
    %c0_i32 = arith.constant 0 : i32
    %c0_i32_0 = arith.constant 0 : i32
    return %arg0, %c0_i32 : i32, i32
  }
  func.func @transform_11(%arg0: i32) -> (i32, i32) {
    %c0_i32 = arith.constant 0 : i32
    %c0_i32_0 = arith.constant 0 : i32
    return %arg0, %c0_i32 : i32, i32
  }
}

</mosaic_0001>

<sc_bundles>
// kernel: kernel.11.cloned.1.call-start
scs
__scs_entry_jumppad:
0x0: {  	(pc) =	sbr.rel $0x88, $3  }
0x1: {  	(tag) =	ssettag $0x0;
	lr =	simm.s32 $0x1  }
0x2: {  	[smem:$0x3F88] =	sst lr;
	_ =	strace $0xD0000000  }
0x3: {  	_ = 	snop  }
0x4: {  	_ = 	snop  }
0x5: {  	_ = 	snop  }
0x6: {  	_ = 	snop  }
0x7: {  	_ = 	snop  }
__scs_overlays_trampoline_lowered:
0x8: {  	[smem:$0x3F97] =	sst s0  }
0x9: {  	[smem:$0x3F98] =	sst s1  }
0xa: {  	[smem:$0x3F99] =	sst s2  }
0xb: {  	[smem:$0x3F9A] =	sst s3  }
0xc: {  	[smem:$0x3F9B] =	sst s4  }
0xd: {  	[smem:$0x3F9C] =	sst s5  }
0xe: {  	[smem:$0x3F9D] =	sst s6  }
0xf: {  	[smem:$0x3F9E] =	sst s7  }
0x10: {  	[smem:$0x3F9F] =	sst s8  }
0x11: {  	[smem:$0x3FA0] =	sst s9;
	s0 =	simm.s32 @!p0 $0x0  }
0x12: {  	s1 =	sld [smem:$0x3F86];
	s0 =	simm.s32 @p0 $0x1  }
0x13: {  	[smem:$0x3FA1] =	sst s0;
	s0 =	simm.s32 @!p1 $0x0  }
0x14: {  	s2 =	sld [smem:$0x3F85];
	s0 =	simm.s32 @p1 $0x1  }
0x15: {  	[smem:$0x3FA2] =	sst s0;
	s0 =	simm.s32 @!p2 $0x0  }
0x16: {  	s3 =	sld [smem:$0x3FDB];
	s0 =	simm.s32 @p2 $0x1  }
0x17: {  	s4 =	simm.s32 $0x1BF5;
	[smem:$0x3FA4] =	sst s0  }
0x18: {  	s0 =	sld [smem:$0x3F87];
	_ =	swait.ge [sflag:s4], $0x0  }
0x19: {  	s7 =	sld [smem:$0x3F88]  }
0x1a: {  	s8 =	sadd.s32 $0xFFFFE003, lr  }
0x1b: {  	s9 =	sadd.s32 $0xFFFFFEF7, lr;
	s5 =	simm.s32 $0xFFFFFFFF;
	p2 =	slt.u32 s8, $0xFFFFF086  }
0x1c: {  	p1 =	slt.u32 s9, $0xF7A;
	s5 =	simm.s32 @!p2 $0x0  }
0x1d: {  	s5 =	simm.s32 @p1 $0x1;
	p0 =	seq.s32 s7, s2  }
0x1e: {  	s7 =	smul.u32 @!p0 $0xF7A, s2;
	p2 =	seq.s32 @!p0 s5, $0x0  }
0x1f: {  	s9 =	smul.u32 $0xF7A, s1;
	s8 =	simm.s32 @!p0 $0x1BF5;
	p2 =	por !p2, p0  }
0x20: {  	[sflag:s8] =	ssyncset.s32 @!p0 $0xFFFFF086;
	s6 =	sadd.s32 @!p0 s3, s7;
	s7 =	simm.s32 @!p0 $0x108  }
0x21: {  	s3 =	sadd.s32 s3, s9;
	s6 =	sadd.s32 @!p0 $0x88, s6;
	s7 =	simm.s32 @p2 $0x1082  }
0x22: {  	[simem:s7], [sflag:s8] =	dma.local @!p0 [hbm:s6], $0xF7A  }
0x23: {  	s9 =	sor.u32 $0xD0000000, s2;
	s6 =	simm.s32 $0x108;
	_ =	swait.ge @!p0 [sflag:s8], $0x0  }
0x24: {  	s3 =	sadd.s32 $0x88, s3;
	s6 =	simm.s32 @!p1 $0x1082;
	[sflag:s4] =	ssyncset.s32 $0xFFFFF086  }
0x25: {  	[simem:s6], [sflag:s4] =	dma.local [hbm:s3], $0xF7A  }
0x26: {  	[smem:$0x3F88] =	sst s1;
	(tag) =	ssettag s2;
	_ =	strace s9  }
0x27: {  	s1 =	sld [smem:$0x3F98]  }
0x28: {  	s2 =	sld [smem:$0x3F99]  }
0x29: {  	s4 =	sld [smem:$0x3F9B]  }
0x2a: {  	p0 =	seq.s32 s5, $0x0;
	s5 =	sld [smem:$0x3F9C]  }
0x2b: {  	s6 =	sld [smem:$0x3F9D]  }
0x2c: {  	s7 =	sld [smem:$0x3F9E]  }
0x2d: {  	s3 =	simm.s32 $0x108;
	s8 =	sld [smem:$0x3F9F]  }
0x2e: {  	s3 =	simm.s32 @!p0 $0x1082;
	s9 =	sld [smem:$0x3FA0]  }
0x2f: {  	lr =	sadd.s32 s0, s3;
	s0 =	sld [smem:$0x3F97]  }
0x30: {  	s3 =	sld [smem:$0x3F9A]  }
0x31: {  	[smem:$0x3FA3] =	sst s10  }
0x32: {  	s10 =	sld [smem:$0x3FA1];
	_ =	sdelay $0x3  }
0x33: {  	p0 =	seq.s32 s10, $0x1;
	s10 =	sld [smem:$0x3FA3];
	_ =	sdelay $0x3  }
0x34: {  	[smem:$0x3FA3] =	sst s10  }
0x35: {  	s10 =	sld [smem:$0x3FA2];
	_ =	sdelay $0x3  }
0x36: {  	p1 =	seq.s32 s10, $0x1;
	s10 =	sld [smem:$0x3FA3];
	_ =	sdelay $0x3  }
0x37: {  	[smem:$0x3FA3] =	sst s10  }
0x38: {  	s10 =	sld [smem:$0x3FA4]  }
0x39: {  	_ = 	snop;
	(pc) =	sbr.ind lr, $3  }
0x3a: {  	_ = 	snop  }
0x3b: {  	_ = 	snop  }
0x3c: {  	p2 =	seq.s32 s10, $0x1;
	s10 =	sld [smem:$0x3FA3]  }
0x3d: {  	_ =	shalt  }
0x3e: {  	_ =	shalt  }
0x3f: {  	_ =	shalt  }
0x40: {  	_ =	shalt  }
0x41: {  	_ =	shalt  }
0x42: {  	_ =	shalt  }
0x43: {  	_ =	shalt  }
0x44: {  	_ =	shalt  }
0x45: {  	_ =	shalt  }
0x46: {  	_ =	shalt  }
0x47: {  	_ =	shalt  }
0x48: {  	_ =	shalt  }
0x49: {  	_ =	shalt  }
0x4a: {  	_ =	shalt  }
0x4b: {  	_ =	shalt  }
0x4c: {  	_ =	shalt  }
0x4d: {  	_ =	shalt  }
0x4e: {  	_ =	shalt  }
0x4f: {  	_ =	shalt  }
0x50: {  	_ =	shalt  }
0x51: {  	_ =	shalt  }
0x52: {  	_ =	shalt  }
0x53: {  	_ =	shalt  }
0x54: {  	_ =	shalt  }
0x55: {  	_ =	shalt  }
0x56: {  	_ =	shalt  }
0x57: {  	_ =	shalt  }
0x58: {  	_ =	shalt  }
0x59: {  	_ =	shalt  }
0x5a: {  	_ =	shalt  }
0x5b: {  	_ =	shalt  }
0x5c: {  	_ =	shalt  }
0x5d: {  	_ =	shalt  }
0x5e: {  	_ =	shalt  }
0x5f: {  	_ =	shalt  }
0x60: {  	_ =	shalt  }
0x61: {  	_ =	shalt  }
0x62: {  	_ =	shalt  }
0x63: {  	_ =	shalt  }
0x64: {  	_ =	shalt  }
0x65: {  	_ =	shalt  }
0x66: {  	_ =	shalt  }
0x67: {  	_ =	shalt  }
0x68: {  	_ =	shalt  }
0x69: {  	_ =	shalt  }
0x6a: {  	_ =	shalt  }
0x6b: {  	_ =	shalt  }
0x6c: {  	_ =	shalt  }
0x6d: {  	_ =	shalt  }
0x6e: {  	_ =	shalt  }
0x6f: {  	_ =	shalt  }
0x70: {  	_ =	shalt  }
0x71: {  	_ =	shalt  }
0x72: {  	_ =	shalt  }
0x73: {  	_ =	shalt  }
0x74: {  	_ =	shalt  }
0x75: {  	_ =	shalt  }
0x76: {  	_ =	shalt  }
0x77: {  	_ =	shalt  }
0x78: {  	_ =	shalt  }
0x79: {  	_ =	shalt  }
0x7a: {  	_ =	shalt  }
0x7b: {  	_ =	shalt  }
0x7c: {  	_ =	shalt  }
0x7d: {  	_ =	shalt  }
0x7e: {  	_ =	shalt  }
0x7f: {  	_ =	shalt  }
0x80: {  	_ =	shalt  }
0x81: {  	_ =	shalt  }
0x82: {  	_ =	shalt  }
0x83: {  	_ =	shalt  }
0x84: {  	_ =	shalt  }
0x85: {  	_ =	shalt  }
0x86: {  	_ =	shalt  }
0x87: {  	_ =	shalt  }
.Lfunc_end0:
.L_simem_size_0:
called_computation.1_lowered:
.L_overlay_start_0:
0x88: {  	s2 =	sld [smem:$0x3FD9]  }
0x89: {  	s3 =	sld [smem:$0x3FFE];
	_ =	sdelay $0x1  }
0x8a: {  	s1 =	srdreg.scid  }
0x8b: {  	s0 =	sand.u32 $0x1, s1  }
0x8c: {  	s16 =	sshll.u32 s0, $0xA;
	s2 =	sadd.s32 s3, s2  }
0x8d: {  	s2 =	sadd.s32 s2, s16  }
0x8e: {  	[smem:$0x3FAF] =	sst s2  }
0x8f: {  	_ = 	snop  }
0x90: {  	(tm) =	ssettm $0x1  }
0x91: {  	s17 =	sld [smem:$0x3FFB];
	_ =	sdelay $0x3  }
0x92: {  	_ =	strace s17  }
0x93: {  	s2 =	sld [smem:$0x3FFC];
	_ =	sdelay $0x3  }
0x94: {  	_ =	strace s2  }
0x95: {  	s2 =	sld [smem:$0x3FFD];
	_ =	sdelay $0x3  }
0x96: {  	_ =	strace s2  }
0x97: {  	_ =	strace $0x8FFFFFFF  }
0x98: {  	s18 =	sld [smem:$0x3FDB];
	_ =	sdelay $0x1  }
0x99: {  	s19 =	simm.s32 $_scs_section_size  }
0x9a: {  	s4 =	simm.s32 $_size__tile_overlayer_lowered;
	s5 =	simm.s32 $_tile_overlayer_lowered  }
0x9b: {  	s22 =	simm.s32 $0x1BFF;
	s21 =	sshll.u32 s5, $0x1;
	s2 =	sadd.s32 s19, s18  }
0x9c: {  	s6 =	simm.s32 $0x0;
	s20 =	sshll.u32 s4, $0x1;
	s4 =	sadd.s32 s21, s2  }
0x9d: {  	[timem:s6], [sflag:s22] =	dma.local [hbm:s4], s20  }
0x9e: {  	_ =	swait.ge [sflag:s22], s20  }
0x9f: {  	s3 =	ssub.s32 $0x0, s20;
	[sflag:s22] =	ssyncset.done $0x0  }
0xa0: {  	[sflag:s22] =	ssyncadd.s32 s3;
	_ =	sdelay $0x1  }
0xa1: {  	s23 =	simm.s32 $0x1B8B  }
0xa2: {  	_ =	swait.ge [sflag:s23], $0x1  }
0xa3: {  	[sflag:s23] =	ssyncset.done $0x0  }
0xa4: {  	s25 =	simm.s32 $0x1B8E;
	s24 =	sld [smem:$0x3FFE];
	[sflag:s23] =	ssyncadd.s32 $0xFFFFFFFF  }
0xa5: {  	s26 =	simm.s32 $execute0_lowered;
	[smem:$0x3FD2] =	sst s25  }
0xa6: {  	s4 =	sshll.u32 s26, $0x1;
	_ =	strace $0x80000049;
	[dreg:$0x1] =	wrdreg $0xFFFFFFFF  }
0xa7: {  	s28 =	simm.s32 $_size_execute0_lowered;
	s2 =	sadd.s32 s2, s4;
	[dreg:$0x0] =	wrdreg $0x0  }
0xa8: {  	s4 =	sshll.u32 s28, $0x1;
	[dreg:$0x2] =	wrdreg s2  }
0xa9: {  	[dreg:$0x3] =	wrdreg s4  }
0xaa: {  	[dreg:$0x4] =	wrdreg $0xC0  }
0xab: {  	_ =	task [dreg:s6], $0x5FFFF  }
0xac: {  	[dreg:$0x1] =	wrdreg $0xFFFFFFFF  }
0xad: {  	[dreg:$0x0] =	wrdreg $0x60  }
0xae: {  	[dreg:$0x2] =	wrdreg s24  }
0xaf: {  	[dreg:$0x3] =	wrdreg $0xAC000  }
0xb0: {  	[dreg:$0x4] =	wrdreg $0x9  }
0xb1: {  	_ =	task.clear_ibuf [dreg:s6], $0x5FFFF;
	_ =	strace $0x90000049  }
0xb2: {  	s29 =	simm.s32 $0x9;
	_ =	strace $0x8000004B  }
0xb3: {  	_ =	swait.ge [sflag:s29], $0x1  }
0xb4: {  	[sflag:s29] =	ssyncadd.s32 $0xFFFFFFFF  }
0xb5: {  	_ =	strace $0x9000004B  }
0xb6: {  	_ =	sfence  }
0xb7: {  	s30 =	sld [smem:$0x0];
	_ =	sdelay $0x2  }
0xb8: {  	s31 =	sshll.u32 s1, $0xD;
	s1 =	sshrl.u32 s1, $0x2  }
0xb9: {  	s3 =	sand.u32 $0x4000, s31;
	s1 =	sadd.s32 s1, s30  }
0xba: {  	s0 =	sor.u32 s3, s0;
	s1 =	sshll.u32 s1, $0x11  }
0xbb: {  	s0 =	sor.u32 s1, s0  }
0xbc: {  	s0 =	sadd.s32 $0x8F2B, s0  }
0xbd: {  	[sflag:s0] =	ssyncadd.remote.s32 $0x1  }
0xbe: {  	_ =	sfence.sel $0xFFFF  }
0xbf: {  	[dreg:$0x0] =	wrdreg $0xFFFFFFFF;
	(pc) =	sbr.abs _section_cstart, $3  }
0xc0: {  	[dreg:$0x1] =	wrdreg $0xFFFFFFFF  }
0xc1: {  	_ =	task.clear_ibuf [dreg:s6], $0x2FFFF;
	_ =	strace $0x9FFFFFFF  }
0xc2: {  	(tm) =	ssettm $0x7FFFFFFF  }
0xc3: {  	_ =	shalt  }
tec
execute0_lowered:
.L_overlay_start_1:
0x0: {  	(tag) =	ssettag $0x1  }
0x1: {  	s0 =	rddreg [dreg:$0x0]  }
0x2: {  	s1 =	rddreg [dreg:$0x1]  }
0x3: {  	s3 =	simm.s32 $0x0;
	s16 =	stileid.u32;
	s7 =	srdreg.scid  }
0x4: {  	s23 =	simm.s32 $0x80;
	s24 =	simm.s32 $0x100;
	s25 =	simm.s32 $0x880  }
0x5: {  	s26 =	simm.s32 $0x180;
	s28 =	simm.s32 $0xC00;
	s29 =	simm.s32 $0x2  }
0x6: {  	s30 =	simm.s32 $0x4;
	s31 =	simm.s32 $0x3;
	s2 =	smul.u32 $0x2780, s16  }
0x7: {  	[smem:$0x7FF] =	sst s3;
	s9 =	sand.u32 $0x1, s7;
	s7 =	smul.u32 $0x14, s16  }
0x8: {  	s4 =	sadd.s32 $0x53E00, s0;
	s5 =	sadd.s32 $0xA2000, s0;
	s11 =	smul.u32 $0x4F000, s16  }
0x9: {  	s6 =	sadd.s32 $0x4C00, s0;
	s12 =	sadd.s32 $0xCA000, s0;
	s15 =	smul.u32 $0xA000, s16  }
0xa: {  	s14 =	smul.u32 $0x27800, s16;
	_ =	strace $0x8000004A;
	[dreg:$0x5] =	wrdreg s23  }
0xb: {  	p0 =	seq.s32 s16, $0xF;
	s10 =	ssub.s32 $0x2, s9;
	[dreg:$0x6] =	wrdreg s24  }
0xc: {  	s8 =	smul.u32 $0xA0000, s9;
	s19 =	sshll.u32 s9, $0xA;
	[dreg:$0x7] =	wrdreg s25  }
0xd: {  	s9 =	sshll.u32 s9, $0x7;
	[dreg:$0x8] =	wrdreg s26;
	s23 =	simm.s32 $0xD00  }
0xe: {  	s24 =	simm.s32 $0x600;
	s25 =	simm.s32 $0xD80;
	s26 =	simm.s32 $0xE00  }
0xf: {  	s2 =	sadd.s32 s2, s0;
	s13 =	sshrl.u32 s10, $0x1;
	[dreg:$0x11] =	wrdreg s23  }
0x10: {  	s11 =	sshrl.u32 s11, $0x2;
	s0 =	sadd.s32 $0x51C80, s0;
	[dreg:$0x12] =	wrdreg s24  }
0x11: {  	s9 =	sadd.s32 s9, s12;
	s23 =	simm.s32 $0x4400;
	[dreg:$0x13] =	wrdreg s25  }
0x12: {  	s24 =	simm.s32 $0x1;
	[dreg:$0x14] =	wrdreg s26;
	s25 =	simm.s32 $0x7800  }
0x13: {  	s10 =	ssub.s32 s10, s13;
	s2 =	sadd.s32 $0x2CC00, s2;
	[dreg:$0x16] =	wrdreg s0  }
0x14: {  	s13 =	sshrl.u32 s15, $0x3;
	s9 =	sadd.s32 $0x4A100, s9;
	[dreg:$0x15] =	wrdreg s2  }
0x15: {  	s17 =	sadd.s32 s15, s8;
	s18 =	sadd.s32 s6, s13;
	[dreg:$0x1a] =	wrdreg s9  }
0x16: {  	s0 =	sshrl.u32 s17, $0x3;
	s13 =	simm.s32 $0x900;
	[dreg:$0x18] =	wrdreg s18  }
0x17: {  	s15 =	smul.u32 $0x1400, s16;
	s17 =	sadd.s32 s5, s0;
	[dreg:$0x9] =	wrdreg s13  }
0x18: {  	s0 =	sor.u32 s19, s14;
	s14 =	simm.s32 $0x200;
	[dreg:$0x17] =	wrdreg s17  }
0x19: {  	s21 =	sadd.s32 s15, s6;
	s15 =	simm.s32 $0x980;
	[dreg:$0xa] =	wrdreg s14  }
0x1a: {  	s26 =	simm.s32 $0x400;
	s18 =	simm.s32 $0xA00;
	[dreg:$0xb] =	wrdreg s15  }
0x1b: {  	s11 =	sadd.s32 s11, s1;
	s19 =	simm.s32 $0x480;
	[dreg:$0xc] =	wrdreg s18  }
0x1c: {  	s2 =	sadd.s32 $0x128400, s1;
	s20 =	sadd.s32 $0x80, s17;
	[dreg:$0xd] =	wrdreg s19  }
0x1d: {  	s9 =	simm.s32 $0x8;
	s22 =	sadd.s32 $0x80, s21;
	[dreg:$0x3] =	wrdreg s20  }
0x1e: {  	s0 =	sshrl.u32 s0, $0x3;
	s21 =	simm.s32 $0xC80;
	[dreg:$0x4] =	wrdreg s22  }
0x1f: {  	s17 =	sshrl.u32 @p0 s2, $0x3;
	s2 =	sshll.u32 @!p0 s16, $0x6;
	[dreg:$0xf] =	wrdreg s21  }
0x20: {  	s15 =	sshrl.u32 @!p0 s11, $0x3;
	s19 =	simm.s32 $0x9;
	[dreg:$0x1c] =	wrdreg s17  }
0x21: {  	s0 =	sadd.s32 s12, s0;
	s12 =	smax.u32 s10, $0x1;
	[dreg:$0x1e] =	wrdreg s15  }
0x22: {  	s14 =	sor.u32 @!p0 $0x1C09, s2;
	s20 =	simm.s32 $0x500;
	[dreg:$0x19] =	wrdreg s0  }
0x23: {  	s22 =	simm.s32 $0x580;
	s21 =	simm.s32 $0x64;
	[dreg:$0x1b] =	wrdreg s12  }
0x24: {  	s2 =	simm.s32 $0x6;
	s10 =	simm.s32 $0x7;
	[dreg:$0xe] =	wrdreg s20  }
0x25: {  	s20 =	simm.s32 $0x800;
	[dreg:$0x10] =	wrdreg s22;
	s22 =	simm.s32 $0x1000  }
0x26: {  	s0 =	simm.s32 $0x5;
	s12 =	simm.s32 $0x0;
	[dreg:$0x1d] =	wrdreg s14  }
.LBB2_1:
0x27: {  	s11 =	simm.s32 @p0 $0x1FC9;
	s13 =	rddreg [dreg:$0x16]  }
0x28: {  	[spmem:s17], [sflag:s11] =	dma.local @p0 [hbm:s13], $0x2080  }
0x29: {  	s11 =	simm.s32 @p0 $0x9  }
0x2a: {  	_ =	swait.ge @p0 [sflag:s11], $0x2080  }
0x2b: {  	[sflag:s11] =	ssyncset.done @p0 $0x0  }
0x2c: {  	[sflag:s11] =	ssyncadd.s32 @p0 $0xFFFFDF80;
	s11 =	rddreg [dreg:$0x15]  }
0x2d: {  	[spmem:s15], [sflag:s14] =	dma.local @!p0 [hbm:s11], $0x2780  }
0x2e: {  	s11 =	simm.s32 @!p0 $0x9  }
0x2f: {  	_ =	swait.ge @!p0 [sflag:s11], $0x2780  }
0x30: {  	[sflag:s11] =	ssyncset.done @!p0 $0x0  }
0x31: {  	[sflag:s11] =	ssyncadd.s32 @!p0 $0xFFFFD880  }
0x32: {  	[bflag:$0x0] =	sbarrier.arrive $0xFFFF  }
0x33: {  	s13 =	rddreg [dreg:$0x17]  }
0x34: {  	[tilespmem:s3], [sflag:$0x9] =	stream.linear.gather [hbm4b:s13+s3], $0x280, $0x38;
	[tilespmem:$0x1E480] =	vst v63  }
0x35: {  	_ =	swait.ge [sflag:s19], $0x280  }
0x36: {  	[sflag:s19] =	ssyncset.done $0x0  }
0x37: {  	s14 =	rddreg [dreg:$0x18];
	[sflag:s19] =	ssyncadd.s32 $0xFFFFFD80  }
0x38: {  	[tilespmem:s20], [sflag:$0x9] =	stream.linear.gather [hbm4b:s14+s3], $0x280, $0x38;
	[tilespmem:$0x1E480] =	vst v63  }
0x39: {  	p1 =	por $0x1, $0x1;
	_ =	swait.ge [sflag:s19], $0x280  }
0x3a: {  	p1 =	por p1, p1;
	[sflag:s19] =	ssyncset.done $0x0  }
0x3b: {  	s11 =	simm.s32 @!p1 $0x5;
	[sflag:s19] =	ssyncadd.s32 $0xFFFFFD80  }
0x3c: {  	_ =	swait.ge @!p1 [sflag:s11], $0x3200  }
0x3d: {  	[sflag:s11] =	ssyncset.done @!p1 $0x0  }
0x3e: {  	[sflag:s11] =	ssyncadd.s32 @!p1 $0xFFFFCE00;
	s11 =	simm.s32 @!p1 $0x6  }
0x3f: {  	_ =	swait.ge @!p1 [sflag:s11], $0x3200  }
0x40: {  	[sflag:s11] =	ssyncset.done @!p1 $0x0  }
0x41: {  	[sflag:s11] =	ssyncadd.s32 @!p1 $0xFFFFCE00;
	s11 =	simm.s32 @!p1 $0x4  }
0x42: {  	_ =	swait.ge @!p1 [sflag:s11], $0x3200  }
0x43: {  	[sflag:s11] =	ssyncset.done @!p1 $0x0  }
0x44: {  	[sflag:s11] =	ssyncadd.s32 @!p1 $0xFFFFCE00;
	s11 =	simm.s32 @!p1 $0x7  }
0x45: {  	_ =	swait.ge @!p1 [sflag:s11], $0x280  }
0x46: {  	[sflag:s11] =	ssyncset.done @!p1 $0x0  }
0x47: {  	[sflag:s11] =	ssyncadd.s32 @!p1 $0xFFFFFD80  }
0x48: {  	_ =	swait.ge @!p1 [sflag:s11], $0x280  }
0x49: {  	[sflag:s11] =	ssyncset.done @!p1 $0x0  }
0x4a: {  	[sflag:s11] =	ssyncadd.s32 @!p1 $0xFFFFFD80  }
0x4b: {  	[tilespmem:s22], [sflag:$0x1] =	stream.indirect.gather [hbm4b:s4+s21], $0x80, s3, s21, $0xb8;
	[tilespmem:$0x1E480] =	vst v63  }
0x4c: {  	s15 =	rddreg [dreg:$0x5]  }
0x4d: {  	[tilespmem:s23], [sflag:$0x2] =	stream.indirect.gather [hbm4b:s4+s21], $0x80, s15, s21, $0xb8;
	[tilespmem:$0x1E480] =	vst v63  }
0x4e: {  	_ =	swait.ge [sflag:s24], $0x3200  }
0x4f: {  	[sflag:s24] =	ssyncset.done $0x0  }
0x50: {  	s16 =	rddreg [dreg:$0x3];
	[sflag:s24] =	ssyncadd.s32 $0xFFFFCE00  }
0x51: {  	[spmem:s1] =	stream.indirect.scatter.add.f32 [tilespmem:s22], [sflag:$0x4], $0x80, s20, s21, $0xb8;
	[tilespmem:$0x1E480] =	vst v63  }
0x52: {  	s17 =	rddreg [dreg:$0x6]  }
0x53: {  	[tilespmem:s25], [sflag:$0x3] =	stream.indirect.gather [hbm4b:s4+s21], $0x80, s17, s21, $0xb8;
	[tilespmem:$0x1E480] =	vst v63  }
0x54: {  	s18 =	rddreg [dreg:$0x4];
	s11 =	sadd.s32 $0x0, s16  }
0x55: {  	[tilespmem:s26], [sflag:$0x8] =	stream.linear.gather [hbm4b:s11+s3], $0x280, $0x38;
	[tilespmem:$0x1E480] =	vst v63  }
0x56: {  	s13 =	sadd.s32 $0x0, s18  }
0x57: {  	[tilespmem:s28], [sflag:$0x8] =	stream.linear.gather [hbm4b:s13+s3], $0x280, $0x38;
	[tilespmem:$0x1E480] =	vst v63  }
0x58: {  	_ =	swait.ge [sflag:s29], $0x3200  }
0x59: {  	[sflag:s29] =	ssyncset.done $0x0  }
0x5a: {  	s14 =	rddreg [dreg:$0x7];
	[sflag:s29] =	ssyncadd.s32 $0xFFFFCE00  }
0x5b: {  	[spmem:s1] =	stream.indirect.scatter.add.f32 [tilespmem:s23], [sflag:$0x5], $0x80, s14, s21, $0xb8;
	[tilespmem:$0x1E480] =	vst v63  }
0x5c: {  	_ =	swait.ge [sflag:s30], $0x3200  }
0x5d: {  	[sflag:s30] =	ssyncset.done $0x0  }
0x5e: {  	s15 =	rddreg [dreg:$0x8];
	[sflag:s30] =	ssyncadd.s32 $0xFFFFCE00  }
0x5f: {  	[tilespmem:s22], [sflag:$0x1] =	stream.indirect.gather [hbm4b:s4+s21], $0x80, s15, s21, $0xb8;
	[tilespmem:$0x1E480] =	vst v63  }
0x60: {  	_ =	swait.ge [sflag:s31], $0x3200  }
0x61: {  	[sflag:s31] =	ssyncset.done $0x0  }
0x62: {  	s16 =	rddreg [dreg:$0x9];
	[sflag:s31] =	ssyncadd.s32 $0xFFFFCE00  }
0x63: {  	[spmem:s1] =	stream.indirect.scatter.add.f32 [tilespmem:s25], [sflag:$0x6], $0x80, s16, s21, $0xb8;
	[tilespmem:$0x1E480] =	vst v63  }
0x64: {  	_ =	swait.ge [sflag:s0], $0x3200  }
0x65: {  	[sflag:s0] =	ssyncset.done $0x0  }
0x66: {  	s17 =	rddreg [dreg:$0xa];
	[sflag:s0] =	ssyncadd.s32 $0xFFFFCE00  }
0x67: {  	[tilespmem:s23], [sflag:$0x2] =	stream.indirect.gather [hbm4b:s4+s21], $0x80, s17, s21, $0xb8;
	[tilespmem:$0x1E480] =	vst v63  }
0x68: {  	_ =	swait.ge [sflag:s24], $0x3200  }
0x69: {  	[sflag:s24] =	ssyncset.done $0x0  }
0x6a: {  	s18 =	rddreg [dreg:$0xb];
	[sflag:s24] =	ssyncadd.s32 $0xFFFFCE00  }
0x6b: {  	[spmem:s1] =	stream.indirect.scatter.add.f32 [tilespmem:s22], [sflag:$0x4], $0x80, s18, s21, $0xb8;
	[tilespmem:$0x1E480] =	vst v63  }
0x6c: {  	_ =	swait.ge [sflag:s2], $0x3200  }
0x6d: {  	[sflag:s2] =	ssyncset.done $0x0  }
0x6e: {  	[sflag:s2] =	ssyncadd.s32 $0xFFFFCE00  }
0x6f: {  	[tilespmem:s25], [sflag:$0x3] =	stream.indirect.gather [hbm4b:s4+s21], $0x80, s26, s21, $0xb8;
	[tilespmem:$0x1E480] =	vst v63  }
0x70: {  	_ =	swait.ge [sflag:s9], $0x280  }
0x71: {  	[sflag:s9] =	ssyncset.done $0x0  }
0x72: {  	[sflag:s9] =	ssyncadd.s32 $0xFFFFFD80  }
0x73: {  	_ =	swait.ge [sflag:s9], $0x280  }
0x74: {  	[sflag:s9] =	ssyncset.done $0x0  }
0x75: {  	[sflag:s9] =	ssyncadd.s32 $0xFFFFFD80  }
0x76: {  	_ =	swait.ge [sflag:s29], $0x3200  }
0x77: {  	[sflag:s29] =	ssyncset.done $0x0  }
0x78: {  	s13 =	rddreg [dreg:$0xc];
	[sflag:s29] =	ssyncadd.s32 $0xFFFFCE00  }
0x79: {  	[spmem:s1] =	stream.indirect.scatter.add.f32 [tilespmem:s23], [sflag:$0x5], $0x80, s13, s21, $0xb8;
	[tilespmem:$0x1E480] =	vst v63  }
0x7a: {  	_ =	swait.ge [sflag:s30], $0x3200  }
0x7b: {  	[sflag:s30] =	ssyncset.done $0x0  }
0x7c: {  	s14 =	rddreg [dreg:$0xd];
	[sflag:s30] =	ssyncadd.s32 $0xFFFFCE00  }
0x7d: {  	[tilespmem:s22], [sflag:$0x1] =	stream.indirect.gather [hbm4b:s4+s21], $0x80, s14, s21, $0xb8;
	[tilespmem:$0x1E480] =	vst v63  }
0x7e: {  	_ =	swait.ge [sflag:s31], $0x3200  }
0x7f: {  	[sflag:s31] =	ssyncset.done $0x0  }
0x80: {  	[sflag:s31] =	ssyncadd.s32 $0xFFFFCE00  }
0x81: {  	[spmem:s1] =	stream.indirect.scatter.add.f32 [tilespmem:s25], [sflag:$0x6], $0x80, s28, s21, $0xb8;
	[tilespmem:$0x1E480] =	vst v63  }
0x82: {  	_ =	swait.ge [sflag:s0], $0x3200  }
0x83: {  	[sflag:s0] =	ssyncset.done $0x0  }
0x84: {  	s15 =	rddreg [dreg:$0xe];
	[sflag:s0] =	ssyncadd.s32 $0xFFFFCE00  }
0x85: {  	[tilespmem:s23], [sflag:$0x2] =	stream.indirect.gather [hbm4b:s4+s21], $0x80, s15, s21, $0xb8;
	[tilespmem:$0x1E480] =	vst v63  }
0x86: {  	p1 =	slt.s32 s7, $0x13E;
	s11 =	smov.u32 s7;
	_ =	swait.ge [sflag:s24], $0x3200  }
0x87: {  	s11 =	simm.s32 @!p1 $0x13E;
	[sflag:s24] =	ssyncset.done $0x0  }
0x88: {  	s11 =	sshll.u32 s11, $0xB;
	s16 =	rddreg [dreg:$0xf];
	[sflag:s24] =	ssyncadd.s32 $0xFFFFCE00  }
0x89: {  	[spmem:s1] =	stream.indirect.scatter.add.f32 [tilespmem:s22], [sflag:$0x4], $0x80, s16, s21, $0xb8;
	[tilespmem:$0x1E480] =	vst v63  }
0x8a: {  	s11 =	sadd.s32 $0x800, s11;
	_ =	swait.ge [sflag:s2], $0x3200  }
0x8b: {  	s18 =	sadd.s32 s8, s11;
	[sflag:s2] =	ssyncset.done $0x0  }
0x8c: {  	s15 =	sshrl.u32 s18, $0x3;
	s17 =	rddreg [dreg:$0x10];
	[sflag:s2] =	ssyncadd.s32 $0xFFFFCE00  }
0x8d: {  	[tilespmem:s25], [sflag:$0x3] =	stream.indirect.gather [hbm4b:s4+s21], $0x80, s17, s21, $0xb8;
	[tilespmem:$0x1E480] =	vst v63  }
0x8e: {  	s11 =	sshrl.u32 s11, $0x3;
	s13 =	sadd.s32 s5, s15  }
0x8f: {  	[tilespmem:s3], [sflag:$0x7] =	stream.linear.gather [hbm4b:s13+s3], $0x280, $0x38;
	[tilespmem:$0x1E480] =	vst v63  }
0x90: {  	s11 =	sadd.s32 s6, s11  }
0x91: {  	[tilespmem:s20], [sflag:$0x7] =	stream.linear.gather [hbm4b:s11+s3], $0x280, $0x38;
	[tilespmem:$0x1E480] =	vst v63  }
0x92: {  	_ =	swait.ge [sflag:s29], $0x3200  }
0x93: {  	[sflag:s29] =	ssyncset.done $0x0  }
0x94: {  	s16 =	rddreg [dreg:$0x11];
	[sflag:s29] =	ssyncadd.s32 $0xFFFFCE00  }
0x95: {  	[spmem:s1] =	stream.indirect.scatter.add.f32 [tilespmem:s23], [sflag:$0x5], $0x80, s16, s21, $0xb8;
	[tilespmem:$0x1E480] =	vst v63  }
0x96: {  	_ =	swait.ge [sflag:s30], $0x3200  }
0x97: {  	[sflag:s30] =	ssyncset.done $0x0  }
0x98: {  	s17 =	rddreg [dreg:$0x12];
	[sflag:s30] =	ssyncadd.s32 $0xFFFFCE00  }
0x99: {  	[tilespmem:s22], [sflag:$0x1] =	stream.indirect.gather [hbm4b:s4+s21], $0x80, s17, s21, $0xb8;
	[tilespmem:$0x1E480] =	vst v63  }
0x9a: {  	_ =	swait.ge [sflag:s31], $0x3200  }
0x9b: {  	[sflag:s31] =	ssyncset.done $0x0  }
0x9c: {  	p6 =	por $0x0, $0x0;
	s18 =	rddreg [dreg:$0x13];
	[sflag:s31] =	ssyncadd.s32 $0xFFFFCE00  }
0x9d: {  	[spmem:s1] =	stream.indirect.scatter.add.f32 [tilespmem:s25], [sflag:$0x6], $0x80, s18, s21, $0xb8;
	[tilespmem:$0x1E480] =	vst v63  }
0x9e: {  	p1 =	por p6, p6;
	_ =	swait.ge [sflag:s24], $0x3200  }
0x9f: {  	s14 =	simm.s32 $0x100;
	s13 =	sadd.s32 $0x1, s7;
	[sflag:s24] =	ssyncset.done $0x0  }
0xa0: {  	s11 =	simm.s32 $0x200;
	s16 =	rddreg [dreg:$0x14];
	[sflag:s24] =	ssyncadd.s32 $0xFFFFCE00  }
.LBB2_2:
0xa1: {  	s17 =	simm.s32 @!p1 $0x5  }
0xa2: {  	[spmem:s1] =	stream.indirect.scatter.add.f32 [tilespmem:s22], [sflag:$0x4], $0x80, s16, s21, $0xb8;
	[tilespmem:$0x1E480] =	vst v63  }
0xa3: {  	_ =	swait.ge @!p1 [sflag:s17], $0x3200  }
0xa4: {  	[sflag:s17] =	ssyncset.done @!p1 $0x0  }
0xa5: {  	s16 =	simm.s32 @!p1 $0x6;
	[sflag:s17] =	ssyncadd.s32 @!p1 $0xFFFFCE00  }
0xa6: {  	_ =	swait.ge @!p1 [sflag:s16], $0x3200  }
0xa7: {  	[sflag:s16] =	ssyncset.done @!p1 $0x0  }
0xa8: {  	[sflag:s16] =	ssyncadd.s32 @!p1 $0xFFFFCE00;
	s16 =	simm.s32 @!p1 $0x4  }
0xa9: {  	_ =	swait.ge @!p1 [sflag:s16], $0x3200  }
0xaa: {  	[sflag:s16] =	ssyncset.done @!p1 $0x0  }
0xab: {  	[sflag:s16] =	ssyncadd.s32 @!p1 $0xFFFFCE00;
	s16 =	simm.s32 @!p1 $0x7  }
0xac: {  	_ =	swait.ge @!p1 [sflag:s16], $0x280  }
0xad: {  	[sflag:s16] =	ssyncset.done @!p1 $0x0  }
0xae: {  	[sflag:s16] =	ssyncadd.s32 @!p1 $0xFFFFFD80  }
0xaf: {  	_ =	swait.ge @!p1 [sflag:s16], $0x280  }
0xb0: {  	[sflag:s16] =	ssyncset.done @!p1 $0x0  }
0xb1: {  	[sflag:s16] =	ssyncadd.s32 @!p1 $0xFFFFFD80  }
0xb2: {  	[tilespmem:s22], [sflag:$0x1] =	stream.indirect.gather [hbm4b:s4+s21], $0x80, s3, s21, $0xb8;
	[tilespmem:$0x1E480] =	vst v63  }
0xb3: {  	s17 =	rddreg [dreg:$0x5]  }
0xb4: {  	[tilespmem:s23], [sflag:$0x2] =	stream.indirect.gather [hbm4b:s4+s21], $0x80, s17, s21, $0xb8;
	[tilespmem:$0x1E480] =	vst v63  }
0xb5: {  	_ =	swait.ge [sflag:s24], $0x3200  }
0xb6: {  	[sflag:s24] =	ssyncset.done $0x0  }
0xb7: {  	s16 =	rddreg [dreg:$0x3];
	[sflag:s24] =	ssyncadd.s32 $0xFFFFCE00  }
0xb8: {  	[spmem:s1] =	stream.indirect.scatter.add.f32 [tilespmem:s22], [sflag:$0x4], $0x80, s20, s21, $0xb8;
	[tilespmem:$0x1E480] =	vst v63  }
0xb9: {  	s17 =	rddreg [dreg:$0x6]  }
0xba: {  	[tilespmem:s25], [sflag:$0x3] =	stream.indirect.gather [hbm4b:s4+s21], $0x80, s17, s21, $0xb8;
	[tilespmem:$0x1E480] =	vst v63  }
0xbb: {  	s18 =	rddreg [dreg:$0x4];
	s16 =	sadd.s32 s14, s16  }
0xbc: {  	[tilespmem:s26], [sflag:$0x8] =	stream.linear.gather [hbm4b:s16+s3], $0x280, $0x38;
	[tilespmem:$0x1E480] =	vst v63  }
0xbd: {  	s18 =	sadd.s32 s14, s18  }
0xbe: {  	[tilespmem:s28], [sflag:$0x8] =	stream.linear.gather [hbm4b:s18+s3], $0x280, $0x38;
	[tilespmem:$0x1E480] =	vst v63  }
0xbf: {  	_ =	swait.ge [sflag:s29], $0x3200  }
0xc0: {  	[sflag:s29] =	ssyncset.done $0x0  }
0xc1: {  	s17 =	rddreg [dreg:$0x7];
	[sflag:s29] =	ssyncadd.s32 $0xFFFFCE00  }
0xc2: {  	[spmem:s1] =	stream.indirect.scatter.add.f32 [tilespmem:s23], [sflag:$0x5], $0x80, s17, s21, $0xb8;
	[tilespmem:$0x1E480] =	vst v63  }
0xc3: {  	_ =	swait.ge [sflag:s30], $0x3200  }
0xc4: {  	[sflag:s30] =	ssyncset.done $0x0  }
0xc5: {  	s18 =	rddreg [dreg:$0x8];
	[sflag:s30] =	ssyncadd.s32 $0xFFFFCE00  }
0xc6: {  	[tilespmem:s22], [sflag:$0x1] =	stream.indirect.gather [hbm4b:s4+s21], $0x80, s18, s21, $0xb8;
	[tilespmem:$0x1E480] =	vst v63  }
0xc7: {  	_ =	swait.ge [sflag:s31], $0x3200  }
0xc8: {  	[sflag:s31] =	ssyncset.done $0x0  }
0xc9: {  	s16 =	rddreg [dreg:$0x9];
	[sflag:s31] =	ssyncadd.s32 $0xFFFFCE00  }
0xca: {  	[spmem:s1] =	stream.indirect.scatter.add.f32 [tilespmem:s25], [sflag:$0x6], $0x80, s16, s21, $0xb8;
	[tilespmem:$0x1E480] =	vst v63  }
0xcb: {  	_ =	swait.ge [sflag:s0], $0x3200  }
0xcc: {  	[sflag:s0] =	ssyncset.done $0x0  }
0xcd: {  	s17 =	rddreg [dreg:$0xa];
	[sflag:s0] =	ssyncadd.s32 $0xFFFFCE00  }
0xce: {  	[tilespmem:s23], [sflag:$0x2] =	stream.indirect.gather [hbm4b:s4+s21], $0x80, s17, s21, $0xb8;
	[tilespmem:$0x1E480] =	vst v63  }
0xcf: {  	_ =	swait.ge [sflag:s24], $0x3200  }
0xd0: {  	[sflag:s24] =	ssyncset.done $0x0  }
0xd1: {  	s18 =	rddreg [dreg:$0xb];
	[sflag:s24] =	ssyncadd.s32 $0xFFFFCE00  }
0xd2: {  	[spmem:s1] =	stream.indirect.scatter.add.f32 [tilespmem:s22], [sflag:$0x4], $0x80, s18, s21, $0xb8;
	[tilespmem:$0x1E480] =	vst v63  }
0xd3: {  	_ =	swait.ge [sflag:s2], $0x3200  }
0xd4: {  	[sflag:s2] =	ssyncset.done $0x0  }
0xd5: {  	[sflag:s2] =	ssyncadd.s32 $0xFFFFCE00  }
0xd6: {  	[tilespmem:s25], [sflag:$0x3] =	stream.indirect.gather [hbm4b:s4+s21], $0x80, s26, s21, $0xb8;
	[tilespmem:$0x1E480] =	vst v63  }
0xd7: {  	_ =	swait.ge [sflag:s9], $0x280  }
0xd8: {  	[sflag:s9] =	ssyncset.done $0x0  }
0xd9: {  	[sflag:s9] =	ssyncadd.s32 $0xFFFFFD80  }
0xda: {  	_ =	swait.ge [sflag:s9], $0x280  }
0xdb: {  	[sflag:s9] =	ssyncset.done $0x0  }
0xdc: {  	[sflag:s9] =	ssyncadd.s32 $0xFFFFFD80  }
0xdd: {  	_ =	swait.ge [sflag:s29], $0x3200  }
0xde: {  	[sflag:s29] =	ssyncset.done $0x0  }
0xdf: {  	s16 =	rddreg [dreg:$0xc];
	[sflag:s29] =	ssyncadd.s32 $0xFFFFCE00  }
0xe0: {  	[spmem:s1] =	stream.indirect.scatter.add.f32 [tilespmem:s23], [sflag:$0x5], $0x80, s16, s21, $0xb8;
	[tilespmem:$0x1E480] =	vst v63  }
0xe1: {  	_ =	swait.ge [sflag:s30], $0x3200  }
0xe2: {  	[sflag:s30] =	ssyncset.done $0x0  }
0xe3: {  	s17 =	rddreg [dreg:$0xd];
	[sflag:s30] =	ssyncadd.s32 $0xFFFFCE00  }
0xe4: {  	[tilespmem:s22], [sflag:$0x1] =	stream.indirect.gather [hbm4b:s4+s21], $0x80, s17, s21, $0xb8;
	[tilespmem:$0x1E480] =	vst v63  }
0xe5: {  	_ =	swait.ge [sflag:s31], $0x3200  }
0xe6: {  	[sflag:s31] =	ssyncset.done $0x0  }
0xe7: {  	[sflag:s31] =	ssyncadd.s32 $0xFFFFCE00  }
0xe8: {  	[spmem:s1] =	stream.indirect.scatter.add.f32 [tilespmem:s25], [sflag:$0x6], $0x80, s28, s21, $0xb8;
	[tilespmem:$0x1E480] =	vst v63  }
0xe9: {  	p3 =	seq.s32 s11, $0x0;
	_ =	swait.ge [sflag:s0], $0x3200  }
0xea: {  	s15 =	smov.u32 s11;
	p1 =	por p3, p3;
	[sflag:s0] =	ssyncset.done $0x0  }
0xeb: {  	p3 =	slt.s32 s13, $0x13E;
	s18 =	rddreg [dreg:$0xe];
	[sflag:s0] =	ssyncadd.s32 $0xFFFFCE00  }
0xec: {  	[tilespmem:s23], [sflag:$0x2] =	stream.indirect.gather [hbm4b:s4+s21], $0x80, s18, s21, $0xb8;
	[tilespmem:$0x1E480] =	vst v63  }
0xed: {  	s14 =	smov.u32 s15;
	s15 =	smov.u32 s13;
	_ =	swait.ge [sflag:s24], $0x3200  }
0xee: {  	s15 =	simm.s32 @!p3 $0x13E;
	[sflag:s24] =	ssyncset.done $0x0  }
0xef: {  	s15 =	sshll.u32 s15, $0xB;
	s16 =	rddreg [dreg:$0xf];
	[sflag:s24] =	ssyncadd.s32 $0xFFFFCE00  }
0xf0: {  	[spmem:s1] =	stream.indirect.scatter.add.f32 [tilespmem:s22], [sflag:$0x4], $0x80, s16, s21, $0xb8;
	[tilespmem:$0x1E480] =	vst v63  }
0xf1: {  	s15 =	sadd.s32 $0x800, s15;
	_ =	swait.ge [sflag:s2], $0x3200  }
0xf2: {  	s18 =	sadd.s32 s8, s15;
	[sflag:s2] =	ssyncset.done $0x0  }
0xf3: {  	s18 =	sshrl.u32 s18, $0x3;
	s17 =	rddreg [dreg:$0x10];
	[sflag:s2] =	ssyncadd.s32 $0xFFFFCE00  }
0xf4: {  	[tilespmem:s25], [sflag:$0x3] =	stream.indirect.gather [hbm4b:s4+s21], $0x80, s17, s21, $0xb8;
	[tilespmem:$0x1E480] =	vst v63  }
0xf5: {  	s15 =	sshrl.u32 s15, $0x3;
	s16 =	sadd.s32 s5, s18  }
0xf6: {  	[tilespmem:s3], [sflag:$0x7] =	stream.linear.gather [hbm4b:s16+s3], $0x280, $0x38;
	[tilespmem:$0x1E480] =	vst v63  }
0xf7: {  	s15 =	sadd.s32 s6, s15  }
0xf8: {  	[tilespmem:s20], [sflag:$0x7] =	stream.linear.gather [hbm4b:s15+s3], $0x280, $0x38;
	[tilespmem:$0x1E480] =	vst v63  }
0xf9: {  	_ =	swait.ge [sflag:s29], $0x3200  }
0xfa: {  	[sflag:s29] =	ssyncset.done $0x0  }
0xfb: {  	s16 =	rddreg [dreg:$0x11];
	[sflag:s29] =	ssyncadd.s32 $0xFFFFCE00  }
0xfc: {  	[spmem:s1] =	stream.indirect.scatter.add.f32 [tilespmem:s23], [sflag:$0x5], $0x80, s16, s21, $0xb8;
	[tilespmem:$0x1E480] =	vst v63  }
0xfd: {  	_ =	swait.ge [sflag:s30], $0x3200  }
0xfe: {  	[sflag:s30] =	ssyncset.done $0x0  }
0xff: {  	s17 =	rddreg [dreg:$0x12];
	[sflag:s30] =	ssyncadd.s32 $0xFFFFCE00  }
0x100: {  	[tilespmem:s22], [sflag:$0x1] =	stream.indirect.gather [hbm4b:s4+s21], $0x80, s17, s21, $0xb8;
	[tilespmem:$0x1E480] =	vst v63  }
0x101: {  	s11 =	sadd.s32 $0x100, s11;
	_ =	swait.ge [sflag:s31], $0x3200  }
0x102: {  	p2 =	sne.s32 s11, $0x1400;
	[sflag:s31] =	ssyncset.done $0x0  }
.Ltmp0:
0x103: {  	s18 =	rddreg [dreg:$0x13];
	[sflag:s31] =	ssyncadd.s32 $0xFFFFCE00;
	(pc) =	sbr.rel @p2 .LBB2_2-.Ltmp0, $4  }
0x104: {  	[spmem:s1] =	stream.indirect.scatter.add.f32 [tilespmem:s25], [sflag:$0x6], $0x80, s18, s21, $0xb8;
	[tilespmem:$0x1E480] =	vst v63  }
0x105: {  	_ =	swait.ge [sflag:s24], $0x3200  }
0x106: {  	[sflag:s24] =	ssyncset.done $0x0  }
0x107: {  	s13 =	sadd.s32 $0x1, s13;
	s16 =	rddreg [dreg:$0x14];
	[sflag:s24] =	ssyncadd.s32 $0xFFFFCE00  }
0x108: {  	s11 =	simm.s32 @!p1 $0x5  }
0x109: {  	[spmem:s1] =	stream.indirect.scatter.add.f32 [tilespmem:s22], [sflag:$0x4], $0x80, s16, s21, $0xb8;
	[tilespmem:$0x1E480] =	vst v63  }
0x10a: {  	_ =	swait.ge @!p1 [sflag:s11], $0x3200  }
0x10b: {  	[sflag:s11] =	ssyncset.done @!p1 $0x0  }
0x10c: {  	[sflag:s11] =	ssyncadd.s32 @!p1 $0xFFFFCE00;
	s11 =	simm.s32 @!p1 $0x6  }
0x10d: {  	_ =	swait.ge @!p1 [sflag:s11], $0x3200  }
0x10e: {  	[sflag:s11] =	ssyncset.done @!p1 $0x0  }
0x10f: {  	[sflag:s11] =	ssyncadd.s32 @!p1 $0xFFFFCE00;
	s11 =	simm.s32 @!p1 $0x4  }
0x110: {  	_ =	swait.ge @!p1 [sflag:s11], $0x3200  }
0x111: {  	[sflag:s11] =	ssyncset.done @!p1 $0x0  }
0x112: {  	[sflag:s11] =	ssyncadd.s32 @!p1 $0xFFFFCE00;
	s11 =	simm.s32 @!p1 $0x7  }
0x113: {  	_ =	swait.ge @!p1 [sflag:s11], $0x280  }
0x114: {  	[sflag:s11] =	ssyncset.done @!p1 $0x0  }
0x115: {  	[sflag:s11] =	ssyncadd.s32 @!p1 $0xFFFFFD80  }
0x116: {  	_ =	swait.ge @!p1 [sflag:s11], $0x280  }
0x117: {  	[sflag:s11] =	ssyncset.done @!p1 $0x0  }
0x118: {  	[sflag:s11] =	ssyncadd.s32 @!p1 $0xFFFFFD80  }
0x119: {  	[tilespmem:s22], [sflag:$0x1] =	stream.indirect.gather [hbm4b:s4+s21], $0x80, s3, s21, $0xb8;
	[tilespmem:$0x1E480] =	vst v63  }
0x11a: {  	s17 =	rddreg [dreg:$0x5]  }
0x11b: {  	[tilespmem:s23], [sflag:$0x2] =	stream.indirect.gather [hbm4b:s4+s21], $0x80, s17, s21, $0xb8;
	[tilespmem:$0x1E480] =	vst v63  }
0x11c: {  	_ =	swait.ge [sflag:s24], $0x3200  }
0x11d: {  	[sflag:s24] =	ssyncset.done $0x0  }
0x11e: {  	s18 =	rddreg [dreg:$0x6];
	[sflag:s24] =	ssyncadd.s32 $0xFFFFCE00  }
0x11f: {  	[spmem:s1] =	stream.indirect.scatter.add.f32 [tilespmem:s22], [sflag:$0x4], $0x80, s20, s21, $0xb8;
	[tilespmem:$0x1E480] =	vst v63  }
0x120: {  	s15 =	rddreg [dreg:$0x3]  }
0x121: {  	[tilespmem:s25], [sflag:$0x3] =	stream.indirect.gather [hbm4b:s4+s21], $0x80, s18, s21, $0xb8;
	[tilespmem:$0x1E480] =	vst v63  }
0x122: {  	s16 =	rddreg [dreg:$0x4];
	s15 =	sadd.s32 s14, s15  }
0x123: {  	[tilespmem:s26], [sflag:$0x8] =	stream.linear.gather [hbm4b:s15+s3], $0x280, $0x38;
	[tilespmem:$0x1E480] =	vst v63  }
0x124: {  	s11 =	sadd.s32 s14, s16  }
0x125: {  	[tilespmem:s28], [sflag:$0x8] =	stream.linear.gather [hbm4b:s11+s3], $0x280, $0x38;
	[tilespmem:$0x1E480] =	vst v63  }
0x126: {  	_ =	swait.ge [sflag:s29], $0x3200  }
0x127: {  	[sflag:s29] =	ssyncset.done $0x0  }
0x128: {  	s17 =	rddreg [dreg:$0x7];
	[sflag:s29] =	ssyncadd.s32 $0xFFFFCE00  }
0x129: {  	[spmem:s1] =	stream.indirect.scatter.add.f32 [tilespmem:s23], [sflag:$0x5], $0x80, s17, s21, $0xb8;
	[tilespmem:$0x1E480] =	vst v63  }
0x12a: {  	_ =	swait.ge [sflag:s30], $0x3200  }
0x12b: {  	[sflag:s30] =	ssyncset.done $0x0  }
0x12c: {  	s18 =	rddreg [dreg:$0x8];
	[sflag:s30] =	ssyncadd.s32 $0xFFFFCE00  }
0x12d: {  	[tilespmem:s22], [sflag:$0x1] =	stream.indirect.gather [hbm4b:s4+s21], $0x80, s18, s21, $0xb8;
	[tilespmem:$0x1E480] =	vst v63  }
0x12e: {  	_ =	swait.ge [sflag:s31], $0x3200  }
0x12f: {  	[sflag:s31] =	ssyncset.done $0x0  }
0x130: {  	s14 =	rddreg [dreg:$0x9];
	[sflag:s31] =	ssyncadd.s32 $0xFFFFCE00  }
0x131: {  	[spmem:s1] =	stream.indirect.scatter.add.f32 [tilespmem:s25], [sflag:$0x6], $0x80, s14, s21, $0xb8;
	[tilespmem:$0x1E480] =	vst v63  }
0x132: {  	_ =	swait.ge [sflag:s0], $0x3200  }
0x133: {  	[sflag:s0] =	ssyncset.done $0x0  }
0x134: {  	s15 =	rddreg [dreg:$0xa];
	[sflag:s0] =	ssyncadd.s32 $0xFFFFCE00  }
0x135: {  	[tilespmem:s23], [sflag:$0x2] =	stream.indirect.gather [hbm4b:s4+s21], $0x80, s15, s21, $0xb8;
	[tilespmem:$0x1E480] =	vst v63  }
0x136: {  	_ =	swait.ge [sflag:s24], $0x3200  }
0x137: {  	[sflag:s24] =	ssyncset.done $0x0  }
0x138: {  	s16 =	rddreg [dreg:$0xb];
	[sflag:s24] =	ssyncadd.s32 $0xFFFFCE00  }
0x139: {  	[spmem:s1] =	stream.indirect.scatter.add.f32 [tilespmem:s22], [sflag:$0x4], $0x80, s16, s21, $0xb8;
	[tilespmem:$0x1E480] =	vst v63  }
0x13a: {  	_ =	swait.ge [sflag:s2], $0x3200  }
0x13b: {  	[sflag:s2] =	ssyncset.done $0x0  }
0x13c: {  	[sflag:s2] =	ssyncadd.s32 $0xFFFFCE00  }
0x13d: {  	[tilespmem:s25], [sflag:$0x3] =	stream.indirect.gather [hbm4b:s4+s21], $0x80, s26, s21, $0xb8;
	[tilespmem:$0x1E480] =	vst v63  }
0x13e: {  	_ =	swait.ge [sflag:s9], $0x280  }
0x13f: {  	[sflag:s9] =	ssyncset.done $0x0  }
0x140: {  	[sflag:s9] =	ssyncadd.s32 $0xFFFFFD80  }
0x141: {  	_ =	swait.ge [sflag:s9], $0x280  }
0x142: {  	[sflag:s9] =	ssyncset.done $0x0  }
0x143: {  	[sflag:s9] =	ssyncadd.s32 $0xFFFFFD80  }
0x144: {  	_ =	swait.ge [sflag:s29], $0x3200  }
0x145: {  	[sflag:s29] =	ssyncset.done $0x0  }
0x146: {  	s17 =	rddreg [dreg:$0xc];
	[sflag:s29] =	ssyncadd.s32 $0xFFFFCE00  }
0x147: {  	[spmem:s1] =	stream.indirect.scatter.add.f32 [tilespmem:s23], [sflag:$0x5], $0x80, s17, s21, $0xb8;
	[tilespmem:$0x1E480] =	vst v63  }
0x148: {  	_ =	swait.ge [sflag:s30], $0x3200  }
0x149: {  	[sflag:s30] =	ssyncset.done $0x0  }
0x14a: {  	s18 =	rddreg [dreg:$0xd];
	[sflag:s30] =	ssyncadd.s32 $0xFFFFCE00  }
0x14b: {  	[tilespmem:s22], [sflag:$0x1] =	stream.indirect.gather [hbm4b:s4+s21], $0x80, s18, s21, $0xb8;
	[tilespmem:$0x1E480] =	vst v63  }
0x14c: {  	_ =	swait.ge [sflag:s31], $0x3200  }
0x14d: {  	[sflag:s31] =	ssyncset.done $0x0  }
0x14e: {  	[sflag:s31] =	ssyncadd.s32 $0xFFFFCE00  }
0x14f: {  	[spmem:s1] =	stream.indirect.scatter.add.f32 [tilespmem:s25], [sflag:$0x6], $0x80, s28, s21, $0xb8;
	[tilespmem:$0x1E480] =	vst v63  }
0x150: {  	_ =	swait.ge [sflag:s0], $0x3200  }
0x151: {  	[sflag:s0] =	ssyncset.done $0x0  }
0x152: {  	s14 =	rddreg [dreg:$0xe];
	[sflag:s0] =	ssyncadd.s32 $0xFFFFCE00  }
0x153: {  	[tilespmem:s23], [sflag:$0x2] =	stream.indirect.gather [hbm4b:s4+s21], $0x80, s14, s21, $0xb8;
	[tilespmem:$0x1E480] =	vst v63  }
0x154: {  	p1 =	slt.s32 s13, $0x13E;
	_ =	swait.ge [sflag:s24], $0x3200  }
0x155: {  	s13 =	simm.s32 @!p1 $0x13E;
	[sflag:s24] =	ssyncset.done $0x0  }
0x156: {  	s13 =	sshll.u32 s13, $0xB;
	s15 =	rddreg [dreg:$0xf];
	[sflag:s24] =	ssyncadd.s32 $0xFFFFCE00  }
0x157: {  	[spmem:s1] =	stream.indirect.scatter.add.f32 [tilespmem:s22], [sflag:$0x4], $0x80, s15, s21, $0xb8;
	[tilespmem:$0x1E480] =	vst v63  }
0x158: {  	s13 =	sadd.s32 $0x800, s13;
	_ =	swait.ge [sflag:s2], $0x3200  }
0x159: {  	s17 =	sadd.s32 s8, s13;
	[sflag:s2] =	ssyncset.done $0x0  }
0x15a: {  	s18 =	sshrl.u32 s17, $0x3;
	s16 =	rddreg [dreg:$0x10];
	[sflag:s2] =	ssyncadd.s32 $0xFFFFCE00  }
0x15b: {  	[tilespmem:s25], [sflag:$0x3] =	stream.indirect.gather [hbm4b:s4+s21], $0x80, s16, s21, $0xb8;
	[tilespmem:$0x1E480] =	vst v63  }
0x15c: {  	s13 =	sshrl.u32 s13, $0x3;
	s11 =	sadd.s32 s5, s18  }
0x15d: {  	[tilespmem:s3], [sflag:$0x7] =	stream.linear.gather [hbm4b:s11+s3], $0x280, $0x38;
	[tilespmem:$0x1E480] =	vst v63  }
0x15e: {  	s13 =	sadd.s32 s6, s13  }
0x15f: {  	[tilespmem:s20], [sflag:$0x7] =	stream.linear.gather [hbm4b:s13+s3], $0x280, $0x38;
	[tilespmem:$0x1E480] =	vst v63  }
0x160: {  	_ =	swait.ge [sflag:s29], $0x3200  }
0x161: {  	[sflag:s29] =	ssyncset.done $0x0  }
0x162: {  	s14 =	rddreg [dreg:$0x11];
	[sflag:s29] =	ssyncadd.s32 $0xFFFFCE00  }
0x163: {  	[spmem:s1] =	stream.indirect.scatter.add.f32 [tilespmem:s23], [sflag:$0x5], $0x80, s14, s21, $0xb8;
	[tilespmem:$0x1E480] =	vst v63  }
0x164: {  	_ =	swait.ge [sflag:s30], $0x3200  }
0x165: {  	[sflag:s30] =	ssyncset.done $0x0  }
0x166: {  	s15 =	rddreg [dreg:$0x12];
	[sflag:s30] =	ssyncadd.s32 $0xFFFFCE00  }
0x167: {  	[tilespmem:s22], [sflag:$0x1] =	stream.indirect.gather [hbm4b:s4+s21], $0x80, s15, s21, $0xb8;
	[tilespmem:$0x1E480] =	vst v63  }
0x168: {  	_ =	swait.ge [sflag:s31], $0x3200  }
0x169: {  	[sflag:s31] =	ssyncset.done $0x0  }
0x16a: {  	s16 =	rddreg [dreg:$0x13];
	[sflag:s31] =	ssyncadd.s32 $0xFFFFCE00  }
0x16b: {  	[spmem:s1] =	stream.indirect.scatter.add.f32 [tilespmem:s25], [sflag:$0x6], $0x80, s16, s21, $0xb8;
	[tilespmem:$0x1E480] =	vst v63  }
0x16c: {  	_ =	swait.ge [sflag:s24], $0x3200  }
0x16d: {  	[sflag:s24] =	ssyncset.done $0x0  }
0x16e: {  	s17 =	rddreg [dreg:$0x14];
	[sflag:s24] =	ssyncadd.s32 $0xFFFFCE00  }
0x16f: {  	[spmem:s1] =	stream.indirect.scatter.add.f32 [tilespmem:s22], [sflag:$0x4], $0x80, s17, s21, $0xb8;
	[tilespmem:$0x1E480] =	vst v63  }
0x170: {  	_ =	swait.ge [sflag:s0], $0x3200  }
0x171: {  	[sflag:s0] =	ssyncset.done $0x0  }
0x172: {  	[sflag:s0] =	ssyncadd.s32 $0xFFFFCE00  }
0x173: {  	_ =	swait.ge [sflag:s2], $0x3200  }
0x174: {  	[sflag:s2] =	ssyncset.done $0x0  }
0x175: {  	[sflag:s2] =	ssyncadd.s32 $0xFFFFCE00  }
0x176: {  	_ =	swait.ge [sflag:s30], $0x3200  }
0x177: {  	[sflag:s30] =	ssyncset.done $0x0  }
0x178: {  	[sflag:s30] =	ssyncadd.s32 $0xFFFFCE00  }
0x179: {  	_ =	swait.ge [sflag:s10], $0x280  }
0x17a: {  	[sflag:s10] =	ssyncset.done $0x0  }
0x17b: {  	[sflag:s10] =	ssyncadd.s32 $0xFFFFFD80  }
0x17c: {  	_ =	swait.ge [sflag:s10], $0x280  }
0x17d: {  	[sflag:s10] =	ssyncset.done $0x0  }
0x17e: {  	[sflag:s10] =	ssyncadd.s32 $0xFFFFFD80  }
0x17f: {  	[bflag:$0x0] =	sbarrier.arrive $0xFFFF  }
0x180: {  	s11 =	simm.s32 @p0 $0x8;
	s13 =	simm.s32 @p0 $0x100;
	s16 =	rddreg [dreg:$0x1a]  }
0x181: {  	s14 =	simm.s32 @p0 $0x80;
	s15 =	simm.s32 @p0 $0x1FC9;
	s17 =	rddreg [dreg:$0x1c]  }
0x182: {  	[hbm:s16@s13], [sflag:s15] =	dma.strided @p0 [spmem:s17@s14], $0x2080, s11, $0x10   }
0x183: {  	s11 =	simm.s32 @p0 $0x9  }
0x184: {  	_ =	swait.ge @p0 [sflag:s11], $0x2080  }
0x185: {  	s13 =	simm.s32 @!p0 $0x100;
	s15 =	rddreg [dreg:$0x19]  }
0x186: {  	s14 =	simm.s32 @!p0 $0x80;
	[sflag:s11] =	ssyncset.done @p0 $0x0;
	s16 =	rddreg [dreg:$0x1d]  }
0x187: {  	s18 =	rddreg [dreg:$0x1e];
	[sflag:s11] =	ssyncadd.s32 @p0 $0xFFFFDF80;
	s11 =	simm.s32 @!p0 $0x8  }
0x188: {  	[hbm:s15@s13], [sflag:s16] =	dma.strided @!p0 [spmem:s18@s14], $0x2780, s11, $0x10   }
0x189: {  	s11 =	simm.s32 @!p0 $0x9  }
0x18a: {  	_ =	swait.ge @!p0 [sflag:s11], $0x2780  }
0x18b: {  	s12 =	sadd.s32 $0x1, s12;
	s15 =	smov.u32 s18;
	s18 =	rddreg [dreg:$0x1b]  }
0x18c: {  	p1 =	sne.s32 s12, s18  }
.Ltmp1:
0x18d: {  	_ = 	snop;
	(pc) =	sbr.rel @p1 .LBB2_1-.Ltmp1, $3  }
0x18e: {  	_ =	sdelay $0x1  }
0x18f: {  	[sflag:s11] =	ssyncset.done @!p0 $0x0  }
0x190: {  	s14 =	smov.u32 s16;
	[sflag:s11] =	ssyncadd.s32 @!p0 $0xFFFFD880  }
0x191: {  	_ =	sfence.sel $0x180000  }
0x192: {  	[bflag:$0x0] =	sbarrier.arrive $0xFFFF  }
0x193: {  	_ =	strace $0x9000004A  }
0x194: {  	s0 =	stileid.u32;
	[bflag:$0x2] =	sbarrier.arrive $0xFFFF  }
0x195: {  	p0 =	sne.s32 s0, $0x0;
	s0 =	rddreg [dreg:$0x2]  }
0x196: {  	s0 =	sadd.s32 @!p0 $0x100000, s0  }
0x197: {  	[sflag:s0] =	ssyncadd.tile.s32 @!p0 $0x1;
	_ =	shalt  }
.Lfunc_end2:
_tile_overlayer_lowered:
.L_overlay_start_2:
0x198: {  	(tag) =	ssettag $0x2  }
0x199: {  	s0 =	rddreg [dreg:$0x0];
	s2 =	stileid.u32  }
0x19a: {  	s1 =	rddreg [dreg:$0x1];
	p0 =	sne.s32 s2, $0x0  }
0x19b: {  	s3 =	rddreg [dreg:$0x2];
	[bflag:$0x3] =	sbarrier.arrive $0xFFFF;
	s2 =	simm.s32 @!p0 $0x1C09  }
0x19c: {  	[timem:s3], [sflag:s2] =	dma.local @!p0 [hbm:s0], s1  }
0x19d: {  	s0 =	simm.s32 @!p0 $0x9  }
0x19e: {  	_ =	swait.ge @!p0 [sflag:s0], s1  }
0x19f: {  	s1 =	ssub.s32 @!p0 $0x0, s1;
	[sflag:s0] =	ssyncset.done @!p0 $0x0  }
0x1a0: {  	[sflag:s0] =	ssyncadd.s32 @!p0 s1  }
0x1a1: {  	[bflag:$0x3] =	sbarrier.arrive $0xFFFF  }
0x1a2: {  	_ =	shalt  }

// kernel: kernel.14.cloned.1.call-start
scs
__scs_entry_jumppad:
0x0: {  	(pc) =	sbr.rel $0x88, $3  }
0x1: {  	(tag) =	ssettag $0x0;
	lr =	simm.s32 $0x1  }
0x2: {  	[smem:$0x3F88] =	sst lr;
	_ =	strace $0xD0000000  }
0x3: {  	_ = 	snop  }
0x4: {  	_ = 	snop  }
0x5: {  	_ = 	snop  }
0x6: {  	_ = 	snop  }
0x7: {  	_ = 	snop  }
__scs_overlays_trampoline_lowered:
0x8: {  	[smem:$0x3F97] =	sst s0  }
0x9: {  	[smem:$0x3F98] =	sst s1  }
0xa: {  	[smem:$0x3F99] =	sst s2  }
0xb: {  	[smem:$0x3F9A] =	sst s3  }
0xc: {  	[smem:$0x3F9B] =	sst s4  }
0xd: {  	[smem:$0x3F9C] =	sst s5  }
0xe: {  	[smem:$0x3F9D] =	sst s6  }
0xf: {  	[smem:$0x3F9E] =	sst s7  }
0x10: {  	[smem:$0x3F9F] =	sst s8  }
0x11: {  	[smem:$0x3FA0] =	sst s9;
	s0 =	simm.s32 @!p0 $0x0  }
0x12: {  	s1 =	sld [smem:$0x3F86];
	s0 =	simm.s32 @p0 $0x1  }
0x13: {  	[smem:$0x3FA1] =	sst s0;
	s0 =	simm.s32 @!p1 $0x0  }
0x14: {  	s2 =	sld [smem:$0x3F85];
	s0 =	simm.s32 @p1 $0x1  }
0x15: {  	[smem:$0x3FA2] =	sst s0;
	s0 =	simm.s32 @!p2 $0x0  }
0x16: {  	s3 =	sld [smem:$0x3FDB];
	s0 =	simm.s32 @p2 $0x1  }
0x17: {  	s4 =	simm.s32 $0x1BF5;
	[smem:$0x3FA4] =	sst s0  }
0x18: {  	s0 =	sld [smem:$0x3F87];
	_ =	swait.ge [sflag:s4], $0x0  }
0x19: {  	s7 =	sld [smem:$0x3F88]  }
0x1a: {  	s8 =	sadd.s32 $0xFFFFE003, lr  }
0x1b: {  	s9 =	sadd.s32 $0xFFFFFEF7, lr;
	s5 =	simm.s32 $0xFFFFFFFF;
	p2 =	slt.u32 s8, $0xFFFFF086  }
0x1c: {  	p1 =	slt.u32 s9, $0xF7A;
	s5 =	simm.s32 @!p2 $0x0  }
0x1d: {  	s5 =	simm.s32 @p1 $0x1;
	p0 =	seq.s32 s7, s2  }
0x1e: {  	s7 =	smul.u32 @!p0 $0xF7A, s2;
	p2 =	seq.s32 @!p0 s5, $0x0  }
0x1f: {  	s9 =	smul.u32 $0xF7A, s1;
	s8 =	simm.s32 @!p0 $0x1BF5;
	p2 =	por !p2, p0  }
0x20: {  	[sflag:s8] =	ssyncset.s32 @!p0 $0xFFFFF086;
	s6 =	sadd.s32 @!p0 s3, s7;
	s7 =	simm.s32 @!p0 $0x108  }
0x21: {  	s3 =	sadd.s32 s3, s9;
	s6 =	sadd.s32 @!p0 $0x88, s6;
	s7 =	simm.s32 @p2 $0x1082  }
0x22: {  	[simem:s7], [sflag:s8] =	dma.local @!p0 [hbm:s6], $0xF7A  }
0x23: {  	s9 =	sor.u32 $0xD0000000, s2;
	s6 =	simm.s32 $0x108;
	_ =	swait.ge @!p0 [sflag:s8], $0x0  }
0x24: {  	s3 =	sadd.s32 $0x88, s3;
	s6 =	simm.s32 @!p1 $0x1082;
	[sflag:s4] =	ssyncset.s32 $0xFFFFF086  }
0x25: {  	[simem:s6], [sflag:s4] =	dma.local [hbm:s3], $0xF7A  }
0x26: {  	[smem:$0x3F88] =	sst s1;
	(tag) =	ssettag s2;
	_ =	strace s9  }
0x27: {  	s1 =	sld [smem:$0x3F98]  }
0x28: {  	s2 =	sld [smem:$0x3F99]  }
0x29: {  	s4 =	sld [smem:$0x3F9B]  }
0x2a: {  	p0 =	seq.s32 s5, $0x0;
	s5 =	sld [smem:$0x3F9C]  }
0x2b: {  	s6 =	sld [smem:$0x3F9D]  }
0x2c: {  	s7 =	sld [smem:$0x3F9E]  }
0x2d: {  	s3 =	simm.s32 $0x108;
	s8 =	sld [smem:$0x3F9F]  }
0x2e: {  	s3 =	simm.s32 @!p0 $0x1082;
	s9 =	sld [smem:$0x3FA0]  }
0x2f: {  	lr =	sadd.s32 s0, s3;
	s0 =	sld [smem:$0x3F97]  }
0x30: {  	s3 =	sld [smem:$0x3F9A]  }
0x31: {  	[smem:$0x3FA3] =	sst s10  }
0x32: {  	s10 =	sld [smem:$0x3FA1];
	_ =	sdelay $0x3  }
0x33: {  	p0 =	seq.s32 s10, $0x1;
	s10 =	sld [smem:$0x3FA3];
	_ =	sdelay $0x3  }
0x34: {  	[smem:$0x3FA3] =	sst s10  }
0x35: {  	s10 =	sld [smem:$0x3FA2];
	_ =	sdelay $0x3  }
0x36: {  	p1 =	seq.s32 s10, $0x1;
	s10 =	sld [smem:$0x3FA3];
	_ =	sdelay $0x3  }
0x37: {  	[smem:$0x3FA3] =	sst s10  }
0x38: {  	s10 =	sld [smem:$0x3FA4]  }
0x39: {  	_ = 	snop;
	(pc) =	sbr.ind lr, $3  }
0x3a: {  	_ = 	snop  }
0x3b: {  	_ = 	snop  }
0x3c: {  	p2 =	seq.s32 s10, $0x1;
	s10 =	sld [smem:$0x3FA3]  }
0x3d: {  	_ =	shalt  }
0x3e: {  	_ =	shalt  }
0x3f: {  	_ =	shalt  }
0x40: {  	_ =	shalt  }
0x41: {  	_ =	shalt  }
0x42: {  	_ =	shalt  }
0x43: {  	_ =	shalt  }
0x44: {  	_ =	shalt  }
0x45: {  	_ =	shalt  }
0x46: {  	_ =	shalt  }
0x47: {  	_ =	shalt  }
0x48: {  	_ =	shalt  }
0x49: {  	_ =	shalt  }
0x4a: {  	_ =	shalt  }
0x4b: {  	_ =	shalt  }
0x4c: {  	_ =	shalt  }
0x4d: {  	_ =	shalt  }
0x4e: {  	_ =	shalt  }
0x4f: {  	_ =	shalt  }
0x50: {  	_ =	shalt  }
0x51: {  	_ =	shalt  }
0x52: {  	_ =	shalt  }
0x53: {  	_ =	shalt  }
0x54: {  	_ =	shalt  }
0x55: {  	_ =	shalt  }
0x56: {  	_ =	shalt  }
0x57: {  	_ =	shalt  }
0x58: {  	_ =	shalt  }
0x59: {  	_ =	shalt  }
0x5a: {  	_ =	shalt  }
0x5b: {  	_ =	shalt  }
0x5c: {  	_ =	shalt  }
0x5d: {  	_ =	shalt  }
0x5e: {  	_ =	shalt  }
0x5f: {  	_ =	shalt  }
0x60: {  	_ =	shalt  }
0x61: {  	_ =	shalt  }
0x62: {  	_ =	shalt  }
0x63: {  	_ =	shalt  }
0x64: {  	_ =	shalt  }
0x65: {  	_ =	shalt  }
0x66: {  	_ =	shalt  }
0x67: {  	_ =	shalt  }
0x68: {  	_ =	shalt  }
0x69: {  	_ =	shalt  }
0x6a: {  	_ =	shalt  }
0x6b: {  	_ =	shalt  }
0x6c: {  	_ =	shalt  }
0x6d: {  	_ =	shalt  }
0x6e: {  	_ =	shalt  }
0x6f: {  	_ =	shalt  }
0x70: {  	_ =	shalt  }
0x71: {  	_ =	shalt  }
0x72: {  	_ =	shalt  }
0x73: {  	_ =	shalt  }
0x74: {  	_ =	shalt  }
0x75: {  	_ =	shalt  }
0x76: {  	_ =	shalt  }
0x77: {  	_ =	shalt  }
0x78: {  	_ =	shalt  }
0x79: {  	_ =	shalt  }
0x7a: {  	_ =	shalt  }
0x7b: {  	_ =	shalt  }
0x7c: {  	_ =	shalt  }
0x7d: {  	_ =	shalt  }
0x7e: {  	_ =	shalt  }
0x7f: {  	_ =	shalt  }
0x80: {  	_ =	shalt  }
0x81: {  	_ =	shalt  }
0x82: {  	_ =	shalt  }
0x83: {  	_ =	shalt  }
0x84: {  	_ =	shalt  }
0x85: {  	_ =	shalt  }
0x86: {  	_ =	shalt  }
0x87: {  	_ =	shalt  }
.Lfunc_end0:
.L_simem_size_0:
called_computation.2_lowered:
.L_overlay_start_0:
0x88: {  	s2 =	sld [smem:$0x3FD9]  }
0x89: {  	s3 =	sld [smem:$0x3FFE];
	_ =	sdelay $0x1  }
0x8a: {  	s1 =	srdreg.scid  }
0x8b: {  	s0 =	sand.u32 $0x1, s1  }
0x8c: {  	s16 =	sshll.u32 s0, $0xA;
	s2 =	sadd.s32 s3, s2  }
0x8d: {  	s2 =	sadd.s32 s2, s16  }
0x8e: {  	[smem:$0x3FAF] =	sst s2  }
0x8f: {  	_ = 	snop  }
0x90: {  	(tm) =	ssettm $0x1  }
0x91: {  	s17 =	sld [smem:$0x3FFB];
	_ =	sdelay $0x3  }
0x92: {  	_ =	strace s17  }
0x93: {  	s2 =	sld [smem:$0x3FFC];
	_ =	sdelay $0x3  }
0x94: {  	_ =	strace s2  }
0x95: {  	s2 =	sld [smem:$0x3FFD];
	_ =	sdelay $0x3  }
0x96: {  	_ =	strace s2  }
0x97: {  	_ =	strace $0x8FFFFFFF  }
0x98: {  	s18 =	sld [smem:$0x3FDB];
	_ =	sdelay $0x1  }
0x99: {  	s19 =	simm.s32 $_scs_section_size  }
0x9a: {  	s4 =	simm.s32 $_size__tile_overlayer_lowered;
	s5 =	simm.s32 $_tile_overlayer_lowered  }
0x9b: {  	s22 =	simm.s32 $0x1BFF;
	s21 =	sshll.u32 s5, $0x1;
	s2 =	sadd.s32 s19, s18  }
0x9c: {  	s6 =	simm.s32 $0x0;
	s20 =	sshll.u32 s4, $0x1;
	s4 =	sadd.s32 s21, s2  }
0x9d: {  	[timem:s6], [sflag:s22] =	dma.local [hbm:s4], s20  }
0x9e: {  	_ =	swait.ge [sflag:s22], s20  }
0x9f: {  	s3 =	ssub.s32 $0x0, s20;
	[sflag:s22] =	ssyncset.done $0x0  }
0xa0: {  	[sflag:s22] =	ssyncadd.s32 s3;
	_ =	sdelay $0x1  }
0xa1: {  	s23 =	simm.s32 $0x1B8B  }
0xa2: {  	_ =	swait.ge [sflag:s23], $0x1  }
0xa3: {  	[sflag:s23] =	ssyncset.done $0x0  }
0xa4: {  	s25 =	simm.s32 $0x1B8E;
	s24 =	sld [smem:$0x3FFE];
	[sflag:s23] =	ssyncadd.s32 $0xFFFFFFFF  }
0xa5: {  	s26 =	simm.s32 $execute0_lowered;
	[smem:$0x3FD2] =	sst s25  }
0xa6: {  	s4 =	sshll.u32 s26, $0x1;
	_ =	strace $0x8000004C;
	[dreg:$0x1] =	wrdreg $0xFFFFFFFF  }
0xa7: {  	s28 =	simm.s32 $_size_execute0_lowered;
	s2 =	sadd.s32 s2, s4;
	[dreg:$0x0] =	wrdreg $0x0  }
0xa8: {  	s4 =	sshll.u32 s28, $0x1;
	[dreg:$0x2] =	wrdreg s2  }
0xa9: {  	[dreg:$0x3] =	wrdreg s4  }
0xaa: {  	[dreg:$0x4] =	wrdreg $0xC0  }
0xab: {  	_ =	task [dreg:s6], $0x5FFFF  }
0xac: {  	[dreg:$0x1] =	wrdreg $0xFFFFFFFF  }
0xad: {  	[dreg:$0x0] =	wrdreg $0x60  }
0xae: {  	[dreg:$0x2] =	wrdreg s24  }
0xaf: {  	[dreg:$0x3] =	wrdreg $0xAC000  }
0xb0: {  	[dreg:$0x4] =	wrdreg $0x9  }
0xb1: {  	_ =	task.clear_ibuf [dreg:s6], $0x5FFFF;
	_ =	strace $0x9000004C  }
0xb2: {  	s29 =	simm.s32 $0x9;
	_ =	strace $0x8000004E  }
0xb3: {  	_ =	swait.ge [sflag:s29], $0x1  }
0xb4: {  	[sflag:s29] =	ssyncadd.s32 $0xFFFFFFFF  }
0xb5: {  	_ =	strace $0x9000004E  }
0xb6: {  	_ =	sfence  }
0xb7: {  	s30 =	sld [smem:$0x0];
	_ =	sdelay $0x2  }
0xb8: {  	s31 =	sshll.u32 s1, $0xD;
	s1 =	sshrl.u32 s1, $0x2  }
0xb9: {  	s3 =	sand.u32 $0x4000, s31;
	s1 =	sadd.s32 s1, s30  }
0xba: {  	s0 =	sor.u32 s3, s0;
	s1 =	sshll.u32 s1, $0x11  }
0xbb: {  	s0 =	sor.u32 s1, s0  }
0xbc: {  	s0 =	sadd.s32 $0x8F2B, s0  }
0xbd: {  	[sflag:s0] =	ssyncadd.remote.s32 $0x1  }
0xbe: {  	_ =	sfence.sel $0xFFFF  }
0xbf: {  	[dreg:$0x0] =	wrdreg $0xFFFFFFFF;
	(pc) =	sbr.abs _section_cstart, $3  }
0xc0: {  	[dreg:$0x1] =	wrdreg $0xFFFFFFFF  }
0xc1: {  	_ =	task.clear_ibuf [dreg:s6], $0x2FFFF;
	_ =	strace $0x9FFFFFFF  }
0xc2: {  	(tm) =	ssettm $0x7FFFFFFF  }
0xc3: {  	_ =	shalt  }
tec
execute0_lowered:
.L_overlay_start_1:
0x0: {  	(tag) =	ssettag $0x1  }
0x1: {  	s0 =	rddreg [dreg:$0x0]  }
0x2: {  	s1 =	rddreg [dreg:$0x1]  }
0x3: {  	s3 =	simm.s32 $0x0;
	s16 =	stileid.u32;
	s7 =	srdreg.scid  }
0x4: {  	s23 =	simm.s32 $0x80;
	s24 =	simm.s32 $0x100;
	s25 =	simm.s32 $0x880  }
0x5: {  	s26 =	simm.s32 $0x180;
	s28 =	simm.s32 $0xC00;
	s29 =	simm.s32 $0x2  }
0x6: {  	s30 =	simm.s32 $0x4;
	s31 =	simm.s32 $0x3;
	s2 =	smul.u32 $0x2780, s16  }
0x7: {  	[smem:$0x7FF] =	sst s3;
	s9 =	sand.u32 $0x1, s7;
	s7 =	smul.u32 $0x14, s16  }
0x8: {  	s4 =	sadd.s32 $0x53E00, s0;
	s5 =	sadd.s32 $0xA2000, s0;
	s11 =	smul.u32 $0x4F000, s16  }
0x9: {  	s6 =	sadd.s32 $0x4C00, s0;
	s12 =	sadd.s32 $0xCA000, s0;
	s15 =	smul.u32 $0xA000, s16  }
0xa: {  	s14 =	smul.u32 $0x27800, s16;
	_ =	strace $0x8000004D;
	[dreg:$0x5] =	wrdreg s23  }
0xb: {  	p0 =	seq.s32 s16, $0xF;
	s10 =	ssub.s32 $0x2, s9;
	[dreg:$0x6] =	wrdreg s24  }
0xc: {  	s8 =	smul.u32 $0xA0000, s9;
	s19 =	sshll.u32 s9, $0xA;
	[dreg:$0x7] =	wrdreg s25  }
0xd: {  	s9 =	sshll.u32 s9, $0x7;
	[dreg:$0x8] =	wrdreg s26;
	s23 =	simm.s32 $0xD00  }
0xe: {  	s24 =	simm.s32 $0x600;
	s25 =	simm.s32 $0xD80;
	s26 =	simm.s32 $0xE00  }
0xf: {  	s2 =	sadd.s32 s2, s0;
	s13 =	sshrl.u32 s10, $0x1;
	[dreg:$0x11] =	wrdreg s23  }
0x10: {  	s11 =	sshrl.u32 s11, $0x2;
	s0 =	sadd.s32 $0x51C80, s0;
	[dreg:$0x12] =	wrdreg s24  }
0x11: {  	s9 =	sadd.s32 s9, s12;
	s23 =	simm.s32 $0x4400;
	[dreg:$0x13] =	wrdreg s25  }
0x12: {  	s24 =	simm.s32 $0x1;
	[dreg:$0x14] =	wrdreg s26;
	s25 =	simm.s32 $0x7800  }
0x13: {  	s10 =	ssub.s32 s10, s13;
	s2 =	sadd.s32 $0x2CC00, s2;
	[dreg:$0x16] =	wrdreg s0  }
0x14: {  	s13 =	sshrl.u32 s15, $0x3;
	s9 =	sadd.s32 $0x4A100, s9;
	[dreg:$0x15] =	wrdreg s2  }
0x15: {  	s17 =	sadd.s32 s15, s8;
	s18 =	sadd.s32 s6, s13;
	[dreg:$0x1a] =	wrdreg s9  }
0x16: {  	s0 =	sshrl.u32 s17, $0x3;
	s13 =	simm.s32 $0x900;
	[dreg:$0x18] =	wrdreg s18  }
0x17: {  	s15 =	smul.u32 $0x1400, s16;
	s17 =	sadd.s32 s5, s0;
	[dreg:$0x9] =	wrdreg s13  }
0x18: {  	s0 =	sor.u32 s19, s14;
	s14 =	simm.s32 $0x200;
	[dreg:$0x17] =	wrdreg s17  }
0x19: {  	s21 =	sadd.s32 s15, s6;
	s15 =	simm.s32 $0x980;
	[dreg:$0xa] =	wrdreg s14  }
0x1a: {  	s26 =	simm.s32 $0x400;
	s18 =	simm.s32 $0xA00;
	[dreg:$0xb] =	wrdreg s15  }
0x1b: {  	s11 =	sadd.s32 s11, s1;
	s19 =	simm.s32 $0x480;
	[dreg:$0xc] =	wrdreg s18  }
0x1c: {  	s2 =	sadd.s32 $0x128400, s1;
	s20 =	sadd.s32 $0x80, s17;
	[dreg:$0xd] =	wrdreg s19  }
0x1d: {  	s9 =	simm.s32 $0x8;
	s22 =	sadd.s32 $0x80, s21;
	[dreg:$0x3] =	wrdreg s20  }
0x1e: {  	s0 =	sshrl.u32 s0, $0x3;
	s21 =	simm.s32 $0xC80;
	[dreg:$0x4] =	wrdreg s22  }
0x1f: {  	s17 =	sshrl.u32 @p0 s2, $0x3;
	s2 =	sshll.u32 @!p0 s16, $0x6;
	[dreg:$0xf] =	wrdreg s21  }
0x20: {  	s15 =	sshrl.u32 @!p0 s11, $0x3;
	s19 =	simm.s32 $0x9;
	[dreg:$0x1c] =	wrdreg s17  }
0x21: {  	s0 =	sadd.s32 s12, s0;
	s12 =	smax.u32 s10, $0x1;
	[dreg:$0x1e] =	wrdreg s15  }
0x22: {  	s14 =	sor.u32 @!p0 $0x1C09, s2;
	s20 =	simm.s32 $0x500;
	[dreg:$0x19] =	wrdreg s0  }
0x23: {  	s22 =	simm.s32 $0x580;
	s21 =	simm.s32 $0x64;
	[dreg:$0x1b] =	wrdreg s12  }
0x24: {  	s2 =	simm.s32 $0x6;
	s10 =	simm.s32 $0x7;
	[dreg:$0xe] =	wrdreg s20  }
0x25: {  	s20 =	simm.s32 $0x800;
	[dreg:$0x10] =	wrdreg s22;
	s22 =	simm.s32 $0x1000  }
0x26: {  	s0 =	simm.s32 $0x5;
	s12 =	simm.s32 $0x0;
	[dreg:$0x1d] =	wrdreg s14  }
.LBB2_1:
0x27: {  	s11 =	simm.s32 @p0 $0x1FC9;
	s13 =	rddreg [dreg:$0x16]  }
0x28: {  	[spmem:s17], [sflag:s11] =	dma.local @p0 [hbm:s13], $0x2080  }
0x29: {  	s11 =	simm.s32 @p0 $0x9  }
0x2a: {  	_ =	swait.ge @p0 [sflag:s11], $0x2080  }
0x2b: {  	[sflag:s11] =	ssyncset.done @p0 $0x0  }
0x2c: {  	[sflag:s11] =	ssyncadd.s32 @p0 $0xFFFFDF80;
	s11 =	rddreg [dreg:$0x15]  }
0x2d: {  	[spmem:s15], [sflag:s14] =	dma.local @!p0 [hbm:s11], $0x2780  }
0x2e: {  	s11 =	simm.s32 @!p0 $0x9  }
0x2f: {  	_ =	swait.ge @!p0 [sflag:s11], $0x2780  }
0x30: {  	[sflag:s11] =	ssyncset.done @!p0 $0x0  }
0x31: {  	[sflag:s11] =	ssyncadd.s32 @!p0 $0xFFFFD880  }
0x32: {  	[bflag:$0x0] =	sbarrier.arrive $0xFFFF  }
0x33: {  	s13 =	rddreg [dreg:$0x17]  }
0x34: {  	[tilespmem:s3], [sflag:$0x9] =	stream.linear.gather [hbm4b:s13+s3], $0x280, $0x38;
	[tilespmem:$0x1E480] =	vst v63  }
0x35: {  	_ =	swait.ge [sflag:s19], $0x280  }
0x36: {  	[sflag:s19] =	ssyncset.done $0x0  }
0x37: {  	s14 =	rddreg [dreg:$0x18];
	[sflag:s19] =	ssyncadd.s32 $0xFFFFFD80  }
0x38: {  	[tilespmem:s20], [sflag:$0x9] =	stream.linear.gather [hbm4b:s14+s3], $0x280, $0x38;
	[tilespmem:$0x1E480] =	vst v63  }
0x39: {  	p1 =	por $0x1, $0x1;
	_ =	swait.ge [sflag:s19], $0x280  }
0x3a: {  	p1 =	por p1, p1;
	[sflag:s19] =	ssyncset.done $0x0  }
0x3b: {  	s11 =	simm.s32 @!p1 $0x5;
	[sflag:s19] =	ssyncadd.s32 $0xFFFFFD80  }
0x3c: {  	_ =	swait.ge @!p1 [sflag:s11], $0x3200  }
0x3d: {  	[sflag:s11] =	ssyncset.done @!p1 $0x0  }
0x3e: {  	[sflag:s11] =	ssyncadd.s32 @!p1 $0xFFFFCE00;
	s11 =	simm.s32 @!p1 $0x6  }
0x3f: {  	_ =	swait.ge @!p1 [sflag:s11], $0x3200  }
0x40: {  	[sflag:s11] =	ssyncset.done @!p1 $0x0  }
0x41: {  	[sflag:s11] =	ssyncadd.s32 @!p1 $0xFFFFCE00;
	s11 =	simm.s32 @!p1 $0x4  }
0x42: {  	_ =	swait.ge @!p1 [sflag:s11], $0x3200  }
0x43: {  	[sflag:s11] =	ssyncset.done @!p1 $0x0  }
0x44: {  	[sflag:s11] =	ssyncadd.s32 @!p1 $0xFFFFCE00;
	s11 =	simm.s32 @!p1 $0x7  }
0x45: {  	_ =	swait.ge @!p1 [sflag:s11], $0x280  }
0x46: {  	[sflag:s11] =	ssyncset.done @!p1 $0x0  }
0x47: {  	[sflag:s11] =	ssyncadd.s32 @!p1 $0xFFFFFD80  }
0x48: {  	_ =	swait.ge @!p1 [sflag:s11], $0x280  }
0x49: {  	[sflag:s11] =	ssyncset.done @!p1 $0x0  }
0x4a: {  	[sflag:s11] =	ssyncadd.s32 @!p1 $0xFFFFFD80  }
0x4b: {  	[tilespmem:s22], [sflag:$0x1] =	stream.indirect.gather [hbm4b:s4+s21], $0x80, s3, s21, $0xb8;
	[tilespmem:$0x1E480] =	vst v63  }
0x4c: {  	s15 =	rddreg [dreg:$0x5]  }
0x4d: {  	[tilespmem:s23], [sflag:$0x2] =	stream.indirect.gather [hbm4b:s4+s21], $0x80, s15, s21, $0xb8;
	[tilespmem:$0x1E480] =	vst v63  }
0x4e: {  	_ =	swait.ge [sflag:s24], $0x3200  }
0x4f: {  	[sflag:s24] =	ssyncset.done $0x0  }
0x50: {  	s16 =	rddreg [dreg:$0x3];
	[sflag:s24] =	ssyncadd.s32 $0xFFFFCE00  }
0x51: {  	[spmem:s1] =	stream.indirect.scatter.add.f32 [tilespmem:s22], [sflag:$0x4], $0x80, s20, s21, $0xb8;
	[tilespmem:$0x1E480] =	vst v63  }
0x52: {  	s17 =	rddreg [dreg:$0x6]  }
0x53: {  	[tilespmem:s25], [sflag:$0x3] =	stream.indirect.gather [hbm4b:s4+s21], $0x80, s17, s21, $0xb8;
	[tilespmem:$0x1E480] =	vst v63  }
0x54: {  	s18 =	rddreg [dreg:$0x4];
	s11 =	sadd.s32 $0x0, s16  }
0x55: {  	[tilespmem:s26], [sflag:$0x8] =	stream.linear.gather [hbm4b:s11+s3], $0x280, $0x38;
	[tilespmem:$0x1E480] =	vst v63  }
0x56: {  	s13 =	sadd.s32 $0x0, s18  }
0x57: {  	[tilespmem:s28], [sflag:$0x8] =	stream.linear.gather [hbm4b:s13+s3], $0x280, $0x38;
	[tilespmem:$0x1E480] =	vst v63  }
0x58: {  	_ =	swait.ge [sflag:s29], $0x3200  }
0x59: {  	[sflag:s29] =	ssyncset.done $0x0  }
0x5a: {  	s14 =	rddreg [dreg:$0x7];
	[sflag:s29] =	ssyncadd.s32 $0xFFFFCE00  }
0x5b: {  	[spmem:s1] =	stream.indirect.scatter.add.f32 [tilespmem:s23], [sflag:$0x5], $0x80, s14, s21, $0xb8;
	[tilespmem:$0x1E480] =	vst v63  }
0x5c: {  	_ =	swait.ge [sflag:s30], $0x3200  }
0x5d: {  	[sflag:s30] =	ssyncset.done $0x0  }
0x5e: {  	s15 =	rddreg [dreg:$0x8];
	[sflag:s30] =	ssyncadd.s32 $0xFFFFCE00  }
0x5f: {  	[tilespmem:s22], [sflag:$0x1] =	stream.indirect.gather [hbm4b:s4+s21], $0x80, s15, s21, $0xb8;
	[tilespmem:$0x1E480] =	vst v63  }
0x60: {  	_ =	swait.ge [sflag:s31], $0x3200  }
0x61: {  	[sflag:s31] =	ssyncset.done $0x0  }
0x62: {  	s16 =	rddreg [dreg:$0x9];
	[sflag:s31] =	ssyncadd.s32 $0xFFFFCE00  }
0x63: {  	[spmem:s1] =	stream.indirect.scatter.add.f32 [tilespmem:s25], [sflag:$0x6], $0x80, s16, s21, $0xb8;
	[tilespmem:$0x1E480] =	vst v63  }
0x64: {  	_ =	swait.ge [sflag:s0], $0x3200  }
0x65: {  	[sflag:s0] =	ssyncset.done $0x0  }
0x66: {  	s17 =	rddreg [dreg:$0xa];
	[sflag:s0] =	ssyncadd.s32 $0xFFFFCE00  }
0x67: {  	[tilespmem:s23], [sflag:$0x2] =	stream.indirect.gather [hbm4b:s4+s21], $0x80, s17, s21, $0xb8;
	[tilespmem:$0x1E480] =	vst v63  }
0x68: {  	_ =	swait.ge [sflag:s24], $0x3200  }
0x69: {  	[sflag:s24] =	ssyncset.done $0x0  }
0x6a: {  	s18 =	rddreg [dreg:$0xb];
	[sflag:s24] =	ssyncadd.s32 $0xFFFFCE00  }
0x6b: {  	[spmem:s1] =	stream.indirect.scatter.add.f32 [tilespmem:s22], [sflag:$0x4], $0x80, s18, s21, $0xb8;
	[tilespmem:$0x1E480] =	vst v63  }
0x6c: {  	_ =	swait.ge [sflag:s2], $0x3200  }
0x6d: {  	[sflag:s2] =	ssyncset.done $0x0  }
0x6e: {  	[sflag:s2] =	ssyncadd.s32 $0xFFFFCE00  }
0x6f: {  	[tilespmem:s25], [sflag:$0x3] =	stream.indirect.gather [hbm4b:s4+s21], $0x80, s26, s21, $0xb8;
	[tilespmem:$0x1E480] =	vst v63  }
0x70: {  	_ =	swait.ge [sflag:s9], $0x280  }
0x71: {  	[sflag:s9] =	ssyncset.done $0x0  }
0x72: {  	[sflag:s9] =	ssyncadd.s32 $0xFFFFFD80  }
0x73: {  	_ =	swait.ge [sflag:s9], $0x280  }
0x74: {  	[sflag:s9] =	ssyncset.done $0x0  }
0x75: {  	[sflag:s9] =	ssyncadd.s32 $0xFFFFFD80  }
0x76: {  	_ =	swait.ge [sflag:s29], $0x3200  }
0x77: {  	[sflag:s29] =	ssyncset.done $0x0  }
0x78: {  	s13 =	rddreg [dreg:$0xc];
	[sflag:s29] =	ssyncadd.s32 $0xFFFFCE00  }
0x79: {  	[spmem:s1] =	stream.indirect.scatter.add.f32 [tilespmem:s23], [sflag:$0x5], $0x80, s13, s21, $0xb8;
	[tilespmem:$0x1E480] =	vst v63  }
0x7a: {  	_ =	swait.ge [sflag:s30], $0x3200  }
0x7b: {  	[sflag:s30] =	ssyncset.done $0x0  }
0x7c: {  	s14 =	rddreg [dreg:$0xd];
	[sflag:s30] =	ssyncadd.s32 $0xFFFFCE00  }
0x7d: {  	[tilespmem:s22], [sflag:$0x1] =	stream.indirect.gather [hbm4b:s4+s21], $0x80, s14, s21, $0xb8;
	[tilespmem:$0x1E480] =	vst v63  }
0x7e: {  	_ =	swait.ge [sflag:s31], $0x3200  }
0x7f: {  	[sflag:s31] =	ssyncset.done $0x0  }
0x80: {  	[sflag:s31] =	ssyncadd.s32 $0xFFFFCE00  }
0x81: {  	[spmem:s1] =	stream.indirect.scatter.add.f32 [tilespmem:s25], [sflag:$0x6], $0x80, s28, s21, $0xb8;
	[tilespmem:$0x1E480] =	vst v63  }
0x82: {  	_ =	swait.ge [sflag:s0], $0x3200  }
0x83: {  	[sflag:s0] =	ssyncset.done $0x0  }
0x84: {  	s15 =	rddreg [dreg:$0xe];
	[sflag:s0] =	ssyncadd.s32 $0xFFFFCE00  }
0x85: {  	[tilespmem:s23], [sflag:$0x2] =	stream.indirect.gather [hbm4b:s4+s21], $0x80, s15, s21, $0xb8;
	[tilespmem:$0x1E480] =	vst v63  }
0x86: {  	p1 =	slt.s32 s7, $0x13E;
	s11 =	smov.u32 s7;
	_ =	swait.ge [sflag:s24], $0x3200  }
0x87: {  	s11 =	simm.s32 @!p1 $0x13E;
	[sflag:s24] =	ssyncset.done $0x0  }
0x88: {  	s11 =	sshll.u32 s11, $0xB;
	s16 =	rddreg [dreg:$0xf];
	[sflag:s24] =	ssyncadd.s32 $0xFFFFCE00  }
0x89: {  	[spmem:s1] =	stream.indirect.scatter.add.f32 [tilespmem:s22], [sflag:$0x4], $0x80, s16, s21, $0xb8;
	[tilespmem:$0x1E480] =	vst v63  }
0x8a: {  	s11 =	sadd.s32 $0x800, s11;
	_ =	swait.ge [sflag:s2], $0x3200  }
0x8b: {  	s18 =	sadd.s32 s8, s11;
	[sflag:s2] =	ssyncset.done $0x0  }
0x8c: {  	s15 =	sshrl.u32 s18, $0x3;
	s17 =	rddreg [dreg:$0x10];
	[sflag:s2] =	ssyncadd.s32 $0xFFFFCE00  }
0x8d: {  	[tilespmem:s25], [sflag:$0x3] =	stream.indirect.gather [hbm4b:s4+s21], $0x80, s17, s21, $0xb8;
	[tilespmem:$0x1E480] =	vst v63  }
0x8e: {  	s11 =	sshrl.u32 s11, $0x3;
	s13 =	sadd.s32 s5, s15  }
0x8f: {  	[tilespmem:s3], [sflag:$0x7] =	stream.linear.gather [hbm4b:s13+s3], $0x280, $0x38;
	[tilespmem:$0x1E480] =	vst v63  }
0x90: {  	s11 =	sadd.s32 s6, s11  }
0x91: {  	[tilespmem:s20], [sflag:$0x7] =	stream.linear.gather [hbm4b:s11+s3], $0x280, $0x38;
	[tilespmem:$0x1E480] =	vst v63  }
0x92: {  	_ =	swait.ge [sflag:s29], $0x3200  }
0x93: {  	[sflag:s29] =	ssyncset.done $0x0  }
0x94: {  	s16 =	rddreg [dreg:$0x11];
	[sflag:s29] =	ssyncadd.s32 $0xFFFFCE00  }
0x95: {  	[spmem:s1] =	stream.indirect.scatter.add.f32 [tilespmem:s23], [sflag:$0x5], $0x80, s16, s21, $0xb8;
	[tilespmem:$0x1E480] =	vst v63  }
0x96: {  	_ =	swait.ge [sflag:s30], $0x3200  }
0x97: {  	[sflag:s30] =	ssyncset.done $0x0  }
0x98: {  	s17 =	rddreg [dreg:$0x12];
	[sflag:s30] =	ssyncadd.s32 $0xFFFFCE00  }
0x99: {  	[tilespmem:s22], [sflag:$0x1] =	stream.indirect.gather [hbm4b:s4+s21], $0x80, s17, s21, $0xb8;
	[tilespmem:$0x1E480] =	vst v63  }
0x9a: {  	_ =	swait.ge [sflag:s31], $0x3200  }
0x9b: {  	[sflag:s31] =	ssyncset.done $0x0  }
0x9c: {  	p6 =	por $0x0, $0x0;
	s18 =	rddreg [dreg:$0x13];
	[sflag:s31] =	ssyncadd.s32 $0xFFFFCE00  }
0x9d: {  	[spmem:s1] =	stream.indirect.scatter.add.f32 [tilespmem:s25], [sflag:$0x6], $0x80, s18, s21, $0xb8;
	[tilespmem:$0x1E480] =	vst v63  }
0x9e: {  	p1 =	por p6, p6;
	_ =	swait.ge [sflag:s24], $0x3200  }
0x9f: {  	s14 =	simm.s32 $0x100;
	s13 =	sadd.s32 $0x1, s7;
	[sflag:s24] =	ssyncset.done $0x0  }
0xa0: {  	s11 =	simm.s32 $0x200;
	s16 =	rddreg [dreg:$0x14];
	[sflag:s24] =	ssyncadd.s32 $0xFFFFCE00  }
.LBB2_2:
0xa1: {  	s17 =	simm.s32 @!p1 $0x5  }
0xa2: {  	[spmem:s1] =	stream.indirect.scatter.add.f32 [tilespmem:s22], [sflag:$0x4], $0x80, s16, s21, $0xb8;
	[tilespmem:$0x1E480] =	vst v63  }
0xa3: {  	_ =	swait.ge @!p1 [sflag:s17], $0x3200  }
0xa4: {  	[sflag:s17] =	ssyncset.done @!p1 $0x0  }
0xa5: {  	s16 =	simm.s32 @!p1 $0x6;
	[sflag:s17] =	ssyncadd.s32 @!p1 $0xFFFFCE00  }
0xa6: {  	_ =	swait.ge @!p1 [sflag:s16], $0x3200  }
0xa7: {  	[sflag:s16] =	ssyncset.done @!p1 $0x0  }
0xa8: {  	[sflag:s16] =	ssyncadd.s32 @!p1 $0xFFFFCE00;
	s16 =	simm.s32 @!p1 $0x4  }
0xa9: {  	_ =	swait.ge @!p1 [sflag:s16], $0x3200  }
0xaa: {  	[sflag:s16] =	ssyncset.done @!p1 $0x0  }
0xab: {  	[sflag:s16] =	ssyncadd.s32 @!p1 $0xFFFFCE00;
	s16 =	simm.s32 @!p1 $0x7  }
0xac: {  	_ =	swait.ge @!p1 [sflag:s16], $0x280  }
0xad: {  	[sflag:s16] =	ssyncset.done @!p1 $0x0  }
0xae: {  	[sflag:s16] =	ssyncadd.s32 @!p1 $0xFFFFFD80  }
0xaf: {  	_ =	swait.ge @!p1 [sflag:s16], $0x280  }
0xb0: {  	[sflag:s16] =	ssyncset.done @!p1 $0x0  }
0xb1: {  	[sflag:s16] =	ssyncadd.s32 @!p1 $0xFFFFFD80  }
0xb2: {  	[tilespmem:s22], [sflag:$0x1] =	stream.indirect.gather [hbm4b:s4+s21], $0x80, s3, s21, $0xb8;
	[tilespmem:$0x1E480] =	vst v63  }
0xb3: {  	s17 =	rddreg [dreg:$0x5]  }
0xb4: {  	[tilespmem:s23], [sflag:$0x2] =	stream.indirect.gather [hbm4b:s4+s21], $0x80, s17, s21, $0xb8;
	[tilespmem:$0x1E480] =	vst v63  }
0xb5: {  	_ =	swait.ge [sflag:s24], $0x3200  }
0xb6: {  	[sflag:s24] =	ssyncset.done $0x0  }
0xb7: {  	s16 =	rddreg [dreg:$0x3];
	[sflag:s24] =	ssyncadd.s32 $0xFFFFCE00  }
0xb8: {  	[spmem:s1] =	stream.indirect.scatter.add.f32 [tilespmem:s22], [sflag:$0x4], $0x80, s20, s21, $0xb8;
	[tilespmem:$0x1E480] =	vst v63  }
0xb9: {  	s17 =	rddreg [dreg:$0x6]  }
0xba: {  	[tilespmem:s25], [sflag:$0x3] =	stream.indirect.gather [hbm4b:s4+s21], $0x80, s17, s21, $0xb8;
	[tilespmem:$0x1E480] =	vst v63  }
0xbb: {  	s18 =	rddreg [dreg:$0x4];
	s16 =	sadd.s32 s14, s16  }
0xbc: {  	[tilespmem:s26], [sflag:$0x8] =	stream.linear.gather [hbm4b:s16+s3], $0x280, $0x38;
	[tilespmem:$0x1E480] =	vst v63  }
0xbd: {  	s18 =	sadd.s32 s14, s18  }
0xbe: {  	[tilespmem:s28], [sflag:$0x8] =	stream.linear.gather [hbm4b:s18+s3], $0x280, $0x38;
	[tilespmem:$0x1E480] =	vst v63  }
0xbf: {  	_ =	swait.ge [sflag:s29], $0x3200  }
0xc0: {  	[sflag:s29] =	ssyncset.done $0x0  }
0xc1: {  	s17 =	rddreg [dreg:$0x7];
	[sflag:s29] =	ssyncadd.s32 $0xFFFFCE00  }
0xc2: {  	[spmem:s1] =	stream.indirect.scatter.add.f32 [tilespmem:s23], [sflag:$0x5], $0x80, s17, s21, $0xb8;
	[tilespmem:$0x1E480] =	vst v63  }
0xc3: {  	_ =	swait.ge [sflag:s30], $0x3200  }
0xc4: {  	[sflag:s30] =	ssyncset.done $0x0  }
0xc5: {  	s18 =	rddreg [dreg:$0x8];
	[sflag:s30] =	ssyncadd.s32 $0xFFFFCE00  }
0xc6: {  	[tilespmem:s22], [sflag:$0x1] =	stream.indirect.gather [hbm4b:s4+s21], $0x80, s18, s21, $0xb8;
	[tilespmem:$0x1E480] =	vst v63  }
0xc7: {  	_ =	swait.ge [sflag:s31], $0x3200  }
0xc8: {  	[sflag:s31] =	ssyncset.done $0x0  }
0xc9: {  	s16 =	rddreg [dreg:$0x9];
	[sflag:s31] =	ssyncadd.s32 $0xFFFFCE00  }
0xca: {  	[spmem:s1] =	stream.indirect.scatter.add.f32 [tilespmem:s25], [sflag:$0x6], $0x80, s16, s21, $0xb8;
	[tilespmem:$0x1E480] =	vst v63  }
0xcb: {  	_ =	swait.ge [sflag:s0], $0x3200  }
0xcc: {  	[sflag:s0] =	ssyncset.done $0x0  }
0xcd: {  	s17 =	rddreg [dreg:$0xa];
	[sflag:s0] =	ssyncadd.s32 $0xFFFFCE00  }
0xce: {  	[tilespmem:s23], [sflag:$0x2] =	stream.indirect.gather [hbm4b:s4+s21], $0x80, s17, s21, $0xb8;
	[tilespmem:$0x1E480] =	vst v63  }
0xcf: {  	_ =	swait.ge [sflag:s24], $0x3200  }
0xd0: {  	[sflag:s24] =	ssyncset.done $0x0  }
0xd1: {  	s18 =	rddreg [dreg:$0xb];
	[sflag:s24] =	ssyncadd.s32 $0xFFFFCE00  }
0xd2: {  	[spmem:s1] =	stream.indirect.scatter.add.f32 [tilespmem:s22], [sflag:$0x4], $0x80, s18, s21, $0xb8;
	[tilespmem:$0x1E480] =	vst v63  }
0xd3: {  	_ =	swait.ge [sflag:s2], $0x3200  }
0xd4: {  	[sflag:s2] =	ssyncset.done $0x0  }
0xd5: {  	[sflag:s2] =	ssyncadd.s32 $0xFFFFCE00  }
0xd6: {  	[tilespmem:s25], [sflag:$0x3] =	stream.indirect.gather [hbm4b:s4+s21], $0x80, s26, s21, $0xb8;
	[tilespmem:$0x1E480] =	vst v63  }
0xd7: {  	_ =	swait.ge [sflag:s9], $0x280  }
0xd8: {  	[sflag:s9] =	ssyncset.done $0x0  }
0xd9: {  	[sflag:s9] =	ssyncadd.s32 $0xFFFFFD80  }
0xda: {  	_ =	swait.ge [sflag:s9], $0x280  }
0xdb: {  	[sflag:s9] =	ssyncset.done $0x0  }
0xdc: {  	[sflag:s9] =	ssyncadd.s32 $0xFFFFFD80  }
0xdd: {  	_ =	swait.ge [sflag:s29], $0x3200  }
0xde: {  	[sflag:s29] =	ssyncset.done $0x0  }
0xdf: {  	s16 =	rddreg [dreg:$0xc];
	[sflag:s29] =	ssyncadd.s32 $0xFFFFCE00  }
0xe0: {  	[spmem:s1] =	stream.indirect.scatter.add.f32 [tilespmem:s23], [sflag:$0x5], $0x80, s16, s21, $0xb8;
	[tilespmem:$0x1E480] =	vst v63  }
0xe1: {  	_ =	swait.ge [sflag:s30], $0x3200  }
0xe2: {  	[sflag:s30] =	ssyncset.done $0x0  }
0xe3: {  	s17 =	rddreg [dreg:$0xd];
	[sflag:s30] =	ssyncadd.s32 $0xFFFFCE00  }
0xe4: {  	[tilespmem:s22], [sflag:$0x1] =	stream.indirect.gather [hbm4b:s4+s21], $0x80, s17, s21, $0xb8;
	[tilespmem:$0x1E480] =	vst v63  }
0xe5: {  	_ =	swait.ge [sflag:s31], $0x3200  }
0xe6: {  	[sflag:s31] =	ssyncset.done $0x0  }
0xe7: {  	[sflag:s31] =	ssyncadd.s32 $0xFFFFCE00  }
0xe8: {  	[spmem:s1] =	stream.indirect.scatter.add.f32 [tilespmem:s25], [sflag:$0x6], $0x80, s28, s21, $0xb8;
	[tilespmem:$0x1E480] =	vst v63  }
0xe9: {  	p3 =	seq.s32 s11, $0x0;
	_ =	swait.ge [sflag:s0], $0x3200  }
0xea: {  	s15 =	smov.u32 s11;
	p1 =	por p3, p3;
	[sflag:s0] =	ssyncset.done $0x0  }
0xeb: {  	p3 =	slt.s32 s13, $0x13E;
	s18 =	rddreg [dreg:$0xe];
	[sflag:s0] =	ssyncadd.s32 $0xFFFFCE00  }
0xec: {  	[tilespmem:s23], [sflag:$0x2] =	stream.indirect.gather [hbm4b:s4+s21], $0x80, s18, s21, $0xb8;
	[tilespmem:$0x1E480] =	vst v63  }
0xed: {  	s14 =	smov.u32 s15;
	s15 =	smov.u32 s13;
	_ =	swait.ge [sflag:s24], $0x3200  }
0xee: {  	s15 =	simm.s32 @!p3 $0x13E;
	[sflag:s24] =	ssyncset.done $0x0  }
0xef: {  	s15 =	sshll.u32 s15, $0xB;
	s16 =	rddreg [dreg:$0xf];
	[sflag:s24] =	ssyncadd.s32 $0xFFFFCE00  }
0xf0: {  	[spmem:s1] =	stream.indirect.scatter.add.f32 [tilespmem:s22], [sflag:$0x4], $0x80, s16, s21, $0xb8;
	[tilespmem:$0x1E480] =	vst v63  }
0xf1: {  	s15 =	sadd.s32 $0x800, s15;
	_ =	swait.ge [sflag:s2], $0x3200  }
0xf2: {  	s18 =	sadd.s32 s8, s15;
	[sflag:s2] =	ssyncset.done $0x0  }
0xf3: {  	s18 =	sshrl.u32 s18, $0x3;
	s17 =	rddreg [dreg:$0x10];
	[sflag:s2] =	ssyncadd.s32 $0xFFFFCE00  }
0xf4: {  	[tilespmem:s25], [sflag:$0x3] =	stream.indirect.gather [hbm4b:s4+s21], $0x80, s17, s21, $0xb8;
	[tilespmem:$0x1E480] =	vst v63  }
0xf5: {  	s15 =	sshrl.u32 s15, $0x3;
	s16 =	sadd.s32 s5, s18  }
0xf6: {  	[tilespmem:s3], [sflag:$0x7] =	stream.linear.gather [hbm4b:s16+s3], $0x280, $0x38;
	[tilespmem:$0x1E480] =	vst v63  }
0xf7: {  	s15 =	sadd.s32 s6, s15  }
0xf8: {  	[tilespmem:s20], [sflag:$0x7] =	stream.linear.gather [hbm4b:s15+s3], $0x280, $0x38;
	[tilespmem:$0x1E480] =	vst v63  }
0xf9: {  	_ =	swait.ge [sflag:s29], $0x3200  }
0xfa: {  	[sflag:s29] =	ssyncset.done $0x0  }
0xfb: {  	s16 =	rddreg [dreg:$0x11];
	[sflag:s29] =	ssyncadd.s32 $0xFFFFCE00  }
0xfc: {  	[spmem:s1] =	stream.indirect.scatter.add.f32 [tilespmem:s23], [sflag:$0x5], $0x80, s16, s21, $0xb8;
	[tilespmem:$0x1E480] =	vst v63  }
0xfd: {  	_ =	swait.ge [sflag:s30], $0x3200  }
0xfe: {  	[sflag:s30] =	ssyncset.done $0x0  }
0xff: {  	s17 =	rddreg [dreg:$0x12];
	[sflag:s30] =	ssyncadd.s32 $0xFFFFCE00  }
0x100: {  	[tilespmem:s22], [sflag:$0x1] =	stream.indirect.gather [hbm4b:s4+s21], $0x80, s17, s21, $0xb8;
	[tilespmem:$0x1E480] =	vst v63  }
0x101: {  	s11 =	sadd.s32 $0x100, s11;
	_ =	swait.ge [sflag:s31], $0x3200  }
0x102: {  	p2 =	sne.s32 s11, $0x1400;
	[sflag:s31] =	ssyncset.done $0x0  }
.Ltmp0:
0x103: {  	s18 =	rddreg [dreg:$0x13];
	[sflag:s31] =	ssyncadd.s32 $0xFFFFCE00;
	(pc) =	sbr.rel @p2 .LBB2_2-.Ltmp0, $4  }
0x104: {  	[spmem:s1] =	stream.indirect.scatter.add.f32 [tilespmem:s25], [sflag:$0x6], $0x80, s18, s21, $0xb8;
	[tilespmem:$0x1E480] =	vst v63  }
0x105: {  	_ =	swait.ge [sflag:s24], $0x3200  }
0x106: {  	[sflag:s24] =	ssyncset.done $0x0  }
0x107: {  	s13 =	sadd.s32 $0x1, s13;
	s16 =	rddreg [dreg:$0x14];
	[sflag:s24] =	ssyncadd.s32 $0xFFFFCE00  }
0x108: {  	s11 =	simm.s32 @!p1 $0x5  }
0x109: {  	[spmem:s1] =	stream.indirect.scatter.add.f32 [tilespmem:s22], [sflag:$0x4], $0x80, s16, s21, $0xb8;
	[tilespmem:$0x1E480] =	vst v63  }
0x10a: {  	_ =	swait.ge @!p1 [sflag:s11], $0x3200  }
0x10b: {  	[sflag:s11] =	ssyncset.done @!p1 $0x0  }
0x10c: {  	[sflag:s11] =	ssyncadd.s32 @!p1 $0xFFFFCE00;
	s11 =	simm.s32 @!p1 $0x6  }
0x10d: {  	_ =	swait.ge @!p1 [sflag:s11], $0x3200  }
0x10e: {  	[sflag:s11] =	ssyncset.done @!p1 $0x0  }
0x10f: {  	[sflag:s11] =	ssyncadd.s32 @!p1 $0xFFFFCE00;
	s11 =	simm.s32 @!p1 $0x4  }
0x110: {  	_ =	swait.ge @!p1 [sflag:s11], $0x3200  }
0x111: {  	[sflag:s11] =	ssyncset.done @!p1 $0x0  }
0x112: {  	[sflag:s11] =	ssyncadd.s32 @!p1 $0xFFFFCE00;
	s11 =	simm.s32 @!p1 $0x7  }
0x113: {  	_ =	swait.ge @!p1 [sflag:s11], $0x280  }
0x114: {  	[sflag:s11] =	ssyncset.done @!p1 $0x0  }
0x115: {  	[sflag:s11] =	ssyncadd.s32 @!p1 $0xFFFFFD80  }
0x116: {  	_ =	swait.ge @!p1 [sflag:s11], $0x280  }
0x117: {  	[sflag:s11] =	ssyncset.done @!p1 $0x0  }
0x118: {  	[sflag:s11] =	ssyncadd.s32 @!p1 $0xFFFFFD80  }
0x119: {  	[tilespmem:s22], [sflag:$0x1] =	stream.indirect.gather [hbm4b:s4+s21], $0x80, s3, s21, $0xb8;
	[tilespmem:$0x1E480] =	vst v63  }
0x11a: {  	s17 =	rddreg [dreg:$0x5]  }
0x11b: {  	[tilespmem:s23], [sflag:$0x2] =	stream.indirect.gather [hbm4b:s4+s21], $0x80, s17, s21, $0xb8;
	[tilespmem:$0x1E480] =	vst v63  }
0x11c: {  	_ =	swait.ge [sflag:s24], $0x3200  }
0x11d: {  	[sflag:s24] =	ssyncset.done $0x0  }
0x11e: {  	s18 =	rddreg [dreg:$0x6];
	[sflag:s24] =	ssyncadd.s32 $0xFFFFCE00  }
0x11f: {  	[spmem:s1] =	stream.indirect.scatter.add.f32 [tilespmem:s22], [sflag:$0x4], $0x80, s20, s21, $0xb8;
	[tilespmem:$0x1E480] =	vst v63  }
0x120: {  	s15 =	rddreg [dreg:$0x3]  }
0x121: {  	[tilespmem:s25], [sflag:$0x3] =	stream.indirect.gather [hbm4b:s4+s21], $0x80, s18, s21, $0xb8;
	[tilespmem:$0x1E480] =	vst v63  }
0x122: {  	s16 =	rddreg [dreg:$0x4];
	s15 =	sadd.s32 s14, s15  }
0x123: {  	[tilespmem:s26], [sflag:$0x8] =	stream.linear.gather [hbm4b:s15+s3], $0x280, $0x38;
	[tilespmem:$0x1E480] =	vst v63  }
0x124: {  	s11 =	sadd.s32 s14, s16  }
0x125: {  	[tilespmem:s28], [sflag:$0x8] =	stream.linear.gather [hbm4b:s11+s3], $0x280, $0x38;
	[tilespmem:$0x1E480] =	vst v63  }
0x126: {  	_ =	swait.ge [sflag:s29], $0x3200  }
0x127: {  	[sflag:s29] =	ssyncset.done $0x0  }
0x128: {  	s17 =	rddreg [dreg:$0x7];
	[sflag:s29] =	ssyncadd.s32 $0xFFFFCE00  }
0x129: {  	[spmem:s1] =	stream.indirect.scatter.add.f32 [tilespmem:s23], [sflag:$0x5], $0x80, s17, s21, $0xb8;
	[tilespmem:$0x1E480] =	vst v63  }
0x12a: {  	_ =	swait.ge [sflag:s30], $0x3200  }
0x12b: {  	[sflag:s30] =	ssyncset.done $0x0  }
0x12c: {  	s18 =	rddreg [dreg:$0x8];
	[sflag:s30] =	ssyncadd.s32 $0xFFFFCE00  }
0x12d: {  	[tilespmem:s22], [sflag:$0x1] =	stream.indirect.gather [hbm4b:s4+s21], $0x80, s18, s21, $0xb8;
	[tilespmem:$0x1E480] =	vst v63  }
0x12e: {  	_ =	swait.ge [sflag:s31], $0x3200  }
0x12f: {  	[sflag:s31] =	ssyncset.done $0x0  }
0x130: {  	s14 =	rddreg [dreg:$0x9];
	[sflag:s31] =	ssyncadd.s32 $0xFFFFCE00  }
0x131: {  	[spmem:s1] =	stream.indirect.scatter.add.f32 [tilespmem:s25], [sflag:$0x6], $0x80, s14, s21, $0xb8;
	[tilespmem:$0x1E480] =	vst v63  }
0x132: {  	_ =	swait.ge [sflag:s0], $0x3200  }
0x133: {  	[sflag:s0] =	ssyncset.done $0x0  }
0x134: {  	s15 =	rddreg [dreg:$0xa];
	[sflag:s0] =	ssyncadd.s32 $0xFFFFCE00  }
0x135: {  	[tilespmem:s23], [sflag:$0x2] =	stream.indirect.gather [hbm4b:s4+s21], $0x80, s15, s21, $0xb8;
	[tilespmem:$0x1E480] =	vst v63  }
0x136: {  	_ =	swait.ge [sflag:s24], $0x3200  }
0x137: {  	[sflag:s24] =	ssyncset.done $0x0  }
0x138: {  	s16 =	rddreg [dreg:$0xb];
	[sflag:s24] =	ssyncadd.s32 $0xFFFFCE00  }
0x139: {  	[spmem:s1] =	stream.indirect.scatter.add.f32 [tilespmem:s22], [sflag:$0x4], $0x80, s16, s21, $0xb8;
	[tilespmem:$0x1E480] =	vst v63  }
0x13a: {  	_ =	swait.ge [sflag:s2], $0x3200  }
0x13b: {  	[sflag:s2] =	ssyncset.done $0x0  }
0x13c: {  	[sflag:s2] =	ssyncadd.s32 $0xFFFFCE00  }
0x13d: {  	[tilespmem:s25], [sflag:$0x3] =	stream.indirect.gather [hbm4b:s4+s21], $0x80, s26, s21, $0xb8;
	[tilespmem:$0x1E480] =	vst v63  }
0x13e: {  	_ =	swait.ge [sflag:s9], $0x280  }
0x13f: {  	[sflag:s9] =	ssyncset.done $0x0  }
0x140: {  	[sflag:s9] =	ssyncadd.s32 $0xFFFFFD80  }
0x141: {  	_ =	swait.ge [sflag:s9], $0x280  }
0x142: {  	[sflag:s9] =	ssyncset.done $0x0  }
0x143: {  	[sflag:s9] =	ssyncadd.s32 $0xFFFFFD80  }
0x144: {  	_ =	swait.ge [sflag:s29], $0x3200  }
0x145: {  	[sflag:s29] =	ssyncset.done $0x0  }
0x146: {  	s17 =	rddreg [dreg:$0xc];
	[sflag:s29] =	ssyncadd.s32 $0xFFFFCE00  }
0x147: {  	[spmem:s1] =	stream.indirect.scatter.add.f32 [tilespmem:s23], [sflag:$0x5], $0x80, s17, s21, $0xb8;
	[tilespmem:$0x1E480] =	vst v63  }
0x148: {  	_ =	swait.ge [sflag:s30], $0x3200  }
0x149: {  	[sflag:s30] =	ssyncset.done $0x0  }
0x14a: {  	s18 =	rddreg [dreg:$0xd];
	[sflag:s30] =	ssyncadd.s32 $0xFFFFCE00  }
0x14b: {  	[tilespmem:s22], [sflag:$0x1] =	stream.indirect.gather [hbm4b:s4+s21], $0x80, s18, s21, $0xb8;
	[tilespmem:$0x1E480] =	vst v63  }
0x14c: {  	_ =	swait.ge [sflag:s31], $0x3200  }
0x14d: {  	[sflag:s31] =	ssyncset.done $0x0  }
0x14e: {  	[sflag:s31] =	ssyncadd.s32 $0xFFFFCE00  }
0x14f: {  	[spmem:s1] =	stream.indirect.scatter.add.f32 [tilespmem:s25], [sflag:$0x6], $0x80, s28, s21, $0xb8;
	[tilespmem:$0x1E480] =	vst v63  }
0x150: {  	_ =	swait.ge [sflag:s0], $0x3200  }
0x151: {  	[sflag:s0] =	ssyncset.done $0x0  }
0x152: {  	s14 =	rddreg [dreg:$0xe];
	[sflag:s0] =	ssyncadd.s32 $0xFFFFCE00  }
0x153: {  	[tilespmem:s23], [sflag:$0x2] =	stream.indirect.gather [hbm4b:s4+s21], $0x80, s14, s21, $0xb8;
	[tilespmem:$0x1E480] =	vst v63  }
0x154: {  	p1 =	slt.s32 s13, $0x13E;
	_ =	swait.ge [sflag:s24], $0x3200  }
0x155: {  	s13 =	simm.s32 @!p1 $0x13E;
	[sflag:s24] =	ssyncset.done $0x0  }
0x156: {  	s13 =	sshll.u32 s13, $0xB;
	s15 =	rddreg [dreg:$0xf];
	[sflag:s24] =	ssyncadd.s32 $0xFFFFCE00  }
0x157: {  	[spmem:s1] =	stream.indirect.scatter.add.f32 [tilespmem:s22], [sflag:$0x4], $0x80, s15, s21, $0xb8;
	[tilespmem:$0x1E480] =	vst v63  }
0x158: {  	s13 =	sadd.s32 $0x800, s13;
	_ =	swait.ge [sflag:s2], $0x3200  }
0x159: {  	s17 =	sadd.s32 s8, s13;
	[sflag:s2] =	ssyncset.done $0x0  }
0x15a: {  	s18 =	sshrl.u32 s17, $0x3;
	s16 =	rddreg [dreg:$0x10];
	[sflag:s2] =	ssyncadd.s32 $0xFFFFCE00  }
0x15b: {  	[tilespmem:s25], [sflag:$0x3] =	stream.indirect.gather [hbm4b:s4+s21], $0x80, s16, s21, $0xb8;
	[tilespmem:$0x1E480] =	vst v63  }
0x15c: {  	s13 =	sshrl.u32 s13, $0x3;
	s11 =	sadd.s32 s5, s18  }
0x15d: {  	[tilespmem:s3], [sflag:$0x7] =	stream.linear.gather [hbm4b:s11+s3], $0x280, $0x38;
	[tilespmem:$0x1E480] =	vst v63  }
0x15e: {  	s13 =	sadd.s32 s6, s13  }
0x15f: {  	[tilespmem:s20], [sflag:$0x7] =	stream.linear.gather [hbm4b:s13+s3], $0x280, $0x38;
	[tilespmem:$0x1E480] =	vst v63  }
0x160: {  	_ =	swait.ge [sflag:s29], $0x3200  }
0x161: {  	[sflag:s29] =	ssyncset.done $0x0  }
0x162: {  	s14 =	rddreg [dreg:$0x11];
	[sflag:s29] =	ssyncadd.s32 $0xFFFFCE00  }
0x163: {  	[spmem:s1] =	stream.indirect.scatter.add.f32 [tilespmem:s23], [sflag:$0x5], $0x80, s14, s21, $0xb8;
	[tilespmem:$0x1E480] =	vst v63  }
0x164: {  	_ =	swait.ge [sflag:s30], $0x3200  }
0x165: {  	[sflag:s30] =	ssyncset.done $0x0  }
0x166: {  	s15 =	rddreg [dreg:$0x12];
	[sflag:s30] =	ssyncadd.s32 $0xFFFFCE00  }
0x167: {  	[tilespmem:s22], [sflag:$0x1] =	stream.indirect.gather [hbm4b:s4+s21], $0x80, s15, s21, $0xb8;
	[tilespmem:$0x1E480] =	vst v63  }
0x168: {  	_ =	swait.ge [sflag:s31], $0x3200  }
0x169: {  	[sflag:s31] =	ssyncset.done $0x0  }
0x16a: {  	s16 =	rddreg [dreg:$0x13];
	[sflag:s31] =	ssyncadd.s32 $0xFFFFCE00  }
0x16b: {  	[spmem:s1] =	stream.indirect.scatter.add.f32 [tilespmem:s25], [sflag:$0x6], $0x80, s16, s21, $0xb8;
	[tilespmem:$0x1E480] =	vst v63  }
0x16c: {  	_ =	swait.ge [sflag:s24], $0x3200  }
0x16d: {  	[sflag:s24] =	ssyncset.done $0x0  }
0x16e: {  	s17 =	rddreg [dreg:$0x14];
	[sflag:s24] =	ssyncadd.s32 $0xFFFFCE00  }
0x16f: {  	[spmem:s1] =	stream.indirect.scatter.add.f32 [tilespmem:s22], [sflag:$0x4], $0x80, s17, s21, $0xb8;
	[tilespmem:$0x1E480] =	vst v63  }
0x170: {  	_ =	swait.ge [sflag:s0], $0x3200  }
0x171: {  	[sflag:s0] =	ssyncset.done $0x0  }
0x172: {  	[sflag:s0] =	ssyncadd.s32 $0xFFFFCE00  }
0x173: {  	_ =	swait.ge [sflag:s2], $0x3200  }
0x174: {  	[sflag:s2] =	ssyncset.done $0x0  }
0x175: {  	[sflag:s2] =	ssyncadd.s32 $0xFFFFCE00  }
0x176: {  	_ =	swait.ge [sflag:s30], $0x3200  }
0x177: {  	[sflag:s30] =	ssyncset.done $0x0  }
0x178: {  	[sflag:s30] =	ssyncadd.s32 $0xFFFFCE00  }
0x179: {  	_ =	swait.ge [sflag:s10], $0x280  }
0x17a: {  	[sflag:s10] =	ssyncset.done $0x0  }
0x17b: {  	[sflag:s10] =	ssyncadd.s32 $0xFFFFFD80  }
0x17c: {  	_ =	swait.ge [sflag:s10], $0x280  }
0x17d: {  	[sflag:s10] =	ssyncset.done $0x0  }
0x17e: {  	[sflag:s10] =	ssyncadd.s32 $0xFFFFFD80  }
0x17f: {  	[bflag:$0x0] =	sbarrier.arrive $0xFFFF  }
0x180: {  	s11 =	simm.s32 @p0 $0x8;
	s13 =	simm.s32 @p0 $0x100;
	s16 =	rddreg [dreg:$0x1a]  }
0x181: {  	s14 =	simm.s32 @p0 $0x80;
	s15 =	simm.s32 @p0 $0x1FC9;
	s17 =	rddreg [dreg:$0x1c]  }
0x182: {  	[hbm:s16@s13], [sflag:s15] =	dma.strided @p0 [spmem:s17@s14], $0x2080, s11, $0x10   }
0x183: {  	s11 =	simm.s32 @p0 $0x9  }
0x184: {  	_ =	swait.ge @p0 [sflag:s11], $0x2080  }
0x185: {  	s13 =	simm.s32 @!p0 $0x100;
	s15 =	rddreg [dreg:$0x19]  }
0x186: {  	s14 =	simm.s32 @!p0 $0x80;
	[sflag:s11] =	ssyncset.done @p0 $0x0;
	s16 =	rddreg [dreg:$0x1d]  }
0x187: {  	s18 =	rddreg [dreg:$0x1e];
	[sflag:s11] =	ssyncadd.s32 @p0 $0xFFFFDF80;
	s11 =	simm.s32 @!p0 $0x8  }
0x188: {  	[hbm:s15@s13], [sflag:s16] =	dma.strided @!p0 [spmem:s18@s14], $0x2780, s11, $0x10   }
0x189: {  	s11 =	simm.s32 @!p0 $0x9  }
0x18a: {  	_ =	swait.ge @!p0 [sflag:s11], $0x2780  }
0x18b: {  	s12 =	sadd.s32 $0x1, s12;
	s15 =	smov.u32 s18;
	s18 =	rddreg [dreg:$0x1b]  }
0x18c: {  	p1 =	sne.s32 s12, s18  }
.Ltmp1:
0x18d: {  	_ = 	snop;
	(pc) =	sbr.rel @p1 .LBB2_1-.Ltmp1, $3  }
0x18e: {  	_ =	sdelay $0x1  }
0x18f: {  	[sflag:s11] =	ssyncset.done @!p0 $0x0  }
0x190: {  	s14 =	smov.u32 s16;
	[sflag:s11] =	ssyncadd.s32 @!p0 $0xFFFFD880  }
0x191: {  	_ =	sfence.sel $0x180000  }
0x192: {  	[bflag:$0x0] =	sbarrier.arrive $0xFFFF  }
0x193: {  	_ =	strace $0x9000004D  }
0x194: {  	s0 =	stileid.u32;
	[bflag:$0x2] =	sbarrier.arrive $0xFFFF  }
0x195: {  	p0 =	sne.s32 s0, $0x0;
	s0 =	rddreg [dreg:$0x2]  }
0x196: {  	s0 =	sadd.s32 @!p0 $0x100000, s0  }
0x197: {  	[sflag:s0] =	ssyncadd.tile.s32 @!p0 $0x1;
	_ =	shalt  }
.Lfunc_end2:
_tile_overlayer_lowered:
.L_overlay_start_2:
0x198: {  	(tag) =	ssettag $0x2  }
0x199: {  	s0 =	rddreg [dreg:$0x0];
	s2 =	stileid.u32  }
0x19a: {  	s1 =	rddreg [dreg:$0x1];
	p0 =	sne.s32 s2, $0x0  }
0x19b: {  	s3 =	rddreg [dreg:$0x2];
	[bflag:$0x3] =	sbarrier.arrive $0xFFFF;
	s2 =	simm.s32 @!p0 $0x1C09  }
0x19c: {  	[timem:s3], [sflag:s2] =	dma.local @!p0 [hbm:s0], s1  }
0x19d: {  	s0 =	simm.s32 @!p0 $0x9  }
0x19e: {  	_ =	swait.ge @!p0 [sflag:s0], s1  }
0x19f: {  	s1 =	ssub.s32 @!p0 $0x0, s1;
	[sflag:s0] =	ssyncset.done @!p0 $0x0  }
0x1a0: {  	[sflag:s0] =	ssyncadd.s32 @!p0 s1  }
0x1a1: {  	[bflag:$0x3] =	sbarrier.arrive $0xFFFF  }
0x1a2: {  	_ =	shalt  }

// kernel: kernel.8.cloned.1.call-start
scs
__scs_entry_jumppad:
0x0: {  	(pc) =	sbr.rel $0x88, $3  }
0x1: {  	(tag) =	ssettag $0x0;
	lr =	simm.s32 $0x1  }
0x2: {  	[smem:$0x3F88] =	sst lr;
	_ =	strace $0xD0000000  }
0x3: {  	_ = 	snop  }
0x4: {  	_ = 	snop  }
0x5: {  	_ = 	snop  }
0x6: {  	_ = 	snop  }
0x7: {  	_ = 	snop  }
__scs_overlays_trampoline_lowered:
0x8: {  	[smem:$0x3F97] =	sst s0  }
0x9: {  	[smem:$0x3F98] =	sst s1  }
0xa: {  	[smem:$0x3F99] =	sst s2  }
0xb: {  	[smem:$0x3F9A] =	sst s3  }
0xc: {  	[smem:$0x3F9B] =	sst s4  }
0xd: {  	[smem:$0x3F9C] =	sst s5  }
0xe: {  	[smem:$0x3F9D] =	sst s6  }
0xf: {  	[smem:$0x3F9E] =	sst s7  }
0x10: {  	[smem:$0x3F9F] =	sst s8  }
0x11: {  	[smem:$0x3FA0] =	sst s9;
	s0 =	simm.s32 @!p0 $0x0  }
0x12: {  	s1 =	sld [smem:$0x3F86];
	s0 =	simm.s32 @p0 $0x1  }
0x13: {  	[smem:$0x3FA1] =	sst s0;
	s0 =	simm.s32 @!p1 $0x0  }
0x14: {  	s2 =	sld [smem:$0x3F85];
	s0 =	simm.s32 @p1 $0x1  }
0x15: {  	[smem:$0x3FA2] =	sst s0;
	s0 =	simm.s32 @!p2 $0x0  }
0x16: {  	s3 =	sld [smem:$0x3FDB];
	s0 =	simm.s32 @p2 $0x1  }
0x17: {  	s4 =	simm.s32 $0x1BF5;
	[smem:$0x3FA4] =	sst s0  }
0x18: {  	s0 =	sld [smem:$0x3F87];
	_ =	swait.ge [sflag:s4], $0x0  }
0x19: {  	s7 =	sld [smem:$0x3F88]  }
0x1a: {  	s8 =	sadd.s32 $0xFFFFE003, lr  }
0x1b: {  	s9 =	sadd.s32 $0xFFFFFEF7, lr;
	s5 =	simm.s32 $0xFFFFFFFF;
	p2 =	slt.u32 s8, $0xFFFFF086  }
0x1c: {  	p1 =	slt.u32 s9, $0xF7A;
	s5 =	simm.s32 @!p2 $0x0  }
0x1d: {  	s5 =	simm.s32 @p1 $0x1;
	p0 =	seq.s32 s7, s2  }
0x1e: {  	s7 =	smul.u32 @!p0 $0xF7A, s2;
	p2 =	seq.s32 @!p0 s5, $0x0  }
0x1f: {  	s9 =	smul.u32 $0xF7A, s1;
	s8 =	simm.s32 @!p0 $0x1BF5;
	p2 =	por !p2, p0  }
0x20: {  	[sflag:s8] =	ssyncset.s32 @!p0 $0xFFFFF086;
	s6 =	sadd.s32 @!p0 s3, s7;
	s7 =	simm.s32 @!p0 $0x108  }
0x21: {  	s3 =	sadd.s32 s3, s9;
	s6 =	sadd.s32 @!p0 $0x88, s6;
	s7 =	simm.s32 @p2 $0x1082  }
0x22: {  	[simem:s7], [sflag:s8] =	dma.local @!p0 [hbm:s6], $0xF7A  }
0x23: {  	s9 =	sor.u32 $0xD0000000, s2;
	s6 =	simm.s32 $0x108;
	_ =	swait.ge @!p0 [sflag:s8], $0x0  }
0x24: {  	s3 =	sadd.s32 $0x88, s3;
	s6 =	simm.s32 @!p1 $0x1082;
	[sflag:s4] =	ssyncset.s32 $0xFFFFF086  }
0x25: {  	[simem:s6], [sflag:s4] =	dma.local [hbm:s3], $0xF7A  }
0x26: {  	[smem:$0x3F88] =	sst s1;
	(tag) =	ssettag s2;
	_ =	strace s9  }
0x27: {  	s1 =	sld [smem:$0x3F98]  }
0x28: {  	s2 =	sld [smem:$0x3F99]  }
0x29: {  	s4 =	sld [smem:$0x3F9B]  }
0x2a: {  	p0 =	seq.s32 s5, $0x0;
	s5 =	sld [smem:$0x3F9C]  }
0x2b: {  	s6 =	sld [smem:$0x3F9D]  }
0x2c: {  	s7 =	sld [smem:$0x3F9E]  }
0x2d: {  	s3 =	simm.s32 $0x108;
	s8 =	sld [smem:$0x3F9F]  }
0x2e: {  	s3 =	simm.s32 @!p0 $0x1082;
	s9 =	sld [smem:$0x3FA0]  }
0x2f: {  	lr =	sadd.s32 s0, s3;
	s0 =	sld [smem:$0x3F97]  }
0x30: {  	s3 =	sld [smem:$0x3F9A]  }
0x31: {  	[smem:$0x3FA3] =	sst s10  }
0x32: {  	s10 =	sld [smem:$0x3FA1];
	_ =	sdelay $0x3  }
0x33: {  	p0 =	seq.s32 s10, $0x1;
	s10 =	sld [smem:$0x3FA3];
	_ =	sdelay $0x3  }
0x34: {  	[smem:$0x3FA3] =	sst s10  }
0x35: {  	s10 =	sld [smem:$0x3FA2];
	_ =	sdelay $0x3  }
0x36: {  	p1 =	seq.s32 s10, $0x1;
	s10 =	sld [smem:$0x3FA3];
	_ =	sdelay $0x3  }
0x37: {  	[smem:$0x3FA3] =	sst s10  }
0x38: {  	s10 =	sld [smem:$0x3FA4]  }
0x39: {  	_ = 	snop;
	(pc) =	sbr.ind lr, $3  }
0x3a: {  	_ = 	snop  }
0x3b: {  	_ = 	snop  }
0x3c: {  	p2 =	seq.s32 s10, $0x1;
	s10 =	sld [smem:$0x3FA3]  }
0x3d: {  	_ =	shalt  }
0x3e: {  	_ =	shalt  }
0x3f: {  	_ =	shalt  }
0x40: {  	_ =	shalt  }
0x41: {  	_ =	shalt  }
0x42: {  	_ =	shalt  }
0x43: {  	_ =	shalt  }
0x44: {  	_ =	shalt  }
0x45: {  	_ =	shalt  }
0x46: {  	_ =	shalt  }
0x47: {  	_ =	shalt  }
0x48: {  	_ =	shalt  }
0x49: {  	_ =	shalt  }
0x4a: {  	_ =	shalt  }
0x4b: {  	_ =	shalt  }
0x4c: {  	_ =	shalt  }
0x4d: {  	_ =	shalt  }
0x4e: {  	_ =	shalt  }
0x4f: {  	_ =	shalt  }
0x50: {  	_ =	shalt  }
0x51: {  	_ =	shalt  }
0x52: {  	_ =	shalt  }
0x53: {  	_ =	shalt  }
0x54: {  	_ =	shalt  }
0x55: {  	_ =	shalt  }
0x56: {  	_ =	shalt  }
0x57: {  	_ =	shalt  }
0x58: {  	_ =	shalt  }
0x59: {  	_ =	shalt  }
0x5a: {  	_ =	shalt  }
0x5b: {  	_ =	shalt  }
0x5c: {  	_ =	shalt  }
0x5d: {  	_ =	shalt  }
0x5e: {  	_ =	shalt  }
0x5f: {  	_ =	shalt  }
0x60: {  	_ =	shalt  }
0x61: {  	_ =	shalt  }
0x62: {  	_ =	shalt  }
0x63: {  	_ =	shalt  }
0x64: {  	_ =	shalt  }
0x65: {  	_ =	shalt  }
0x66: {  	_ =	shalt  }
0x67: {  	_ =	shalt  }
0x68: {  	_ =	shalt  }
0x69: {  	_ =	shalt  }
0x6a: {  	_ =	shalt  }
0x6b: {  	_ =	shalt  }
0x6c: {  	_ =	shalt  }
0x6d: {  	_ =	shalt  }
0x6e: {  	_ =	shalt  }
0x6f: {  	_ =	shalt  }
0x70: {  	_ =	shalt  }
0x71: {  	_ =	shalt  }
0x72: {  	_ =	shalt  }
0x73: {  	_ =	shalt  }
0x74: {  	_ =	shalt  }
0x75: {  	_ =	shalt  }
0x76: {  	_ =	shalt  }
0x77: {  	_ =	shalt  }
0x78: {  	_ =	shalt  }
0x79: {  	_ =	shalt  }
0x7a: {  	_ =	shalt  }
0x7b: {  	_ =	shalt  }
0x7c: {  	_ =	shalt  }
0x7d: {  	_ =	shalt  }
0x7e: {  	_ =	shalt  }
0x7f: {  	_ =	shalt  }
0x80: {  	_ =	shalt  }
0x81: {  	_ =	shalt  }
0x82: {  	_ =	shalt  }
0x83: {  	_ =	shalt  }
0x84: {  	_ =	shalt  }
0x85: {  	_ =	shalt  }
0x86: {  	_ =	shalt  }
0x87: {  	_ =	shalt  }
.Lfunc_end0:
.L_simem_size_0:
called_computation_lowered:
.L_overlay_start_0:
0x88: {  	s2 =	sld [smem:$0x3FD9]  }
0x89: {  	s3 =	sld [smem:$0x3FFE];
	_ =	sdelay $0x1  }
0x8a: {  	s1 =	srdreg.scid  }
0x8b: {  	s0 =	sand.u32 $0x1, s1  }
0x8c: {  	s17 =	sshll.u32 s0, $0xA;
	s2 =	sadd.s32 s3, s2  }
0x8d: {  	s2 =	sadd.s32 s2, s17  }
0x8e: {  	[smem:$0x3FAF] =	sst s2  }
0x8f: {  	_ = 	snop  }
0x90: {  	s2 =	sld [smem:$0x3FC9];
	(tm) =	ssettm $0x1  }
0x91: {  	s18 =	sld [smem:$0x3FFB];
	_ =	sdelay $0x3  }
0x92: {  	_ =	strace s18  }
0x93: {  	s3 =	sld [smem:$0x3FFC];
	_ =	sdelay $0x3  }
0x94: {  	_ =	strace s3  }
0x95: {  	s3 =	sld [smem:$0x3FFD];
	_ =	sdelay $0x3  }
0x96: {  	_ =	strace s3  }
0x97: {  	_ =	strace $0x8FFFFFFF  }
0x98: {  	s19 =	sld [smem:$0x3FDB];
	_ =	sdelay $0x1  }
0x99: {  	s4 =	simm.s32 $_scs_section_size  }
0x9a: {  	s5 =	simm.s32 $_size__tile_overlayer_lowered;
	s6 =	simm.s32 $_tile_overlayer_lowered  }
0x9b: {  	s22 =	simm.s32 $0x1BFF;
	s21 =	sshll.u32 s6, $0x1;
	s3 =	sadd.s32 s4, s19  }
0x9c: {  	s7 =	simm.s32 $0x0;
	s20 =	sshll.u32 s5, $0x1;
	s5 =	sadd.s32 s21, s3  }
0x9d: {  	[timem:s7], [sflag:s22] =	dma.local [hbm:s5], s20  }
0x9e: {  	_ =	swait.ge [sflag:s22], s20  }
0x9f: {  	s4 =	ssub.s32 $0x0, s20;
	[sflag:s22] =	ssyncset.done $0x0  }
0xa0: {  	[sflag:s22] =	ssyncadd.s32 s4;
	_ =	sdelay $0x1  }
0xa1: {  	s23 =	simm.s32 $0x1B8B  }
0xa2: {  	_ =	swait.ge [sflag:s23], $0x1  }
0xa3: {  	[sflag:s23] =	ssyncset.done $0x0  }
0xa4: {  	s25 =	simm.s32 $0x1B8E;
	s24 =	sld [smem:$0x3FFE];
	[sflag:s23] =	ssyncadd.s32 $0xFFFFFFFF  }
0xa5: {  	s26 =	simm.s32 $execute0_lowered;
	[smem:$0x3FD2] =	sst s25  }
0xa6: {  	s5 =	sshll.u32 s26, $0x1;
	_ =	strace $0x80000046;
	[dreg:$0x1] =	wrdreg $0xFFFFFFFF  }
0xa7: {  	s28 =	simm.s32 $_size_execute0_lowered;
	s3 =	sadd.s32 s3, s5;
	[dreg:$0x0] =	wrdreg $0x0  }
0xa8: {  	s5 =	sshll.u32 s28, $0x1;
	[dreg:$0x2] =	wrdreg s3  }
0xa9: {  	[dreg:$0x3] =	wrdreg s5  }
0xaa: {  	[dreg:$0x4] =	wrdreg $0xC0  }
0xab: {  	_ =	task [dreg:s7], $0x5FFFF  }
0xac: {  	[dreg:$0x1] =	wrdreg $0xFFFFFFFF  }
0xad: {  	[dreg:$0x0] =	wrdreg $0x60  }
0xae: {  	[dreg:$0x2] =	wrdreg s2  }
0xaf: {  	[dreg:$0x3] =	wrdreg s24  }
0xb0: {  	[dreg:$0x4] =	wrdreg $0xAC000  }
0xb1: {  	[dreg:$0x5] =	wrdreg $0x9  }
0xb2: {  	_ =	task.clear_ibuf [dreg:s7], $0x6FFFF;
	_ =	strace $0x90000046  }
0xb3: {  	s29 =	simm.s32 $0x9;
	_ =	strace $0x80000048  }
0xb4: {  	_ =	swait.ge [sflag:s29], $0x1  }
0xb5: {  	[sflag:s29] =	ssyncadd.s32 $0xFFFFFFFF  }
0xb6: {  	_ =	strace $0x90000048  }
0xb7: {  	_ =	sfence  }
0xb8: {  	s30 =	sld [smem:$0x0];
	_ =	sdelay $0x2  }
0xb9: {  	s31 =	sshll.u32 s1, $0xD;
	s1 =	sshrl.u32 s1, $0x2  }
0xba: {  	s3 =	sand.u32 $0x4000, s31;
	s1 =	sadd.s32 s1, s30  }
0xbb: {  	s0 =	sor.u32 s3, s0;
	s1 =	sshll.u32 s1, $0x11  }
0xbc: {  	s0 =	sor.u32 s1, s0  }
0xbd: {  	s0 =	sadd.s32 $0x8F2B, s0  }
0xbe: {  	[sflag:s0] =	ssyncadd.remote.s32 $0x1  }
0xbf: {  	_ =	sfence.sel $0xFFFF  }
0xc0: {  	[dreg:$0x0] =	wrdreg $0xFFFFFFFF;
	(pc) =	sbr.abs _section_cstart, $3  }
0xc1: {  	[dreg:$0x1] =	wrdreg $0xFFFFFFFF  }
0xc2: {  	_ =	task.clear_ibuf [dreg:s7], $0x2FFFF;
	_ =	strace $0x9FFFFFFF  }
0xc3: {  	(tm) =	ssettm $0x7FFFFFFF  }
tec
execute0_lowered:
.L_overlay_start_1:
0x0: {  	(tag) =	ssettag $0x1  }
0x1: {  	s1 =	rddreg [dreg:$0x0]  }
0x2: {  	s0 =	rddreg [dreg:$0x1]  }
0x3: {  	s3 =	rddreg [dreg:$0x2];
	s4 =	simm.s32 $0x0;
	s15 =	stileid.u32  }
0x4: {  	s7 =	srdreg.scid;
	s23 =	simm.s32 $0x80;
	s25 =	simm.s32 $0x100  }
0x5: {  	s28 =	simm.s32 $0x2;
	s29 =	simm.s32 $0x4;
	s2 =	smul.u32 $0x2780, s15  }
0x6: {  	s30 =	simm.s32 $0x3;
	s31 =	simm.s32 $0x5;
	s10 =	smul.u32 $0x4F000, s15  }
0x7: {  	[smem:$0x7FF] =	sst s4;
	s5 =	sadd.s32 $0x18C00, s0;
	s16 =	smul.u32 $0x13C00, s15  }
0x8: {  	s6 =	sadd.s32 $0x4C00, s0;
	s7 =	sand.u32 $0x1, s7;
	s17 =	smul.u32 $0x1400, s15  }
0x9: {  	s8 =	sshll.u32 s15, $0x1;
	s13 =	sadd.s32 $0x128400, s3;
	s24 =	smul.u32 $0x14, s15  }
0xa: {  	s11 =	sadd.s32 $0x53E00, s0;
	p0 =	seq.s32 s15, $0xF;
	s26 =	smul.u32 $0x138800, s7  }
0xb: {  	_ =	strace $0x80000047;
	s9 =	ssub.s32 $0x2, s7;
	s18 =	smul.u32 $0xA00, s7  }
0xc: {  	s8 =	sor.u32 s7, s8;
	[dreg:$0x6] =	wrdreg s23;
	s7 =	smul.u32 $0xA, s7  }
0xd: {  	[dreg:$0x7] =	wrdreg s25;
	s23 =	simm.s32 $0xD00;
	s25 =	simm.s32 $0xD80  }
0xe: {  	s2 =	sadd.s32 s2, s0;
	s12 =	sshrl.u32 s9, $0x1;
	s8 =	smul.u32 $0xA00, s8  }
0xf: {  	s10 =	sshrl.u32 s10, $0x2;
	s0 =	sadd.s32 $0x51C80, s0;
	[dreg:$0x12] =	wrdreg s23  }
0x10: {  	s19 =	sadd.s32 s17, s5;
	s23 =	simm.s32 $0x1;
	[dreg:$0x14] =	wrdreg s25  }
0x11: {  	s25 =	simm.s32 $0x400;
	s2 =	sadd.s32 $0x2CC00, s2;
	[dreg:$0x17] =	wrdreg s0  }
0x12: {  	s9 =	ssub.s32 s9, s12;
	s12 =	simm.s32 $0x900;
	[dreg:$0x16] =	wrdreg s2  }
0x13: {  	s0 =	sadd.s32 s17, s6;
	s17 =	simm.s32 $0x980;
	[dreg:$0xa] =	wrdreg s12  }
0x14: {  	s20 =	sadd.s32 s18, s19;
	s19 =	simm.s32 $0x480;
	[dreg:$0xc] =	wrdreg s17  }
0x15: {  	s10 =	sadd.s32 s10, s3;
	s14 =	sadd.s32 s5, s8;
	[dreg:$0xe] =	wrdreg s19  }
0x16: {  	s21 =	sshrl.u32 s26, $0x3;
	s8 =	sadd.s32 s6, s8;
	[dreg:$0x18] =	wrdreg s14  }
0x17: {  	s2 =	sadd.s32 s16, s26;
	s9 =	smax.u32 s9, $0x1;
	[dreg:$0x19] =	wrdreg s8  }
0x18: {  	s0 =	sadd.s32 s18, s0;
	s26 =	simm.s32 $0x880;
	[dreg:$0x1c] =	wrdreg s9  }
0x19: {  	s16 =	simm.s32 $0x200;
	s18 =	simm.s32 $0xA00;
	[dreg:$0x8] =	wrdreg s26  }
0x1a: {  	s19 =	simm.s32 $0x800;
	s2 =	sshrl.u32 s2, $0x3;
	[dreg:$0xb] =	wrdreg s16  }
0x1b: {  	s8 =	sadd.s32 s11, s21;
	s0 =	sadd.s32 $0x80, s0;
	[dreg:$0xd] =	wrdreg s18  }
0x1c: {  	s14 =	sadd.s32 s7, s24;
	s21 =	simm.s32 $0xC80;
	[dreg:$0x5] =	wrdreg s0  }
0x1d: {  	s18 =	simm.s32 $0x9;
	s24 =	simm.s32 $0x600;
	[dreg:$0x10] =	wrdreg s21  }
0x1e: {  	s26 =	simm.s32 $0xE00;
	s7 =	simm.s32 $0x7;
	[dreg:$0x13] =	wrdreg s24  }
0x1f: {  	s2 =	sadd.s32 s11, s2;
	s22 =	sadd.s32 $0x25080, s8;
	[dreg:$0x15] =	wrdreg s26  }
0x20: {  	s11 =	simm.s32 $0x180;
	s21 =	simm.s32 $0x1000;
	[dreg:$0x1a] =	wrdreg s2  }
0x21: {  	s24 =	simm.s32 $0x7800;
	s26 =	simm.s32 $0xC00;
	[dreg:$0x1b] =	wrdreg s22  }
0x22: {  	s0 =	simm.s32 $0x6;
	s2 =	sadd.s32 $0x80, s20;
	[dreg:$0x9] =	wrdreg s11  }
0x23: {  	s8 =	simm.s32 $0x0;
	s20 =	simm.s32 $0x500;
	[dreg:$0x4] =	wrdreg s2  }
0x24: {  	s11 =	sshrl.u32 @p0 s13, $0x3;
	s22 =	simm.s32 $0x580;
	[dreg:$0xf] =	wrdreg s20  }
0x25: {  	s13 =	sshrl.u32 @!p0 s10, $0x3;
	s2 =	sshll.u32 @!p0 s15, $0x6;
	[dreg:$0x11] =	wrdreg s22  }
0x26: {  	s20 =	simm.s32 $0x64;
	[dreg:$0x1e] =	wrdreg s13;
	s12 =	sor.u32 @!p0 $0x1C09, s2  }
0x27: {  	s22 =	simm.s32 $0x4400;
	s2 =	simm.s32 $0x8;
	[dreg:$0x1d] =	wrdreg s12  }
.LBB2_1:
0x28: {  	s9 =	simm.s32 @p0 $0x1FC9;
	s10 =	rddreg [dreg:$0x17]  }
0x29: {  	[spmem:s11], [sflag:s9] =	dma.local @p0 [hbm:s10], $0x2080  }
0x2a: {  	s9 =	simm.s32 @p0 $0x9  }
0x2b: {  	_ =	swait.ge @p0 [sflag:s9], $0x2080  }
0x2c: {  	[sflag:s9] =	ssyncset.done @p0 $0x0  }
0x2d: {  	[sflag:s9] =	ssyncadd.s32 @p0 $0xFFFFDF80;
	s9 =	rddreg [dreg:$0x16]  }
0x2e: {  	[spmem:s13], [sflag:s12] =	dma.local @!p0 [hbm:s9], $0x2780  }
0x2f: {  	s9 =	simm.s32 @!p0 $0x9  }
0x30: {  	_ =	swait.ge @!p0 [sflag:s9], $0x2780  }
0x31: {  	[sflag:s9] =	ssyncset.done @!p0 $0x0  }
0x32: {  	[sflag:s9] =	ssyncadd.s32 @!p0 $0xFFFFD880  }
0x33: {  	[bflag:$0x0] =	sbarrier.arrive $0xFFFF  }
0x34: {  	s12 =	rddreg [dreg:$0x18]  }
0x35: {  	[tilespmem:s4], [sflag:$0x9] =	stream.linear.gather [hbm4b:s12+s4], $0x280, $0x38;
	[tilespmem:$0x1E480] =	vst v63  }
0x36: {  	_ =	swait.ge [sflag:s18], $0x280  }
0x37: {  	[sflag:s18] =	ssyncset.done $0x0  }
0x38: {  	s13 =	rddreg [dreg:$0x19];
	[sflag:s18] =	ssyncadd.s32 $0xFFFFFD80  }
0x39: {  	[tilespmem:s19], [sflag:$0x9] =	stream.linear.gather [hbm4b:s13+s4], $0x280, $0x38;
	[tilespmem:$0x1E480] =	vst v63  }
0x3a: {  	p1 =	por $0x1, $0x1;
	_ =	swait.ge [sflag:s18], $0x280  }
0x3b: {  	p1 =	por p1, p1;
	[sflag:s18] =	ssyncset.done $0x0  }
0x3c: {  	s9 =	simm.s32 @!p1 $0x5;
	[sflag:s18] =	ssyncadd.s32 $0xFFFFFD80  }
0x3d: {  	_ =	swait.ge @!p1 [sflag:s9], $0x3200  }
0x3e: {  	[sflag:s9] =	ssyncset.done @!p1 $0x0  }
0x3f: {  	[sflag:s9] =	ssyncadd.s32 @!p1 $0xFFFFCE00;
	s9 =	simm.s32 @!p1 $0x6  }
0x40: {  	_ =	swait.ge @!p1 [sflag:s9], $0x3200  }
0x41: {  	[sflag:s9] =	ssyncset.done @!p1 $0x0  }
0x42: {  	[sflag:s9] =	ssyncadd.s32 @!p1 $0xFFFFCE00;
	s9 =	simm.s32 @!p1 $0x4  }
0x43: {  	_ =	swait.ge @!p1 [sflag:s9], $0x3200  }
0x44: {  	[sflag:s9] =	ssyncset.done @!p1 $0x0  }
0x45: {  	[sflag:s9] =	ssyncadd.s32 @!p1 $0xFFFFCE00;
	s9 =	simm.s32 @!p1 $0x7  }
0x46: {  	_ =	swait.ge @!p1 [sflag:s9], $0x280  }
0x47: {  	[sflag:s9] =	ssyncset.done @!p1 $0x0  }
0x48: {  	[sflag:s9] =	ssyncadd.s32 @!p1 $0xFFFFFD80  }
0x49: {  	_ =	swait.ge @!p1 [sflag:s9], $0x280  }
0x4a: {  	[sflag:s9] =	ssyncset.done @!p1 $0x0  }
0x4b: {  	[sflag:s9] =	ssyncadd.s32 @!p1 $0xFFFFFD80  }
0x4c: {  	[tilespmem:s21], [sflag:$0x1] =	stream.indirect.gather [hbm4b:s1+s20], $0x80, s4, s20, $0xb8;
	[tilespmem:$0x1E480] =	vst v63  }
0x4d: {  	s15 =	rddreg [dreg:$0x6]  }
0x4e: {  	[tilespmem:s22], [sflag:$0x2] =	stream.indirect.gather [hbm4b:s1+s20], $0x80, s15, s20, $0xb8;
	[tilespmem:$0x1E480] =	vst v63  }
0x4f: {  	_ =	swait.ge [sflag:s23], $0x3200  }
0x50: {  	[sflag:s23] =	ssyncset.done $0x0  }
0x51: {  	s16 =	rddreg [dreg:$0x4];
	[sflag:s23] =	ssyncadd.s32 $0xFFFFCE00  }
0x52: {  	[spmem:s3] =	stream.indirect.scatter.add.f32 [tilespmem:s21], [sflag:$0x4], $0x80, s19, s20, $0xb8;
	[tilespmem:$0x1E480] =	vst v63  }
0x53: {  	s17 =	smov.u32 s11;
	s11 =	rddreg [dreg:$0x7]  }
0x54: {  	[tilespmem:s24], [sflag:$0x3] =	stream.indirect.gather [hbm4b:s1+s20], $0x80, s11, s20, $0xb8;
	[tilespmem:$0x1E480] =	vst v63  }
0x55: {  	s12 =	rddreg [dreg:$0x5];
	s9 =	sadd.s32 $0x0, s16  }
0x56: {  	[tilespmem:s25], [sflag:$0x8] =	stream.linear.gather [hbm4b:s9+s4], $0x280, $0x38;
	[tilespmem:$0x1E480] =	vst v63  }
0x57: {  	s13 =	sadd.s32 $0x0, s12  }
0x58: {  	[tilespmem:s26], [sflag:$0x8] =	stream.linear.gather [hbm4b:s13+s4], $0x280, $0x38;
	[tilespmem:$0x1E480] =	vst v63  }
0x59: {  	_ =	swait.ge [sflag:s28], $0x3200  }
0x5a: {  	[sflag:s28] =	ssyncset.done $0x0  }
0x5b: {  	s15 =	rddreg [dreg:$0x8];
	[sflag:s28] =	ssyncadd.s32 $0xFFFFCE00  }
0x5c: {  	[spmem:s3] =	stream.indirect.scatter.add.f32 [tilespmem:s22], [sflag:$0x5], $0x80, s15, s20, $0xb8;
	[tilespmem:$0x1E480] =	vst v63  }
0x5d: {  	_ =	swait.ge [sflag:s29], $0x3200  }
0x5e: {  	[sflag:s29] =	ssyncset.done $0x0  }
0x5f: {  	s16 =	rddreg [dreg:$0x9];
	[sflag:s29] =	ssyncadd.s32 $0xFFFFCE00  }
0x60: {  	[tilespmem:s21], [sflag:$0x1] =	stream.indirect.gather [hbm4b:s1+s20], $0x80, s16, s20, $0xb8;
	[tilespmem:$0x1E480] =	vst v63  }
0x61: {  	_ =	swait.ge [sflag:s30], $0x3200  }
0x62: {  	[sflag:s30] =	ssyncset.done $0x0  }
0x63: {  	s10 =	rddreg [dreg:$0xa];
	[sflag:s30] =	ssyncadd.s32 $0xFFFFCE00  }
0x64: {  	[spmem:s3] =	stream.indirect.scatter.add.f32 [tilespmem:s24], [sflag:$0x6], $0x80, s10, s20, $0xb8;
	[tilespmem:$0x1E480] =	vst v63  }
0x65: {  	_ =	swait.ge [sflag:s31], $0x3200  }
0x66: {  	[sflag:s31] =	ssyncset.done $0x0  }
0x67: {  	s11 =	rddreg [dreg:$0xb];
	[sflag:s31] =	ssyncadd.s32 $0xFFFFCE00  }
0x68: {  	[tilespmem:s22], [sflag:$0x2] =	stream.indirect.gather [hbm4b:s1+s20], $0x80, s11, s20, $0xb8;
	[tilespmem:$0x1E480] =	vst v63  }
0x69: {  	_ =	swait.ge [sflag:s23], $0x3200  }
0x6a: {  	[sflag:s23] =	ssyncset.done $0x0  }
0x6b: {  	s12 =	rddreg [dreg:$0xc];
	[sflag:s23] =	ssyncadd.s32 $0xFFFFCE00  }
0x6c: {  	[spmem:s3] =	stream.indirect.scatter.add.f32 [tilespmem:s21], [sflag:$0x4], $0x80, s12, s20, $0xb8;
	[tilespmem:$0x1E480] =	vst v63  }
0x6d: {  	_ =	swait.ge [sflag:s0], $0x3200  }
0x6e: {  	[sflag:s0] =	ssyncset.done $0x0  }
0x6f: {  	[sflag:s0] =	ssyncadd.s32 $0xFFFFCE00  }
0x70: {  	[tilespmem:s24], [sflag:$0x3] =	stream.indirect.gather [hbm4b:s1+s20], $0x80, s25, s20, $0xb8;
	[tilespmem:$0x1E480] =	vst v63  }
0x71: {  	_ =	swait.ge [sflag:s2], $0x280  }
0x72: {  	[sflag:s2] =	ssyncset.done $0x0  }
0x73: {  	[sflag:s2] =	ssyncadd.s32 $0xFFFFFD80  }
0x74: {  	_ =	swait.ge [sflag:s2], $0x280  }
0x75: {  	[sflag:s2] =	ssyncset.done $0x0  }
0x76: {  	[sflag:s2] =	ssyncadd.s32 $0xFFFFFD80  }
0x77: {  	_ =	swait.ge [sflag:s28], $0x3200  }
0x78: {  	[sflag:s28] =	ssyncset.done $0x0  }
0x79: {  	s13 =	rddreg [dreg:$0xd];
	[sflag:s28] =	ssyncadd.s32 $0xFFFFCE00  }
0x7a: {  	[spmem:s3] =	stream.indirect.scatter.add.f32 [tilespmem:s22], [sflag:$0x5], $0x80, s13, s20, $0xb8;
	[tilespmem:$0x1E480] =	vst v63  }
0x7b: {  	_ =	swait.ge [sflag:s29], $0x3200  }
0x7c: {  	[sflag:s29] =	ssyncset.done $0x0  }
0x7d: {  	s15 =	rddreg [dreg:$0xe];
	[sflag:s29] =	ssyncadd.s32 $0xFFFFCE00  }
0x7e: {  	[tilespmem:s21], [sflag:$0x1] =	stream.indirect.gather [hbm4b:s1+s20], $0x80, s15, s20, $0xb8;
	[tilespmem:$0x1E480] =	vst v63  }
0x7f: {  	_ =	swait.ge [sflag:s30], $0x3200  }
0x80: {  	[sflag:s30] =	ssyncset.done $0x0  }
0x81: {  	[sflag:s30] =	ssyncadd.s32 $0xFFFFCE00  }
0x82: {  	[spmem:s3] =	stream.indirect.scatter.add.f32 [tilespmem:s24], [sflag:$0x6], $0x80, s26, s20, $0xb8;
	[tilespmem:$0x1E480] =	vst v63  }
0x83: {  	_ =	swait.ge [sflag:s31], $0x3200  }
0x84: {  	[sflag:s31] =	ssyncset.done $0x0  }
0x85: {  	s16 =	rddreg [dreg:$0xf];
	[sflag:s31] =	ssyncadd.s32 $0xFFFFCE00  }
0x86: {  	[tilespmem:s22], [sflag:$0x2] =	stream.indirect.gather [hbm4b:s1+s20], $0x80, s16, s20, $0xb8;
	[tilespmem:$0x1E480] =	vst v63  }
0x87: {  	_ =	swait.ge [sflag:s23], $0x3200  }
0x88: {  	[sflag:s23] =	ssyncset.done $0x0  }
0x89: {  	s10 =	rddreg [dreg:$0x10];
	[sflag:s23] =	ssyncadd.s32 $0xFFFFCE00  }
0x8a: {  	[spmem:s3] =	stream.indirect.scatter.add.f32 [tilespmem:s21], [sflag:$0x4], $0x80, s10, s20, $0xb8;
	[tilespmem:$0x1E480] =	vst v63  }
0x8b: {  	p1 =	slt.s32 s14, $0x13E;
	s10 =	smov.u32 s14  }
0x8c: {  	_ =	swait.ge [sflag:s0], $0x3200;
	s10 =	simm.s32 @!p1 $0x13E  }
0x8d: {  	[sflag:s0] =	ssyncset.done $0x0;
	s10 =	sshll.u32 s10, $0x8  }
0x8e: {  	s11 =	rddreg [dreg:$0x11];
	[sflag:s0] =	ssyncadd.s32 $0xFFFFCE00;
	s12 =	sadd.s32 $0x100, s10  }
0x8f: {  	[tilespmem:s24], [sflag:$0x3] =	stream.indirect.gather [hbm4b:s1+s20], $0x80, s11, s20, $0xb8;
	[tilespmem:$0x1E480] =	vst v63  }
0x90: {  	s10 =	sadd.s32 s5, s12  }
0x91: {  	[tilespmem:s4], [sflag:$0x7] =	stream.linear.gather [hbm4b:s10+s4], $0x280, $0x38;
	[tilespmem:$0x1E480] =	vst v63  }
0x92: {  	s9 =	sadd.s32 s6, s12  }
0x93: {  	[tilespmem:s19], [sflag:$0x7] =	stream.linear.gather [hbm4b:s9+s4], $0x280, $0x38;
	[tilespmem:$0x1E480] =	vst v63  }
0x94: {  	_ =	swait.ge [sflag:s28], $0x3200  }
0x95: {  	[sflag:s28] =	ssyncset.done $0x0  }
0x96: {  	s13 =	rddreg [dreg:$0x12];
	[sflag:s28] =	ssyncadd.s32 $0xFFFFCE00  }
0x97: {  	[spmem:s3] =	stream.indirect.scatter.add.f32 [tilespmem:s22], [sflag:$0x5], $0x80, s13, s20, $0xb8;
	[tilespmem:$0x1E480] =	vst v63  }
0x98: {  	_ =	swait.ge [sflag:s29], $0x3200  }
0x99: {  	[sflag:s29] =	ssyncset.done $0x0  }
0x9a: {  	s15 =	rddreg [dreg:$0x13];
	[sflag:s29] =	ssyncadd.s32 $0xFFFFCE00  }
0x9b: {  	[tilespmem:s21], [sflag:$0x1] =	stream.indirect.gather [hbm4b:s1+s20], $0x80, s15, s20, $0xb8;
	[tilespmem:$0x1E480] =	vst v63  }
0x9c: {  	_ =	swait.ge [sflag:s30], $0x3200  }
0x9d: {  	[sflag:s30] =	ssyncset.done $0x0  }
0x9e: {  	p6 =	por $0x0, $0x0;
	s16 =	rddreg [dreg:$0x14];
	[sflag:s30] =	ssyncadd.s32 $0xFFFFCE00  }
0x9f: {  	[spmem:s3] =	stream.indirect.scatter.add.f32 [tilespmem:s24], [sflag:$0x6], $0x80, s16, s20, $0xb8;
	[tilespmem:$0x1E480] =	vst v63  }
0xa0: {  	p1 =	por p6, p6;
	_ =	swait.ge [sflag:s23], $0x3200  }
0xa1: {  	s11 =	simm.s32 $0x200;
	s10 =	simm.s32 $0x100;
	[sflag:s23] =	ssyncset.done $0x0  }
0xa2: {  	s9 =	sadd.s32 $0x1, s14;
	s13 =	rddreg [dreg:$0x15];
	[sflag:s23] =	ssyncadd.s32 $0xFFFFCE00  }
.LBB2_2:
0xa3: {  	s15 =	simm.s32 @!p1 $0x5  }
0xa4: {  	[spmem:s3] =	stream.indirect.scatter.add.f32 [tilespmem:s21], [sflag:$0x4], $0x80, s13, s20, $0xb8;
	[tilespmem:$0x1E480] =	vst v63  }
0xa5: {  	_ =	swait.ge @!p1 [sflag:s15], $0x3200  }
0xa6: {  	[sflag:s15] =	ssyncset.done @!p1 $0x0  }
0xa7: {  	s13 =	simm.s32 @!p1 $0x6;
	[sflag:s15] =	ssyncadd.s32 @!p1 $0xFFFFCE00  }
0xa8: {  	_ =	swait.ge @!p1 [sflag:s13], $0x3200  }
0xa9: {  	[sflag:s13] =	ssyncset.done @!p1 $0x0  }
0xaa: {  	[sflag:s13] =	ssyncadd.s32 @!p1 $0xFFFFCE00;
	s13 =	simm.s32 @!p1 $0x4  }
0xab: {  	_ =	swait.ge @!p1 [sflag:s13], $0x3200  }
0xac: {  	[sflag:s13] =	ssyncset.done @!p1 $0x0  }
0xad: {  	[sflag:s13] =	ssyncadd.s32 @!p1 $0xFFFFCE00;
	s13 =	simm.s32 @!p1 $0x7  }
0xae: {  	_ =	swait.ge @!p1 [sflag:s13], $0x280  }
0xaf: {  	[sflag:s13] =	ssyncset.done @!p1 $0x0  }
0xb0: {  	[sflag:s13] =	ssyncadd.s32 @!p1 $0xFFFFFD80  }
0xb1: {  	_ =	swait.ge @!p1 [sflag:s13], $0x280  }
0xb2: {  	[sflag:s13] =	ssyncset.done @!p1 $0x0  }
0xb3: {  	[sflag:s13] =	ssyncadd.s32 @!p1 $0xFFFFFD80  }
0xb4: {  	[tilespmem:s21], [sflag:$0x1] =	stream.indirect.gather [hbm4b:s1+s20], $0x80, s4, s20, $0xb8;
	[tilespmem:$0x1E480] =	vst v63  }
0xb5: {  	s15 =	rddreg [dreg:$0x6]  }
0xb6: {  	[tilespmem:s22], [sflag:$0x2] =	stream.indirect.gather [hbm4b:s1+s20], $0x80, s15, s20, $0xb8;
	[tilespmem:$0x1E480] =	vst v63  }
0xb7: {  	_ =	swait.ge [sflag:s23], $0x3200  }
0xb8: {  	[sflag:s23] =	ssyncset.done $0x0  }
0xb9: {  	s13 =	rddreg [dreg:$0x4];
	[sflag:s23] =	ssyncadd.s32 $0xFFFFCE00  }
0xba: {  	[spmem:s3] =	stream.indirect.scatter.add.f32 [tilespmem:s21], [sflag:$0x4], $0x80, s19, s20, $0xb8;
	[tilespmem:$0x1E480] =	vst v63  }
0xbb: {  	s15 =	rddreg [dreg:$0x7]  }
0xbc: {  	[tilespmem:s24], [sflag:$0x3] =	stream.indirect.gather [hbm4b:s1+s20], $0x80, s15, s20, $0xb8;
	[tilespmem:$0x1E480] =	vst v63  }
0xbd: {  	s16 =	rddreg [dreg:$0x5];
	s13 =	sadd.s32 s10, s13  }
0xbe: {  	[tilespmem:s25], [sflag:$0x8] =	stream.linear.gather [hbm4b:s13+s4], $0x280, $0x38;
	[tilespmem:$0x1E480] =	vst v63  }
0xbf: {  	s16 =	sadd.s32 s10, s16  }
0xc0: {  	[tilespmem:s26], [sflag:$0x8] =	stream.linear.gather [hbm4b:s16+s4], $0x280, $0x38;
	[tilespmem:$0x1E480] =	vst v63  }
0xc1: {  	_ =	swait.ge [sflag:s28], $0x3200  }
0xc2: {  	[sflag:s28] =	ssyncset.done $0x0  }
0xc3: {  	s15 =	rddreg [dreg:$0x8];
	[sflag:s28] =	ssyncadd.s32 $0xFFFFCE00  }
0xc4: {  	[spmem:s3] =	stream.indirect.scatter.add.f32 [tilespmem:s22], [sflag:$0x5], $0x80, s15, s20, $0xb8;
	[tilespmem:$0x1E480] =	vst v63  }
0xc5: {  	_ =	swait.ge [sflag:s29], $0x3200  }
0xc6: {  	[sflag:s29] =	ssyncset.done $0x0  }
0xc7: {  	s16 =	rddreg [dreg:$0x9];
	[sflag:s29] =	ssyncadd.s32 $0xFFFFCE00  }
0xc8: {  	[tilespmem:s21], [sflag:$0x1] =	stream.indirect.gather [hbm4b:s1+s20], $0x80, s16, s20, $0xb8;
	[tilespmem:$0x1E480] =	vst v63  }
0xc9: {  	_ =	swait.ge [sflag:s30], $0x3200  }
0xca: {  	[sflag:s30] =	ssyncset.done $0x0  }
0xcb: {  	s13 =	rddreg [dreg:$0xa];
	[sflag:s30] =	ssyncadd.s32 $0xFFFFCE00  }
0xcc: {  	[spmem:s3] =	stream.indirect.scatter.add.f32 [tilespmem:s24], [sflag:$0x6], $0x80, s13, s20, $0xb8;
	[tilespmem:$0x1E480] =	vst v63  }
0xcd: {  	_ =	swait.ge [sflag:s31], $0x3200  }
0xce: {  	[sflag:s31] =	ssyncset.done $0x0  }
0xcf: {  	s15 =	rddreg [dreg:$0xb];
	[sflag:s31] =	ssyncadd.s32 $0xFFFFCE00  }
0xd0: {  	[tilespmem:s22], [sflag:$0x2] =	stream.indirect.gather [hbm4b:s1+s20], $0x80, s15, s20, $0xb8;
	[tilespmem:$0x1E480] =	vst v63  }
0xd1: {  	_ =	swait.ge [sflag:s23], $0x3200  }
0xd2: {  	[sflag:s23] =	ssyncset.done $0x0  }
0xd3: {  	s16 =	rddreg [dreg:$0xc];
	[sflag:s23] =	ssyncadd.s32 $0xFFFFCE00  }
0xd4: {  	[spmem:s3] =	stream.indirect.scatter.add.f32 [tilespmem:s21], [sflag:$0x4], $0x80, s16, s20, $0xb8;
	[tilespmem:$0x1E480] =	vst v63  }
0xd5: {  	_ =	swait.ge [sflag:s0], $0x3200  }
0xd6: {  	[sflag:s0] =	ssyncset.done $0x0  }
0xd7: {  	[sflag:s0] =	ssyncadd.s32 $0xFFFFCE00  }
0xd8: {  	[tilespmem:s24], [sflag:$0x3] =	stream.indirect.gather [hbm4b:s1+s20], $0x80, s25, s20, $0xb8;
	[tilespmem:$0x1E480] =	vst v63  }
0xd9: {  	_ =	swait.ge [sflag:s2], $0x280  }
0xda: {  	[sflag:s2] =	ssyncset.done $0x0  }
0xdb: {  	[sflag:s2] =	ssyncadd.s32 $0xFFFFFD80  }
0xdc: {  	_ =	swait.ge [sflag:s2], $0x280  }
0xdd: {  	[sflag:s2] =	ssyncset.done $0x0  }
0xde: {  	[sflag:s2] =	ssyncadd.s32 $0xFFFFFD80  }
0xdf: {  	_ =	swait.ge [sflag:s28], $0x3200  }
0xe0: {  	[sflag:s28] =	ssyncset.done $0x0  }
0xe1: {  	s13 =	rddreg [dreg:$0xd];
	[sflag:s28] =	ssyncadd.s32 $0xFFFFCE00  }
0xe2: {  	[spmem:s3] =	stream.indirect.scatter.add.f32 [tilespmem:s22], [sflag:$0x5], $0x80, s13, s20, $0xb8;
	[tilespmem:$0x1E480] =	vst v63  }
0xe3: {  	_ =	swait.ge [sflag:s29], $0x3200  }
0xe4: {  	[sflag:s29] =	ssyncset.done $0x0  }
0xe5: {  	s15 =	rddreg [dreg:$0xe];
	[sflag:s29] =	ssyncadd.s32 $0xFFFFCE00  }
0xe6: {  	[tilespmem:s21], [sflag:$0x1] =	stream.indirect.gather [hbm4b:s1+s20], $0x80, s15, s20, $0xb8;
	[tilespmem:$0x1E480] =	vst v63  }
0xe7: {  	_ =	swait.ge [sflag:s30], $0x3200  }
0xe8: {  	[sflag:s30] =	ssyncset.done $0x0  }
0xe9: {  	[sflag:s30] =	ssyncadd.s32 $0xFFFFCE00  }
0xea: {  	[spmem:s3] =	stream.indirect.scatter.add.f32 [tilespmem:s24], [sflag:$0x6], $0x80, s26, s20, $0xb8;
	[tilespmem:$0x1E480] =	vst v63  }
0xeb: {  	_ =	swait.ge [sflag:s31], $0x3200  }
0xec: {  	[sflag:s31] =	ssyncset.done $0x0  }
0xed: {  	s16 =	rddreg [dreg:$0xf];
	[sflag:s31] =	ssyncadd.s32 $0xFFFFCE00  }
0xee: {  	[tilespmem:s22], [sflag:$0x2] =	stream.indirect.gather [hbm4b:s1+s20], $0x80, s16, s20, $0xb8;
	[tilespmem:$0x1E480] =	vst v63  }
0xef: {  	_ =	swait.ge [sflag:s23], $0x3200  }
0xf0: {  	[sflag:s23] =	ssyncset.done $0x0  }
0xf1: {  	p3 =	seq.s32 s11, $0x0;
	s13 =	rddreg [dreg:$0x10];
	[sflag:s23] =	ssyncadd.s32 $0xFFFFCE00  }
0xf2: {  	[spmem:s3] =	stream.indirect.scatter.add.f32 [tilespmem:s21], [sflag:$0x4], $0x80, s13, s20, $0xb8;
	[tilespmem:$0x1E480] =	vst v63  }
0xf3: {  	p1 =	por p3, p3;
	p3 =	slt.s32 s9, $0x13E;
	s13 =	smov.u32 s9  }
0xf4: {  	_ =	swait.ge [sflag:s0], $0x3200;
	s13 =	simm.s32 @!p3 $0x13E  }
0xf5: {  	[sflag:s0] =	ssyncset.done $0x0;
	s13 =	sshll.u32 s13, $0x8  }
0xf6: {  	s15 =	rddreg [dreg:$0x11];
	[sflag:s0] =	ssyncadd.s32 $0xFFFFCE00;
	s16 =	sadd.s32 $0x100, s13  }
0xf7: {  	[tilespmem:s24], [sflag:$0x3] =	stream.indirect.gather [hbm4b:s1+s20], $0x80, s15, s20, $0xb8;
	[tilespmem:$0x1E480] =	vst v63  }
0xf8: {  	s12 =	smov.u32 s11;
	s13 =	sadd.s32 s5, s16  }
0xf9: {  	[tilespmem:s4], [sflag:$0x7] =	stream.linear.gather [hbm4b:s13+s4], $0x280, $0x38;
	[tilespmem:$0x1E480] =	vst v63  }
0xfa: {  	s10 =	smov.u32 s12;
	s12 =	sadd.s32 s6, s16  }
0xfb: {  	[tilespmem:s19], [sflag:$0x7] =	stream.linear.gather [hbm4b:s12+s4], $0x280, $0x38;
	[tilespmem:$0x1E480] =	vst v63  }
0xfc: {  	_ =	swait.ge [sflag:s28], $0x3200  }
0xfd: {  	[sflag:s28] =	ssyncset.done $0x0  }
0xfe: {  	s13 =	rddreg [dreg:$0x12];
	[sflag:s28] =	ssyncadd.s32 $0xFFFFCE00  }
0xff: {  	[spmem:s3] =	stream.indirect.scatter.add.f32 [tilespmem:s22], [sflag:$0x5], $0x80, s13, s20, $0xb8;
	[tilespmem:$0x1E480] =	vst v63  }
0x100: {  	_ =	swait.ge [sflag:s29], $0x3200  }
0x101: {  	[sflag:s29] =	ssyncset.done $0x0  }
0x102: {  	s15 =	rddreg [dreg:$0x13];
	[sflag:s29] =	ssyncadd.s32 $0xFFFFCE00  }
0x103: {  	[tilespmem:s21], [sflag:$0x1] =	stream.indirect.gather [hbm4b:s1+s20], $0x80, s15, s20, $0xb8;
	[tilespmem:$0x1E480] =	vst v63  }
0x104: {  	s11 =	sadd.s32 $0x100, s11;
	_ =	swait.ge [sflag:s30], $0x3200  }
0x105: {  	p2 =	sne.s32 s11, $0xA00;
	[sflag:s30] =	ssyncset.done $0x0  }
.Ltmp0:
0x106: {  	s16 =	rddreg [dreg:$0x14];
	[sflag:s30] =	ssyncadd.s32 $0xFFFFCE00;
	(pc) =	sbr.rel @p2 .LBB2_2-.Ltmp0, $4  }
0x107: {  	[spmem:s3] =	stream.indirect.scatter.add.f32 [tilespmem:s24], [sflag:$0x6], $0x80, s16, s20, $0xb8;
	[tilespmem:$0x1E480] =	vst v63  }
0x108: {  	_ =	swait.ge [sflag:s23], $0x3200  }
0x109: {  	[sflag:s23] =	ssyncset.done $0x0  }
0x10a: {  	s9 =	sadd.s32 $0x1, s9;
	s13 =	rddreg [dreg:$0x15];
	[sflag:s23] =	ssyncadd.s32 $0xFFFFCE00  }
0x10b: {  	s11 =	simm.s32 @!p1 $0x5  }
0x10c: {  	[spmem:s3] =	stream.indirect.scatter.add.f32 [tilespmem:s21], [sflag:$0x4], $0x80, s13, s20, $0xb8;
	[tilespmem:$0x1E480] =	vst v63  }
0x10d: {  	_ =	swait.ge @!p1 [sflag:s11], $0x3200  }
0x10e: {  	[sflag:s11] =	ssyncset.done @!p1 $0x0  }
0x10f: {  	[sflag:s11] =	ssyncadd.s32 @!p1 $0xFFFFCE00;
	s11 =	simm.s32 @!p1 $0x6  }
0x110: {  	_ =	swait.ge @!p1 [sflag:s11], $0x3200  }
0x111: {  	[sflag:s11] =	ssyncset.done @!p1 $0x0  }
0x112: {  	[sflag:s11] =	ssyncadd.s32 @!p1 $0xFFFFCE00;
	s11 =	simm.s32 @!p1 $0x4  }
0x113: {  	_ =	swait.ge @!p1 [sflag:s11], $0x3200  }
0x114: {  	[sflag:s11] =	ssyncset.done @!p1 $0x0  }
0x115: {  	[sflag:s11] =	ssyncadd.s32 @!p1 $0xFFFFCE00;
	s11 =	simm.s32 @!p1 $0x7  }
0x116: {  	_ =	swait.ge @!p1 [sflag:s11], $0x280  }
0x117: {  	[sflag:s11] =	ssyncset.done @!p1 $0x0  }
0x118: {  	[sflag:s11] =	ssyncadd.s32 @!p1 $0xFFFFFD80  }
0x119: {  	_ =	swait.ge @!p1 [sflag:s11], $0x280  }
0x11a: {  	[sflag:s11] =	ssyncset.done @!p1 $0x0  }
0x11b: {  	[sflag:s11] =	ssyncadd.s32 @!p1 $0xFFFFFD80  }
0x11c: {  	[tilespmem:s21], [sflag:$0x1] =	stream.indirect.gather [hbm4b:s1+s20], $0x80, s4, s20, $0xb8;
	[tilespmem:$0x1E480] =	vst v63  }
0x11d: {  	s12 =	rddreg [dreg:$0x6]  }
0x11e: {  	[tilespmem:s22], [sflag:$0x2] =	stream.indirect.gather [hbm4b:s1+s20], $0x80, s12, s20, $0xb8;
	[tilespmem:$0x1E480] =	vst v63  }
0x11f: {  	_ =	swait.ge [sflag:s23], $0x3200  }
0x120: {  	[sflag:s23] =	ssyncset.done $0x0  }
0x121: {  	s13 =	rddreg [dreg:$0x7];
	[sflag:s23] =	ssyncadd.s32 $0xFFFFCE00  }
0x122: {  	[spmem:s3] =	stream.indirect.scatter.add.f32 [tilespmem:s21], [sflag:$0x4], $0x80, s19, s20, $0xb8;
	[tilespmem:$0x1E480] =	vst v63  }
0x123: {  	s12 =	rddreg [dreg:$0x4]  }
0x124: {  	[tilespmem:s24], [sflag:$0x3] =	stream.indirect.gather [hbm4b:s1+s20], $0x80, s13, s20, $0xb8;
	[tilespmem:$0x1E480] =	vst v63  }
0x125: {  	s15 =	rddreg [dreg:$0x5];
	s12 =	sadd.s32 s10, s12  }
0x126: {  	[tilespmem:s25], [sflag:$0x8] =	stream.linear.gather [hbm4b:s12+s4], $0x280, $0x38;
	[tilespmem:$0x1E480] =	vst v63  }
0x127: {  	s16 =	sadd.s32 s10, s15  }
0x128: {  	[tilespmem:s26], [sflag:$0x8] =	stream.linear.gather [hbm4b:s16+s4], $0x280, $0x38;
	[tilespmem:$0x1E480] =	vst v63  }
0x129: {  	_ =	swait.ge [sflag:s28], $0x3200  }
0x12a: {  	[sflag:s28] =	ssyncset.done $0x0  }
0x12b: {  	s11 =	rddreg [dreg:$0x8];
	[sflag:s28] =	ssyncadd.s32 $0xFFFFCE00  }
0x12c: {  	[spmem:s3] =	stream.indirect.scatter.add.f32 [tilespmem:s22], [sflag:$0x5], $0x80, s11, s20, $0xb8;
	[tilespmem:$0x1E480] =	vst v63  }
0x12d: {  	_ =	swait.ge [sflag:s29], $0x3200  }
0x12e: {  	[sflag:s29] =	ssyncset.done $0x0  }
0x12f: {  	s12 =	rddreg [dreg:$0x9];
	[sflag:s29] =	ssyncadd.s32 $0xFFFFCE00  }
0x130: {  	[tilespmem:s21], [sflag:$0x1] =	stream.indirect.gather [hbm4b:s1+s20], $0x80, s12, s20, $0xb8;
	[tilespmem:$0x1E480] =	vst v63  }
0x131: {  	_ =	swait.ge [sflag:s30], $0x3200  }
0x132: {  	[sflag:s30] =	ssyncset.done $0x0  }
0x133: {  	s13 =	rddreg [dreg:$0xa];
	[sflag:s30] =	ssyncadd.s32 $0xFFFFCE00  }
0x134: {  	[spmem:s3] =	stream.indirect.scatter.add.f32 [tilespmem:s24], [sflag:$0x6], $0x80, s13, s20, $0xb8;
	[tilespmem:$0x1E480] =	vst v63  }
0x135: {  	_ =	swait.ge [sflag:s31], $0x3200  }
0x136: {  	[sflag:s31] =	ssyncset.done $0x0  }
0x137: {  	s15 =	rddreg [dreg:$0xb];
	[sflag:s31] =	ssyncadd.s32 $0xFFFFCE00  }
0x138: {  	[tilespmem:s22], [sflag:$0x2] =	stream.indirect.gather [hbm4b:s1+s20], $0x80, s15, s20, $0xb8;
	[tilespmem:$0x1E480] =	vst v63  }
0x139: {  	_ =	swait.ge [sflag:s23], $0x3200  }
0x13a: {  	[sflag:s23] =	ssyncset.done $0x0  }
0x13b: {  	s16 =	rddreg [dreg:$0xc];
	[sflag:s23] =	ssyncadd.s32 $0xFFFFCE00  }
0x13c: {  	[spmem:s3] =	stream.indirect.scatter.add.f32 [tilespmem:s21], [sflag:$0x4], $0x80, s16, s20, $0xb8;
	[tilespmem:$0x1E480] =	vst v63  }
0x13d: {  	_ =	swait.ge [sflag:s0], $0x3200  }
0x13e: {  	[sflag:s0] =	ssyncset.done $0x0  }
0x13f: {  	[sflag:s0] =	ssyncadd.s32 $0xFFFFCE00  }
0x140: {  	[tilespmem:s24], [sflag:$0x3] =	stream.indirect.gather [hbm4b:s1+s20], $0x80, s25, s20, $0xb8;
	[tilespmem:$0x1E480] =	vst v63  }
0x141: {  	_ =	swait.ge [sflag:s2], $0x280  }
0x142: {  	[sflag:s2] =	ssyncset.done $0x0  }
0x143: {  	[sflag:s2] =	ssyncadd.s32 $0xFFFFFD80  }
0x144: {  	_ =	swait.ge [sflag:s2], $0x280  }
0x145: {  	[sflag:s2] =	ssyncset.done $0x0  }
0x146: {  	[sflag:s2] =	ssyncadd.s32 $0xFFFFFD80  }
0x147: {  	_ =	swait.ge [sflag:s28], $0x3200  }
0x148: {  	[sflag:s28] =	ssyncset.done $0x0  }
0x149: {  	s11 =	rddreg [dreg:$0xd];
	[sflag:s28] =	ssyncadd.s32 $0xFFFFCE00  }
0x14a: {  	[spmem:s3] =	stream.indirect.scatter.add.f32 [tilespmem:s22], [sflag:$0x5], $0x80, s11, s20, $0xb8;
	[tilespmem:$0x1E480] =	vst v63  }
0x14b: {  	_ =	swait.ge [sflag:s29], $0x3200  }
0x14c: {  	[sflag:s29] =	ssyncset.done $0x0  }
0x14d: {  	s12 =	rddreg [dreg:$0xe];
	[sflag:s29] =	ssyncadd.s32 $0xFFFFCE00  }
0x14e: {  	[tilespmem:s21], [sflag:$0x1] =	stream.indirect.gather [hbm4b:s1+s20], $0x80, s12, s20, $0xb8;
	[tilespmem:$0x1E480] =	vst v63  }
0x14f: {  	_ =	swait.ge [sflag:s30], $0x3200  }
0x150: {  	[sflag:s30] =	ssyncset.done $0x0  }
0x151: {  	[sflag:s30] =	ssyncadd.s32 $0xFFFFCE00  }
0x152: {  	[spmem:s3] =	stream.indirect.scatter.add.f32 [tilespmem:s24], [sflag:$0x6], $0x80, s26, s20, $0xb8;
	[tilespmem:$0x1E480] =	vst v63  }
0x153: {  	_ =	swait.ge [sflag:s31], $0x3200  }
0x154: {  	[sflag:s31] =	ssyncset.done $0x0  }
0x155: {  	s13 =	rddreg [dreg:$0xf];
	[sflag:s31] =	ssyncadd.s32 $0xFFFFCE00  }
0x156: {  	[tilespmem:s22], [sflag:$0x2] =	stream.indirect.gather [hbm4b:s1+s20], $0x80, s13, s20, $0xb8;
	[tilespmem:$0x1E480] =	vst v63  }
0x157: {  	_ =	swait.ge [sflag:s23], $0x3200  }
0x158: {  	[sflag:s23] =	ssyncset.done $0x0  }
0x159: {  	p1 =	slt.s32 s9, $0x13E;
	s15 =	rddreg [dreg:$0x10];
	[sflag:s23] =	ssyncadd.s32 $0xFFFFCE00  }
0x15a: {  	[spmem:s3] =	stream.indirect.scatter.add.f32 [tilespmem:s21], [sflag:$0x4], $0x80, s15, s20, $0xb8;
	[tilespmem:$0x1E480] =	vst v63  }
0x15b: {  	s9 =	simm.s32 @!p1 $0x13E;
	_ =	swait.ge [sflag:s0], $0x3200  }
0x15c: {  	s9 =	sshll.u32 s9, $0x8;
	[sflag:s0] =	ssyncset.done $0x0  }
0x15d: {  	s9 =	sadd.s32 $0x100, s9;
	s16 =	rddreg [dreg:$0x11];
	[sflag:s0] =	ssyncadd.s32 $0xFFFFCE00  }
0x15e: {  	[tilespmem:s24], [sflag:$0x3] =	stream.indirect.gather [hbm4b:s1+s20], $0x80, s16, s20, $0xb8;
	[tilespmem:$0x1E480] =	vst v63  }
0x15f: {  	s11 =	sadd.s32 s5, s9  }
0x160: {  	[tilespmem:s4], [sflag:$0x7] =	stream.linear.gather [hbm4b:s11+s4], $0x280, $0x38;
	[tilespmem:$0x1E480] =	vst v63  }
0x161: {  	s9 =	sadd.s32 s6, s9  }
0x162: {  	[tilespmem:s19], [sflag:$0x7] =	stream.linear.gather [hbm4b:s9+s4], $0x280, $0x38;
	[tilespmem:$0x1E480] =	vst v63  }
0x163: {  	_ =	swait.ge [sflag:s28], $0x3200  }
0x164: {  	[sflag:s28] =	ssyncset.done $0x0  }
0x165: {  	s12 =	rddreg [dreg:$0x12];
	[sflag:s28] =	ssyncadd.s32 $0xFFFFCE00  }
0x166: {  	[spmem:s3] =	stream.indirect.scatter.add.f32 [tilespmem:s22], [sflag:$0x5], $0x80, s12, s20, $0xb8;
	[tilespmem:$0x1E480] =	vst v63  }
0x167: {  	_ =	swait.ge [sflag:s29], $0x3200  }
0x168: {  	[sflag:s29] =	ssyncset.done $0x0  }
0x169: {  	s13 =	rddreg [dreg:$0x13];
	[sflag:s29] =	ssyncadd.s32 $0xFFFFCE00  }
0x16a: {  	[tilespmem:s21], [sflag:$0x1] =	stream.indirect.gather [hbm4b:s1+s20], $0x80, s13, s20, $0xb8;
	[tilespmem:$0x1E480] =	vst v63  }
0x16b: {  	_ =	swait.ge [sflag:s30], $0x3200  }
0x16c: {  	[sflag:s30] =	ssyncset.done $0x0  }
0x16d: {  	s15 =	rddreg [dreg:$0x14];
	[sflag:s30] =	ssyncadd.s32 $0xFFFFCE00  }
0x16e: {  	[spmem:s3] =	stream.indirect.scatter.add.f32 [tilespmem:s24], [sflag:$0x6], $0x80, s15, s20, $0xb8;
	[tilespmem:$0x1E480] =	vst v63  }
0x16f: {  	_ =	swait.ge [sflag:s23], $0x3200  }
0x170: {  	[sflag:s23] =	ssyncset.done $0x0  }
0x171: {  	s16 =	rddreg [dreg:$0x15];
	[sflag:s23] =	ssyncadd.s32 $0xFFFFCE00  }
0x172: {  	[spmem:s3] =	stream.indirect.scatter.add.f32 [tilespmem:s21], [sflag:$0x4], $0x80, s16, s20, $0xb8;
	[tilespmem:$0x1E480] =	vst v63  }
0x173: {  	_ =	swait.ge [sflag:s31], $0x3200  }
0x174: {  	[sflag:s31] =	ssyncset.done $0x0  }
0x175: {  	[sflag:s31] =	ssyncadd.s32 $0xFFFFCE00  }
0x176: {  	_ =	swait.ge [sflag:s0], $0x3200  }
0x177: {  	[sflag:s0] =	ssyncset.done $0x0  }
0x178: {  	[sflag:s0] =	ssyncadd.s32 $0xFFFFCE00  }
0x179: {  	_ =	swait.ge [sflag:s29], $0x3200  }
0x17a: {  	[sflag:s29] =	ssyncset.done $0x0  }
0x17b: {  	[sflag:s29] =	ssyncadd.s32 $0xFFFFCE00  }
0x17c: {  	_ =	swait.ge [sflag:s7], $0x280  }
0x17d: {  	[sflag:s7] =	ssyncset.done $0x0  }
0x17e: {  	[sflag:s7] =	ssyncadd.s32 $0xFFFFFD80  }
0x17f: {  	_ =	swait.ge [sflag:s7], $0x280  }
0x180: {  	[sflag:s7] =	ssyncset.done $0x0  }
0x181: {  	[sflag:s7] =	ssyncadd.s32 $0xFFFFFD80  }
0x182: {  	[bflag:$0x0] =	sbarrier.arrive $0xFFFF  }
0x183: {  	s9 =	simm.s32 @p0 $0x1FC9;
	s10 =	rddreg [dreg:$0x1b]  }
0x184: {  	[hbm:s10], [sflag:s9] =	dma.local @p0 [spmem:s17], $0x2080  }
0x185: {  	s9 =	simm.s32 @p0 $0x9  }
0x186: {  	_ =	swait.ge @p0 [sflag:s9], $0x2080  }
0x187: {  	s12 =	rddreg [dreg:$0x1d]  }
0x188: {  	[sflag:s9] =	ssyncset.done @p0 $0x0;
	s13 =	rddreg [dreg:$0x1e]  }
0x189: {  	[sflag:s9] =	ssyncadd.s32 @p0 $0xFFFFDF80;
	s9 =	rddreg [dreg:$0x1a]  }
0x18a: {  	[hbm:s9], [sflag:s12] =	dma.local @!p0 [spmem:s13], $0x2780  }
0x18b: {  	s9 =	simm.s32 @!p0 $0x9  }
0x18c: {  	_ =	swait.ge @!p0 [sflag:s9], $0x2780  }
0x18d: {  	s8 =	sadd.s32 $0x1, s8;
	s11 =	smov.u32 s17;
	s17 =	rddreg [dreg:$0x1c]  }
0x18e: {  	p1 =	sne.s32 s8, s17  }
.Ltmp1:
0x18f: {  	_ = 	snop;
	(pc) =	sbr.rel @p1 .LBB2_1-.Ltmp1, $3  }
0x190: {  	_ =	sdelay $0x1  }
0x191: {  	[sflag:s9] =	ssyncset.done @!p0 $0x0  }
0x192: {  	[sflag:s9] =	ssyncadd.s32 @!p0 $0xFFFFD880  }
0x193: {  	_ =	sfence.sel $0x180000  }
0x194: {  	[bflag:$0x0] =	sbarrier.arrive $0xFFFF  }
0x195: {  	_ =	strace $0x90000047  }
0x196: {  	s0 =	stileid.u32;
	[bflag:$0x2] =	sbarrier.arrive $0xFFFF  }
0x197: {  	p0 =	sne.s32 s0, $0x0;
	s0 =	rddreg [dreg:$0x3]  }
0x198: {  	s0 =	sadd.s32 @!p0 $0x100000, s0  }
0x199: {  	[sflag:s0] =	ssyncadd.tile.s32 @!p0 $0x1;
	_ =	shalt  }
.Lfunc_end2:
_tile_overlayer_lowered:
.L_overlay_start_2:
0x19a: {  	(tag) =	ssettag $0x2  }
0x19b: {  	s0 =	rddreg [dreg:$0x0];
	s2 =	stileid.u32  }
0x19c: {  	s1 =	rddreg [dreg:$0x1];
	p0 =	sne.s32 s2, $0x0  }
0x19d: {  	s3 =	rddreg [dreg:$0x2];
	[bflag:$0x3] =	sbarrier.arrive $0xFFFF;
	s2 =	simm.s32 @!p0 $0x1C09  }
0x19e: {  	[timem:s3], [sflag:s2] =	dma.local @!p0 [hbm:s0], s1  }
0x19f: {  	s0 =	simm.s32 @!p0 $0x9  }
0x1a0: {  	_ =	swait.ge @!p0 [sflag:s0], s1  }
0x1a1: {  	s1 =	ssub.s32 @!p0 $0x0, s1;
	[sflag:s0] =	ssyncset.done @!p0 $0x0  }
0x1a2: {  	[sflag:s0] =	ssyncadd.s32 @!p0 s1  }
0x1a3: {  	[bflag:$0x3] =	sbarrier.arrive $0xFFFF  }
0x1a4: {  	_ =	shalt  }

</sc_bundles>
